<compile_context>
chip_gen: v7x
topology: tpu7x:2x2x1
jax: 0.10.2.dev20260603
libtpu: 0.0.44.dev20260713+nightly
codegen_flags: <defaults>
</compile_context>

<pallas_src>
import functools
import jax
import jax.numpy as jnp
from jax import lax
from jax.experimental import pallas as pl
from jax.experimental.pallas import tpu as pltpu
from jax.experimental.pallas import tpu_sc as plsc

D_MODEL = 64
VOCAB_N = 1000000
SCALE = 8.0
LANES = 16

NUM_CORES = 2
NUM_SUBCORES = 16
NW = NUM_CORES * NUM_SUBCORES

B1, B2 = 4096, 200
N_FULL_TILES = VOCAB_N // 128
TAIL = VOCAB_N - N_FULL_TILES * 128

_MESH = plsc.VectorSubcoreMesh(core_axis_name="c", subcore_axis_name="s")


def _iota16():
    return lax.iota(jnp.int32, LANES)


def _bcast16(v):
    return jax.lax.broadcast(v, (LANES,))


@functools.partial(
    pl.kernel,
    out_type=jax.ShapeDtypeStruct((VOCAB_N // 2, 128), jnp.float32),
    mesh=_MESH,
    scratch_types=[
        pltpu.VMEM((D_MODEL, 257), jnp.float32),
        pltpu.VMEM((D_MODEL, 257), jnp.float32),
        pltpu.VMEM((128, 128), jnp.float32),
        pltpu.VMEM((128, 128), jnp.float32),
        pltpu.SemaphoreType.DMA,
        pltpu.SemaphoreType.DMA,
        pltpu.SemaphoreType.DMA,
        pltpu.SemaphoreType.DMA,
    ],
    compiler_params=pltpu.CompilerParams(
        use_tc_tiling_on_sc=True, needs_layout_passes=False
    ),
)
def _build_table(
    lutt_hbm, tailp_hbm, tab_hbm, tbuf0, tbuf1, rbuf0, rbuf1, rs0, rs1, ws0, ws1
):
    wid = lax.axis_index("s") * NUM_CORES + lax.axis_index("c")
    iota = _iota16()
    tb, rb = (tbuf0, tbuf1), (rbuf0, rbuf1)
    rs, ws = (rs0, rs1), (ws0, ws1)

    def src(p):
        return lutt_hbm.at[pl.ds(0, D_MODEL), pl.ds(p * 256, 256)]

    def dst(p):
        return tab_hbm.at[pl.ds(p * 128, 128), pl.ds(0, 128)]

    def transpose_cols(t_ref, r_ref, npairs):
        @plsc.parallel_loop(0, npairs, unroll=8)
        def _(q):
            for h in range(2):
                vl16 = _bcast16(2 * q + h)
                for j in range(D_MODEL // LANES):
                    v = plsc.load_gather(t_ref, [j * LANES + iota, vl16])
                    r_ref[q, pl.ds(h * D_MODEL + j * LANES, LANES)] = v * SCALE

    n_i = 122 + jnp.where(wid < 2, 1, 0).astype(jnp.int32)
    pair = lambda q: wid + q * NW

    pltpu.async_copy(src(pair(0)), tb[0].at[pl.ds(0, D_MODEL), pl.ds(0, 256)], rs[0])

    @pl.loop(0, 124, step=2)
    def _(i):
        for b in (0, 1):
            q = i + b

            @pl.when(q < n_i)
            def _():
                @pl.when(q + 1 < n_i)
                def _():
                    pltpu.async_copy(
                        src(pair(q + 1)),
                        tb[1 - b].at[pl.ds(0, D_MODEL), pl.ds(0, 256)],
                        rs[1 - b],
                    )

                pltpu.make_async_copy(
                    src(pair(q)), tb[b].at[pl.ds(0, D_MODEL), pl.ds(0, 256)], rs[b]
                ).wait()

                @pl.when(q >= 2)
                def _():
                    pltpu.make_async_copy(rb[b], dst(pair(q)), ws[b]).wait()

                transpose_cols(tb[b], rb[b], 128)
                pltpu.async_copy(rb[b], dst(pair(q)), ws[b])

    for b in (0, 1):
        pltpu.make_async_copy(rb[b], dst(pair(0)), ws[b]).wait()

    @pl.when(wid == 4)
    def _():
        pltpu.sync_copy(tailp_hbm, tb[0].at[pl.ds(0, D_MODEL), pl.ds(0, 128)])
        transpose_cols(tb[0], rb[0], TAIL // 2)
        pltpu.sync_copy(
            rb[0].at[pl.ds(0, TAIL // 2), pl.ds(0, 128)],
            tab_hbm.at[pl.ds(N_FULL_TILES * 64, TAIL // 2), pl.ds(0, 128)],
        )


@functools.partial(
    pl.kernel,
    out_type=jax.ShapeDtypeStruct((B2, 8, NW, 8, 128), jnp.float32),
    mesh=_MESH,
    scratch_types=[
        pltpu.VMEM((B2 * 128,), jnp.int32),
        pltpu.VMEM((256, D_MODEL), jnp.float32),
        pltpu.VMEM((256, D_MODEL), jnp.float32),
        pltpu.VMEM((2, 8, 8, 129), jnp.float32),
        pltpu.VMEM((2, 8, 8, 129), jnp.float32),
        pltpu.SemaphoreType.DMA,
        pltpu.SemaphoreType.DMA,
        pltpu.SemaphoreType.DMA,
        pltpu.SemaphoreType.DMA,
    ],
    compiler_params=pltpu.CompilerParams(
        use_tc_tiling_on_sc=False, needs_layout_passes=False
    ),
)
def _gather(
    xt_hbm, tab_hbm, out_hbm, idx_all, gbuf0, gbuf1, tbuf0, tbuf1, gs0, gs1, ss0, ss1
):
    wid = lax.axis_index("s") * NUM_CORES + lax.axis_index("c")
    iota = _iota16()
    gb, gs = (gbuf0, gbuf1), (gs0, gs1)
    tb, ss = (tbuf0, tbuf1), (ss0, ss1)
    pltpu.sync_copy(xt_hbm.at[wid], idx_all)

    NCH = B2 // 2

    def out_at(c):
        return out_hbm.at[pl.ds(2 * c, 2), pl.ds(0, 8), wid]

    def gath(c, slot):
        return tab_hbm.at[idx_all.at[pl.ds(256 * c, 256)]], gb[slot], gs[slot]

    def start(c, slot):
        s, d, m = gath(c, slot)
        pltpu.async_copy(s, d, m)

    def wait(c, slot):
        s, d, m = gath(c, slot)
        pltpu.make_async_copy(s, d, m).wait()

    DH = tuple((j * LANES + iota) // 8 for j in range(D_MODEL // LANES))
    DL = tuple((j * LANES + iota) % 8 for j in range(D_MODEL // LANES))

    def tb_store(b):
        return tb[b].at[
            pl.ds(0, 2), pl.ds(0, 8), pl.ds(0, 8), pl.ds(0, 128)
        ]

    start(0, 0)

    @pl.loop(0, NCH, step=2)
    def _(cbase):
        for b in (0, 1):
            c = cbase + b

            @pl.when(c + 1 < NCH)
            def _():
                start(c + 1, 1 - b)

            wait(c, b)

            @pl.when(c >= 2)
            def _():
                pltpu.make_async_copy(tb_store(b), out_at(c), ss[b]).wait()

            @plsc.parallel_loop(0, 256, unroll=8)
            def _(r):
                rr = r // 128
                bl16 = _bcast16(r % 128)
                for j in range(D_MODEL // LANES):
                    v = gb[b][r, pl.ds(j * LANES, LANES)]
                    plsc.store_scatter(
                        tb[b], [_bcast16(rr), DH[j], DL[j], bl16], v
                    )

            pltpu.async_copy(tb_store(b), out_at(c), ss[b])

    for b in (0, 1):
        pltpu.make_async_copy(tb_store(b), out_at(0), ss[b]).wait()


def kernel(x, lut):
    tail_p = jnp.pad(lut[N_FULL_TILES * 128 :].T, ((0, 0), (0, 128 - TAIL)))
    tab = _build_table(lut.T, tail_p)
    tab_lin = tab.reshape(VOCAB_N, D_MODEL)
    xt = x.T.reshape(B2, NW, 128).transpose(1, 0, 2).reshape(NW, B2 * 128)
    out5 = _gather(xt, tab_lin)
    return out5.transpose(2, 4, 0, 1, 3).reshape(B1, B2, D_MODEL)

# --- scband reference (transcript-rebuilt; emitter-appended) ---
"""Pipeline reference for scband-embeddings-86912958202124 (READ-ONLY COPY).

The authoritative reference and input builder live on the scoring server;
editing this copy changes nothing except your own understanding.
"""

import jax, jax.numpy as jnp
import numpy as np
import math

D_MODEL = 64
VOCAB = 1000000

def setup_inputs(seed: int = 0) -> dict:
    key = jax.random.key(seed)
    k1, k2 = jax.random.split(key)
    x = jax.random.randint(k1, (4096, 200), 0, VOCAB, dtype=jnp.int64 if jax.config.jax_enable_x64 else jnp.int32).astype(jnp.int32)
    lut = jax.random.normal(k2, (VOCAB, D_MODEL), dtype=jnp.float32)
    return {"x": x, "lut": lut}

def reference(x, lut):
    # Embeddings.forward: self.lut(x) * sqrt(d_model)
    emb = jnp.take(lut, x, axis=0)
    return emb * math.sqrt(D_MODEL)

if __name__ == "__main__":
    import jax
    _d = setup_inputs()
    print(jax.jit(kernel)(*tuple(_d.values())))

</pallas_src>

<mosaic_0001>
#map = affine_map<(d0, d1) -> (0, 0)>
module attributes {stable_mosaic.version = 14 : i64} {
  func.func @_build_table(%arg0: i32, %arg1: i32, %arg2: memref<64x1000000xf32, #tpu.memory_space<hbm>>, %arg3: memref<64x128xf32, #tpu.memory_space<hbm>>, %arg4: memref<500000x128xf32, #tpu.memory_space<hbm>>, %arg5: memref<64x257xf32, #tpu.memory_space<vmem>>, %arg6: memref<64x257xf32, #tpu.memory_space<vmem>>, %arg7: memref<128x128xf32, #tpu.memory_space<vmem>>, %arg8: memref<128x128xf32, #tpu.memory_space<vmem>>, %arg9: memref<!tpu.dma_semaphore, #tpu.memory_space<semaphore_mem>>, %arg10: memref<!tpu.dma_semaphore, #tpu.memory_space<semaphore_mem>>, %arg11: memref<!tpu.dma_semaphore, #tpu.memory_space<semaphore_mem>>, %arg12: memref<!tpu.dma_semaphore, #tpu.memory_space<semaphore_mem>>) attributes {dimension_semantics = [#tpu.dimension_semantics<core_parallel>, #tpu.dimension_semantics<subcore_parallel>], iteration_bounds = array<i64: 2, 16>, scalar_prefetch = 0 : i64, scratch_operands = 8 : i64, tpu.core_type = #tpu.core_type<sc_vector_subcore>, window_params = [{transform_indices = #map}, {transform_indices = #map}, {transform_indices = #map}]} {
    %mul3A = arith.constant 2 : i32
    %mul3A_0 = arith.muli %arg1, %mul3A : i32
    %add3A = arith.addi %mul3A_0, %arg0 : i32
    %iota3A = tpu.iota {dimensions = array<i32: 0>} : vector<16xi32>
    %lt3A = arith.constant 2 : i32
    %lt3A_1 = arith.cmpi slt, %add3A, %lt3A : i32
    %jit3A = arith.constant 1 : i32
    %jit3A_2 = arith.constant 0 : i32
    %select_n3A = arith.select %lt3A_1, %jit3A, %jit3A_2 : i32
    %add3A_3 = arith.constant 122 : i32
    %add3A_4 = arith.addi %add3A_3, %select_n3A : i32
    %add3A_5 = arith.constant 0 : i32
    %add3A_6 = arith.addi %add3A, %add3A_5 : i32
    %mul3A_7 = arith.constant 256 : i32
    %mul3A_8 = arith.muli %add3A_6, %mul3A_7 : i32
    %dma_start3A = arith.constant 0 : i32
    %dma_start3A_9 = arith.constant 0 : i32
    %dma_start3A_10 = tpu.memref_slice %arg5[%dma_start3A, %dma_start3A_9] : memref<64x257xf32, #tpu.memory_space<vmem>> -> memref<64x256xf32, #tpu.memory_space<vmem>>
    %dma_start3A_11 = arith.constant 0 : i32
    %dma_start3A_12 = tpu.memref_slice %arg2[%dma_start3A_11, %mul3A_8] : memref<64x1000000xf32, #tpu.memory_space<hbm>> -> memref<64x256xf32, #tpu.memory_space<hbm>>
    %dma_start3A_13 = arith.constant 0 : i32
    %dma_start3A_14 = arith.constant 0 : i32
    %dma_start3A_15 = tpu.memref_slice %arg5[%dma_start3A_13, %dma_start3A_14] : memref<64x257xf32, #tpu.memory_space<vmem>> -> memref<64x256xf32, #tpu.memory_space<vmem>>
    %dma_start3A_16 = arith.constant 0 : i32
    %dma_start3A_17 = tpu.memref_slice %arg2[%dma_start3A_16, %mul3A_8] : memref<64x1000000xf32, #tpu.memory_space<hbm>> -> memref<64x256xf32, #tpu.memory_space<hbm>>
    tpu.enqueue_dma source(%dma_start3A_17 : memref<64x256xf32, #tpu.memory_space<hbm>>) target(%dma_start3A_15 : memref<64x256xf32, #tpu.memory_space<vmem>>) target_semaphore(%arg9 : memref<!tpu.dma_semaphore, #tpu.memory_space<semaphore_mem>>)
    %scan3A = arith.constant 0 : i32
    %scan3A_18 = arith.constant 62 : i32
    %scan3A_19 = arith.addi %scan3A, %scan3A_18 : i32
    %scan3A_20 = arith.constant 1 : i32
    scf.for %scan3A_39 = %scan3A to %scan3A_19 step %scan3A_20  : i32 {
      %mul3A_40 = arith.constant 2 : i32
      %mul3A_41 = arith.muli %scan3A_39, %mul3A_40 : i32
      %add3A_42 = arith.constant 0 : i32
      %add3A_43 = arith.addi %add3A_42, %mul3A_41 : i32
      %add3A_44 = arith.constant 0 : i32
      %add3A_45 = arith.addi %add3A_43, %add3A_44 : i32
      %lt3A_46 = arith.cmpi slt, %add3A_45, %add3A_4 : i32
      %convert_element_type3A_47 = arith.extui %lt3A_46 : i1 to i32
      %cond3A_48 = arith.constant 0 : i32
      %cond3A_49 = arith.cmpi ne, %convert_element_type3A_47, %cond3A_48 : i32
      scf.if %cond3A_49 {
        %add3A_56 = arith.constant 1 : i32
        %add3A_57 = arith.addi %add3A_45, %add3A_56 : i32
        %lt3A_58 = arith.cmpi slt, %add3A_57, %add3A_4 : i32
        %convert_element_type3A_59 = arith.extui %lt3A_58 : i1 to i32
        %cond3A_60 = arith.constant 0 : i32
        %cond3A_61 = arith.cmpi ne, %convert_element_type3A_59, %cond3A_60 : i32
        scf.if %cond3A_61 {
          %add3A_92 = arith.constant 1 : i32
          %add3A_93 = arith.addi %add3A_45, %add3A_92 : i32
          %mul3A_94 = arith.constant 32 : i32
          %mul3A_95 = arith.muli %add3A_93, %mul3A_94 : i32
          %add3A_96 = arith.addi %add3A, %mul3A_95 : i32
          %mul3A_97 = arith.constant 256 : i32
          %mul3A_98 = arith.muli %add3A_96, %mul3A_97 : i32
          %dma_start3A_99 = arith.constant 0 : i32
          %dma_start3A_100 = arith.constant 0 : i32
          %dma_start3A_101 = tpu.memref_slice %arg6[%dma_start3A_99, %dma_start3A_100] : memref<64x257xf32, #tpu.memory_space<vmem>> -> memref<64x256xf32, #tpu.memory_space<vmem>>
          %dma_start3A_102 = arith.constant 0 : i32
          %dma_start3A_103 = tpu.memref_slice %arg2[%dma_start3A_102, %mul3A_98] : memref<64x1000000xf32, #tpu.memory_space<hbm>> -> memref<64x256xf32, #tpu.memory_space<hbm>>
          %dma_start3A_104 = arith.constant 0 : i32
          %dma_start3A_105 = arith.constant 0 : i32
          %dma_start3A_106 = tpu.memref_slice %arg6[%dma_start3A_104, %dma_start3A_105] : memref<64x257xf32, #tpu.memory_space<vmem>> -> memref<64x256xf32, #tpu.memory_space<vmem>>
          %dma_start3A_107 = arith.constant 0 : i32
          %dma_start3A_108 = tpu.memref_slice %arg2[%dma_start3A_107, %mul3A_98] : memref<64x1000000xf32, #tpu.memory_space<hbm>> -> memref<64x256xf32, #tpu.memory_space<hbm>>
          tpu.enqueue_dma source(%dma_start3A_108 : memref<64x256xf32, #tpu.memory_space<hbm>>) target(%dma_start3A_106 : memref<64x256xf32, #tpu.memory_space<vmem>>) target_semaphore(%arg10 : memref<!tpu.dma_semaphore, #tpu.memory_space<semaphore_mem>>)
        } else {
        }
        %mul3A_62 = arith.constant 32 : i32
        %mul3A_63 = arith.muli %add3A_45, %mul3A_62 : i32
        %add3A_64 = arith.addi %add3A, %mul3A_63 : i32
        %mul3A_65 = arith.constant 256 : i32
        %mul3A_66 = arith.muli %add3A_64, %mul3A_65 : i32
        %dma_wait3A_67 = arith.constant 0 : i32
        %dma_wait3A_68 = arith.constant 0 : i32
        %dma_wait3A_69 = tpu.memref_slice %arg5[%dma_wait3A_67, %dma_wait3A_68] : memref<64x257xf32, #tpu.memory_space<vmem>> -> memref<64x256xf32, #tpu.memory_space<vmem>>
        %dma_wait3A_70 = arith.constant 0 : i32
        %dma_wait3A_71 = tpu.memref_slice %arg2[%dma_wait3A_70, %mul3A_66] : memref<64x1000000xf32, #tpu.memory_space<hbm>> -> memref<64x256xf32, #tpu.memory_space<hbm>>
        %dma_wait3A_72 = arith.constant 0 : i32
        %dma_wait3A_73 = arith.constant 0 : i32
        %dma_wait3A_74 = tpu.memref_slice %arg5[%dma_wait3A_72, %dma_wait3A_73] : memref<64x257xf32, #tpu.memory_space<vmem>> -> memref<64x256xf32, #tpu.memory_space<vmem>>
        %dma_wait3A_75 = arith.constant 0 : i32
        %dma_wait3A_76 = tpu.memref_slice %arg2[%dma_wait3A_75, %mul3A_66] : memref<64x1000000xf32, #tpu.memory_space<hbm>> -> memref<64x256xf32, #tpu.memory_space<hbm>>
        tpu.wait_dma2 semaphore(%arg9 : memref<!tpu.dma_semaphore, #tpu.memory_space<semaphore_mem>>) src(%dma_wait3A_76 : memref<64x256xf32, #tpu.memory_space<hbm>>) dst(%dma_wait3A_74 : memref<64x256xf32, #tpu.memory_space<vmem>>)
        %ge3A = arith.constant 2 : i32
        %ge3A_77 = arith.cmpi sge, %add3A_45, %ge3A : i32
        %convert_element_type3A_78 = arith.extui %ge3A_77 : i1 to i32
        %cond3A_79 = arith.constant 0 : i32
        %cond3A_80 = arith.cmpi ne, %convert_element_type3A_78, %cond3A_79 : i32
        scf.if %cond3A_80 {
          %mul3A_92 = arith.constant 32 : i32
          %mul3A_93 = arith.muli %add3A_45, %mul3A_92 : i32
          %add3A_94 = arith.addi %add3A, %mul3A_93 : i32
          %mul3A_95 = arith.constant 128 : i32
          %mul3A_96 = arith.muli %add3A_94, %mul3A_95 : i32
          %dma_wait3A_97 = arith.constant 0 : i32
          %dma_wait3A_98 = tpu.memref_slice %arg4[%mul3A_96, %dma_wait3A_97] : memref<500000x128xf32, #tpu.memory_space<hbm>> -> memref<128x128xf32, #tpu.memory_space<hbm>>
          %dma_wait3A_99 = arith.constant 0 : i32
          %dma_wait3A_100 = tpu.memref_slice %arg4[%mul3A_96, %dma_wait3A_99] : memref<500000x128xf32, #tpu.memory_space<hbm>> -> memref<128x128xf32, #tpu.memory_space<hbm>>
          tpu.wait_dma2 semaphore(%arg11 : memref<!tpu.dma_semaphore, #tpu.memory_space<semaphore_mem>>) src(%arg7 : memref<128x128xf32, #tpu.memory_space<vmem>>) dst(%dma_wait3A_100 : memref<128x128xf32, #tpu.memory_space<hbm>>)
        } else {
        }
        %parallel_loop3A = arith.constant 0 : i32
        %parallel_loop3A_81 = arith.constant 128 : i32
        %parallel_loop3A_82 = arith.constant 1 : i32
        scf.for %parallel_loop3A_92 = %parallel_loop3A to %parallel_loop3A_81 step %parallel_loop3A_82  : i32 {
          %parallel_loop3A_93 = arith.constant 2 : i32
          %parallel_loop3A_94 = arith.muli %parallel_loop3A_93, %parallel_loop3A_92 : i32
          %parallel_loop3A_95 = arith.constant 0 : i32
          %parallel_loop3A_96 = arith.addi %parallel_loop3A_94, %parallel_loop3A_95 : i32
          %parallel_loop3A_97 = vector.broadcast %parallel_loop3A_96 : i32 to vector<16xi32>
          %parallel_loop3A_98 = arith.constant 0 : i32
          %parallel_loop3A_99 = vector.broadcast %parallel_loop3A_98 : i32 to vector<16xi32>
          %parallel_loop3A_100 = arith.addi %parallel_loop3A_99, %iota3A : vector<16xi32>
          %parallel_loop3A_101 = tpu.vector_load_idx %arg5[%parallel_loop3A_100, %parallel_loop3A_97] : memref<64x257xf32, #tpu.memory_space<vmem>>[vector<16xi32>, vector<16xi32>], vector<16xf32>,
          %parallel_loop3A_102 = arith.constant 8.000000e+00 : f32
          %parallel_loop3A_103 = vector.broadcast %parallel_loop3A_102 : f32 to vector<16xf32>
          %parallel_loop3A_104 = arith.mulf %parallel_loop3A_101, %parallel_loop3A_103 : vector<16xf32>
          %parallel_loop3A_105 = arith.index_cast %parallel_loop3A_92 : i32 to index
          %parallel_loop3A_106 = arith.constant 0 : index
          %parallel_loop3A_107 = tpu.vector_load %arg7[%parallel_loop3A_105, %parallel_loop3A_106] {strides = array<i32>} : memref<128x128xf32, #tpu.memory_space<vmem>>, vector<16xf32>,
          tpu.vector_store %arg7[%parallel_loop3A_105, %parallel_loop3A_106], %parallel_loop3A_104 {strides = array<i32>} : memref<128x128xf32, #tpu.memory_space<vmem>>, vector<16xf32>,
          %parallel_loop3A_108 = arith.constant 16 : i32
          %parallel_loop3A_109 = vector.broadcast %parallel_loop3A_108 : i32 to vector<16xi32>
          %parallel_loop3A_110 = arith.addi %parallel_loop3A_109, %iota3A : vector<16xi32>
          %parallel_loop3A_111 = tpu.vector_load_idx %arg5[%parallel_loop3A_110, %parallel_loop3A_97] : memref<64x257xf32, #tpu.memory_space<vmem>>[vector<16xi32>, vector<16xi32>], vector<16xf32>,
          %parallel_loop3A_112 = arith.constant 8.000000e+00 : f32
          %parallel_loop3A_113 = vector.broadcast %parallel_loop3A_112 : f32 to vector<16xf32>
          %parallel_loop3A_114 = arith.mulf %parallel_loop3A_111, %parallel_loop3A_113 : vector<16xf32>
          %parallel_loop3A_115 = arith.index_cast %parallel_loop3A_92 : i32 to index
          %parallel_loop3A_116 = arith.constant 16 : index
          %parallel_loop3A_117 = tpu.vector_load %arg7[%parallel_loop3A_115, %parallel_loop3A_116] {strides = array<i32>} : memref<128x128xf32, #tpu.memory_space<vmem>>, vector<16xf32>,
          tpu.vector_store %arg7[%parallel_loop3A_115, %parallel_loop3A_116], %parallel_loop3A_114 {strides = array<i32>} : memref<128x128xf32, #tpu.memory_space<vmem>>, vector<16xf32>,
          %parallel_loop3A_118 = arith.constant 32 : i32
          %parallel_loop3A_119 = vector.broadcast %parallel_loop3A_118 : i32 to vector<16xi32>
          %parallel_loop3A_120 = arith.addi %parallel_loop3A_119, %iota3A : vector<16xi32>
          %parallel_loop3A_121 = tpu.vector_load_idx %arg5[%parallel_loop3A_120, %parallel_loop3A_97] : memref<64x257xf32, #tpu.memory_space<vmem>>[vector<16xi32>, vector<16xi32>], vector<16xf32>,
          %parallel_loop3A_122 = arith.constant 8.000000e+00 : f32
          %parallel_loop3A_123 = vector.broadcast %parallel_loop3A_122 : f32 to vector<16xf32>
          %parallel_loop3A_124 = arith.mulf %parallel_loop3A_121, %parallel_loop3A_123 : vector<16xf32>
          %parallel_loop3A_125 = arith.index_cast %parallel_loop3A_92 : i32 to index
          %parallel_loop3A_126 = arith.constant 32 : index
          %parallel_loop3A_127 = tpu.vector_load %arg7[%parallel_loop3A_125, %parallel_loop3A_126] {strides = array<i32>} : memref<128x128xf32, #tpu.memory_space<vmem>>, vector<16xf32>,
          tpu.vector_store %arg7[%parallel_loop3A_125, %parallel_loop3A_126], %parallel_loop3A_124 {strides = array<i32>} : memref<128x128xf32, #tpu.memory_space<vmem>>, vector<16xf32>,
          %parallel_loop3A_128 = arith.constant 48 : i32
          %parallel_loop3A_129 = vector.broadcast %parallel_loop3A_128 : i32 to vector<16xi32>
          %parallel_loop3A_130 = arith.addi %parallel_loop3A_129, %iota3A : vector<16xi32>
          %parallel_loop3A_131 = tpu.vector_load_idx %arg5[%parallel_loop3A_130, %parallel_loop3A_97] : memref<64x257xf32, #tpu.memory_space<vmem>>[vector<16xi32>, vector<16xi32>], vector<16xf32>,
          %parallel_loop3A_132 = arith.constant 8.000000e+00 : f32
          %parallel_loop3A_133 = vector.broadcast %parallel_loop3A_132 : f32 to vector<16xf32>
          %parallel_loop3A_134 = arith.mulf %parallel_loop3A_131, %parallel_loop3A_133 : vector<16xf32>
          %parallel_loop3A_135 = arith.index_cast %parallel_loop3A_92 : i32 to index
          %parallel_loop3A_136 = arith.constant 48 : index
          %parallel_loop3A_137 = tpu.vector_load %arg7[%parallel_loop3A_135, %parallel_loop3A_136] {strides = array<i32>} : memref<128x128xf32, #tpu.memory_space<vmem>>, vector<16xf32>,
          tpu.vector_store %arg7[%parallel_loop3A_135, %parallel_loop3A_136], %parallel_loop3A_134 {strides = array<i32>} : memref<128x128xf32, #tpu.memory_space<vmem>>, vector<16xf32>,
          %parallel_loop3A_138 = arith.constant 2 : i32
          %parallel_loop3A_139 = arith.muli %parallel_loop3A_138, %parallel_loop3A_92 : i32
          %parallel_loop3A_140 = arith.constant 1 : i32
          %parallel_loop3A_141 = arith.addi %parallel_loop3A_139, %parallel_loop3A_140 : i32
          %parallel_loop3A_142 = vector.broadcast %parallel_loop3A_141 : i32 to vector<16xi32>
          %parallel_loop3A_143 = arith.constant 0 : i32
          %parallel_loop3A_144 = vector.broadcast %parallel_loop3A_143 : i32 to vector<16xi32>
          %parallel_loop3A_145 = arith.addi %parallel_loop3A_144, %iota3A : vector<16xi32>
          %parallel_loop3A_146 = tpu.vector_load_idx %arg5[%parallel_loop3A_145, %parallel_loop3A_142] : memref<64x257xf32, #tpu.memory_space<vmem>>[vector<16xi32>, vector<16xi32>], vector<16xf32>,
          %parallel_loop3A_147 = arith.constant 8.000000e+00 : f32
          %parallel_loop3A_148 = vector.broadcast %parallel_loop3A_147 : f32 to vector<16xf32>
          %parallel_loop3A_149 = arith.mulf %parallel_loop3A_146, %parallel_loop3A_148 : vector<16xf32>
          %parallel_loop3A_150 = arith.index_cast %parallel_loop3A_92 : i32 to index
          %parallel_loop3A_151 = arith.constant 64 : index
          %parallel_loop3A_152 = tpu.vector_load %arg7[%parallel_loop3A_150, %parallel_loop3A_151] {strides = array<i32>} : memref<128x128xf32, #tpu.memory_space<vmem>>, vector<16xf32>,
          tpu.vector_store %arg7[%parallel_loop3A_150, %parallel_loop3A_151], %parallel_loop3A_149 {strides = array<i32>} : memref<128x128xf32, #tpu.memory_space<vmem>>, vector<16xf32>,
          %parallel_loop3A_153 = arith.constant 16 : i32
          %parallel_loop3A_154 = vector.broadcast %parallel_loop3A_153 : i32 to vector<16xi32>
          %parallel_loop3A_155 = arith.addi %parallel_loop3A_154, %iota3A : vector<16xi32>
          %parallel_loop3A_156 = tpu.vector_load_idx %arg5[%parallel_loop3A_155, %parallel_loop3A_142] : memref<64x257xf32, #tpu.memory_space<vmem>>[vector<16xi32>, vector<16xi32>], vector<16xf32>,
          %parallel_loop3A_157 = arith.constant 8.000000e+00 : f32
          %parallel_loop3A_158 = vector.broadcast %parallel_loop3A_157 : f32 to vector<16xf32>
          %parallel_loop3A_159 = arith.mulf %parallel_loop3A_156, %parallel_loop3A_158 : vector<16xf32>
          %parallel_loop3A_160 = arith.index_cast %parallel_loop3A_92 : i32 to index
          %parallel_loop3A_161 = arith.constant 80 : index
          %parallel_loop3A_162 = tpu.vector_load %arg7[%parallel_loop3A_160, %parallel_loop3A_161] {strides = array<i32>} : memref<128x128xf32, #tpu.memory_space<vmem>>, vector<16xf32>,
          tpu.vector_store %arg7[%parallel_loop3A_160, %parallel_loop3A_161], %parallel_loop3A_159 {strides = array<i32>} : memref<128x128xf32, #tpu.memory_space<vmem>>, vector<16xf32>,
          %parallel_loop3A_163 = arith.constant 32 : i32
          %parallel_loop3A_164 = vector.broadcast %parallel_loop3A_163 : i32 to vector<16xi32>
          %parallel_loop3A_165 = arith.addi %parallel_loop3A_164, %iota3A : vector<16xi32>
          %parallel_loop3A_166 = tpu.vector_load_idx %arg5[%parallel_loop3A_165, %parallel_loop3A_142] : memref<64x257xf32, #tpu.memory_space<vmem>>[vector<16xi32>, vector<16xi32>], vector<16xf32>,
          %parallel_loop3A_167 = arith.constant 8.000000e+00 : f32
          %parallel_loop3A_168 = vector.broadcast %parallel_loop3A_167 : f32 to vector<16xf32>
          %parallel_loop3A_169 = arith.mulf %parallel_loop3A_166, %parallel_loop3A_168 : vector<16xf32>
          %parallel_loop3A_170 = arith.index_cast %parallel_loop3A_92 : i32 to index
          %parallel_loop3A_171 = arith.constant 96 : index
          %parallel_loop3A_172 = tpu.vector_load %arg7[%parallel_loop3A_170, %parallel_loop3A_171] {strides = array<i32>} : memref<128x128xf32, #tpu.memory_space<vmem>>, vector<16xf32>,
          tpu.vector_store %arg7[%parallel_loop3A_170, %parallel_loop3A_171], %parallel_loop3A_169 {strides = array<i32>} : memref<128x128xf32, #tpu.memory_space<vmem>>, vector<16xf32>,
          %parallel_loop3A_173 = arith.constant 48 : i32
          %parallel_loop3A_174 = vector.broadcast %parallel_loop3A_173 : i32 to vector<16xi32>
          %parallel_loop3A_175 = arith.addi %parallel_loop3A_174, %iota3A : vector<16xi32>
          %parallel_loop3A_176 = tpu.vector_load_idx %arg5[%parallel_loop3A_175, %parallel_loop3A_142] : memref<64x257xf32, #tpu.memory_space<vmem>>[vector<16xi32>, vector<16xi32>], vector<16xf32>,
          %parallel_loop3A_177 = arith.constant 8.000000e+00 : f32
          %parallel_loop3A_178 = vector.broadcast %parallel_loop3A_177 : f32 to vector<16xf32>
          %parallel_loop3A_179 = arith.mulf %parallel_loop3A_176, %parallel_loop3A_178 : vector<16xf32>
          %parallel_loop3A_180 = arith.index_cast %parallel_loop3A_92 : i32 to index
          %parallel_loop3A_181 = arith.constant 112 : index
          %parallel_loop3A_182 = tpu.vector_load %arg7[%parallel_loop3A_180, %parallel_loop3A_181] {strides = array<i32>} : memref<128x128xf32, #tpu.memory_space<vmem>>, vector<16xf32>,
          tpu.vector_store %arg7[%parallel_loop3A_180, %parallel_loop3A_181], %parallel_loop3A_179 {strides = array<i32>} : memref<128x128xf32, #tpu.memory_space<vmem>>, vector<16xf32>,
        } {sc.loop_unroll_factor = 8 : i64, sc.parallel_access}
        %mul3A_83 = arith.constant 32 : i32
        %mul3A_84 = arith.muli %add3A_45, %mul3A_83 : i32
        %add3A_85 = arith.addi %add3A, %mul3A_84 : i32
        %mul3A_86 = arith.constant 128 : i32
        %mul3A_87 = arith.muli %add3A_85, %mul3A_86 : i32
        %dma_start3A_88 = arith.constant 0 : i32
        %dma_start3A_89 = tpu.memref_slice %arg4[%mul3A_87, %dma_start3A_88] : memref<500000x128xf32, #tpu.memory_space<hbm>> -> memref<128x128xf32, #tpu.memory_space<hbm>>
        %dma_start3A_90 = arith.constant 0 : i32
        %dma_start3A_91 = tpu.memref_slice %arg4[%mul3A_87, %dma_start3A_90] : memref<500000x128xf32, #tpu.memory_space<hbm>> -> memref<128x128xf32, #tpu.memory_space<hbm>>
        tpu.enqueue_dma source(%arg7 : memref<128x128xf32, #tpu.memory_space<vmem>>) target(%dma_start3A_91 : memref<128x128xf32, #tpu.memory_space<hbm>>) target_semaphore(%arg11 : memref<!tpu.dma_semaphore, #tpu.memory_space<semaphore_mem>>)
      } else {
      }
      %add3A_50 = arith.constant 1 : i32
      %add3A_51 = arith.addi %add3A_43, %add3A_50 : i32
      %lt3A_52 = arith.cmpi slt, %add3A_51, %add3A_4 : i32
      %convert_element_type3A_53 = arith.extui %lt3A_52 : i1 to i32
      %cond3A_54 = arith.constant 0 : i32
      %cond3A_55 = arith.cmpi ne, %convert_element_type3A_53, %cond3A_54 : i32
      scf.if %cond3A_55 {
        %add3A_56 = arith.constant 1 : i32
        %add3A_57 = arith.addi %add3A_51, %add3A_56 : i32
        %lt3A_58 = arith.cmpi slt, %add3A_57, %add3A_4 : i32
        %convert_element_type3A_59 = arith.extui %lt3A_58 : i1 to i32
        %cond3A_60 = arith.constant 0 : i32
        %cond3A_61 = arith.cmpi ne, %convert_element_type3A_59, %cond3A_60 : i32
        scf.if %cond3A_61 {
          %add3A_92 = arith.constant 1 : i32
          %add3A_93 = arith.addi %add3A_51, %add3A_92 : i32
          %mul3A_94 = arith.constant 32 : i32
          %mul3A_95 = arith.muli %add3A_93, %mul3A_94 : i32
          %add3A_96 = arith.addi %add3A, %mul3A_95 : i32
          %mul3A_97 = arith.constant 256 : i32
          %mul3A_98 = arith.muli %add3A_96, %mul3A_97 : i32
          %dma_start3A_99 = arith.constant 0 : i32
          %dma_start3A_100 = arith.constant 0 : i32
          %dma_start3A_101 = tpu.memref_slice %arg5[%dma_start3A_99, %dma_start3A_100] : memref<64x257xf32, #tpu.memory_space<vmem>> -> memref<64x256xf32, #tpu.memory_space<vmem>>
          %dma_start3A_102 = arith.constant 0 : i32
          %dma_start3A_103 = tpu.memref_slice %arg2[%dma_start3A_102, %mul3A_98] : memref<64x1000000xf32, #tpu.memory_space<hbm>> -> memref<64x256xf32, #tpu.memory_space<hbm>>
          %dma_start3A_104 = arith.constant 0 : i32
          %dma_start3A_105 = arith.constant 0 : i32
          %dma_start3A_106 = tpu.memref_slice %arg5[%dma_start3A_104, %dma_start3A_105] : memref<64x257xf32, #tpu.memory_space<vmem>> -> memref<64x256xf32, #tpu.memory_space<vmem>>
          %dma_start3A_107 = arith.constant 0 : i32
          %dma_start3A_108 = tpu.memref_slice %arg2[%dma_start3A_107, %mul3A_98] : memref<64x1000000xf32, #tpu.memory_space<hbm>> -> memref<64x256xf32, #tpu.memory_space<hbm>>
          tpu.enqueue_dma source(%dma_start3A_108 : memref<64x256xf32, #tpu.memory_space<hbm>>) target(%dma_start3A_106 : memref<64x256xf32, #tpu.memory_space<vmem>>) target_semaphore(%arg9 : memref<!tpu.dma_semaphore, #tpu.memory_space<semaphore_mem>>)
        } else {
        }
        %mul3A_62 = arith.constant 32 : i32
        %mul3A_63 = arith.muli %add3A_51, %mul3A_62 : i32
        %add3A_64 = arith.addi %add3A, %mul3A_63 : i32
        %mul3A_65 = arith.constant 256 : i32
        %mul3A_66 = arith.muli %add3A_64, %mul3A_65 : i32
        %dma_wait3A_67 = arith.constant 0 : i32
        %dma_wait3A_68 = arith.constant 0 : i32
        %dma_wait3A_69 = tpu.memref_slice %arg6[%dma_wait3A_67, %dma_wait3A_68] : memref<64x257xf32, #tpu.memory_space<vmem>> -> memref<64x256xf32, #tpu.memory_space<vmem>>
        %dma_wait3A_70 = arith.constant 0 : i32
        %dma_wait3A_71 = tpu.memref_slice %arg2[%dma_wait3A_70, %mul3A_66] : memref<64x1000000xf32, #tpu.memory_space<hbm>> -> memref<64x256xf32, #tpu.memory_space<hbm>>
        %dma_wait3A_72 = arith.constant 0 : i32
        %dma_wait3A_73 = arith.constant 0 : i32
        %dma_wait3A_74 = tpu.memref_slice %arg6[%dma_wait3A_72, %dma_wait3A_73] : memref<64x257xf32, #tpu.memory_space<vmem>> -> memref<64x256xf32, #tpu.memory_space<vmem>>
        %dma_wait3A_75 = arith.constant 0 : i32
        %dma_wait3A_76 = tpu.memref_slice %arg2[%dma_wait3A_75, %mul3A_66] : memref<64x1000000xf32, #tpu.memory_space<hbm>> -> memref<64x256xf32, #tpu.memory_space<hbm>>
        tpu.wait_dma2 semaphore(%arg10 : memref<!tpu.dma_semaphore, #tpu.memory_space<semaphore_mem>>) src(%dma_wait3A_76 : memref<64x256xf32, #tpu.memory_space<hbm>>) dst(%dma_wait3A_74 : memref<64x256xf32, #tpu.memory_space<vmem>>)
        %ge3A = arith.constant 2 : i32
        %ge3A_77 = arith.cmpi sge, %add3A_51, %ge3A : i32
        %convert_element_type3A_78 = arith.extui %ge3A_77 : i1 to i32
        %cond3A_79 = arith.constant 0 : i32
        %cond3A_80 = arith.cmpi ne, %convert_element_type3A_78, %cond3A_79 : i32
        scf.if %cond3A_80 {
          %mul3A_92 = arith.constant 32 : i32
          %mul3A_93 = arith.muli %add3A_51, %mul3A_92 : i32
          %add3A_94 = arith.addi %add3A, %mul3A_93 : i32
          %mul3A_95 = arith.constant 128 : i32
          %mul3A_96 = arith.muli %add3A_94, %mul3A_95 : i32
          %dma_wait3A_97 = arith.constant 0 : i32
          %dma_wait3A_98 = tpu.memref_slice %arg4[%mul3A_96, %dma_wait3A_97] : memref<500000x128xf32, #tpu.memory_space<hbm>> -> memref<128x128xf32, #tpu.memory_space<hbm>>
          %dma_wait3A_99 = arith.constant 0 : i32
          %dma_wait3A_100 = tpu.memref_slice %arg4[%mul3A_96, %dma_wait3A_99] : memref<500000x128xf32, #tpu.memory_space<hbm>> -> memref<128x128xf32, #tpu.memory_space<hbm>>
          tpu.wait_dma2 semaphore(%arg12 : memref<!tpu.dma_semaphore, #tpu.memory_space<semaphore_mem>>) src(%arg8 : memref<128x128xf32, #tpu.memory_space<vmem>>) dst(%dma_wait3A_100 : memref<128x128xf32, #tpu.memory_space<hbm>>)
        } else {
        }
        %parallel_loop3A = arith.constant 0 : i32
        %parallel_loop3A_81 = arith.constant 128 : i32
        %parallel_loop3A_82 = arith.constant 1 : i32
        scf.for %parallel_loop3A_92 = %parallel_loop3A to %parallel_loop3A_81 step %parallel_loop3A_82  : i32 {
          %parallel_loop3A_93 = arith.constant 2 : i32
          %parallel_loop3A_94 = arith.muli %parallel_loop3A_93, %parallel_loop3A_92 : i32
          %parallel_loop3A_95 = arith.constant 0 : i32
          %parallel_loop3A_96 = arith.addi %parallel_loop3A_94, %parallel_loop3A_95 : i32
          %parallel_loop3A_97 = vector.broadcast %parallel_loop3A_96 : i32 to vector<16xi32>
          %parallel_loop3A_98 = arith.constant 0 : i32
          %parallel_loop3A_99 = vector.broadcast %parallel_loop3A_98 : i32 to vector<16xi32>
          %parallel_loop3A_100 = arith.addi %parallel_loop3A_99, %iota3A : vector<16xi32>
          %parallel_loop3A_101 = tpu.vector_load_idx %arg6[%parallel_loop3A_100, %parallel_loop3A_97] : memref<64x257xf32, #tpu.memory_space<vmem>>[vector<16xi32>, vector<16xi32>], vector<16xf32>,
          %parallel_loop3A_102 = arith.constant 8.000000e+00 : f32
          %parallel_loop3A_103 = vector.broadcast %parallel_loop3A_102 : f32 to vector<16xf32>
          %parallel_loop3A_104 = arith.mulf %parallel_loop3A_101, %parallel_loop3A_103 : vector<16xf32>
          %parallel_loop3A_105 = arith.index_cast %parallel_loop3A_92 : i32 to index
          %parallel_loop3A_106 = arith.constant 0 : index
          %parallel_loop3A_107 = tpu.vector_load %arg8[%parallel_loop3A_105, %parallel_loop3A_106] {strides = array<i32>} : memref<128x128xf32, #tpu.memory_space<vmem>>, vector<16xf32>,
          tpu.vector_store %arg8[%parallel_loop3A_105, %parallel_loop3A_106], %parallel_loop3A_104 {strides = array<i32>} : memref<128x128xf32, #tpu.memory_space<vmem>>, vector<16xf32>,
          %parallel_loop3A_108 = arith.constant 16 : i32
          %parallel_loop3A_109 = vector.broadcast %parallel_loop3A_108 : i32 to vector<16xi32>
          %parallel_loop3A_110 = arith.addi %parallel_loop3A_109, %iota3A : vector<16xi32>
          %parallel_loop3A_111 = tpu.vector_load_idx %arg6[%parallel_loop3A_110, %parallel_loop3A_97] : memref<64x257xf32, #tpu.memory_space<vmem>>[vector<16xi32>, vector<16xi32>], vector<16xf32>,
          %parallel_loop3A_112 = arith.constant 8.000000e+00 : f32
          %parallel_loop3A_113 = vector.broadcast %parallel_loop3A_112 : f32 to vector<16xf32>
          %parallel_loop3A_114 = arith.mulf %parallel_loop3A_111, %parallel_loop3A_113 : vector<16xf32>
          %parallel_loop3A_115 = arith.index_cast %parallel_loop3A_92 : i32 to index
          %parallel_loop3A_116 = arith.constant 16 : index
          %parallel_loop3A_117 = tpu.vector_load %arg8[%parallel_loop3A_115, %parallel_loop3A_116] {strides = array<i32>} : memref<128x128xf32, #tpu.memory_space<vmem>>, vector<16xf32>,
          tpu.vector_store %arg8[%parallel_loop3A_115, %parallel_loop3A_116], %parallel_loop3A_114 {strides = array<i32>} : memref<128x128xf32, #tpu.memory_space<vmem>>, vector<16xf32>,
          %parallel_loop3A_118 = arith.constant 32 : i32
          %parallel_loop3A_119 = vector.broadcast %parallel_loop3A_118 : i32 to vector<16xi32>
          %parallel_loop3A_120 = arith.addi %parallel_loop3A_119, %iota3A : vector<16xi32>
          %parallel_loop3A_121 = tpu.vector_load_idx %arg6[%parallel_loop3A_120, %parallel_loop3A_97] : memref<64x257xf32, #tpu.memory_space<vmem>>[vector<16xi32>, vector<16xi32>], vector<16xf32>,
          %parallel_loop3A_122 = arith.constant 8.000000e+00 : f32
          %parallel_loop3A_123 = vector.broadcast %parallel_loop3A_122 : f32 to vector<16xf32>
          %parallel_loop3A_124 = arith.mulf %parallel_loop3A_121, %parallel_loop3A_123 : vector<16xf32>
          %parallel_loop3A_125 = arith.index_cast %parallel_loop3A_92 : i32 to index
          %parallel_loop3A_126 = arith.constant 32 : index
          %parallel_loop3A_127 = tpu.vector_load %arg8[%parallel_loop3A_125, %parallel_loop3A_126] {strides = array<i32>} : memref<128x128xf32, #tpu.memory_space<vmem>>, vector<16xf32>,
          tpu.vector_store %arg8[%parallel_loop3A_125, %parallel_loop3A_126], %parallel_loop3A_124 {strides = array<i32>} : memref<128x128xf32, #tpu.memory_space<vmem>>, vector<16xf32>,
          %parallel_loop3A_128 = arith.constant 48 : i32
          %parallel_loop3A_129 = vector.broadcast %parallel_loop3A_128 : i32 to vector<16xi32>
          %parallel_loop3A_130 = arith.addi %parallel_loop3A_129, %iota3A : vector<16xi32>
          %parallel_loop3A_131 = tpu.vector_load_idx %arg6[%parallel_loop3A_130, %parallel_loop3A_97] : memref<64x257xf32, #tpu.memory_space<vmem>>[vector<16xi32>, vector<16xi32>], vector<16xf32>,
          %parallel_loop3A_132 = arith.constant 8.000000e+00 : f32
          %parallel_loop3A_133 = vector.broadcast %parallel_loop3A_132 : f32 to vector<16xf32>
          %parallel_loop3A_134 = arith.mulf %parallel_loop3A_131, %parallel_loop3A_133 : vector<16xf32>
          %parallel_loop3A_135 = arith.index_cast %parallel_loop3A_92 : i32 to index
          %parallel_loop3A_136 = arith.constant 48 : index
          %parallel_loop3A_137 = tpu.vector_load %arg8[%parallel_loop3A_135, %parallel_loop3A_136] {strides = array<i32>} : memref<128x128xf32, #tpu.memory_space<vmem>>, vector<16xf32>,
          tpu.vector_store %arg8[%parallel_loop3A_135, %parallel_loop3A_136], %parallel_loop3A_134 {strides = array<i32>} : memref<128x128xf32, #tpu.memory_space<vmem>>, vector<16xf32>,
          %parallel_loop3A_138 = arith.constant 2 : i32
          %parallel_loop3A_139 = arith.muli %parallel_loop3A_138, %parallel_loop3A_92 : i32
          %parallel_loop3A_140 = arith.constant 1 : i32
          %parallel_loop3A_141 = arith.addi %parallel_loop3A_139, %parallel_loop3A_140 : i32
          %parallel_loop3A_142 = vector.broadcast %parallel_loop3A_141 : i32 to vector<16xi32>
          %parallel_loop3A_143 = arith.constant 0 : i32
          %parallel_loop3A_144 = vector.broadcast %parallel_loop3A_143 : i32 to vector<16xi32>
          %parallel_loop3A_145 = arith.addi %parallel_loop3A_144, %iota3A : vector<16xi32>
          %parallel_loop3A_146 = tpu.vector_load_idx %arg6[%parallel_loop3A_145, %parallel_loop3A_142] : memref<64x257xf32, #tpu.memory_space<vmem>>[vector<16xi32>, vector<16xi32>], vector<16xf32>,
          %parallel_loop3A_147 = arith.constant 8.000000e+00 : f32
          %parallel_loop3A_148 = vector.broadcast %parallel_loop3A_147 : f32 to vector<16xf32>
          %parallel_loop3A_149 = arith.mulf %parallel_loop3A_146, %parallel_loop3A_148 : vector<16xf32>
          %parallel_loop3A_150 = arith.index_cast %parallel_loop3A_92 : i32 to index
          %parallel_loop3A_151 = arith.constant 64 : index
          %parallel_loop3A_152 = tpu.vector_load %arg8[%parallel_loop3A_150, %parallel_loop3A_151] {strides = array<i32>} : memref<128x128xf32, #tpu.memory_space<vmem>>, vector<16xf32>,
          tpu.vector_store %arg8[%parallel_loop3A_150, %parallel_loop3A_151], %parallel_loop3A_149 {strides = array<i32>} : memref<128x128xf32, #tpu.memory_space<vmem>>, vector<16xf32>,
          %parallel_loop3A_153 = arith.constant 16 : i32
          %parallel_loop3A_154 = vector.broadcast %parallel_loop3A_153 : i32 to vector<16xi32>
          %parallel_loop3A_155 = arith.addi %parallel_loop3A_154, %iota3A : vector<16xi32>
          %parallel_loop3A_156 = tpu.vector_load_idx %arg6[%parallel_loop3A_155, %parallel_loop3A_142] : memref<64x257xf32, #tpu.memory_space<vmem>>[vector<16xi32>, vector<16xi32>], vector<16xf32>,
          %parallel_loop3A_157 = arith.constant 8.000000e+00 : f32
          %parallel_loop3A_158 = vector.broadcast %parallel_loop3A_157 : f32 to vector<16xf32>
          %parallel_loop3A_159 = arith.mulf %parallel_loop3A_156, %parallel_loop3A_158 : vector<16xf32>
          %parallel_loop3A_160 = arith.index_cast %parallel_loop3A_92 : i32 to index
          %parallel_loop3A_161 = arith.constant 80 : index
          %parallel_loop3A_162 = tpu.vector_load %arg8[%parallel_loop3A_160, %parallel_loop3A_161] {strides = array<i32>} : memref<128x128xf32, #tpu.memory_space<vmem>>, vector<16xf32>,
          tpu.vector_store %arg8[%parallel_loop3A_160, %parallel_loop3A_161], %parallel_loop3A_159 {strides = array<i32>} : memref<128x128xf32, #tpu.memory_space<vmem>>, vector<16xf32>,
          %parallel_loop3A_163 = arith.constant 32 : i32
          %parallel_loop3A_164 = vector.broadcast %parallel_loop3A_163 : i32 to vector<16xi32>
          %parallel_loop3A_165 = arith.addi %parallel_loop3A_164, %iota3A : vector<16xi32>
          %parallel_loop3A_166 = tpu.vector_load_idx %arg6[%parallel_loop3A_165, %parallel_loop3A_142] : memref<64x257xf32, #tpu.memory_space<vmem>>[vector<16xi32>, vector<16xi32>], vector<16xf32>,
          %parallel_loop3A_167 = arith.constant 8.000000e+00 : f32
          %parallel_loop3A_168 = vector.broadcast %parallel_loop3A_167 : f32 to vector<16xf32>
          %parallel_loop3A_169 = arith.mulf %parallel_loop3A_166, %parallel_loop3A_168 : vector<16xf32>
          %parallel_loop3A_170 = arith.index_cast %parallel_loop3A_92 : i32 to index
          %parallel_loop3A_171 = arith.constant 96 : index
          %parallel_loop3A_172 = tpu.vector_load %arg8[%parallel_loop3A_170, %parallel_loop3A_171] {strides = array<i32>} : memref<128x128xf32, #tpu.memory_space<vmem>>, vector<16xf32>,
          tpu.vector_store %arg8[%parallel_loop3A_170, %parallel_loop3A_171], %parallel_loop3A_169 {strides = array<i32>} : memref<128x128xf32, #tpu.memory_space<vmem>>, vector<16xf32>,
          %parallel_loop3A_173 = arith.constant 48 : i32
          %parallel_loop3A_174 = vector.broadcast %parallel_loop3A_173 : i32 to vector<16xi32>
          %parallel_loop3A_175 = arith.addi %parallel_loop3A_174, %iota3A : vector<16xi32>
          %parallel_loop3A_176 = tpu.vector_load_idx %arg6[%parallel_loop3A_175, %parallel_loop3A_142] : memref<64x257xf32, #tpu.memory_space<vmem>>[vector<16xi32>, vector<16xi32>], vector<16xf32>,
          %parallel_loop3A_177 = arith.constant 8.000000e+00 : f32
          %parallel_loop3A_178 = vector.broadcast %parallel_loop3A_177 : f32 to vector<16xf32>
          %parallel_loop3A_179 = arith.mulf %parallel_loop3A_176, %parallel_loop3A_178 : vector<16xf32>
          %parallel_loop3A_180 = arith.index_cast %parallel_loop3A_92 : i32 to index
          %parallel_loop3A_181 = arith.constant 112 : index
          %parallel_loop3A_182 = tpu.vector_load %arg8[%parallel_loop3A_180, %parallel_loop3A_181] {strides = array<i32>} : memref<128x128xf32, #tpu.memory_space<vmem>>, vector<16xf32>,
          tpu.vector_store %arg8[%parallel_loop3A_180, %parallel_loop3A_181], %parallel_loop3A_179 {strides = array<i32>} : memref<128x128xf32, #tpu.memory_space<vmem>>, vector<16xf32>,
        } {sc.loop_unroll_factor = 8 : i64, sc.parallel_access}
        %mul3A_83 = arith.constant 32 : i32
        %mul3A_84 = arith.muli %add3A_51, %mul3A_83 : i32
        %add3A_85 = arith.addi %add3A, %mul3A_84 : i32
        %mul3A_86 = arith.constant 128 : i32
        %mul3A_87 = arith.muli %add3A_85, %mul3A_86 : i32
        %dma_start3A_88 = arith.constant 0 : i32
        %dma_start3A_89 = tpu.memref_slice %arg4[%mul3A_87, %dma_start3A_88] : memref<500000x128xf32, #tpu.memory_space<hbm>> -> memref<128x128xf32, #tpu.memory_space<hbm>>
        %dma_start3A_90 = arith.constant 0 : i32
        %dma_start3A_91 = tpu.memref_slice %arg4[%mul3A_87, %dma_start3A_90] : memref<500000x128xf32, #tpu.memory_space<hbm>> -> memref<128x128xf32, #tpu.memory_space<hbm>>
        tpu.enqueue_dma source(%arg8 : memref<128x128xf32, #tpu.memory_space<vmem>>) target(%dma_start3A_91 : memref<128x128xf32, #tpu.memory_space<hbm>>) target_semaphore(%arg12 : memref<!tpu.dma_semaphore, #tpu.memory_space<semaphore_mem>>)
      } else {
      }
    }
    %scan3A_21 = arith.constant 62 : i32
    %add3A_22 = arith.constant 0 : i32
    %add3A_23 = arith.addi %add3A, %add3A_22 : i32
    %mul3A_24 = arith.constant 128 : i32
    %mul3A_25 = arith.muli %add3A_23, %mul3A_24 : i32
    %dma_wait3A = arith.constant 0 : i32
    %dma_wait3A_26 = tpu.memref_slice %arg4[%mul3A_25, %dma_wait3A] : memref<500000x128xf32, #tpu.memory_space<hbm>> -> memref<128x128xf32, #tpu.memory_space<hbm>>
    %dma_wait3A_27 = arith.constant 0 : i32
    %dma_wait3A_28 = tpu.memref_slice %arg4[%mul3A_25, %dma_wait3A_27] : memref<500000x128xf32, #tpu.memory_space<hbm>> -> memref<128x128xf32, #tpu.memory_space<hbm>>
    tpu.wait_dma2 semaphore(%arg11 : memref<!tpu.dma_semaphore, #tpu.memory_space<semaphore_mem>>) src(%arg7 : memref<128x128xf32, #tpu.memory_space<vmem>>) dst(%dma_wait3A_28 : memref<128x128xf32, #tpu.memory_space<hbm>>)
    %add3A_29 = arith.constant 0 : i32
    %add3A_30 = arith.addi %add3A, %add3A_29 : i32
    %mul3A_31 = arith.constant 128 : i32
    %mul3A_32 = arith.muli %add3A_30, %mul3A_31 : i32
    %dma_wait3A_33 = arith.constant 0 : i32
    %dma_wait3A_34 = tpu.memref_slice %arg4[%mul3A_32, %dma_wait3A_33] : memref<500000x128xf32, #tpu.memory_space<hbm>> -> memref<128x128xf32, #tpu.memory_space<hbm>>
    %dma_wait3A_35 = arith.constant 0 : i32
    %dma_wait3A_36 = tpu.memref_slice %arg4[%mul3A_32, %dma_wait3A_35] : memref<500000x128xf32, #tpu.memory_space<hbm>> -> memref<128x128xf32, #tpu.memory_space<hbm>>
    tpu.wait_dma2 semaphore(%arg12 : memref<!tpu.dma_semaphore, #tpu.memory_space<semaphore_mem>>) src(%arg8 : memref<128x128xf32, #tpu.memory_space<vmem>>) dst(%dma_wait3A_36 : memref<128x128xf32, #tpu.memory_space<hbm>>)
    %eq3A = arith.constant 4 : i32
    %eq3A_37 = arith.cmpi eq, %add3A, %eq3A : i32
    %convert_element_type3A = arith.extui %eq3A_37 : i1 to i32
    %cond3A = arith.constant 0 : i32
    %cond3A_38 = arith.cmpi ne, %convert_element_type3A, %cond3A : i32
    scf.if %cond3A_38 {
      "tpu.region"() ({
        %run_scoped3A = tpu.sem_alloc : memref<!tpu.dma_semaphore, #tpu.memory_space<semaphore_mem>>
        %dma_start3A_41 = arith.constant 0 : i32
        %dma_start3A_42 = arith.constant 0 : i32
        %dma_start3A_43 = tpu.memref_slice %arg5[%dma_start3A_41, %dma_start3A_42] : memref<64x257xf32, #tpu.memory_space<vmem>> -> memref<64x128xf32, #tpu.memory_space<vmem>>
        %dma_start3A_44 = arith.constant 0 : i32
        %dma_start3A_45 = arith.constant 0 : i32
        %dma_start3A_46 = tpu.memref_slice %arg5[%dma_start3A_44, %dma_start3A_45] : memref<64x257xf32, #tpu.memory_space<vmem>> -> memref<64x128xf32, #tpu.memory_space<vmem>>
        tpu.enqueue_dma source(%arg3 : memref<64x128xf32, #tpu.memory_space<hbm>>) target(%dma_start3A_46 : memref<64x128xf32, #tpu.memory_space<vmem>>) target_semaphore(%run_scoped3A : memref<!tpu.dma_semaphore, #tpu.memory_space<semaphore_mem>>)
        %dma_wait3A_47 = arith.constant 0 : i32
        %dma_wait3A_48 = arith.constant 0 : i32
        %dma_wait3A_49 = tpu.memref_slice %arg5[%dma_wait3A_47, %dma_wait3A_48] : memref<64x257xf32, #tpu.memory_space<vmem>> -> memref<64x128xf32, #tpu.memory_space<vmem>>
        %dma_wait3A_50 = arith.constant 0 : i32
        %dma_wait3A_51 = arith.constant 0 : i32
        %dma_wait3A_52 = tpu.memref_slice %arg5[%dma_wait3A_50, %dma_wait3A_51] : memref<64x257xf32, #tpu.memory_space<vmem>> -> memref<64x128xf32, #tpu.memory_space<vmem>>
        tpu.wait_dma2 semaphore(%run_scoped3A : memref<!tpu.dma_semaphore, #tpu.memory_space<semaphore_mem>>) src(%arg3 : memref<64x128xf32, #tpu.memory_space<hbm>>) dst(%dma_wait3A_52 : memref<64x128xf32, #tpu.memory_space<vmem>>)
        tpu.yield
      }) : () -> ()
      %parallel_loop3A = arith.constant 0 : i32
      %parallel_loop3A_39 = arith.constant 32 : i32
      %parallel_loop3A_40 = arith.constant 1 : i32
      scf.for %parallel_loop3A_41 = %parallel_loop3A to %parallel_loop3A_39 step %parallel_loop3A_40  : i32 {
        %parallel_loop3A_42 = arith.constant 2 : i32
        %parallel_loop3A_43 = arith.muli %parallel_loop3A_42, %parallel_loop3A_41 : i32
        %parallel_loop3A_44 = arith.constant 0 : i32
        %parallel_loop3A_45 = arith.addi %parallel_loop3A_43, %parallel_loop3A_44 : i32
        %parallel_loop3A_46 = vector.broadcast %parallel_loop3A_45 : i32 to vector<16xi32>
        %parallel_loop3A_47 = arith.constant 0 : i32
        %parallel_loop3A_48 = vector.broadcast %parallel_loop3A_47 : i32 to vector<16xi32>
        %parallel_loop3A_49 = arith.addi %parallel_loop3A_48, %iota3A : vector<16xi32>
        %parallel_loop3A_50 = tpu.vector_load_idx %arg5[%parallel_loop3A_49, %parallel_loop3A_46] : memref<64x257xf32, #tpu.memory_space<vmem>>[vector<16xi32>, vector<16xi32>], vector<16xf32>,
        %parallel_loop3A_51 = arith.constant 8.000000e+00 : f32
        %parallel_loop3A_52 = vector.broadcast %parallel_loop3A_51 : f32 to vector<16xf32>
        %parallel_loop3A_53 = arith.mulf %parallel_loop3A_50, %parallel_loop3A_52 : vector<16xf32>
        %parallel_loop3A_54 = arith.index_cast %parallel_loop3A_41 : i32 to index
        %parallel_loop3A_55 = arith.constant 0 : index
        %parallel_loop3A_56 = tpu.vector_load %arg7[%parallel_loop3A_54, %parallel_loop3A_55] {strides = array<i32>} : memref<128x128xf32, #tpu.memory_space<vmem>>, vector<16xf32>,
        tpu.vector_store %arg7[%parallel_loop3A_54, %parallel_loop3A_55], %parallel_loop3A_53 {strides = array<i32>} : memref<128x128xf32, #tpu.memory_space<vmem>>, vector<16xf32>,
        %parallel_loop3A_57 = arith.constant 16 : i32
        %parallel_loop3A_58 = vector.broadcast %parallel_loop3A_57 : i32 to vector<16xi32>
        %parallel_loop3A_59 = arith.addi %parallel_loop3A_58, %iota3A : vector<16xi32>
        %parallel_loop3A_60 = tpu.vector_load_idx %arg5[%parallel_loop3A_59, %parallel_loop3A_46] : memref<64x257xf32, #tpu.memory_space<vmem>>[vector<16xi32>, vector<16xi32>], vector<16xf32>,
        %parallel_loop3A_61 = arith.constant 8.000000e+00 : f32
        %parallel_loop3A_62 = vector.broadcast %parallel_loop3A_61 : f32 to vector<16xf32>
        %parallel_loop3A_63 = arith.mulf %parallel_loop3A_60, %parallel_loop3A_62 : vector<16xf32>
        %parallel_loop3A_64 = arith.index_cast %parallel_loop3A_41 : i32 to index
        %parallel_loop3A_65 = arith.constant 16 : index
        %parallel_loop3A_66 = tpu.vector_load %arg7[%parallel_loop3A_64, %parallel_loop3A_65] {strides = array<i32>} : memref<128x128xf32, #tpu.memory_space<vmem>>, vector<16xf32>,
        tpu.vector_store %arg7[%parallel_loop3A_64, %parallel_loop3A_65], %parallel_loop3A_63 {strides = array<i32>} : memref<128x128xf32, #tpu.memory_space<vmem>>, vector<16xf32>,
        %parallel_loop3A_67 = arith.constant 32 : i32
        %parallel_loop3A_68 = vector.broadcast %parallel_loop3A_67 : i32 to vector<16xi32>
        %parallel_loop3A_69 = arith.addi %parallel_loop3A_68, %iota3A : vector<16xi32>
        %parallel_loop3A_70 = tpu.vector_load_idx %arg5[%parallel_loop3A_69, %parallel_loop3A_46] : memref<64x257xf32, #tpu.memory_space<vmem>>[vector<16xi32>, vector<16xi32>], vector<16xf32>,
        %parallel_loop3A_71 = arith.constant 8.000000e+00 : f32
        %parallel_loop3A_72 = vector.broadcast %parallel_loop3A_71 : f32 to vector<16xf32>
        %parallel_loop3A_73 = arith.mulf %parallel_loop3A_70, %parallel_loop3A_72 : vector<16xf32>
        %parallel_loop3A_74 = arith.index_cast %parallel_loop3A_41 : i32 to index
        %parallel_loop3A_75 = arith.constant 32 : index
        %parallel_loop3A_76 = tpu.vector_load %arg7[%parallel_loop3A_74, %parallel_loop3A_75] {strides = array<i32>} : memref<128x128xf32, #tpu.memory_space<vmem>>, vector<16xf32>,
        tpu.vector_store %arg7[%parallel_loop3A_74, %parallel_loop3A_75], %parallel_loop3A_73 {strides = array<i32>} : memref<128x128xf32, #tpu.memory_space<vmem>>, vector<16xf32>,
        %parallel_loop3A_77 = arith.constant 48 : i32
        %parallel_loop3A_78 = vector.broadcast %parallel_loop3A_77 : i32 to vector<16xi32>
        %parallel_loop3A_79 = arith.addi %parallel_loop3A_78, %iota3A : vector<16xi32>
        %parallel_loop3A_80 = tpu.vector_load_idx %arg5[%parallel_loop3A_79, %parallel_loop3A_46] : memref<64x257xf32, #tpu.memory_space<vmem>>[vector<16xi32>, vector<16xi32>], vector<16xf32>,
        %parallel_loop3A_81 = arith.constant 8.000000e+00 : f32
        %parallel_loop3A_82 = vector.broadcast %parallel_loop3A_81 : f32 to vector<16xf32>
        %parallel_loop3A_83 = arith.mulf %parallel_loop3A_80, %parallel_loop3A_82 : vector<16xf32>
        %parallel_loop3A_84 = arith.index_cast %parallel_loop3A_41 : i32 to index
        %parallel_loop3A_85 = arith.constant 48 : index
        %parallel_loop3A_86 = tpu.vector_load %arg7[%parallel_loop3A_84, %parallel_loop3A_85] {strides = array<i32>} : memref<128x128xf32, #tpu.memory_space<vmem>>, vector<16xf32>,
        tpu.vector_store %arg7[%parallel_loop3A_84, %parallel_loop3A_85], %parallel_loop3A_83 {strides = array<i32>} : memref<128x128xf32, #tpu.memory_space<vmem>>, vector<16xf32>,
        %parallel_loop3A_87 = arith.constant 2 : i32
        %parallel_loop3A_88 = arith.muli %parallel_loop3A_87, %parallel_loop3A_41 : i32
        %parallel_loop3A_89 = arith.constant 1 : i32
        %parallel_loop3A_90 = arith.addi %parallel_loop3A_88, %parallel_loop3A_89 : i32
        %parallel_loop3A_91 = vector.broadcast %parallel_loop3A_90 : i32 to vector<16xi32>
        %parallel_loop3A_92 = arith.constant 0 : i32
        %parallel_loop3A_93 = vector.broadcast %parallel_loop3A_92 : i32 to vector<16xi32>
        %parallel_loop3A_94 = arith.addi %parallel_loop3A_93, %iota3A : vector<16xi32>
        %parallel_loop3A_95 = tpu.vector_load_idx %arg5[%parallel_loop3A_94, %parallel_loop3A_91] : memref<64x257xf32, #tpu.memory_space<vmem>>[vector<16xi32>, vector<16xi32>], vector<16xf32>,
        %parallel_loop3A_96 = arith.constant 8.000000e+00 : f32
        %parallel_loop3A_97 = vector.broadcast %parallel_loop3A_96 : f32 to vector<16xf32>
        %parallel_loop3A_98 = arith.mulf %parallel_loop3A_95, %parallel_loop3A_97 : vector<16xf32>
        %parallel_loop3A_99 = arith.index_cast %parallel_loop3A_41 : i32 to index
        %parallel_loop3A_100 = arith.constant 64 : index
        %parallel_loop3A_101 = tpu.vector_load %arg7[%parallel_loop3A_99, %parallel_loop3A_100] {strides = array<i32>} : memref<128x128xf32, #tpu.memory_space<vmem>>, vector<16xf32>,
        tpu.vector_store %arg7[%parallel_loop3A_99, %parallel_loop3A_100], %parallel_loop3A_98 {strides = array<i32>} : memref<128x128xf32, #tpu.memory_space<vmem>>, vector<16xf32>,
        %parallel_loop3A_102 = arith.constant 16 : i32
        %parallel_loop3A_103 = vector.broadcast %parallel_loop3A_102 : i32 to vector<16xi32>
        %parallel_loop3A_104 = arith.addi %parallel_loop3A_103, %iota3A : vector<16xi32>
        %parallel_loop3A_105 = tpu.vector_load_idx %arg5[%parallel_loop3A_104, %parallel_loop3A_91] : memref<64x257xf32, #tpu.memory_space<vmem>>[vector<16xi32>, vector<16xi32>], vector<16xf32>,
        %parallel_loop3A_106 = arith.constant 8.000000e+00 : f32
        %parallel_loop3A_107 = vector.broadcast %parallel_loop3A_106 : f32 to vector<16xf32>
        %parallel_loop3A_108 = arith.mulf %parallel_loop3A_105, %parallel_loop3A_107 : vector<16xf32>
        %parallel_loop3A_109 = arith.index_cast %parallel_loop3A_41 : i32 to index
        %parallel_loop3A_110 = arith.constant 80 : index
        %parallel_loop3A_111 = tpu.vector_load %arg7[%parallel_loop3A_109, %parallel_loop3A_110] {strides = array<i32>} : memref<128x128xf32, #tpu.memory_space<vmem>>, vector<16xf32>,
        tpu.vector_store %arg7[%parallel_loop3A_109, %parallel_loop3A_110], %parallel_loop3A_108 {strides = array<i32>} : memref<128x128xf32, #tpu.memory_space<vmem>>, vector<16xf32>,
        %parallel_loop3A_112 = arith.constant 32 : i32
        %parallel_loop3A_113 = vector.broadcast %parallel_loop3A_112 : i32 to vector<16xi32>
        %parallel_loop3A_114 = arith.addi %parallel_loop3A_113, %iota3A : vector<16xi32>
        %parallel_loop3A_115 = tpu.vector_load_idx %arg5[%parallel_loop3A_114, %parallel_loop3A_91] : memref<64x257xf32, #tpu.memory_space<vmem>>[vector<16xi32>, vector<16xi32>], vector<16xf32>,
        %parallel_loop3A_116 = arith.constant 8.000000e+00 : f32
        %parallel_loop3A_117 = vector.broadcast %parallel_loop3A_116 : f32 to vector<16xf32>
        %parallel_loop3A_118 = arith.mulf %parallel_loop3A_115, %parallel_loop3A_117 : vector<16xf32>
        %parallel_loop3A_119 = arith.index_cast %parallel_loop3A_41 : i32 to index
        %parallel_loop3A_120 = arith.constant 96 : index
        %parallel_loop3A_121 = tpu.vector_load %arg7[%parallel_loop3A_119, %parallel_loop3A_120] {strides = array<i32>} : memref<128x128xf32, #tpu.memory_space<vmem>>, vector<16xf32>,
        tpu.vector_store %arg7[%parallel_loop3A_119, %parallel_loop3A_120], %parallel_loop3A_118 {strides = array<i32>} : memref<128x128xf32, #tpu.memory_space<vmem>>, vector<16xf32>,
        %parallel_loop3A_122 = arith.constant 48 : i32
        %parallel_loop3A_123 = vector.broadcast %parallel_loop3A_122 : i32 to vector<16xi32>
        %parallel_loop3A_124 = arith.addi %parallel_loop3A_123, %iota3A : vector<16xi32>
        %parallel_loop3A_125 = tpu.vector_load_idx %arg5[%parallel_loop3A_124, %parallel_loop3A_91] : memref<64x257xf32, #tpu.memory_space<vmem>>[vector<16xi32>, vector<16xi32>], vector<16xf32>,
        %parallel_loop3A_126 = arith.constant 8.000000e+00 : f32
        %parallel_loop3A_127 = vector.broadcast %parallel_loop3A_126 : f32 to vector<16xf32>
        %parallel_loop3A_128 = arith.mulf %parallel_loop3A_125, %parallel_loop3A_127 : vector<16xf32>
        %parallel_loop3A_129 = arith.index_cast %parallel_loop3A_41 : i32 to index
        %parallel_loop3A_130 = arith.constant 112 : index
        %parallel_loop3A_131 = tpu.vector_load %arg7[%parallel_loop3A_129, %parallel_loop3A_130] {strides = array<i32>} : memref<128x128xf32, #tpu.memory_space<vmem>>, vector<16xf32>,
        tpu.vector_store %arg7[%parallel_loop3A_129, %parallel_loop3A_130], %parallel_loop3A_128 {strides = array<i32>} : memref<128x128xf32, #tpu.memory_space<vmem>>, vector<16xf32>,
      } {sc.loop_unroll_factor = 8 : i64, sc.parallel_access}
      "tpu.region"() ({
        %run_scoped3A = tpu.sem_alloc : memref<!tpu.dma_semaphore, #tpu.memory_space<semaphore_mem>>
        %dma_start3A_41 = arith.constant 0 : i32
        %dma_start3A_42 = arith.constant 0 : i32
        %dma_start3A_43 = tpu.memref_slice %arg7[%dma_start3A_41, %dma_start3A_42] : memref<128x128xf32, #tpu.memory_space<vmem>> -> memref<32x128xf32, #tpu.memory_space<vmem>>
        %dma_start3A_44 = arith.constant 499968 : i32
        %dma_start3A_45 = arith.constant 0 : i32
        %dma_start3A_46 = tpu.memref_slice %arg4[%dma_start3A_44, %dma_start3A_45] : memref<500000x128xf32, #tpu.memory_space<hbm>> -> memref<32x128xf32, #tpu.memory_space<hbm>>
        %dma_start3A_47 = arith.constant 499968 : i32
        %dma_start3A_48 = arith.constant 0 : i32
        %dma_start3A_49 = tpu.memref_slice %arg4[%dma_start3A_47, %dma_start3A_48] : memref<500000x128xf32, #tpu.memory_space<hbm>> -> memref<32x128xf32, #tpu.memory_space<hbm>>
        %dma_start3A_50 = arith.constant 0 : i32
        %dma_start3A_51 = arith.constant 0 : i32
        %dma_start3A_52 = tpu.memref_slice %arg7[%dma_start3A_50, %dma_start3A_51] : memref<128x128xf32, #tpu.memory_space<vmem>> -> memref<32x128xf32, #tpu.memory_space<vmem>>
        tpu.enqueue_dma source(%dma_start3A_52 : memref<32x128xf32, #tpu.memory_space<vmem>>) target(%dma_start3A_49 : memref<32x128xf32, #tpu.memory_space<hbm>>) target_semaphore(%run_scoped3A : memref<!tpu.dma_semaphore, #tpu.memory_space<semaphore_mem>>)
        %dma_wait3A_53 = arith.constant 0 : i32
        %dma_wait3A_54 = arith.constant 0 : i32
        %dma_wait3A_55 = tpu.memref_slice %arg7[%dma_wait3A_53, %dma_wait3A_54] : memref<128x128xf32, #tpu.memory_space<vmem>> -> memref<32x128xf32, #tpu.memory_space<vmem>>
        %dma_wait3A_56 = arith.constant 499968 : i32
        %dma_wait3A_57 = arith.constant 0 : i32
        %dma_wait3A_58 = tpu.memref_slice %arg4[%dma_wait3A_56, %dma_wait3A_57] : memref<500000x128xf32, #tpu.memory_space<hbm>> -> memref<32x128xf32, #tpu.memory_space<hbm>>
        %dma_wait3A_59 = arith.constant 499968 : i32
        %dma_wait3A_60 = arith.constant 0 : i32
        %dma_wait3A_61 = tpu.memref_slice %arg4[%dma_wait3A_59, %dma_wait3A_60] : memref<500000x128xf32, #tpu.memory_space<hbm>> -> memref<32x128xf32, #tpu.memory_space<hbm>>
        %dma_wait3A_62 = arith.constant 0 : i32
        %dma_wait3A_63 = arith.constant 0 : i32
        %dma_wait3A_64 = tpu.memref_slice %arg7[%dma_wait3A_62, %dma_wait3A_63] : memref<128x128xf32, #tpu.memory_space<vmem>> -> memref<32x128xf32, #tpu.memory_space<vmem>>
        tpu.wait_dma2 semaphore(%run_scoped3A : memref<!tpu.dma_semaphore, #tpu.memory_space<semaphore_mem>>) src(%dma_wait3A_64 : memref<32x128xf32, #tpu.memory_space<vmem>>) dst(%dma_wait3A_61 : memref<32x128xf32, #tpu.memory_space<hbm>>)
        tpu.yield
      }) : () -> ()
    } else {
    }
    return
  }
}

#map = affine_map<(d0, d1) -> (0, 0)>
#map1 = affine_map<(d0, d1) -> (0, 0, 0, 0, 0)>
module attributes {stable_mosaic.version = 14 : i64} {
  func.func @_gather(%arg0: i32, %arg1: i32, %arg2: memref<32x25600xi32, #tpu.memory_space<hbm>>, %arg3: memref<1000000x64xf32, #tpu.memory_space<hbm>>, %arg4: memref<200x8x32x8x128xf32, #tpu.memory_space<hbm>>, %arg5: memref<25600xi32, #tpu.memory_space<vmem>>, %arg6: memref<256x64xf32, #tpu.memory_space<vmem>>, %arg7: memref<256x64xf32, #tpu.memory_space<vmem>>, %arg8: memref<2x8x8x129xf32, #tpu.memory_space<vmem>>, %arg9: memref<2x8x8x129xf32, #tpu.memory_space<vmem>>, %arg10: memref<!tpu.dma_semaphore, #tpu.memory_space<semaphore_mem>>, %arg11: memref<!tpu.dma_semaphore, #tpu.memory_space<semaphore_mem>>, %arg12: memref<!tpu.dma_semaphore, #tpu.memory_space<semaphore_mem>>, %arg13: memref<!tpu.dma_semaphore, #tpu.memory_space<semaphore_mem>>) attributes {dimension_semantics = [#tpu.dimension_semantics<core_parallel>, #tpu.dimension_semantics<subcore_parallel>], iteration_bounds = array<i64: 2, 16>, scalar_prefetch = 0 : i64, scratch_operands = 9 : i64, tpu.core_type = #tpu.core_type<sc_vector_subcore>, window_params = [{transform_indices = #map}, {transform_indices = #map}, {transform_indices = #map1}]} {
    %mul3A = arith.constant 2 : i32
    %mul3A_0 = arith.muli %arg1, %mul3A : i32
    %add3A = arith.addi %mul3A_0, %arg0 : i32
    %iota3A = tpu.iota {dimensions = array<i32: 0>} : vector<16xi32>
    "tpu.region"() ({
      %run_scoped3A = tpu.sem_alloc : memref<!tpu.dma_semaphore, #tpu.memory_space<semaphore_mem>>
      %dma_start3A_278 = arith.constant 0 : i32
      %dma_start3A_279 = tpu.memref_slice %arg2[%add3A, %dma_start3A_278] : memref<32x25600xi32, #tpu.memory_space<hbm>> -> memref<1x25600xi32, #tpu.memory_space<hbm>>
      %dma_start3A_280 = tpu.memref_squeeze %dma_start3A_279 : memref<1x25600xi32, #tpu.memory_space<hbm>> -> memref<25600xi32, #tpu.memory_space<hbm>>
      %dma_start3A_281 = arith.constant 0 : i32
      %dma_start3A_282 = tpu.memref_slice %arg2[%add3A, %dma_start3A_281] : memref<32x25600xi32, #tpu.memory_space<hbm>> -> memref<1x25600xi32, #tpu.memory_space<hbm>>
      %dma_start3A_283 = tpu.memref_squeeze %dma_start3A_282 : memref<1x25600xi32, #tpu.memory_space<hbm>> -> memref<25600xi32, #tpu.memory_space<hbm>>
      tpu.enqueue_dma source(%dma_start3A_283 : memref<25600xi32, #tpu.memory_space<hbm>>) target(%arg5 : memref<25600xi32, #tpu.memory_space<vmem>>) target_semaphore(%run_scoped3A : memref<!tpu.dma_semaphore, #tpu.memory_space<semaphore_mem>>)
      %dma_wait3A_284 = arith.constant 0 : i32
      %dma_wait3A_285 = tpu.memref_slice %arg2[%add3A, %dma_wait3A_284] : memref<32x25600xi32, #tpu.memory_space<hbm>> -> memref<1x25600xi32, #tpu.memory_space<hbm>>
      %dma_wait3A_286 = tpu.memref_squeeze %dma_wait3A_285 : memref<1x25600xi32, #tpu.memory_space<hbm>> -> memref<25600xi32, #tpu.memory_space<hbm>>
      %dma_wait3A_287 = arith.constant 0 : i32
      %dma_wait3A_288 = tpu.memref_slice %arg2[%add3A, %dma_wait3A_287] : memref<32x25600xi32, #tpu.memory_space<hbm>> -> memref<1x25600xi32, #tpu.memory_space<hbm>>
      %dma_wait3A_289 = tpu.memref_squeeze %dma_wait3A_288 : memref<1x25600xi32, #tpu.memory_space<hbm>> -> memref<25600xi32, #tpu.memory_space<hbm>>
      tpu.wait_dma2 semaphore(%run_scoped3A : memref<!tpu.dma_semaphore, #tpu.memory_space<semaphore_mem>>) src(%dma_wait3A_289 : memref<25600xi32, #tpu.memory_space<hbm>>) dst(%arg5 : memref<25600xi32, #tpu.memory_space<vmem>>)
      tpu.yield
    }) : () -> ()
    %add3A_1 = arith.constant 0 : i32
    %add3A_2 = vector.broadcast %add3A_1 : i32 to vector<16xi32>
    %add3A_3 = arith.addi %add3A_2, %iota3A : vector<16xi32>
    %jit3A = arith.constant 8 : i32
    %div3A = vector.broadcast %jit3A : i32 to vector<16xi32>
    %div3A_4 = arith.divsi %add3A_3, %div3A : vector<16xi32>
    %sign3A = arith.constant 0 : i32
    %sign3A_5 = vector.broadcast %sign3A : i32 to vector<16xi32>
    %sign3A_6 = arith.cmpi sgt, %add3A_3, %sign3A_5 : vector<16xi32>
    %sign3A_7 = arith.extui %sign3A_6 : vector<16xi1> to vector<16xi32>
    %sign3A_8 = arith.constant 0 : i32
    %sign3A_9 = vector.broadcast %sign3A_8 : i32 to vector<16xi32>
    %sign3A_10 = arith.cmpi slt, %add3A_3, %sign3A_9 : vector<16xi32>
    %sign3A_11 = arith.extui %sign3A_10 : vector<16xi1> to vector<16xi32>
    %sign3A_12 = arith.subi %sign3A_7, %sign3A_11 : vector<16xi32>
    %sign3A_13 = arith.constant 0 : i32
    %sign3A_14 = arith.cmpi sgt, %jit3A, %sign3A_13 : i32
    %sign3A_15 = arith.extui %sign3A_14 : i1 to i32
    %sign3A_16 = arith.constant 0 : i32
    %sign3A_17 = arith.cmpi slt, %jit3A, %sign3A_16 : i32
    %sign3A_18 = arith.extui %sign3A_17 : i1 to i32
    %sign3A_19 = arith.subi %sign3A_15, %sign3A_18 : i32
    %ne3A = vector.broadcast %sign3A_19 : i32 to vector<16xi32>
    %ne3A_20 = arith.cmpi ne, %sign3A_12, %ne3A : vector<16xi32>
    %rem3A = vector.broadcast %jit3A : i32 to vector<16xi32>
    %rem3A_21 = arith.remsi %add3A_3, %rem3A : vector<16xi32>
    %ne3A_22 = arith.constant 0 : i32
    %ne3A_23 = vector.broadcast %ne3A_22 : i32 to vector<16xi32>
    %ne3A_24 = arith.cmpi ne, %rem3A_21, %ne3A_23 : vector<16xi32>
    %and3A = arith.andi %ne3A_20, %ne3A_24 : vector<16xi1>
    %sub3A = arith.constant 1 : i32
    %sub3A_25 = vector.broadcast %sub3A : i32 to vector<16xi32>
    %sub3A_26 = arith.subi %div3A_4, %sub3A_25 : vector<16xi32>
    %select_n3A = arith.select %and3A, %sub3A_26, %div3A_4 : vector<16xi1>, vector<16xi32>
    %add3A_27 = arith.constant 16 : i32
    %add3A_28 = vector.broadcast %add3A_27 : i32 to vector<16xi32>
    %add3A_29 = arith.addi %add3A_28, %iota3A : vector<16xi32>
    %jit3A_30 = arith.constant 8 : i32
    %div3A_31 = vector.broadcast %jit3A_30 : i32 to vector<16xi32>
    %div3A_32 = arith.divsi %add3A_29, %div3A_31 : vector<16xi32>
    %sign3A_33 = arith.constant 0 : i32
    %sign3A_34 = vector.broadcast %sign3A_33 : i32 to vector<16xi32>
    %sign3A_35 = arith.cmpi sgt, %add3A_29, %sign3A_34 : vector<16xi32>
    %sign3A_36 = arith.extui %sign3A_35 : vector<16xi1> to vector<16xi32>
    %sign3A_37 = arith.constant 0 : i32
    %sign3A_38 = vector.broadcast %sign3A_37 : i32 to vector<16xi32>
    %sign3A_39 = arith.cmpi slt, %add3A_29, %sign3A_38 : vector<16xi32>
    %sign3A_40 = arith.extui %sign3A_39 : vector<16xi1> to vector<16xi32>
    %sign3A_41 = arith.subi %sign3A_36, %sign3A_40 : vector<16xi32>
    %sign3A_42 = arith.constant 0 : i32
    %sign3A_43 = arith.cmpi sgt, %jit3A_30, %sign3A_42 : i32
    %sign3A_44 = arith.extui %sign3A_43 : i1 to i32
    %sign3A_45 = arith.constant 0 : i32
    %sign3A_46 = arith.cmpi slt, %jit3A_30, %sign3A_45 : i32
    %sign3A_47 = arith.extui %sign3A_46 : i1 to i32
    %sign3A_48 = arith.subi %sign3A_44, %sign3A_47 : i32
    %ne3A_49 = vector.broadcast %sign3A_48 : i32 to vector<16xi32>
    %ne3A_50 = arith.cmpi ne, %sign3A_41, %ne3A_49 : vector<16xi32>
    %rem3A_51 = vector.broadcast %jit3A_30 : i32 to vector<16xi32>
    %rem3A_52 = arith.remsi %add3A_29, %rem3A_51 : vector<16xi32>
    %ne3A_53 = arith.constant 0 : i32
    %ne3A_54 = vector.broadcast %ne3A_53 : i32 to vector<16xi32>
    %ne3A_55 = arith.cmpi ne, %rem3A_52, %ne3A_54 : vector<16xi32>
    %and3A_56 = arith.andi %ne3A_50, %ne3A_55 : vector<16xi1>
    %sub3A_57 = arith.constant 1 : i32
    %sub3A_58 = vector.broadcast %sub3A_57 : i32 to vector<16xi32>
    %sub3A_59 = arith.subi %div3A_32, %sub3A_58 : vector<16xi32>
    %select_n3A_60 = arith.select %and3A_56, %sub3A_59, %div3A_32 : vector<16xi1>, vector<16xi32>
    %add3A_61 = arith.constant 32 : i32
    %add3A_62 = vector.broadcast %add3A_61 : i32 to vector<16xi32>
    %add3A_63 = arith.addi %add3A_62, %iota3A : vector<16xi32>
    %jit3A_64 = arith.constant 8 : i32
    %div3A_65 = vector.broadcast %jit3A_64 : i32 to vector<16xi32>
    %div3A_66 = arith.divsi %add3A_63, %div3A_65 : vector<16xi32>
    %sign3A_67 = arith.constant 0 : i32
    %sign3A_68 = vector.broadcast %sign3A_67 : i32 to vector<16xi32>
    %sign3A_69 = arith.cmpi sgt, %add3A_63, %sign3A_68 : vector<16xi32>
    %sign3A_70 = arith.extui %sign3A_69 : vector<16xi1> to vector<16xi32>
    %sign3A_71 = arith.constant 0 : i32
    %sign3A_72 = vector.broadcast %sign3A_71 : i32 to vector<16xi32>
    %sign3A_73 = arith.cmpi slt, %add3A_63, %sign3A_72 : vector<16xi32>
    %sign3A_74 = arith.extui %sign3A_73 : vector<16xi1> to vector<16xi32>
    %sign3A_75 = arith.subi %sign3A_70, %sign3A_74 : vector<16xi32>
    %sign3A_76 = arith.constant 0 : i32
    %sign3A_77 = arith.cmpi sgt, %jit3A_64, %sign3A_76 : i32
    %sign3A_78 = arith.extui %sign3A_77 : i1 to i32
    %sign3A_79 = arith.constant 0 : i32
    %sign3A_80 = arith.cmpi slt, %jit3A_64, %sign3A_79 : i32
    %sign3A_81 = arith.extui %sign3A_80 : i1 to i32
    %sign3A_82 = arith.subi %sign3A_78, %sign3A_81 : i32
    %ne3A_83 = vector.broadcast %sign3A_82 : i32 to vector<16xi32>
    %ne3A_84 = arith.cmpi ne, %sign3A_75, %ne3A_83 : vector<16xi32>
    %rem3A_85 = vector.broadcast %jit3A_64 : i32 to vector<16xi32>
    %rem3A_86 = arith.remsi %add3A_63, %rem3A_85 : vector<16xi32>
    %ne3A_87 = arith.constant 0 : i32
    %ne3A_88 = vector.broadcast %ne3A_87 : i32 to vector<16xi32>
    %ne3A_89 = arith.cmpi ne, %rem3A_86, %ne3A_88 : vector<16xi32>
    %and3A_90 = arith.andi %ne3A_84, %ne3A_89 : vector<16xi1>
    %sub3A_91 = arith.constant 1 : i32
    %sub3A_92 = vector.broadcast %sub3A_91 : i32 to vector<16xi32>
    %sub3A_93 = arith.subi %div3A_66, %sub3A_92 : vector<16xi32>
    %select_n3A_94 = arith.select %and3A_90, %sub3A_93, %div3A_66 : vector<16xi1>, vector<16xi32>
    %add3A_95 = arith.constant 48 : i32
    %add3A_96 = vector.broadcast %add3A_95 : i32 to vector<16xi32>
    %add3A_97 = arith.addi %add3A_96, %iota3A : vector<16xi32>
    %jit3A_98 = arith.constant 8 : i32
    %div3A_99 = vector.broadcast %jit3A_98 : i32 to vector<16xi32>
    %div3A_100 = arith.divsi %add3A_97, %div3A_99 : vector<16xi32>
    %sign3A_101 = arith.constant 0 : i32
    %sign3A_102 = vector.broadcast %sign3A_101 : i32 to vector<16xi32>
    %sign3A_103 = arith.cmpi sgt, %add3A_97, %sign3A_102 : vector<16xi32>
    %sign3A_104 = arith.extui %sign3A_103 : vector<16xi1> to vector<16xi32>
    %sign3A_105 = arith.constant 0 : i32
    %sign3A_106 = vector.broadcast %sign3A_105 : i32 to vector<16xi32>
    %sign3A_107 = arith.cmpi slt, %add3A_97, %sign3A_106 : vector<16xi32>
    %sign3A_108 = arith.extui %sign3A_107 : vector<16xi1> to vector<16xi32>
    %sign3A_109 = arith.subi %sign3A_104, %sign3A_108 : vector<16xi32>
    %sign3A_110 = arith.constant 0 : i32
    %sign3A_111 = arith.cmpi sgt, %jit3A_98, %sign3A_110 : i32
    %sign3A_112 = arith.extui %sign3A_111 : i1 to i32
    %sign3A_113 = arith.constant 0 : i32
    %sign3A_114 = arith.cmpi slt, %jit3A_98, %sign3A_113 : i32
    %sign3A_115 = arith.extui %sign3A_114 : i1 to i32
    %sign3A_116 = arith.subi %sign3A_112, %sign3A_115 : i32
    %ne3A_117 = vector.broadcast %sign3A_116 : i32 to vector<16xi32>
    %ne3A_118 = arith.cmpi ne, %sign3A_109, %ne3A_117 : vector<16xi32>
    %rem3A_119 = vector.broadcast %jit3A_98 : i32 to vector<16xi32>
    %rem3A_120 = arith.remsi %add3A_97, %rem3A_119 : vector<16xi32>
    %ne3A_121 = arith.constant 0 : i32
    %ne3A_122 = vector.broadcast %ne3A_121 : i32 to vector<16xi32>
    %ne3A_123 = arith.cmpi ne, %rem3A_120, %ne3A_122 : vector<16xi32>
    %and3A_124 = arith.andi %ne3A_118, %ne3A_123 : vector<16xi1>
    %sub3A_125 = arith.constant 1 : i32
    %sub3A_126 = vector.broadcast %sub3A_125 : i32 to vector<16xi32>
    %sub3A_127 = arith.subi %div3A_100, %sub3A_126 : vector<16xi32>
    %select_n3A_128 = arith.select %and3A_124, %sub3A_127, %div3A_100 : vector<16xi1>, vector<16xi32>
    %add3A_129 = arith.constant 0 : i32
    %add3A_130 = vector.broadcast %add3A_129 : i32 to vector<16xi32>
    %add3A_131 = arith.addi %add3A_130, %iota3A : vector<16xi32>
    %jit3A_132 = arith.constant 8 : i32
    %eq3A = arith.constant 0 : i32
    %eq3A_133 = arith.cmpi eq, %jit3A_132, %eq3A : i32
    %jit3A_134 = arith.constant 1 : i32
    %select_n3A_135 = arith.select %eq3A_133, %jit3A_134, %jit3A_132 : i32
    %rem3A_136 = vector.broadcast %select_n3A_135 : i32 to vector<16xi32>
    %rem3A_137 = arith.remsi %add3A_131, %rem3A_136 : vector<16xi32>
    %ne3A_138 = arith.constant 0 : i32
    %ne3A_139 = vector.broadcast %ne3A_138 : i32 to vector<16xi32>
    %ne3A_140 = arith.cmpi ne, %rem3A_137, %ne3A_139 : vector<16xi32>
    %lt3A = arith.constant 0 : i32
    %lt3A_141 = vector.broadcast %lt3A : i32 to vector<16xi32>
    %lt3A_142 = arith.cmpi slt, %rem3A_137, %lt3A_141 : vector<16xi32>
    %lt3A_143 = arith.constant 0 : i32
    %lt3A_144 = arith.cmpi slt, %select_n3A_135, %lt3A_143 : i32
    %ne3A_145 = vector.broadcast %lt3A_144 : i1 to vector<16xi1>
    %ne3A_146 = vector.broadcast %ne3A_145 : vector<16xi1> to vector<16xi1>
    %ne3A_147 = arith.xori %lt3A_142, %ne3A_146 : vector<16xi1>
    %and3A_148 = arith.andi %ne3A_147, %ne3A_140 : vector<16xi1>
    %add3A_149 = vector.broadcast %select_n3A_135 : i32 to vector<16xi32>
    %add3A_150 = arith.addi %rem3A_137, %add3A_149 : vector<16xi32>
    %select_n3A_151 = arith.select %and3A_148, %add3A_150, %rem3A_137 : vector<16xi1>, vector<16xi32>
    %add3A_152 = arith.constant 16 : i32
    %add3A_153 = vector.broadcast %add3A_152 : i32 to vector<16xi32>
    %add3A_154 = arith.addi %add3A_153, %iota3A : vector<16xi32>
    %jit3A_155 = arith.constant 8 : i32
    %eq3A_156 = arith.constant 0 : i32
    %eq3A_157 = arith.cmpi eq, %jit3A_155, %eq3A_156 : i32
    %jit3A_158 = arith.constant 1 : i32
    %select_n3A_159 = arith.select %eq3A_157, %jit3A_158, %jit3A_155 : i32
    %rem3A_160 = vector.broadcast %select_n3A_159 : i32 to vector<16xi32>
    %rem3A_161 = arith.remsi %add3A_154, %rem3A_160 : vector<16xi32>
    %ne3A_162 = arith.constant 0 : i32
    %ne3A_163 = vector.broadcast %ne3A_162 : i32 to vector<16xi32>
    %ne3A_164 = arith.cmpi ne, %rem3A_161, %ne3A_163 : vector<16xi32>
    %lt3A_165 = arith.constant 0 : i32
    %lt3A_166 = vector.broadcast %lt3A_165 : i32 to vector<16xi32>
    %lt3A_167 = arith.cmpi slt, %rem3A_161, %lt3A_166 : vector<16xi32>
    %lt3A_168 = arith.constant 0 : i32
    %lt3A_169 = arith.cmpi slt, %select_n3A_159, %lt3A_168 : i32
    %ne3A_170 = vector.broadcast %lt3A_169 : i1 to vector<16xi1>
    %ne3A_171 = vector.broadcast %ne3A_170 : vector<16xi1> to vector<16xi1>
    %ne3A_172 = arith.xori %lt3A_167, %ne3A_171 : vector<16xi1>
    %and3A_173 = arith.andi %ne3A_172, %ne3A_164 : vector<16xi1>
    %add3A_174 = vector.broadcast %select_n3A_159 : i32 to vector<16xi32>
    %add3A_175 = arith.addi %rem3A_161, %add3A_174 : vector<16xi32>
    %select_n3A_176 = arith.select %and3A_173, %add3A_175, %rem3A_161 : vector<16xi1>, vector<16xi32>
    %add3A_177 = arith.constant 32 : i32
    %add3A_178 = vector.broadcast %add3A_177 : i32 to vector<16xi32>
    %add3A_179 = arith.addi %add3A_178, %iota3A : vector<16xi32>
    %jit3A_180 = arith.constant 8 : i32
    %eq3A_181 = arith.constant 0 : i32
    %eq3A_182 = arith.cmpi eq, %jit3A_180, %eq3A_181 : i32
    %jit3A_183 = arith.constant 1 : i32
    %select_n3A_184 = arith.select %eq3A_182, %jit3A_183, %jit3A_180 : i32
    %rem3A_185 = vector.broadcast %select_n3A_184 : i32 to vector<16xi32>
    %rem3A_186 = arith.remsi %add3A_179, %rem3A_185 : vector<16xi32>
    %ne3A_187 = arith.constant 0 : i32
    %ne3A_188 = vector.broadcast %ne3A_187 : i32 to vector<16xi32>
    %ne3A_189 = arith.cmpi ne, %rem3A_186, %ne3A_188 : vector<16xi32>
    %lt3A_190 = arith.constant 0 : i32
    %lt3A_191 = vector.broadcast %lt3A_190 : i32 to vector<16xi32>
    %lt3A_192 = arith.cmpi slt, %rem3A_186, %lt3A_191 : vector<16xi32>
    %lt3A_193 = arith.constant 0 : i32
    %lt3A_194 = arith.cmpi slt, %select_n3A_184, %lt3A_193 : i32
    %ne3A_195 = vector.broadcast %lt3A_194 : i1 to vector<16xi1>
    %ne3A_196 = vector.broadcast %ne3A_195 : vector<16xi1> to vector<16xi1>
    %ne3A_197 = arith.xori %lt3A_192, %ne3A_196 : vector<16xi1>
    %and3A_198 = arith.andi %ne3A_197, %ne3A_189 : vector<16xi1>
    %add3A_199 = vector.broadcast %select_n3A_184 : i32 to vector<16xi32>
    %add3A_200 = arith.addi %rem3A_186, %add3A_199 : vector<16xi32>
    %select_n3A_201 = arith.select %and3A_198, %add3A_200, %rem3A_186 : vector<16xi1>, vector<16xi32>
    %add3A_202 = arith.constant 48 : i32
    %add3A_203 = vector.broadcast %add3A_202 : i32 to vector<16xi32>
    %add3A_204 = arith.addi %add3A_203, %iota3A : vector<16xi32>
    %jit3A_205 = arith.constant 8 : i32
    %eq3A_206 = arith.constant 0 : i32
    %eq3A_207 = arith.cmpi eq, %jit3A_205, %eq3A_206 : i32
    %jit3A_208 = arith.constant 1 : i32
    %select_n3A_209 = arith.select %eq3A_207, %jit3A_208, %jit3A_205 : i32
    %rem3A_210 = vector.broadcast %select_n3A_209 : i32 to vector<16xi32>
    %rem3A_211 = arith.remsi %add3A_204, %rem3A_210 : vector<16xi32>
    %ne3A_212 = arith.constant 0 : i32
    %ne3A_213 = vector.broadcast %ne3A_212 : i32 to vector<16xi32>
    %ne3A_214 = arith.cmpi ne, %rem3A_211, %ne3A_213 : vector<16xi32>
    %lt3A_215 = arith.constant 0 : i32
    %lt3A_216 = vector.broadcast %lt3A_215 : i32 to vector<16xi32>
    %lt3A_217 = arith.cmpi slt, %rem3A_211, %lt3A_216 : vector<16xi32>
    %lt3A_218 = arith.constant 0 : i32
    %lt3A_219 = arith.cmpi slt, %select_n3A_209, %lt3A_218 : i32
    %ne3A_220 = vector.broadcast %lt3A_219 : i1 to vector<16xi1>
    %ne3A_221 = vector.broadcast %ne3A_220 : vector<16xi1> to vector<16xi1>
    %ne3A_222 = arith.xori %lt3A_217, %ne3A_221 : vector<16xi1>
    %and3A_223 = arith.andi %ne3A_222, %ne3A_214 : vector<16xi1>
    %add3A_224 = vector.broadcast %select_n3A_209 : i32 to vector<16xi32>
    %add3A_225 = arith.addi %rem3A_211, %add3A_224 : vector<16xi32>
    %select_n3A_226 = arith.select %and3A_223, %add3A_225, %rem3A_211 : vector<16xi1>, vector<16xi32>
    %dma_start3A = arith.constant 0 : i32
    %dma_start3A_227 = tpu.memref_slice %arg5[%dma_start3A] : memref<25600xi32, #tpu.memory_space<vmem>> -> memref<256xi32, #tpu.memory_space<vmem>>
    %dma_start3A_228 = arith.constant 0 : i32
    %dma_start3A_229 = arith.constant 0 : i32
    %dma_start3A_230 = tpu.memref_slice %arg3[%dma_start3A_228, %dma_start3A_229] : memref<1000000x64xf32, #tpu.memory_space<hbm>> -> memref<1000000x64xf32, #tpu.memory_space<hbm>>
    tpu.enqueue_indirect_dma source(%dma_start3A_230 : memref<1000000x64xf32, #tpu.memory_space<hbm>>) target(%arg6 : memref<256x64xf32, #tpu.memory_space<vmem>>) offsets(%dma_start3A_227 : memref<256xi32, #tpu.memory_space<vmem>>) semaphore(%arg10 : memref<!tpu.dma_semaphore, #tpu.memory_space<semaphore_mem>>)
    %scan3A = arith.constant 0 : i32
    %scan3A_231 = arith.constant 50 : i32
    %scan3A_232 = arith.addi %scan3A, %scan3A_231 : i32
    %scan3A_233 = arith.constant 1 : i32
    scf.for %scan3A_278 = %scan3A to %scan3A_232 step %scan3A_233  : i32 {
      %mul3A_279 = arith.constant 2 : i32
      %mul3A_280 = arith.muli %scan3A_278, %mul3A_279 : i32
      %add3A_281 = arith.constant 0 : i32
      %add3A_282 = arith.addi %add3A_281, %mul3A_280 : i32
      %add3A_283 = arith.constant 0 : i32
      %add3A_284 = arith.addi %add3A_282, %add3A_283 : i32
      %add3A_285 = arith.constant 1 : i32
      %add3A_286 = arith.addi %add3A_284, %add3A_285 : i32
      %lt3A_287 = arith.constant 100 : i32
      %lt3A_288 = arith.cmpi slt, %add3A_286, %lt3A_287 : i32
      %convert_element_type3A = arith.extui %lt3A_288 : i1 to i32
      %cond3A = arith.constant 0 : i32
      %cond3A_289 = arith.cmpi ne, %convert_element_type3A, %cond3A : i32
      scf.if %cond3A_289 {
        %add3A_369 = arith.constant 1 : i32
        %add3A_370 = arith.addi %add3A_284, %add3A_369 : i32
        %mul3A_371 = arith.constant 256 : i32
        %mul3A_372 = arith.muli %mul3A_371, %add3A_370 : i32
        %dma_start3A_373 = tpu.memref_slice %arg5[%mul3A_372] : memref<25600xi32, #tpu.memory_space<vmem>> -> memref<256xi32, #tpu.memory_space<vmem>>
        %dma_start3A_374 = arith.constant 0 : i32
        %dma_start3A_375 = arith.constant 0 : i32
        %dma_start3A_376 = tpu.memref_slice %arg3[%dma_start3A_374, %dma_start3A_375] : memref<1000000x64xf32, #tpu.memory_space<hbm>> -> memref<1000000x64xf32, #tpu.memory_space<hbm>>
        tpu.enqueue_indirect_dma source(%dma_start3A_376 : memref<1000000x64xf32, #tpu.memory_space<hbm>>) target(%arg7 : memref<256x64xf32, #tpu.memory_space<vmem>>) offsets(%dma_start3A_373 : memref<256xi32, #tpu.memory_space<vmem>>) semaphore(%arg11 : memref<!tpu.dma_semaphore, #tpu.memory_space<semaphore_mem>>)
      } else {
      }
      %mul3A_290 = arith.constant 256 : i32
      %mul3A_291 = arith.muli %mul3A_290, %add3A_284 : i32
      %dma_wait3A_292 = tpu.memref_slice %arg5[%mul3A_291] : memref<25600xi32, #tpu.memory_space<vmem>> -> memref<256xi32, #tpu.memory_space<vmem>>
      %dma_wait3A_293 = arith.constant 0 : i32
      %dma_wait3A_294 = arith.constant 0 : i32
      %dma_wait3A_295 = tpu.memref_slice %arg3[%dma_wait3A_293, %dma_wait3A_294] : memref<1000000x64xf32, #tpu.memory_space<hbm>> -> memref<1000000x64xf32, #tpu.memory_space<hbm>>
      tpu.wait_indirect_dma semaphore(%arg10 : memref<!tpu.dma_semaphore, #tpu.memory_space<semaphore_mem>>) src(%dma_wait3A_295 : memref<1000000x64xf32, #tpu.memory_space<hbm>>) dst(%arg6 : memref<256x64xf32, #tpu.memory_space<vmem>>)
      %ge3A = arith.constant 2 : i32
      %ge3A_296 = arith.cmpi sge, %add3A_284, %ge3A : i32
      %convert_element_type3A_297 = arith.extui %ge3A_296 : i1 to i32
      %cond3A_298 = arith.constant 0 : i32
      %cond3A_299 = arith.cmpi ne, %convert_element_type3A_297, %cond3A_298 : i32
      scf.if %cond3A_299 {
        %mul3A_369 = arith.constant 2 : i32
        %mul3A_370 = arith.muli %mul3A_369, %add3A_284 : i32
        %dma_wait3A_371 = arith.constant 0 : i32
        %dma_wait3A_372 = arith.constant 0 : i32
        %dma_wait3A_373 = arith.constant 0 : i32
        %dma_wait3A_374 = arith.constant 0 : i32
        %dma_wait3A_375 = tpu.memref_slice %arg8[%dma_wait3A_371, %dma_wait3A_372, %dma_wait3A_373, %dma_wait3A_374] : memref<2x8x8x129xf32, #tpu.memory_space<vmem>> -> memref<2x8x8x128xf32, #tpu.memory_space<vmem>>
        %dma_wait3A_376 = arith.constant 0 : i32
        %dma_wait3A_377 = arith.constant 0 : i32
        %dma_wait3A_378 = arith.constant 0 : i32
        %dma_wait3A_379 = tpu.memref_slice %arg4[%mul3A_370, %dma_wait3A_376, %add3A, %dma_wait3A_377, %dma_wait3A_378] : memref<200x8x32x8x128xf32, #tpu.memory_space<hbm>> -> memref<2x8x1x8x128xf32, #tpu.memory_space<hbm>>
        %dma_wait3A_380 = tpu.memref_squeeze %dma_wait3A_379 : memref<2x8x1x8x128xf32, #tpu.memory_space<hbm>> -> memref<2x8x8x128xf32, #tpu.memory_space<hbm>>
        %dma_wait3A_381 = arith.constant 0 : i32
        %dma_wait3A_382 = arith.constant 0 : i32
        %dma_wait3A_383 = arith.constant 0 : i32
        %dma_wait3A_384 = tpu.memref_slice %arg4[%mul3A_370, %dma_wait3A_381, %add3A, %dma_wait3A_382, %dma_wait3A_383] : memref<200x8x32x8x128xf32, #tpu.memory_space<hbm>> -> memref<2x8x1x8x128xf32, #tpu.memory_space<hbm>>
        %dma_wait3A_385 = tpu.memref_squeeze %dma_wait3A_384 : memref<2x8x1x8x128xf32, #tpu.memory_space<hbm>> -> memref<2x8x8x128xf32, #tpu.memory_space<hbm>>
        %dma_wait3A_386 = arith.constant 0 : i32
        %dma_wait3A_387 = arith.constant 0 : i32
        %dma_wait3A_388 = arith.constant 0 : i32
        %dma_wait3A_389 = arith.constant 0 : i32
        %dma_wait3A_390 = tpu.memref_slice %arg8[%dma_wait3A_386, %dma_wait3A_387, %dma_wait3A_388, %dma_wait3A_389] : memref<2x8x8x129xf32, #tpu.memory_space<vmem>> -> memref<2x8x8x128xf32, #tpu.memory_space<vmem>>
        tpu.wait_dma2 semaphore(%arg12 : memref<!tpu.dma_semaphore, #tpu.memory_space<semaphore_mem>>) src(%dma_wait3A_390 : memref<2x8x8x128xf32, #tpu.memory_space<vmem>>) dst(%dma_wait3A_385 : memref<2x8x8x128xf32, #tpu.memory_space<hbm>>)
      } else {
      }
      %parallel_loop3A = arith.constant 0 : i32
      %parallel_loop3A_300 = arith.constant 256 : i32
      %parallel_loop3A_301 = arith.constant 1 : i32
      scf.for %parallel_loop3A_369 = %parallel_loop3A to %parallel_loop3A_300 step %parallel_loop3A_301  : i32 {
        %parallel_loop3A_370 = arith.constant 128 : i32
        %parallel_loop3A_371 = arith.divsi %parallel_loop3A_369, %parallel_loop3A_370 : i32
        %parallel_loop3A_372 = arith.constant 0 : i32
        %parallel_loop3A_373 = arith.cmpi sgt, %parallel_loop3A_369, %parallel_loop3A_372 : i32
        %parallel_loop3A_374 = arith.extui %parallel_loop3A_373 : i1 to i32
        %parallel_loop3A_375 = arith.constant 0 : i32
        %parallel_loop3A_376 = arith.cmpi slt, %parallel_loop3A_369, %parallel_loop3A_375 : i32
        %parallel_loop3A_377 = arith.extui %parallel_loop3A_376 : i1 to i32
        %parallel_loop3A_378 = arith.subi %parallel_loop3A_374, %parallel_loop3A_377 : i32
        %parallel_loop3A_379 = arith.constant 0 : i32
        %parallel_loop3A_380 = arith.cmpi sgt, %parallel_loop3A_370, %parallel_loop3A_379 : i32
        %parallel_loop3A_381 = arith.extui %parallel_loop3A_380 : i1 to i32
        %parallel_loop3A_382 = arith.constant 0 : i32
        %parallel_loop3A_383 = arith.cmpi slt, %parallel_loop3A_370, %parallel_loop3A_382 : i32
        %parallel_loop3A_384 = arith.extui %parallel_loop3A_383 : i1 to i32
        %parallel_loop3A_385 = arith.subi %parallel_loop3A_381, %parallel_loop3A_384 : i32
        %parallel_loop3A_386 = arith.cmpi ne, %parallel_loop3A_378, %parallel_loop3A_385 : i32
        %parallel_loop3A_387 = arith.remsi %parallel_loop3A_369, %parallel_loop3A_370 : i32
        %parallel_loop3A_388 = arith.constant 0 : i32
        %parallel_loop3A_389 = arith.cmpi ne, %parallel_loop3A_387, %parallel_loop3A_388 : i32
        %parallel_loop3A_390 = arith.andi %parallel_loop3A_386, %parallel_loop3A_389 : i1
        %parallel_loop3A_391 = arith.constant 1 : i32
        %parallel_loop3A_392 = arith.subi %parallel_loop3A_371, %parallel_loop3A_391 : i32
        %parallel_loop3A_393 = arith.select %parallel_loop3A_390, %parallel_loop3A_392, %parallel_loop3A_371 : i32
        %parallel_loop3A_394 = arith.constant 128 : i32
        %parallel_loop3A_395 = arith.constant 0 : i32
        %parallel_loop3A_396 = arith.cmpi eq, %parallel_loop3A_394, %parallel_loop3A_395 : i32
        %parallel_loop3A_397 = arith.constant 1 : i32
        %parallel_loop3A_398 = arith.select %parallel_loop3A_396, %parallel_loop3A_397, %parallel_loop3A_394 : i32
        %parallel_loop3A_399 = arith.remsi %parallel_loop3A_369, %parallel_loop3A_398 : i32
        %parallel_loop3A_400 = arith.constant 0 : i32
        %parallel_loop3A_401 = arith.cmpi ne, %parallel_loop3A_399, %parallel_loop3A_400 : i32
        %parallel_loop3A_402 = arith.constant 0 : i32
        %parallel_loop3A_403 = arith.cmpi slt, %parallel_loop3A_399, %parallel_loop3A_402 : i32
        %parallel_loop3A_404 = arith.constant 0 : i32
        %parallel_loop3A_405 = arith.cmpi slt, %parallel_loop3A_398, %parallel_loop3A_404 : i32
        %parallel_loop3A_406 = arith.xori %parallel_loop3A_403, %parallel_loop3A_405 : i1
        %parallel_loop3A_407 = arith.andi %parallel_loop3A_406, %parallel_loop3A_401 : i1
        %parallel_loop3A_408 = arith.addi %parallel_loop3A_399, %parallel_loop3A_398 : i32
        %parallel_loop3A_409 = arith.select %parallel_loop3A_407, %parallel_loop3A_408, %parallel_loop3A_399 : i32
        %parallel_loop3A_410 = vector.broadcast %parallel_loop3A_409 : i32 to vector<16xi32>
        %parallel_loop3A_411 = arith.index_cast %parallel_loop3A_369 : i32 to index
        %parallel_loop3A_412 = arith.constant 0 : index
        %parallel_loop3A_413 = tpu.vector_load %arg6[%parallel_loop3A_411, %parallel_loop3A_412] {strides = array<i32>} : memref<256x64xf32, #tpu.memory_space<vmem>>, vector<16xf32>,
        %parallel_loop3A_414 = vector.broadcast %parallel_loop3A_393 : i32 to vector<16xi32>
        tpu.vector_store_idx %arg8[%parallel_loop3A_414, %select_n3A, %select_n3A_151, %parallel_loop3A_410], %parallel_loop3A_413 : memref<2x8x8x129xf32, #tpu.memory_space<vmem>>[vector<16xi32>, vector<16xi32>, vector<16xi32>, vector<16xi32>], vector<16xf32>,
        %parallel_loop3A_415 = arith.index_cast %parallel_loop3A_369 : i32 to index
        %parallel_loop3A_416 = arith.constant 16 : index
        %parallel_loop3A_417 = tpu.vector_load %arg6[%parallel_loop3A_415, %parallel_loop3A_416] {strides = array<i32>} : memref<256x64xf32, #tpu.memory_space<vmem>>, vector<16xf32>,
        %parallel_loop3A_418 = vector.broadcast %parallel_loop3A_393 : i32 to vector<16xi32>
        tpu.vector_store_idx %arg8[%parallel_loop3A_418, %select_n3A_60, %select_n3A_176, %parallel_loop3A_410], %parallel_loop3A_417 : memref<2x8x8x129xf32, #tpu.memory_space<vmem>>[vector<16xi32>, vector<16xi32>, vector<16xi32>, vector<16xi32>], vector<16xf32>,
        %parallel_loop3A_419 = arith.index_cast %parallel_loop3A_369 : i32 to index
        %parallel_loop3A_420 = arith.constant 32 : index
        %parallel_loop3A_421 = tpu.vector_load %arg6[%parallel_loop3A_419, %parallel_loop3A_420] {strides = array<i32>} : memref<256x64xf32, #tpu.memory_space<vmem>>, vector<16xf32>,
        %parallel_loop3A_422 = vector.broadcast %parallel_loop3A_393 : i32 to vector<16xi32>
        tpu.vector_store_idx %arg8[%parallel_loop3A_422, %select_n3A_94, %select_n3A_201, %parallel_loop3A_410], %parallel_loop3A_421 : memref<2x8x8x129xf32, #tpu.memory_space<vmem>>[vector<16xi32>, vector<16xi32>, vector<16xi32>, vector<16xi32>], vector<16xf32>,
        %parallel_loop3A_423 = arith.index_cast %parallel_loop3A_369 : i32 to index
        %parallel_loop3A_424 = arith.constant 48 : index
        %parallel_loop3A_425 = tpu.vector_load %arg6[%parallel_loop3A_423, %parallel_loop3A_424] {strides = array<i32>} : memref<256x64xf32, #tpu.memory_space<vmem>>, vector<16xf32>,
        %parallel_loop3A_426 = vector.broadcast %parallel_loop3A_393 : i32 to vector<16xi32>
        tpu.vector_store_idx %arg8[%parallel_loop3A_426, %select_n3A_128, %select_n3A_226, %parallel_loop3A_410], %parallel_loop3A_425 : memref<2x8x8x129xf32, #tpu.memory_space<vmem>>[vector<16xi32>, vector<16xi32>, vector<16xi32>, vector<16xi32>], vector<16xf32>,
      } {sc.loop_unroll_factor = 8 : i64, sc.parallel_access}
      %mul3A_302 = arith.constant 2 : i32
      %mul3A_303 = arith.muli %mul3A_302, %add3A_284 : i32
      %dma_start3A_304 = arith.constant 0 : i32
      %dma_start3A_305 = arith.constant 0 : i32
      %dma_start3A_306 = arith.constant 0 : i32
      %dma_start3A_307 = arith.constant 0 : i32
      %dma_start3A_308 = tpu.memref_slice %arg8[%dma_start3A_304, %dma_start3A_305, %dma_start3A_306, %dma_start3A_307] : memref<2x8x8x129xf32, #tpu.memory_space<vmem>> -> memref<2x8x8x128xf32, #tpu.memory_space<vmem>>
      %dma_start3A_309 = arith.constant 0 : i32
      %dma_start3A_310 = arith.constant 0 : i32
      %dma_start3A_311 = arith.constant 0 : i32
      %dma_start3A_312 = tpu.memref_slice %arg4[%mul3A_303, %dma_start3A_309, %add3A, %dma_start3A_310, %dma_start3A_311] : memref<200x8x32x8x128xf32, #tpu.memory_space<hbm>> -> memref<2x8x1x8x128xf32, #tpu.memory_space<hbm>>
      %dma_start3A_313 = tpu.memref_squeeze %dma_start3A_312 : memref<2x8x1x8x128xf32, #tpu.memory_space<hbm>> -> memref<2x8x8x128xf32, #tpu.memory_space<hbm>>
      %dma_start3A_314 = arith.constant 0 : i32
      %dma_start3A_315 = arith.constant 0 : i32
      %dma_start3A_316 = arith.constant 0 : i32
      %dma_start3A_317 = tpu.memref_slice %arg4[%mul3A_303, %dma_start3A_314, %add3A, %dma_start3A_315, %dma_start3A_316] : memref<200x8x32x8x128xf32, #tpu.memory_space<hbm>> -> memref<2x8x1x8x128xf32, #tpu.memory_space<hbm>>
      %dma_start3A_318 = tpu.memref_squeeze %dma_start3A_317 : memref<2x8x1x8x128xf32, #tpu.memory_space<hbm>> -> memref<2x8x8x128xf32, #tpu.memory_space<hbm>>
      %dma_start3A_319 = arith.constant 0 : i32
      %dma_start3A_320 = arith.constant 0 : i32
      %dma_start3A_321 = arith.constant 0 : i32
      %dma_start3A_322 = arith.constant 0 : i32
      %dma_start3A_323 = tpu.memref_slice %arg8[%dma_start3A_319, %dma_start3A_320, %dma_start3A_321, %dma_start3A_322] : memref<2x8x8x129xf32, #tpu.memory_space<vmem>> -> memref<2x8x8x128xf32, #tpu.memory_space<vmem>>
      tpu.enqueue_dma source(%dma_start3A_323 : memref<2x8x8x128xf32, #tpu.memory_space<vmem>>) target(%dma_start3A_318 : memref<2x8x8x128xf32, #tpu.memory_space<hbm>>) target_semaphore(%arg12 : memref<!tpu.dma_semaphore, #tpu.memory_space<semaphore_mem>>)
      %add3A_324 = arith.constant 1 : i32
      %add3A_325 = arith.addi %add3A_282, %add3A_324 : i32
      %add3A_326 = arith.constant 1 : i32
      %add3A_327 = arith.addi %add3A_325, %add3A_326 : i32
      %lt3A_328 = arith.constant 100 : i32
      %lt3A_329 = arith.cmpi slt, %add3A_327, %lt3A_328 : i32
      %convert_element_type3A_330 = arith.extui %lt3A_329 : i1 to i32
      %cond3A_331 = arith.constant 0 : i32
      %cond3A_332 = arith.cmpi ne, %convert_element_type3A_330, %cond3A_331 : i32
      scf.if %cond3A_332 {
        %add3A_369 = arith.constant 1 : i32
        %add3A_370 = arith.addi %add3A_325, %add3A_369 : i32
        %mul3A_371 = arith.constant 256 : i32
        %mul3A_372 = arith.muli %mul3A_371, %add3A_370 : i32
        %dma_start3A_373 = tpu.memref_slice %arg5[%mul3A_372] : memref<25600xi32, #tpu.memory_space<vmem>> -> memref<256xi32, #tpu.memory_space<vmem>>
        %dma_start3A_374 = arith.constant 0 : i32
        %dma_start3A_375 = arith.constant 0 : i32
        %dma_start3A_376 = tpu.memref_slice %arg3[%dma_start3A_374, %dma_start3A_375] : memref<1000000x64xf32, #tpu.memory_space<hbm>> -> memref<1000000x64xf32, #tpu.memory_space<hbm>>
        tpu.enqueue_indirect_dma source(%dma_start3A_376 : memref<1000000x64xf32, #tpu.memory_space<hbm>>) target(%arg6 : memref<256x64xf32, #tpu.memory_space<vmem>>) offsets(%dma_start3A_373 : memref<256xi32, #tpu.memory_space<vmem>>) semaphore(%arg10 : memref<!tpu.dma_semaphore, #tpu.memory_space<semaphore_mem>>)
      } else {
      }
      %mul3A_333 = arith.constant 256 : i32
      %mul3A_334 = arith.muli %mul3A_333, %add3A_325 : i32
      %dma_wait3A_335 = tpu.memref_slice %arg5[%mul3A_334] : memref<25600xi32, #tpu.memory_space<vmem>> -> memref<256xi32, #tpu.memory_space<vmem>>
      %dma_wait3A_336 = arith.constant 0 : i32
      %dma_wait3A_337 = arith.constant 0 : i32
      %dma_wait3A_338 = tpu.memref_slice %arg3[%dma_wait3A_336, %dma_wait3A_337] : memref<1000000x64xf32, #tpu.memory_space<hbm>> -> memref<1000000x64xf32, #tpu.memory_space<hbm>>
      tpu.wait_indirect_dma semaphore(%arg11 : memref<!tpu.dma_semaphore, #tpu.memory_space<semaphore_mem>>) src(%dma_wait3A_338 : memref<1000000x64xf32, #tpu.memory_space<hbm>>) dst(%arg7 : memref<256x64xf32, #tpu.memory_space<vmem>>)
      %ge3A_339 = arith.constant 2 : i32
      %ge3A_340 = arith.cmpi sge, %add3A_325, %ge3A_339 : i32
      %convert_element_type3A_341 = arith.extui %ge3A_340 : i1 to i32
      %cond3A_342 = arith.constant 0 : i32
      %cond3A_343 = arith.cmpi ne, %convert_element_type3A_341, %cond3A_342 : i32
      scf.if %cond3A_343 {
        %mul3A_369 = arith.constant 2 : i32
        %mul3A_370 = arith.muli %mul3A_369, %add3A_325 : i32
        %dma_wait3A_371 = arith.constant 0 : i32
        %dma_wait3A_372 = arith.constant 0 : i32
        %dma_wait3A_373 = arith.constant 0 : i32
        %dma_wait3A_374 = arith.constant 0 : i32
        %dma_wait3A_375 = tpu.memref_slice %arg9[%dma_wait3A_371, %dma_wait3A_372, %dma_wait3A_373, %dma_wait3A_374] : memref<2x8x8x129xf32, #tpu.memory_space<vmem>> -> memref<2x8x8x128xf32, #tpu.memory_space<vmem>>
        %dma_wait3A_376 = arith.constant 0 : i32
        %dma_wait3A_377 = arith.constant 0 : i32
        %dma_wait3A_378 = arith.constant 0 : i32
        %dma_wait3A_379 = tpu.memref_slice %arg4[%mul3A_370, %dma_wait3A_376, %add3A, %dma_wait3A_377, %dma_wait3A_378] : memref<200x8x32x8x128xf32, #tpu.memory_space<hbm>> -> memref<2x8x1x8x128xf32, #tpu.memory_space<hbm>>
        %dma_wait3A_380 = tpu.memref_squeeze %dma_wait3A_379 : memref<2x8x1x8x128xf32, #tpu.memory_space<hbm>> -> memref<2x8x8x128xf32, #tpu.memory_space<hbm>>
        %dma_wait3A_381 = arith.constant 0 : i32
        %dma_wait3A_382 = arith.constant 0 : i32
        %dma_wait3A_383 = arith.constant 0 : i32
        %dma_wait3A_384 = tpu.memref_slice %arg4[%mul3A_370, %dma_wait3A_381, %add3A, %dma_wait3A_382, %dma_wait3A_383] : memref<200x8x32x8x128xf32, #tpu.memory_space<hbm>> -> memref<2x8x1x8x128xf32, #tpu.memory_space<hbm>>
        %dma_wait3A_385 = tpu.memref_squeeze %dma_wait3A_384 : memref<2x8x1x8x128xf32, #tpu.memory_space<hbm>> -> memref<2x8x8x128xf32, #tpu.memory_space<hbm>>
        %dma_wait3A_386 = arith.constant 0 : i32
        %dma_wait3A_387 = arith.constant 0 : i32
        %dma_wait3A_388 = arith.constant 0 : i32
        %dma_wait3A_389 = arith.constant 0 : i32
        %dma_wait3A_390 = tpu.memref_slice %arg9[%dma_wait3A_386, %dma_wait3A_387, %dma_wait3A_388, %dma_wait3A_389] : memref<2x8x8x129xf32, #tpu.memory_space<vmem>> -> memref<2x8x8x128xf32, #tpu.memory_space<vmem>>
        tpu.wait_dma2 semaphore(%arg13 : memref<!tpu.dma_semaphore, #tpu.memory_space<semaphore_mem>>) src(%dma_wait3A_390 : memref<2x8x8x128xf32, #tpu.memory_space<vmem>>) dst(%dma_wait3A_385 : memref<2x8x8x128xf32, #tpu.memory_space<hbm>>)
      } else {
      }
      %parallel_loop3A_344 = arith.constant 0 : i32
      %parallel_loop3A_345 = arith.constant 256 : i32
      %parallel_loop3A_346 = arith.constant 1 : i32
      scf.for %parallel_loop3A_369 = %parallel_loop3A_344 to %parallel_loop3A_345 step %parallel_loop3A_346  : i32 {
        %parallel_loop3A_370 = arith.constant 128 : i32
        %parallel_loop3A_371 = arith.divsi %parallel_loop3A_369, %parallel_loop3A_370 : i32
        %parallel_loop3A_372 = arith.constant 0 : i32
        %parallel_loop3A_373 = arith.cmpi sgt, %parallel_loop3A_369, %parallel_loop3A_372 : i32
        %parallel_loop3A_374 = arith.extui %parallel_loop3A_373 : i1 to i32
        %parallel_loop3A_375 = arith.constant 0 : i32
        %parallel_loop3A_376 = arith.cmpi slt, %parallel_loop3A_369, %parallel_loop3A_375 : i32
        %parallel_loop3A_377 = arith.extui %parallel_loop3A_376 : i1 to i32
        %parallel_loop3A_378 = arith.subi %parallel_loop3A_374, %parallel_loop3A_377 : i32
        %parallel_loop3A_379 = arith.constant 0 : i32
        %parallel_loop3A_380 = arith.cmpi sgt, %parallel_loop3A_370, %parallel_loop3A_379 : i32
        %parallel_loop3A_381 = arith.extui %parallel_loop3A_380 : i1 to i32
        %parallel_loop3A_382 = arith.constant 0 : i32
        %parallel_loop3A_383 = arith.cmpi slt, %parallel_loop3A_370, %parallel_loop3A_382 : i32
        %parallel_loop3A_384 = arith.extui %parallel_loop3A_383 : i1 to i32
        %parallel_loop3A_385 = arith.subi %parallel_loop3A_381, %parallel_loop3A_384 : i32
        %parallel_loop3A_386 = arith.cmpi ne, %parallel_loop3A_378, %parallel_loop3A_385 : i32
        %parallel_loop3A_387 = arith.remsi %parallel_loop3A_369, %parallel_loop3A_370 : i32
        %parallel_loop3A_388 = arith.constant 0 : i32
        %parallel_loop3A_389 = arith.cmpi ne, %parallel_loop3A_387, %parallel_loop3A_388 : i32
        %parallel_loop3A_390 = arith.andi %parallel_loop3A_386, %parallel_loop3A_389 : i1
        %parallel_loop3A_391 = arith.constant 1 : i32
        %parallel_loop3A_392 = arith.subi %parallel_loop3A_371, %parallel_loop3A_391 : i32
        %parallel_loop3A_393 = arith.select %parallel_loop3A_390, %parallel_loop3A_392, %parallel_loop3A_371 : i32
        %parallel_loop3A_394 = arith.constant 128 : i32
        %parallel_loop3A_395 = arith.constant 0 : i32
        %parallel_loop3A_396 = arith.cmpi eq, %parallel_loop3A_394, %parallel_loop3A_395 : i32
        %parallel_loop3A_397 = arith.constant 1 : i32
        %parallel_loop3A_398 = arith.select %parallel_loop3A_396, %parallel_loop3A_397, %parallel_loop3A_394 : i32
        %parallel_loop3A_399 = arith.remsi %parallel_loop3A_369, %parallel_loop3A_398 : i32
        %parallel_loop3A_400 = arith.constant 0 : i32
        %parallel_loop3A_401 = arith.cmpi ne, %parallel_loop3A_399, %parallel_loop3A_400 : i32
        %parallel_loop3A_402 = arith.constant 0 : i32
        %parallel_loop3A_403 = arith.cmpi slt, %parallel_loop3A_399, %parallel_loop3A_402 : i32
        %parallel_loop3A_404 = arith.constant 0 : i32
        %parallel_loop3A_405 = arith.cmpi slt, %parallel_loop3A_398, %parallel_loop3A_404 : i32
        %parallel_loop3A_406 = arith.xori %parallel_loop3A_403, %parallel_loop3A_405 : i1
        %parallel_loop3A_407 = arith.andi %parallel_loop3A_406, %parallel_loop3A_401 : i1
        %parallel_loop3A_408 = arith.addi %parallel_loop3A_399, %parallel_loop3A_398 : i32
        %parallel_loop3A_409 = arith.select %parallel_loop3A_407, %parallel_loop3A_408, %parallel_loop3A_399 : i32
        %parallel_loop3A_410 = vector.broadcast %parallel_loop3A_409 : i32 to vector<16xi32>
        %parallel_loop3A_411 = arith.index_cast %parallel_loop3A_369 : i32 to index
        %parallel_loop3A_412 = arith.constant 0 : index
        %parallel_loop3A_413 = tpu.vector_load %arg7[%parallel_loop3A_411, %parallel_loop3A_412] {strides = array<i32>} : memref<256x64xf32, #tpu.memory_space<vmem>>, vector<16xf32>,
        %parallel_loop3A_414 = vector.broadcast %parallel_loop3A_393 : i32 to vector<16xi32>
        tpu.vector_store_idx %arg9[%parallel_loop3A_414, %select_n3A, %select_n3A_151, %parallel_loop3A_410], %parallel_loop3A_413 : memref<2x8x8x129xf32, #tpu.memory_space<vmem>>[vector<16xi32>, vector<16xi32>, vector<16xi32>, vector<16xi32>], vector<16xf32>,
        %parallel_loop3A_415 = arith.index_cast %parallel_loop3A_369 : i32 to index
        %parallel_loop3A_416 = arith.constant 16 : index
        %parallel_loop3A_417 = tpu.vector_load %arg7[%parallel_loop3A_415, %parallel_loop3A_416] {strides = array<i32>} : memref<256x64xf32, #tpu.memory_space<vmem>>, vector<16xf32>,
        %parallel_loop3A_418 = vector.broadcast %parallel_loop3A_393 : i32 to vector<16xi32>
        tpu.vector_store_idx %arg9[%parallel_loop3A_418, %select_n3A_60, %select_n3A_176, %parallel_loop3A_410], %parallel_loop3A_417 : memref<2x8x8x129xf32, #tpu.memory_space<vmem>>[vector<16xi32>, vector<16xi32>, vector<16xi32>, vector<16xi32>], vector<16xf32>,
        %parallel_loop3A_419 = arith.index_cast %parallel_loop3A_369 : i32 to index
        %parallel_loop3A_420 = arith.constant 32 : index
        %parallel_loop3A_421 = tpu.vector_load %arg7[%parallel_loop3A_419, %parallel_loop3A_420] {strides = array<i32>} : memref<256x64xf32, #tpu.memory_space<vmem>>, vector<16xf32>,
        %parallel_loop3A_422 = vector.broadcast %parallel_loop3A_393 : i32 to vector<16xi32>
        tpu.vector_store_idx %arg9[%parallel_loop3A_422, %select_n3A_94, %select_n3A_201, %parallel_loop3A_410], %parallel_loop3A_421 : memref<2x8x8x129xf32, #tpu.memory_space<vmem>>[vector<16xi32>, vector<16xi32>, vector<16xi32>, vector<16xi32>], vector<16xf32>,
        %parallel_loop3A_423 = arith.index_cast %parallel_loop3A_369 : i32 to index
        %parallel_loop3A_424 = arith.constant 48 : index
        %parallel_loop3A_425 = tpu.vector_load %arg7[%parallel_loop3A_423, %parallel_loop3A_424] {strides = array<i32>} : memref<256x64xf32, #tpu.memory_space<vmem>>, vector<16xf32>,
        %parallel_loop3A_426 = vector.broadcast %parallel_loop3A_393 : i32 to vector<16xi32>
        tpu.vector_store_idx %arg9[%parallel_loop3A_426, %select_n3A_128, %select_n3A_226, %parallel_loop3A_410], %parallel_loop3A_425 : memref<2x8x8x129xf32, #tpu.memory_space<vmem>>[vector<16xi32>, vector<16xi32>, vector<16xi32>, vector<16xi32>], vector<16xf32>,
      } {sc.loop_unroll_factor = 8 : i64, sc.parallel_access}
      %mul3A_347 = arith.constant 2 : i32
      %mul3A_348 = arith.muli %mul3A_347, %add3A_325 : i32
      %dma_start3A_349 = arith.constant 0 : i32
      %dma_start3A_350 = arith.constant 0 : i32
      %dma_start3A_351 = arith.constant 0 : i32
      %dma_start3A_352 = arith.constant 0 : i32
      %dma_start3A_353 = tpu.memref_slice %arg9[%dma_start3A_349, %dma_start3A_350, %dma_start3A_351, %dma_start3A_352] : memref<2x8x8x129xf32, #tpu.memory_space<vmem>> -> memref<2x8x8x128xf32, #tpu.memory_space<vmem>>
      %dma_start3A_354 = arith.constant 0 : i32
      %dma_start3A_355 = arith.constant 0 : i32
      %dma_start3A_356 = arith.constant 0 : i32
      %dma_start3A_357 = tpu.memref_slice %arg4[%mul3A_348, %dma_start3A_354, %add3A, %dma_start3A_355, %dma_start3A_356] : memref<200x8x32x8x128xf32, #tpu.memory_space<hbm>> -> memref<2x8x1x8x128xf32, #tpu.memory_space<hbm>>
      %dma_start3A_358 = tpu.memref_squeeze %dma_start3A_357 : memref<2x8x1x8x128xf32, #tpu.memory_space<hbm>> -> memref<2x8x8x128xf32, #tpu.memory_space<hbm>>
      %dma_start3A_359 = arith.constant 0 : i32
      %dma_start3A_360 = arith.constant 0 : i32
      %dma_start3A_361 = arith.constant 0 : i32
      %dma_start3A_362 = tpu.memref_slice %arg4[%mul3A_348, %dma_start3A_359, %add3A, %dma_start3A_360, %dma_start3A_361] : memref<200x8x32x8x128xf32, #tpu.memory_space<hbm>> -> memref<2x8x1x8x128xf32, #tpu.memory_space<hbm>>
      %dma_start3A_363 = tpu.memref_squeeze %dma_start3A_362 : memref<2x8x1x8x128xf32, #tpu.memory_space<hbm>> -> memref<2x8x8x128xf32, #tpu.memory_space<hbm>>
      %dma_start3A_364 = arith.constant 0 : i32
      %dma_start3A_365 = arith.constant 0 : i32
      %dma_start3A_366 = arith.constant 0 : i32
      %dma_start3A_367 = arith.constant 0 : i32
      %dma_start3A_368 = tpu.memref_slice %arg9[%dma_start3A_364, %dma_start3A_365, %dma_start3A_366, %dma_start3A_367] : memref<2x8x8x129xf32, #tpu.memory_space<vmem>> -> memref<2x8x8x128xf32, #tpu.memory_space<vmem>>
      tpu.enqueue_dma source(%dma_start3A_368 : memref<2x8x8x128xf32, #tpu.memory_space<vmem>>) target(%dma_start3A_363 : memref<2x8x8x128xf32, #tpu.memory_space<hbm>>) target_semaphore(%arg13 : memref<!tpu.dma_semaphore, #tpu.memory_space<semaphore_mem>>)
    }
    %scan3A_234 = arith.constant 50 : i32
    %dma_wait3A = arith.constant 0 : i32
    %dma_wait3A_235 = arith.constant 0 : i32
    %dma_wait3A_236 = arith.constant 0 : i32
    %dma_wait3A_237 = arith.constant 0 : i32
    %dma_wait3A_238 = tpu.memref_slice %arg8[%dma_wait3A, %dma_wait3A_235, %dma_wait3A_236, %dma_wait3A_237] : memref<2x8x8x129xf32, #tpu.memory_space<vmem>> -> memref<2x8x8x128xf32, #tpu.memory_space<vmem>>
    %dma_wait3A_239 = arith.constant 0 : i32
    %dma_wait3A_240 = arith.constant 0 : i32
    %dma_wait3A_241 = arith.constant 0 : i32
    %dma_wait3A_242 = arith.constant 0 : i32
    %dma_wait3A_243 = tpu.memref_slice %arg4[%dma_wait3A_239, %dma_wait3A_240, %add3A, %dma_wait3A_241, %dma_wait3A_242] : memref<200x8x32x8x128xf32, #tpu.memory_space<hbm>> -> memref<2x8x1x8x128xf32, #tpu.memory_space<hbm>>
    %dma_wait3A_244 = tpu.memref_squeeze %dma_wait3A_243 : memref<2x8x1x8x128xf32, #tpu.memory_space<hbm>> -> memref<2x8x8x128xf32, #tpu.memory_space<hbm>>
    %dma_wait3A_245 = arith.constant 0 : i32
    %dma_wait3A_246 = arith.constant 0 : i32
    %dma_wait3A_247 = arith.constant 0 : i32
    %dma_wait3A_248 = arith.constant 0 : i32
    %dma_wait3A_249 = tpu.memref_slice %arg4[%dma_wait3A_245, %dma_wait3A_246, %add3A, %dma_wait3A_247, %dma_wait3A_248] : memref<200x8x32x8x128xf32, #tpu.memory_space<hbm>> -> memref<2x8x1x8x128xf32, #tpu.memory_space<hbm>>
    %dma_wait3A_250 = tpu.memref_squeeze %dma_wait3A_249 : memref<2x8x1x8x128xf32, #tpu.memory_space<hbm>> -> memref<2x8x8x128xf32, #tpu.memory_space<hbm>>
    %dma_wait3A_251 = arith.constant 0 : i32
    %dma_wait3A_252 = arith.constant 0 : i32
    %dma_wait3A_253 = arith.constant 0 : i32
    %dma_wait3A_254 = arith.constant 0 : i32
    %dma_wait3A_255 = tpu.memref_slice %arg8[%dma_wait3A_251, %dma_wait3A_252, %dma_wait3A_253, %dma_wait3A_254] : memref<2x8x8x129xf32, #tpu.memory_space<vmem>> -> memref<2x8x8x128xf32, #tpu.memory_space<vmem>>
    tpu.wait_dma2 semaphore(%arg12 : memref<!tpu.dma_semaphore, #tpu.memory_space<semaphore_mem>>) src(%dma_wait3A_255 : memref<2x8x8x128xf32, #tpu.memory_space<vmem>>) dst(%dma_wait3A_250 : memref<2x8x8x128xf32, #tpu.memory_space<hbm>>)
    %dma_wait3A_256 = arith.constant 0 : i32
    %dma_wait3A_257 = arith.constant 0 : i32
    %dma_wait3A_258 = arith.constant 0 : i32
    %dma_wait3A_259 = arith.constant 0 : i32
    %dma_wait3A_260 = tpu.memref_slice %arg9[%dma_wait3A_256, %dma_wait3A_257, %dma_wait3A_258, %dma_wait3A_259] : memref<2x8x8x129xf32, #tpu.memory_space<vmem>> -> memref<2x8x8x128xf32, #tpu.memory_space<vmem>>
    %dma_wait3A_261 = arith.constant 0 : i32
    %dma_wait3A_262 = arith.constant 0 : i32
    %dma_wait3A_263 = arith.constant 0 : i32
    %dma_wait3A_264 = arith.constant 0 : i32
    %dma_wait3A_265 = tpu.memref_slice %arg4[%dma_wait3A_261, %dma_wait3A_262, %add3A, %dma_wait3A_263, %dma_wait3A_264] : memref<200x8x32x8x128xf32, #tpu.memory_space<hbm>> -> memref<2x8x1x8x128xf32, #tpu.memory_space<hbm>>
    %dma_wait3A_266 = tpu.memref_squeeze %dma_wait3A_265 : memref<2x8x1x8x128xf32, #tpu.memory_space<hbm>> -> memref<2x8x8x128xf32, #tpu.memory_space<hbm>>
    %dma_wait3A_267 = arith.constant 0 : i32
    %dma_wait3A_268 = arith.constant 0 : i32
    %dma_wait3A_269 = arith.constant 0 : i32
    %dma_wait3A_270 = arith.constant 0 : i32
    %dma_wait3A_271 = tpu.memref_slice %arg4[%dma_wait3A_267, %dma_wait3A_268, %add3A, %dma_wait3A_269, %dma_wait3A_270] : memref<200x8x32x8x128xf32, #tpu.memory_space<hbm>> -> memref<2x8x1x8x128xf32, #tpu.memory_space<hbm>>
    %dma_wait3A_272 = tpu.memref_squeeze %dma_wait3A_271 : memref<2x8x1x8x128xf32, #tpu.memory_space<hbm>> -> memref<2x8x8x128xf32, #tpu.memory_space<hbm>>
    %dma_wait3A_273 = arith.constant 0 : i32
    %dma_wait3A_274 = arith.constant 0 : i32
    %dma_wait3A_275 = arith.constant 0 : i32
    %dma_wait3A_276 = arith.constant 0 : i32
    %dma_wait3A_277 = tpu.memref_slice %arg9[%dma_wait3A_273, %dma_wait3A_274, %dma_wait3A_275, %dma_wait3A_276] : memref<2x8x8x129xf32, #tpu.memory_space<vmem>> -> memref<2x8x8x128xf32, #tpu.memory_space<vmem>>
    tpu.wait_dma2 semaphore(%arg13 : memref<!tpu.dma_semaphore, #tpu.memory_space<semaphore_mem>>) src(%dma_wait3A_277 : memref<2x8x8x128xf32, #tpu.memory_space<vmem>>) dst(%dma_wait3A_272 : memref<2x8x8x128xf32, #tpu.memory_space<hbm>>)
    return
  }
}

</mosaic_0001>

<sc_bundles>
// kernel: kernel.4.cloned.1.call-start
scs
__scs_entry_jumppad:
0x0: {  	(pc) =	sbr.rel $0x88, $3  }
0x1: {  	(tag) =	ssettag $0x0;
	lr =	simm.s32 $0x1  }
0x2: {  	[smem:$0x3F9F] =	sst lr;
	_ =	strace $0xD0000000  }
0x3: {  	_ = 	snop  }
0x4: {  	_ = 	snop  }
0x5: {  	_ = 	snop  }
0x6: {  	_ = 	snop  }
0x7: {  	_ = 	snop  }
__scs_overlays_trampoline_lowered:
0x8: {  	[smem:$0x3FAE] =	sst s0  }
0x9: {  	[smem:$0x3FAF] =	sst s1  }
0xa: {  	[smem:$0x3FB0] =	sst s2  }
0xb: {  	[smem:$0x3FB1] =	sst s3  }
0xc: {  	[smem:$0x3FB2] =	sst s4  }
0xd: {  	[smem:$0x3FB3] =	sst s5  }
0xe: {  	[smem:$0x3FB4] =	sst s6  }
0xf: {  	[smem:$0x3FB5] =	sst s7  }
0x10: {  	[smem:$0x3FB6] =	sst s8  }
0x11: {  	[smem:$0x3FB7] =	sst s9;
	s0 =	simm.s32 @!p0 $0x0  }
0x12: {  	s1 =	sld [smem:$0x3F9D];
	s0 =	simm.s32 @p0 $0x1  }
0x13: {  	[smem:$0x3FB8] =	sst s0;
	s0 =	simm.s32 @!p1 $0x0  }
0x14: {  	s2 =	sld [smem:$0x3F9C];
	s0 =	simm.s32 @p1 $0x1  }
0x15: {  	[smem:$0x3FB9] =	sst s0;
	s0 =	simm.s32 @!p2 $0x0  }
0x16: {  	s3 =	sld [smem:$0x3FDB];
	s0 =	simm.s32 @p2 $0x1  }
0x17: {  	s4 =	simm.s32 $0x1BF5;
	[smem:$0x3FBB] =	sst s0  }
0x18: {  	s0 =	sld [smem:$0x3F9E];
	_ =	swait.ge [sflag:s4], $0x0  }
0x19: {  	s7 =	sld [smem:$0x3F9F]  }
0x1a: {  	s8 =	sadd.s32 $0xFFFFE003, lr  }
0x1b: {  	s9 =	sadd.s32 $0xFFFFFEF7, lr;
	s5 =	simm.s32 $0xFFFFFFFF;
	p2 =	slt.u32 s8, $0xFFFFF086  }
0x1c: {  	p1 =	slt.u32 s9, $0xF7A;
	s5 =	simm.s32 @!p2 $0x0  }
0x1d: {  	s5 =	simm.s32 @p1 $0x1;
	p0 =	seq.s32 s7, s2  }
0x1e: {  	s7 =	smul.u32 @!p0 $0xF7A, s2;
	p2 =	seq.s32 @!p0 s5, $0x0  }
0x1f: {  	s9 =	smul.u32 $0xF7A, s1;
	s8 =	simm.s32 @!p0 $0x1BF5;
	p2 =	por !p2, p0  }
0x20: {  	[sflag:s8] =	ssyncset.s32 @!p0 $0xFFFFF086;
	s6 =	sadd.s32 @!p0 s3, s7;
	s7 =	simm.s32 @!p0 $0x108  }
0x21: {  	s3 =	sadd.s32 s3, s9;
	s6 =	sadd.s32 @!p0 $0x88, s6;
	s7 =	simm.s32 @p2 $0x1082  }
0x22: {  	[simem:s7], [sflag:s8] =	dma.local @!p0 [hbm:s6], $0xF7A  }
0x23: {  	s9 =	sor.u32 $0xD0000000, s2;
	s6 =	simm.s32 $0x108;
	_ =	swait.ge @!p0 [sflag:s8], $0x0  }
0x24: {  	s3 =	sadd.s32 $0x88, s3;
	s6 =	simm.s32 @!p1 $0x1082;
	[sflag:s4] =	ssyncset.s32 $0xFFFFF086  }
0x25: {  	[simem:s6], [sflag:s4] =	dma.local [hbm:s3], $0xF7A  }
0x26: {  	[smem:$0x3F9F] =	sst s1;
	(tag) =	ssettag s2;
	_ =	strace s9  }
0x27: {  	s1 =	sld [smem:$0x3FAF]  }
0x28: {  	s2 =	sld [smem:$0x3FB0]  }
0x29: {  	s4 =	sld [smem:$0x3FB2]  }
0x2a: {  	p0 =	seq.s32 s5, $0x0;
	s5 =	sld [smem:$0x3FB3]  }
0x2b: {  	s6 =	sld [smem:$0x3FB4]  }
0x2c: {  	s7 =	sld [smem:$0x3FB5]  }
0x2d: {  	s3 =	simm.s32 $0x108;
	s8 =	sld [smem:$0x3FB6]  }
0x2e: {  	s3 =	simm.s32 @!p0 $0x1082;
	s9 =	sld [smem:$0x3FB7]  }
0x2f: {  	lr =	sadd.s32 s0, s3;
	s0 =	sld [smem:$0x3FAE]  }
0x30: {  	s3 =	sld [smem:$0x3FB1]  }
0x31: {  	[smem:$0x3FBA] =	sst s10  }
0x32: {  	s10 =	sld [smem:$0x3FB8];
	_ =	sdelay $0x3  }
0x33: {  	p0 =	seq.s32 s10, $0x1;
	s10 =	sld [smem:$0x3FBA];
	_ =	sdelay $0x3  }
0x34: {  	[smem:$0x3FBA] =	sst s10  }
0x35: {  	s10 =	sld [smem:$0x3FB9];
	_ =	sdelay $0x3  }
0x36: {  	p1 =	seq.s32 s10, $0x1;
	s10 =	sld [smem:$0x3FBA];
	_ =	sdelay $0x3  }
0x37: {  	[smem:$0x3FBA] =	sst s10  }
0x38: {  	s10 =	sld [smem:$0x3FBB]  }
0x39: {  	_ = 	snop;
	(pc) =	sbr.ind lr, $3  }
0x3a: {  	_ = 	snop  }
0x3b: {  	_ = 	snop  }
0x3c: {  	p2 =	seq.s32 s10, $0x1;
	s10 =	sld [smem:$0x3FBA]  }
0x3d: {  	_ =	shalt  }
0x3e: {  	_ =	shalt  }
0x3f: {  	_ =	shalt  }
0x40: {  	_ =	shalt  }
0x41: {  	_ =	shalt  }
0x42: {  	_ =	shalt  }
0x43: {  	_ =	shalt  }
0x44: {  	_ =	shalt  }
0x45: {  	_ =	shalt  }
0x46: {  	_ =	shalt  }
0x47: {  	_ =	shalt  }
0x48: {  	_ =	shalt  }
0x49: {  	_ =	shalt  }
0x4a: {  	_ =	shalt  }
0x4b: {  	_ =	shalt  }
0x4c: {  	_ =	shalt  }
0x4d: {  	_ =	shalt  }
0x4e: {  	_ =	shalt  }
0x4f: {  	_ =	shalt  }
0x50: {  	_ =	shalt  }
0x51: {  	_ =	shalt  }
0x52: {  	_ =	shalt  }
0x53: {  	_ =	shalt  }
0x54: {  	_ =	shalt  }
0x55: {  	_ =	shalt  }
0x56: {  	_ =	shalt  }
0x57: {  	_ =	shalt  }
0x58: {  	_ =	shalt  }
0x59: {  	_ =	shalt  }
0x5a: {  	_ =	shalt  }
0x5b: {  	_ =	shalt  }
0x5c: {  	_ =	shalt  }
0x5d: {  	_ =	shalt  }
0x5e: {  	_ =	shalt  }
0x5f: {  	_ =	shalt  }
0x60: {  	_ =	shalt  }
0x61: {  	_ =	shalt  }
0x62: {  	_ =	shalt  }
0x63: {  	_ =	shalt  }
0x64: {  	_ =	shalt  }
0x65: {  	_ =	shalt  }
0x66: {  	_ =	shalt  }
0x67: {  	_ =	shalt  }
0x68: {  	_ =	shalt  }
0x69: {  	_ =	shalt  }
0x6a: {  	_ =	shalt  }
0x6b: {  	_ =	shalt  }
0x6c: {  	_ =	shalt  }
0x6d: {  	_ =	shalt  }
0x6e: {  	_ =	shalt  }
0x6f: {  	_ =	shalt  }
0x70: {  	_ =	shalt  }
0x71: {  	_ =	shalt  }
0x72: {  	_ =	shalt  }
0x73: {  	_ =	shalt  }
0x74: {  	_ =	shalt  }
0x75: {  	_ =	shalt  }
0x76: {  	_ =	shalt  }
0x77: {  	_ =	shalt  }
0x78: {  	_ =	shalt  }
0x79: {  	_ =	shalt  }
0x7a: {  	_ =	shalt  }
0x7b: {  	_ =	shalt  }
0x7c: {  	_ =	shalt  }
0x7d: {  	_ =	shalt  }
0x7e: {  	_ =	shalt  }
0x7f: {  	_ =	shalt  }
0x80: {  	_ =	shalt  }
0x81: {  	_ =	shalt  }
0x82: {  	_ =	shalt  }
0x83: {  	_ =	shalt  }
0x84: {  	_ =	shalt  }
0x85: {  	_ =	shalt  }
0x86: {  	_ =	shalt  }
0x87: {  	_ =	shalt  }
.Lfunc_end0:
.L_simem_size_0:
called_computation_lowered:
.L_overlay_start_0:
0x88: {  	s2 =	sld [smem:$0x3FD9]  }
0x89: {  	s3 =	sld [smem:$0x3FFE];
	_ =	sdelay $0x1  }
0x8a: {  	s1 =	srdreg.scid  }
0x8b: {  	s0 =	sand.u32 $0x1, s1  }
0x8c: {  	s17 =	sshll.u32 s0, $0xA;
	s2 =	sadd.s32 s3, s2  }
0x8d: {  	s2 =	sadd.s32 s2, s17  }
0x8e: {  	[smem:$0x3FC6] =	sst s2  }
0x8f: {  	_ = 	snop  }
0x90: {  	s2 =	sld [smem:$0x3FC8]  }
0x91: {  	s18 =	sld [smem:$0x3FD0];
	(tm) =	ssettm $0x1  }
0x92: {  	s4 =	sld [smem:$0x3FFB];
	_ =	sdelay $0x3  }
0x93: {  	_ =	strace s4  }
0x94: {  	s4 =	sld [smem:$0x3FFC];
	_ =	sdelay $0x3  }
0x95: {  	_ =	strace s4  }
0x96: {  	s4 =	sld [smem:$0x3FFD];
	_ =	sdelay $0x3  }
0x97: {  	_ =	strace s4  }
0x98: {  	_ =	strace $0x8FFFFFFF  }
0x99: {  	s19 =	sld [smem:$0x3FDB];
	_ =	sdelay $0x1  }
0x9a: {  	s5 =	simm.s32 $_scs_section_size  }
0x9b: {  	s6 =	simm.s32 $_size__tile_overlayer_lowered;
	s7 =	simm.s32 $_tile_overlayer_lowered  }
0x9c: {  	s22 =	simm.s32 $0x1BFF;
	s21 =	sshll.u32 s7, $0x1;
	s4 =	sadd.s32 s5, s19  }
0x9d: {  	s8 =	simm.s32 $0x0;
	s20 =	sshll.u32 s6, $0x1;
	s6 =	sadd.s32 s21, s4  }
0x9e: {  	[timem:s8], [sflag:s22] =	dma.local [hbm:s6], s20  }
0x9f: {  	_ =	swait.ge [sflag:s22], s20  }
0xa0: {  	s5 =	ssub.s32 $0x0, s20;
	[sflag:s22] =	ssyncset.done $0x0  }
0xa1: {  	[sflag:s22] =	ssyncadd.s32 s5;
	_ =	sdelay $0x1  }
0xa2: {  	s23 =	simm.s32 $0x1B8B  }
0xa3: {  	_ =	swait.ge [sflag:s23], $0x1  }
0xa4: {  	[sflag:s23] =	ssyncset.done $0x0  }
0xa5: {  	s25 =	simm.s32 $0x1B8E;
	s24 =	sld [smem:$0x3FFE];
	[sflag:s23] =	ssyncadd.s32 $0xFFFFFFFF  }
0xa6: {  	s26 =	simm.s32 $execute0_lowered;
	[smem:$0x3FD2] =	sst s25  }
0xa7: {  	s6 =	sshll.u32 s26, $0x1;
	_ =	strace $0x80000046;
	[dreg:$0x1] =	wrdreg $0xFFFFFFFF  }
0xa8: {  	s28 =	simm.s32 $_size_execute0_lowered;
	s4 =	sadd.s32 s4, s6;
	[dreg:$0x0] =	wrdreg $0x0  }
0xa9: {  	s6 =	sshll.u32 s28, $0x1;
	[dreg:$0x2] =	wrdreg s4  }
0xaa: {  	[dreg:$0x3] =	wrdreg s6  }
0xab: {  	[dreg:$0x4] =	wrdreg $0xC0  }
0xac: {  	_ =	task [dreg:s8], $0x5FFFF  }
0xad: {  	[dreg:$0x1] =	wrdreg $0xFFFFFFFF  }
0xae: {  	[dreg:$0x0] =	wrdreg $0x60  }
0xaf: {  	[dreg:$0x2] =	wrdreg s2  }
0xb0: {  	[dreg:$0x3] =	wrdreg s18  }
0xb1: {  	[dreg:$0x4] =	wrdreg s24  }
0xb2: {  	[dreg:$0x5] =	wrdreg $0x9  }
0xb3: {  	_ =	task.clear_ibuf [dreg:s8], $0x6FFFF;
	_ =	strace $0x90000046  }
0xb4: {  	s29 =	simm.s32 $0x9;
	_ =	strace $0x80000048  }
0xb5: {  	_ =	swait.ge [sflag:s29], $0x1  }
0xb6: {  	[sflag:s29] =	ssyncadd.s32 $0xFFFFFFFF  }
0xb7: {  	_ =	strace $0x90000048  }
0xb8: {  	_ =	sfence  }
0xb9: {  	s30 =	sld [smem:$0x0];
	_ =	sdelay $0x2  }
0xba: {  	s31 =	sshll.u32 s1, $0xD;
	s1 =	sshrl.u32 s1, $0x2  }
0xbb: {  	s3 =	sand.u32 $0x4000, s31;
	s1 =	sadd.s32 s1, s30  }
0xbc: {  	s0 =	sor.u32 s3, s0;
	s1 =	sshll.u32 s1, $0x11  }
0xbd: {  	s0 =	sor.u32 s1, s0  }
0xbe: {  	s0 =	sadd.s32 $0x8F2B, s0  }
0xbf: {  	[sflag:s0] =	ssyncadd.remote.s32 $0x1  }
0xc0: {  	_ =	sfence.sel $0xFFFF  }
0xc1: {  	[dreg:$0x0] =	wrdreg $0xFFFFFFFF;
	(pc) =	sbr.abs _section_cstart, $3  }
0xc2: {  	[dreg:$0x1] =	wrdreg $0xFFFFFFFF  }
0xc3: {  	_ =	task.clear_ibuf [dreg:s8], $0x2FFFF;
	_ =	strace $0x9FFFFFFF  }
0xc4: {  	(tm) =	ssettm $0x7FFFFFFF  }
0xc5: {  	_ =	shalt  }
tec
execute0_lowered:
.L_overlay_start_1:
0x0: {  	(tag) =	ssettag $0x1  }
0x1: {  	v0 =	vimm.s32 $0xF80  }
0x2: {  	vm14 =	vcmask $0x300;
	vm13 =	vcmask $0x704;
	vm12 =	vcmask $0xB08  }
0x3: {  	vm11 =	vcmask $0xF0C;
	vm10 =	vcmask $0x1310;
	vm9 =	vcmask $0x1714  }
0x4: {  	vm8 =	vcmask $0x1B18;
	vm7 =	vcmask $0x1F1C;
	vm6 =	vcmask $0x2320  }
0x5: {  	vm5 =	vcmask $0x2724;
	vm4 =	vcmask $0x2B28;
	s1 =	rddreg [dreg:$0x0];
	vm3 =	vcmask $0x2F2C  }
0x6: {  	s8 =	rddreg [dreg:$0x1];
	vm2 =	vcmask $0x3330;
	vm1 =	vcmask $0x3734;
	vm0 =	vcmask $0x3B38  }
0x7: {  	s0 =	srdreg.scid;
	s2 =	rddreg [dreg:$0x2];
	s3 =	simm.s32 $0x0;
	v1 =	vimm.s32 $0x2780;
	v2 =	vimm.s32 $0x3F80;
	v3 =	vimm.s32 $0x5780  }
0x8: {  	s9 =	stileid.u32;
	v0 =	vsel vm14, $0x0, v0;
	[smem:$0x7FF] =	sst s3;
	v1 =	vsel vm14, $0x1800, v1;
	v2 =	vsel vm14, $0x3000, v2;
	s23 =	sadd.s32 $0x80, s8  }
0x9: {  	v3 =	vsel vm14, $0x4800, v3;
	s24 =	sadd.s32 $0x100, s8;
	v0 =	vsel vm13, $0x80, v0;
	_ =	strace $0x80000047;
	v1 =	vsel vm13, $0x1880, v1;
	[dreg:$0xd] =	wrdreg s23  }
0xa: {  	s31 =	simm.s32 $0x1;
	s25 =	sadd.s32 $0x180, s8;
	v2 =	vsel vm13, $0x3080, v2;
	v3 =	vsel vm13, $0x4880, v3;
	[dreg:$0xe] =	wrdreg s24;
	v0 =	vsel vm12, $0x100, v0  }
0xb: {  	s5 =	sand.u32 $0x1, s0;
	s26 =	sadd.s32 $0x200, s8;
	[dreg:$0xf] =	wrdreg s25;
	v1 =	vsel vm12, $0x1900, v1;
	v2 =	vsel vm12, $0x3100, v2;
	v3 =	vsel vm12, $0x4900, v3  }
0xc: {  	s14 =	sshll.u32 s9, $0x1;
	s28 =	sadd.s32 $0x280, s8;
	[dreg:$0x10] =	wrdreg s26;
	v0 =	vsel vm11, $0x180, v0;
	v1 =	vsel vm11, $0x1980, v1;
	v2 =	vsel vm11, $0x3180, v2  }
0xd: {  	p0 =	seq.s32 s9, $0x0;
	s29 =	sadd.s32 $0x300, s8;
	[dreg:$0x11] =	wrdreg s28;
	v3 =	vsel vm11, $0x4980, v3;
	v0 =	vsel vm10, $0x200, v0;
	v1 =	vsel vm10, $0x1A00, v1  }
0xe: {  	s30 =	sadd.s32 $0x380, s8;
	s0 =	sor.u32 s5, s14;
	[dreg:$0x12] =	wrdreg s29;
	v2 =	vsel vm10, $0x3200, v2;
	v3 =	vsel vm10, $0x4A00, v3;
	v0 =	vsel vm9, $0x280, v0  }
0xf: {  	[dreg:$0x13] =	wrdreg s30;
	s4 =	sshll.u32 s0, $0x8;
	s15 =	sshll.u32 s0, $0xB;
	v1 =	vsel vm9, $0x1A80, v1;
	v2 =	vsel vm9, $0x3280, v2;
	v3 =	vsel vm9, $0x4A80, v3  }
0x10: {  	s4 =	sadd.s32 s1, s4;
	s1 =	sadd.s32 s15, s2;
	s2 =	sadd.s32 $0x7A1A00, s2;
	v0 =	vsel vm8, $0x300, v0;
	v1 =	vsel vm8, $0x1B00, v1;
	v2 =	vsel vm8, $0x3300, v2  }
0x11: {  	s9 =	simm.s32 $0x10000;
	s6 =	sadd.s32 $0x1E8500, s4;
	[dreg:$0x7] =	wrdreg s2;
	v3 =	vsel vm8, $0x4B00, v3;
	v0 =	vsel vm7, $0x380, v0;
	v1 =	vsel vm7, $0x1B80, v1  }
0x12: {  	s5 =	ssub.s32 $0x2, s5;
	s7 =	sadd.s32 $0x2DC780, s4;
	[dreg:$0x4] =	wrdreg s6;
	v2 =	vsel vm7, $0x3380, v2;
	v3 =	vsel vm7, $0x4B80, v3;
	v0 =	vsel vm6, $0xC00, v0  }
0x13: {  	s16 =	sshrl.u32 s5, $0x1;
	s17 =	sadd.s32 $0x3D0A00, s4;
	[dreg:$0x5] =	wrdreg s7;
	v1 =	vsel vm6, $0x2400, v1;
	v2 =	vsel vm6, $0x3C00, v2;
	v3 =	vsel vm6, $0x5400, v3  }
0x14: {  	s5 =	ssub.s32 s5, s16;
	s18 =	sadd.s32 $0x4C4C80, s4;
	[dreg:$0x6] =	wrdreg s17;
	v0 =	vsel vm5, $0xC80, v0;
	v1 =	vsel vm5, $0x2480, v1;
	v2 =	vsel vm5, $0x3C80, v2  }
0x15: {  	s16 =	simm.s32 $0x3;
	s19 =	sadd.s32 $0x5B8F00, s4;
	[dreg:$0x8] =	wrdreg s18;
	v3 =	vsel vm5, $0x5480, v3;
	v0 =	vsel vm4, $0xD00, v0;
	v1 =	vsel vm4, $0x2500, v1  }
0x16: {  	s11 =	sadd.s32 $0xA00, s1;
	s20 =	smax.u32 s5, $0x1;
	[dreg:$0x9] =	wrdreg s19;
	v2 =	vsel vm4, $0x3D00, v2;
	v3 =	vsel vm4, $0x5500, v3;
	v0 =	vsel vm3, $0xD80, v0  }
.Ltmp0:
0x17: {  	s21 =	sadd.s32 $0xF4280, s4;
	[dreg:$0xa] =	wrdreg s20;
	v1 =	vsel vm3, $0x2580, v1;
	v2 =	vsel vm3, $0x3D80, v2;
	v3 =	vsel vm3, $0x5580, v3;
	(pc) =	sbr.rel .LBB2_1-.Ltmp0, $4  }
0x18: {  	s22 =	sadd.s32 $0x6AD180, s4;
	s2 =	simm.s32 $0xC000;
	[dreg:$0xb] =	wrdreg s21;
	v0 =	vsel vm2, $0xE00, v0;
	v1 =	vsel vm2, $0x2600, v1;
	v2 =	vsel vm2, $0x3E00, v2  }
0x19: {  	s1 =	simm.s32 $0x2;
	s7 =	simm.s32 $0x7B;
	[dreg:$0xc] =	wrdreg s22;
	v3 =	vsel vm2, $0x5600, v3;
	v0 =	vsel vm1, $0xE80, v0;
	v1 =	vsel vm1, $0x2680, v1  }
0x1a: {  	s17 =	simm.s32 $0x4;
	s18 =	simm.s32 $0x5;
	s19 =	simm.s32 $0x0;
	v2 =	vsel vm1, $0x3E80, v2;
	v3 =	vsel vm1, $0x5680, v3;
	v0 =	vsel vm0, $0xF00, v0  }
0x1b: {  	s7 =	simm.s32 @!p0 $0x7A;
	p0 =	sne.s32 s0, $0x4;
	s0 =	simm.s32 $0x6000;
	v1 =	vsel vm0, $0x2700, v1;
	v2 =	vsel vm0, $0x3F00, v2;
	v3 =	vsel vm0, $0x5700, v3  }
.LBB2_15:
0x1c: {  	s19 =	sadd.s32 $0x1, s19;
	s5 =	rddreg [dreg:$0xa]  }
0x1d: {  	p1 =	sne.s32 s19, s5  }
.Ltmp1:
0x1e: {  	_ = 	snop;
	(pc) =	sbr.rel @!p1 .LBB2_16-.Ltmp1, $1  }
0x1f: {  	_ =	sdelay $0x3  }
.LBB2_1:
0x20: {  	[tilespmem:s3], [sflag:$0x1] =	stream.linear.gather [hbm4b:s4+s3], $0x800, $0x38;
	[tilespmem:$0x14000] =	vst v63  }
0x21: {  	s5 =	rddreg [dreg:$0xb];
	s6 =	simm.s32 $0xC00  }
0x22: {  	[tilespmem:s6], [sflag:$0x1] =	stream.linear.gather [hbm4b:s5+s3], $0x800, $0x38;
	[tilespmem:$0x14000] =	vst v63  }
0x23: {  	s14 =	rddreg [dreg:$0x4];
	s15 =	simm.s32 $0x1800  }
0x24: {  	[tilespmem:s15], [sflag:$0x1] =	stream.linear.gather [hbm4b:s14+s3], $0x800, $0x38;
	[tilespmem:$0x14000] =	vst v63  }
0x25: {  	s20 =	rddreg [dreg:$0x5];
	s21 =	simm.s32 $0x2400  }
0x26: {  	[tilespmem:s21], [sflag:$0x1] =	stream.linear.gather [hbm4b:s20+s3], $0x800, $0x38;
	[tilespmem:$0x14000] =	vst v63  }
0x27: {  	s22 =	rddreg [dreg:$0x6];
	s23 =	simm.s32 $0x3000  }
0x28: {  	[tilespmem:s23], [sflag:$0x1] =	stream.linear.gather [hbm4b:s22+s3], $0x800, $0x38;
	[tilespmem:$0x14000] =	vst v63  }
0x29: {  	s24 =	rddreg [dreg:$0x8];
	s25 =	simm.s32 $0x3C00  }
0x2a: {  	[tilespmem:s25], [sflag:$0x1] =	stream.linear.gather [hbm4b:s24+s3], $0x800, $0x38;
	[tilespmem:$0x14000] =	vst v63  }
.Ltmp2:
0x2b: {  	_ = 	snop;
	(pc) =	sbr.rel .LBB2_2-.Ltmp2, $4  }
0x2c: {  	s26 =	rddreg [dreg:$0x9];
	s28 =	simm.s32 $0x4800  }
0x2d: {  	[tilespmem:s28], [sflag:$0x1] =	stream.linear.gather [hbm4b:s26+s3], $0x800, $0x38;
	[tilespmem:$0x14000] =	vst v63  }
0x2e: {  	s29 =	rddreg [dreg:$0xc];
	s30 =	simm.s32 $0x5400;
	s20 =	simm.s32 $0x0  }
0x2f: {  	[tilespmem:s30], [sflag:$0x1] =	stream.linear.gather [hbm4b:s29+s3], $0x800, $0x38;
	[tilespmem:$0x14000] =	vst v63  }
.LBB2_10:
0x30: {  	s20 =	sadd.s32 $0x1, s20  }
0x31: {  	p1 =	sne.s32 s20, $0x3E  }
.Ltmp3:
0x32: {  	_ = 	snop;
	(pc) =	sbr.rel @!p1 .LBB2_11-.Ltmp3, $1  }
0x33: {  	_ =	sdelay $0x3  }
.LBB2_2:
0x34: {  	s22 =	sshll.u32 s20, $0x1  }
0x35: {  	p2 =	sge.u32 s22, s7  }
.Ltmp4:
0x36: {  	_ = 	snop;
	(pc) =	sbr.rel @p2 .LBB2_6-.Ltmp4, $3  }
0x37: {  	_ =	sdelay $0x1  }
0x38: {  	s21 =	sshllo.u32 s20, $0x1  }
0x39: {  	p1 =	sge.u32 s21, s7  }
0x3a: {  	s5 =	sshll.u32 @!p1 s21, $0xD;
	s6 =	simm.s32 @!p1 $0x0;
	s8 =	simm.s32 @!p1 $0x6000  }
0x3b: {  	s10 =	simm.s32 @!p1 $0x6C00;
	s13 =	simm.s32 $0xE;
	s5 =	sadd.s32 @!p1 s5, s4  }
0x3c: {  	[tilespmem:s8], [sflag:$0x2] =	stream.linear.gather @!p1 [hbm4b:s5+s6], $0x800, $0x38;
	[tilespmem:$0x14000] =	vst v63  }
0x3d: {  	s14 =	simm.s32 $0x2;
	s15 =	simm.s32 $0x4;
	s8 =	sadd.s32 @!p1 $0xF4280, s5  }
0x3e: {  	[tilespmem:s10], [sflag:$0x2] =	stream.linear.gather @!p1 [hbm4b:s8+s6], $0x800, $0x38;
	[tilespmem:$0x14000] =	vst v63  }
0x3f: {  	s23 =	simm.s32 $0x6;
	s8 =	sadd.s32 @!p1 $0x1E8500, s5;
	s10 =	simm.s32 @!p1 $0x7800  }
0x40: {  	[tilespmem:s10], [sflag:$0x2] =	stream.linear.gather @!p1 [hbm4b:s8+s6], $0x800, $0x38;
	[tilespmem:$0x14000] =	vst v63  }
0x41: {  	s24 =	simm.s32 $0x8;
	s8 =	sadd.s32 @!p1 $0x2DC780, s5;
	s10 =	simm.s32 @!p1 $0x8400  }
0x42: {  	[tilespmem:s10], [sflag:$0x2] =	stream.linear.gather @!p1 [hbm4b:s8+s6], $0x800, $0x38;
	[tilespmem:$0x14000] =	vst v63  }
0x43: {  	s26 =	simm.s32 $0x0;
	s8 =	sadd.s32 @!p1 $0x3D0A00, s5;
	s10 =	simm.s32 @!p1 $0x9000  }
0x44: {  	v4 =	vmov s13;
	v5 =	vmov s14;
	v7 =	vmov s15;
	[tilespmem:s10], [sflag:$0x2] =	stream.linear.gather @!p1 [hbm4b:s8+s6], $0x800, $0x38;
	[tilespmem:$0x14000] =	vst v63  }
0x45: {  	s25 =	simm.s32 $0xA;
	v8 =	vmov s23;
	v9 =	vmov s24;
	v61 =	vmov s26;
	s8 =	sadd.s32 @!p1 $0x4C4C80, s5;
	s10 =	simm.s32 @!p1 $0x9C00  }
0x46: {  	v10 =	vmov s25;
	v6 =	vshll.u32 v4, $0x3;
	v4 =	vand.u32 $0x7E, v4;
	[tilespmem:s10], [sflag:$0x2] =	stream.linear.gather @!p1 [hbm4b:s8+s6], $0x800, $0x38;
	[tilespmem:$0x14000] =	vst v63  }
0x47: {  	s25 =	simm.s32 $0xB;
	v12 =	vshll.u32 v61, $0x3;
	v14 =	vshll.u32 v5, $0x3;
	v15 =	vshll.u32 v7, $0x3;
	s8 =	sadd.s32 @!p1 $0x5B8F00, s5;
	s10 =	simm.s32 @!p1 $0xA800  }
0x48: {  	v16 =	vshll.u32 v8, $0x3;
	v17 =	vshll.u32 v9, $0x3;
	v18 =	vshll.u32 v10, $0x3;
	[tilespmem:s10], [sflag:$0x2] =	stream.linear.gather @!p1 [hbm4b:s8+s6], $0x800, $0x38;
	[tilespmem:$0x14000] =	vst v63  }
0x49: {  	s14 =	simm.s32 $0x5;
	v5 =	vand.u32 $0x72, v5;
	v7 =	vand.u32 $0x74, v7;
	v8 =	vand.u32 $0x76, v8;
	s5 =	sadd.s32 @!p1 $0x6AD180, s5;
	s8 =	simm.s32 @!p1 $0xB400  }
0x4a: {  	v9 =	vand.u32 $0x78, v9;
	v10 =	vand.u32 $0x7A, v10;
	v6 =	vand.u32 $0x400, v6;
	[tilespmem:s8], [sflag:$0x2] =	stream.linear.gather @!p1 [hbm4b:s5+s6], $0x800, $0x38;
	[tilespmem:$0x14000] =	vst v63  }
0x4b: {  	s26 =	simm.s32 $0xD;
	v63 =	vmov s14;
	v35 =	vmov s25;
	v4 =	vor.u32 v4, v6;
	_ =	swait.ge [sflag:s31], $0x4000  }
0x4c: {  	p2 =	seq.s32 s20, $0x0;
	v36 =	vmov s26;
	v14 =	vand.u32 $0x400, v14;
	v11 =	vadd.s32 v0, v4;
	[sflag:s31] =	ssyncset.done $0x0  }
0x4d: {  	v12 =	vand.u32 $0x400, v12;
	v15 =	vand.u32 $0x400, v15;
	v5 =	vor.u32 v5, v14;
	s6 =	simm.s32 @!p2 $0x3;
	[sflag:s31] =	ssyncadd.s32 $0xFFFFC000  }
0x4e: {  	v16 =	vand.u32 $0x400, v16;
	v7 =	vor.u32 v7, v15;
	v15 =	vadd.s32 v0, v5;
	_ =	swait.ge @!p2 [sflag:s6], $0x4000  }
0x4f: {  	v17 =	vand.u32 $0x400, v17;
	v18 =	vand.u32 $0x400, v18;
	v37 =	vshll.u32 v63, $0x3;
	[sflag:s6] =	ssyncset.done @!p2 $0x0  }
0x50: {  	v6 =	vand.u32 $0x70, v61;
	v8 =	vor.u32 v8, v16;
	v9 =	vor.u32 v9, v17;
	[sflag:s6] =	ssyncadd.s32 @!p2 $0xFFFFC000  }
0x51: {  	v10 =	vor.u32 v10, v18;
	v6 =	vor.u32 v6, v12;
	v17 =	vadd.s32 v0, v8;
	v11 =	vld.idx.msk [tilespmem:v11+s3+$0x0], $0xffff  }
0x52: {  	v12 =	vadd.s32 v1, v4;
	v16 =	vadd.s32 v0, v7;
	v18 =	vadd.s32 v0, v9  }
0x53: {  	v62 =	vadd.s32 v0, v10;
	v20 =	vadd.s32 v1, v5;
	v22 =	vadd.s32 v1, v7;
	v15 =	vld.idx.msk [tilespmem:v15+s3+$0x0], $0xffff  }
0x54: {  	v23 =	vadd.s32 v1, v8;
	v24 =	vadd.s32 v1, v9;
	v26 =	vadd.s32 v1, v10  }
0x55: {  	v28 =	vadd.s32 v2, v5;
	v29 =	vadd.s32 v2, v4;
	v14 =	vadd.s32 v0, v6;
	s10 =	simm.s32 $0xC  }
0x56: {  	v30 =	vadd.s32 v2, v7;
	v13 =	vmov s10;
	v17 =	vld.idx.msk [tilespmem:v17+s3+$0x0], $0xffff;
	v11 =	vmul.f32 $8.000000000e+00, v11  }
0x57: {  	s23 =	simm.s32 $0xC200;
	v31 =	vadd.s32 v2, v8;
	v32 =	vadd.s32 v2, v9;
	v19 =	vshll.u32 v13, $0x3  }
0x58: {  	v13 =	vand.u32 $0x7C, v13;
	v19 =	vand.u32 $0x400, v19;
	v15 =	vmul.f32 $8.000000000e+00, v15;
	[tilespmem:s23+$0x180] =	vst v11;
	v11 =	vld.idx.msk [tilespmem:v62+s3+$0x0], $0xffff  }
0x59: {  	v33 =	vadd.s32 v2, v10;
	v5 =	vadd.s32 v3, v5;
	v13 =	vor.u32 v13, v19;
	v12 =	vld.idx.msk [tilespmem:v12+s3+$0x0], $0xffff  }
0x5a: {  	v46 =	vand.u32 $0x7D, v36;
	v7 =	vadd.s32 v3, v7;
	v21 =	vadd.s32 v0, v13;
	v14 =	vld.idx.msk [tilespmem:v14+s3+$0x0], $0xffff;
	[tilespmem:s23+$0xFFFFFE80] =	vst v15  }
0x5b: {  	v8 =	vadd.s32 v3, v8;
	v9 =	vadd.s32 v3, v9;
	v15 =	vmul.f32 $8.000000000e+00, v17;
	v20 =	vld.idx.msk [tilespmem:v20+s3+$0x0], $0xffff  }
0x5c: {  	v10 =	vadd.s32 v3, v10;
	v4 =	vadd.s32 v3, v4;
	v25 =	vadd.s32 v2, v6;
	s8 =	simm.s32 $0xF;
	v16 =	vld.idx.msk [tilespmem:v16+s3+$0x0], $0xffff  }
0x5d: {  	v41 =	vmov s8;
	v19 =	vadd.s32 v1, v6;
	v18 =	vld.idx.msk [tilespmem:v18+s3+$0x0], $0xffff;
	[tilespmem:s23+$0xFFFFFF80] =	vst v15;
	v11 =	vmul.f32 $8.000000000e+00, v11  }
0x5e: {  	v6 =	vadd.s32 v3, v6;
	v27 =	vadd.s32 v1, v13;
	v23 =	vld.idx.msk [tilespmem:v23+s3+$0x0], $0xffff;
	v12 =	vmul.f32 $8.000000000e+00, v12  }
0x5f: {  	s13 =	simm.s32 $0x3;
	s24 =	simm.s32 $0x9;
	v34 =	vadd.s32 v2, v13;
	v13 =	vadd.s32 v3, v13;
	v21 =	vld.idx.msk [tilespmem:v21+s3+$0x0], $0xffff;
	v14 =	vmul.f32 $8.000000000e+00, v14;
	[tilespmem:s23+$0x80] =	vst v11  }
0x60: {  	s14 =	simm.s32 $0x16;
	v17 =	vmov s13;
	v15 =	vmov s24;
	v20 =	vmul.f32 $8.000000000e+00, v20;
	[tilespmem:s23+$0x190] =	vst v12;
	v26 =	vld.idx.msk [tilespmem:v26+s3+$0x0], $0xffff  }
0x61: {  	s12 =	simm.s32 $0x1;
	[tilespmem:s23+$0xFFFFFE00] =	vst v14;
	v62 =	vmov s14;
	v38 =	vshll.u32 v15, $0x3;
	v12 =	vmul.f32 $8.000000000e+00, v16;
	v14 =	vld.idx.msk [tilespmem:v29+s3+$0x0], $0xffff  }
0x62: {  	v19 =	vld.idx.msk [tilespmem:v19+s3+$0x0], $0xffff;
	v15 =	vand.u32 $0x79, v15;
	v11 =	vand.u32 $0x7F, v41;
	v16 =	vmov s12;
	[tilespmem:s23+$0xFFFFFE90] =	vst v20  }
0x63: {  	s15 =	simm.s32 $0x7;
	v20 =	vmul.f32 $8.000000000e+00, v23;
	v23 =	vshll.u32 v35, $0x3;
	s12 =	simm.s32 $0x1E;
	v28 =	vld.idx.msk [tilespmem:v28+s3+$0x0], $0xffff;
	[tilespmem:s23+$0xFFFFFF00] =	vst v12;
	v12 =	vmul.f32 $8.000000000e+00, v18  }
0x64: {  	v23 =	vand.u32 $0x7FFFFC00, v23;
	v61 =	vmov s12;
	v18 =	vmov s15;
	v22 =	vld.idx.msk [tilespmem:v22+s3+$0x0], $0xffff  }
0x65: {  	[tilespmem:s23+$0x0] =	vst v12;
	v12 =	vmul.f32 $8.000000000e+00, v21;
	v21 =	vshll.u32 v16, $0x3;
	v16 =	vand.u32 $0x71, v16  }
0x66: {  	[tilespmem:s23+$0xFFFFFF90] =	vst v20;
	v24 =	vld.idx.msk [tilespmem:v24+s3+$0x0], $0xffff;
	v42 =	vand.u32 $0x400, v21;
	v20 =	vmul.f32 $8.000000000e+00, v26;
	v40 =	vmul.f32 $8.000000000e+00, v14  }
0x67: {  	v26 =	vshll.u32 v36, $0x3;
	v14 =	vshll.u32 v17, $0x3;
	[tilespmem:s23+$0x100] =	vst v12;
	v12 =	vmul.f32 $8.000000000e+00, v19  }
0x68: {  	v19 =	vshll.u32 v18, $0x3;
	v28 =	vmul.f32 $8.000000000e+00, v28;
	v18 =	vand.u32 $0x77, v18;
	v27 =	vld.idx.msk [tilespmem:v27+s3+$0x0], $0xffff;
	[tilespmem:s23+$0x1A0] =	vst v40  }
0x69: {  	v14 =	vand.u32 $0x7FFFFC00, v14;
	[tilespmem:s23+$0xFFFFFE10] =	vst v12;
	v12 =	vmul.f32 $8.000000000e+00, v22;
	v22 =	vshll.u32 v41, $0x3;
	v4 =	vld.idx.msk [tilespmem:v4+s3+$0x0], $0xffff  }
0x6a: {  	v19 =	vand.u32 $0x7FFFFC00, v19;
	[tilespmem:s23+$0x90] =	vst v20;
	v20 =	vand.u32 $0x7FFFFC00, v38;
	v25 =	vld.idx.msk [tilespmem:v25+s3+$0x0], $0xffff;
	v22 =	vand.u32 $0x7FFFFC00, v22  }
0x6b: {  	s26 =	simm.s32 $0x1C;
	v43 =	vld.idx.msk [tilespmem:v31+s3+$0x0], $0xffff;
	v18 =	vor.u32 v18, v19;
	[tilespmem:s23+$0xFFFFFF10] =	vst v12;
	v12 =	vmul.f32 $8.000000000e+00, v24;
	v22 =	vor.u32 v11, v22  }
0x6c: {  	[tilespmem:s23+$0xFFFFFEA0] =	vst v28;
	v15 =	vor.u32 v15, v20;
	v40 =	vmov s26;
	v21 =	vld.idx.msk [tilespmem:v30+s3+$0x0], $0xffff;
	v24 =	vadd.s32 v0, v22  }
0x6d: {  	v5 =	vld.idx.msk [tilespmem:v5+s3+$0x0], $0xffff;
	v20 =	vadd.s32 v0, v15;
	v55 =	vadd.s32 v1, v18;
	[tilespmem:s23+$0x10] =	vst v12;
	v12 =	vmul.f32 $8.000000000e+00, v27  }
0x6e: {  	v56 =	vadd.s32 v1, v15;
	v11 =	vor.u32 v16, v42;
	v44 =	vld.idx.msk [tilespmem:v32+s3+$0x0], $0xffff;
	v4 =	vmul.f32 $8.000000000e+00, v4  }
0x6f: {  	v45 =	vld.idx.msk [tilespmem:v33+s3+$0x0], $0xffff;
	v16 =	vand.u32 $0x7B, v35;
	v47 =	vadd.s32 v1, v22;
	[tilespmem:s23+$0x110] =	vst v12;
	v12 =	vmul.f32 $8.000000000e+00, v25  }
0x70: {  	v16 =	vor.u32 v16, v23;
	v53 =	vadd.s32 v2, v22;
	v25 =	vand.u32 $0x7FFFFC00, v26;
	v26 =	vld.idx.msk [tilespmem:v34+s3+$0x0], $0xffff;
	[tilespmem:s23+$0x1B0] =	vst v4  }
0x71: {  	v27 =	vand.u32 $0x7FFFFC00, v37;
	v23 =	vadd.s32 v0, v16;
	[tilespmem:s23+$0xFFFFFE20] =	vst v12;
	v12 =	vmul.f32 $8.000000000e+00, v21;
	v21 =	vld.idx.msk [tilespmem:v24+s3+$0x0], $0xffff  }
0x72: {  	v30 =	vadd.s32 v1, v16;
	v32 =	vadd.s32 v2, v11;
	v6 =	vld.idx.msk [tilespmem:v6+s3+$0x0], $0xffff;
	v24 =	vmul.f32 $8.000000000e+00, v43  }
0x73: {  	s15 =	simm.s32 $0x18;
	v5 =	vmul.f32 $8.000000000e+00, v5;
	v4 =	vand.u32 $0x73, v17;
	[tilespmem:s23+$0xFFFFFF20] =	vst v12;
	v12 =	vmul.f32 $8.000000000e+00, v44  }
0x74: {  	v17 =	vand.u32 $0x75, v63;
	v63 =	vmov s15;
	v7 =	vld.idx.msk [tilespmem:v7+s3+$0x0], $0xffff;
	[tilespmem:s23+$0xFFFFFFA0] =	vst v24;
	v24 =	vmul.f32 $8.000000000e+00, v45  }
0x75: {  	v14 =	vor.u32 v4, v14;
	v4 =	vadd.s32 v0, v11;
	v8 =	vld.idx.msk [tilespmem:v8+s3+$0x0], $0xffff;
	[tilespmem:s23+$0x20] =	vst v12;
	v12 =	vmul.f32 $8.000000000e+00, v26  }
0x76: {  	v17 =	vor.u32 v17, v27;
	v26 =	vadd.s32 v0, v14;
	v9 =	vld.idx.msk [tilespmem:v9+s3+$0x0], $0xffff;
	[tilespmem:s23+$0xA0] =	vst v24;
	v21 =	vmul.f32 $8.000000000e+00, v21  }
0x77: {  	v19 =	vadd.s32 v0, v17;
	v27 =	vadd.s32 v1, v17;
	v10 =	vld.idx.msk [tilespmem:v10+s3+$0x0], $0xffff;
	[tilespmem:s23+$0x120] =	vst v12;
	v6 =	vmul.f32 $8.000000000e+00, v6  }
0x78: {  	v33 =	vadd.s32 v2, v17;
	v44 =	vshll.u32 v62, $0x3;
	v12 =	vadd.s32 v0, v18;
	v13 =	vld.idx.msk [tilespmem:v13+s3+$0x0], $0xffff;
	[tilespmem:s23+$0x1C0] =	vst v21  }
0x79: {  	[tilespmem:s23+$0xFFFFFE30] =	vst v6;
	v48 =	vmul.f32 $8.000000000e+00, v7;
	v21 =	vor.u32 v46, v25;
	v25 =	vadd.s32 v1, v14;
	v49 =	vld.idx.msk [tilespmem:v47+s3+$0x0], $0xffff  }
0x7a: {  	[tilespmem:s23+$0xFFFFFEB0] =	vst v5;
	v7 =	vadd.s32 v3, v18;
	v6 =	vadd.s32 v3, v15;
	v4 =	vld.idx.msk [tilespmem:v4+s3+$0x0], $0xffff;
	v5 =	vmul.f32 $8.000000000e+00, v8  }
0x7b: {  	s25 =	simm.s32 $0x10;
	v50 =	vadd.s32 v0, v21;
	v24 =	vld.idx.msk [tilespmem:v26+s3+$0x0], $0xffff;
	v31 =	vadd.s32 v1, v21;
	[tilespmem:s23+$0xFFFFFF30] =	vst v48;
	v51 =	vmul.f32 $8.000000000e+00, v9  }
0x7c: {  	v9 =	vadd.s32 v3, v17;
	v48 =	vmov s25;
	v52 =	vld.idx.msk [tilespmem:v19+s3+$0x0], $0xffff;
	[tilespmem:s23+$0xFFFFFFB0] =	vst v5;
	v5 =	vmul.f32 $8.000000000e+00, v10  }
0x7d: {  	v19 =	vadd.s32 v1, v11;
	v11 =	vadd.s32 v3, v11;
	[tilespmem:s23+$0x30] =	vst v51;
	v54 =	vmul.f32 $8.000000000e+00, v13  }
0x7e: {  	v10 =	vadd.s32 v3, v14;
	v39 =	vshll.u32 v48, $0x3;
	v26 =	vld.idx.msk [tilespmem:v12+s3+$0x0], $0xffff;
	[tilespmem:s23+$0xB0] =	vst v5;
	v5 =	vmul.f32 $8.000000000e+00, v49  }
0x7f: {  	s24 =	simm.s32 $0x1A;
	v13 =	vadd.s32 v2, v16;
	v12 =	vadd.s32 v2, v21;
	v20 =	vld.idx.msk [tilespmem:v20+s3+$0x0], $0xffff;
	[tilespmem:s23+$0x130] =	vst v54;
	v4 =	vmul.f32 $8.000000000e+00, v4  }
0x80: {  	v23 =	vld.idx.msk [tilespmem:v23+s3+$0x0], $0xffff;
	v57 =	vmul.f32 $8.000000000e+00, v24;
	v24 =	vadd.s32 v2, v14;
	v49 =	vmov s24;
	[tilespmem:s23+$0x1D0] =	vst v5  }
0x81: {  	v8 =	vld.idx.msk [tilespmem:v50+s3+$0x0], $0xffff;
	v45 =	vshll.u32 v49, $0x3;
	v50 =	vand.u32 $0x400, v39;
	[tilespmem:s23+$0xFFFFFE40] =	vst v4;
	v58 =	vmul.f32 $8.000000000e+00, v52  }
0x82: {  	v5 =	vadd.s32 v2, v18;
	v4 =	vadd.s32 v2, v15;
	v18 =	vadd.s32 v3, v22;
	v59 =	vld.idx.msk [tilespmem:v53+s3+$0x0], $0xffff  }
0x83: {  	[tilespmem:s23+$0xFFFFFEC0] =	vst v57;
	v15 =	vadd.s32 v3, v16;
	v22 =	vshll.u32 v61, $0x3;
	v57 =	vand.u32 $0x76, v62;
	v19 =	vld.idx.msk [tilespmem:v19+s3+$0x0], $0xffff  }
0x84: {  	v25 =	vld.idx.msk [tilespmem:v25+s3+$0x0], $0xffff;
	v17 =	vmul.f32 $8.000000000e+00, v26;
	v22 =	vand.u32 $0x400, v22;
	v53 =	vand.u32 $0x400, v44;
	[tilespmem:s23+$0xFFFFFF40] =	vst v58  }
0x85: {  	v20 =	vmul.f32 $8.000000000e+00, v20;
	v58 =	vand.u32 $0x7A, v49;
	v14 =	vld.idx.msk [tilespmem:v27+s3+$0x0], $0xffff;
	[tilespmem:$0x1FFD0] =	vst v15;
	v15 =	vadd.s32 v3, v21  }
0x86: {  	s10 =	simm.s32 $0x12;
	v23 =	vmul.f32 $8.000000000e+00, v23;
	v26 =	vmul.f32 $8.000000000e+00, v8;
	[tilespmem:$0x1FFE0] =	vst v15;
	v8 =	vand.u32 $0x7E, v61  }
0x87: {  	v29 =	vor.u32 v57, v53;
	v21 =	vmov s10;
	v38 =	vor.u32 v8, v22;
	[tilespmem:s23+$0xFFFFFFC0] =	vst v17  }
0x88: {  	v42 =	vshll.u32 v21, $0x3;
	[tilespmem:s23+$0xC0] =	vst v23;
	v60 =	vmul.f32 $8.000000000e+00, v59;
	v41 =	vadd.s32 v0, v38  }
0x89: {  	v17 =	vshll.u32 v63, $0x3;
	v51 =	vand.u32 $0x400, v42;
	v19 =	vmul.f32 $8.000000000e+00, v19;
	v22 =	vld.idx.msk [tilespmem:v55+s3+$0x0], $0xffff;
	[tilespmem:s23+$0x140] =	vst v26  }
0x8a: {  	s13 =	simm.s32 $0x14;
	v23 =	vand.u32 $0x70, v48;
	v25 =	vmul.f32 $8.000000000e+00, v25;
	v26 =	vand.u32 $0x72, v21;
	v21 =	vld.idx.msk [tilespmem:v31+s3+$0x0], $0xffff;
	[tilespmem:s23+$0x1E0] =	vst v60  }
0x8b: {  	v54 =	vand.u32 $0x400, v17;
	v27 =	vmul.f32 $8.000000000e+00, v14;
	[tilespmem:s23+$0xFFFFFE50] =	vst v19;
	v14 =	vld.idx.msk [tilespmem:v18+s3+$0x0], $0xffff;
	v18 =	vmov s13  }
0x8c: {  	v23 =	vor.u32 v23, v50;
	v26 =	vor.u32 v26, v51;
	v17 =	vld.idx.msk [tilespmem:v32+s3+$0x0], $0xffff;
	v43 =	vshll.u32 v18, $0x3  }
0x8d: {  	v61 =	vadd.s32 v0, v23;
	[tilespmem:s23+$0xFFFFFED0] =	vst v25;
	v18 =	vand.u32 $0x74, v18;
	v52 =	vand.u32 $0x400, v43;
	v41 =	vld.idx.msk [tilespmem:v41+s3+$0x0], $0xffff  }
0x8e: {  	v19 =	vand.u32 $0x78, v63;
	[tilespmem:s23+$0xFFFFFF50] =	vst v27;
	v27 =	vadd.s32 v0, v26;
	v25 =	vor.u32 v18, v52;
	v18 =	vld.idx.msk [tilespmem:v24+s3+$0x0], $0xffff  }
0x8f: {  	[tilespmem:s23+$0x40] =	vst v20;
	v20 =	vshll.u32 v40, $0x3;
	v24 =	vor.u32 v19, v54;
	v19 =	vld.idx.msk [tilespmem:v33+s3+$0x0], $0xffff;
	v63 =	vadd.s32 v0, v25  }
0x90: {  	v55 =	vand.u32 $0x400, v45;
	v60 =	vadd.s32 v1, v38;
	v15 =	vmul.f32 $8.000000000e+00, v14;
	v14 =	vld.idx.msk [tilespmem:v56+s3+$0x0], $0xffff  }
0x91: {  	v8 =	vadd.s32 v0, v29;
	v31 =	vor.u32 v58, v55;
	v56 =	vand.u32 $0x400, v20;
	v20 =	vld.idx.msk [tilespmem:v30+s3+$0x0], $0xffff  }
0x92: {  	v59 =	vand.u32 $0x7C, v40;
	v57 =	vadd.s32 v0, v31;
	v30 =	vld.idx.msk [tilespmem:v61+s3+$0x0], $0xffff;
	v62 =	vmul.f32 $8.000000000e+00, v41  }
0x93: {  	s26 =	simm.s32 $0x1D;
	s24 =	simm.s32 $0xC600;
	v42 =	vadd.s32 v1, v29;
	v33 =	vor.u32 v59, v56;
	v56 =	vadd.s32 v0, v24;
	v27 =	vld.idx.msk [tilespmem:v27+s3+$0x0], $0xffff  }
0x94: {  	v37 =	vmov s26;
	v49 =	vadd.s32 v2, v38;
	v59 =	vadd.s32 v0, v33;
	[tilespmem:s24+$0x180] =	vst v62;
	v34 =	vld.idx.msk [tilespmem:v63+s3+$0x0], $0xffff  }
0x95: {  	s12 =	simm.s32 $0x13;
	v50 =	vadd.s32 v2, v29;
	v29 =	vadd.s32 v3, v29;
	v58 =	vadd.s32 v1, v23;
	v28 =	vld.idx.msk [tilespmem:v60+s3+$0x0], $0xffff  }
0x96: {  	v40 =	vmov s12;
	v39 =	vadd.s32 v1, v26;
	v35 =	vld.idx.msk [tilespmem:v8+s3+$0x0], $0xffff;
	v48 =	vadd.s32 v2, v25  }
0x97: {  	v54 =	vadd.s32 v3, v25;
	v60 =	vadd.s32 v1, v25;
	v25 =	vld.idx.msk [tilespmem:v57+s3+$0x0], $0xffff;
	v30 =	vmul.f32 $8.000000000e+00, v30  }
0x98: {  	v44 =	vadd.s32 v2, v23;
	v23 =	vadd.s32 v3, v23;
	v36 =	vld.idx.msk [tilespmem:v56+s3+$0x0], $0xffff;
	v27 =	vmul.f32 $8.000000000e+00, v27  }
0x99: {  	v47 =	vadd.s32 v2, v26;
	v26 =	vadd.s32 v3, v26;
	v62 =	vld.idx.msk [tilespmem:v59+s3+$0x0], $0xffff;
	[tilespmem:s24+$0xFFFFFE00] =	vst v30;
	v63 =	vmul.f32 $8.000000000e+00, v34  }
0x9a: {  	v22 =	vmul.f32 $8.000000000e+00, v22;
	v61 =	vadd.s32 v1, v31;
	v32 =	vld.idx.msk [tilespmem:v58+s3+$0x0], $0xffff;
	[tilespmem:s24+$0xFFFFFE80] =	vst v27;
	v28 =	vmul.f32 $8.000000000e+00, v28  }
0x9b: {  	v52 =	vadd.s32 v2, v31;
	v43 =	vadd.s32 v1, v24;
	v27 =	vmul.f32 $8.000000000e+00, v35;
	v39 =	vld.idx.msk [tilespmem:v39+s3+$0x0], $0xffff;
	[tilespmem:s24+$0xFFFFFF00] =	vst v63  }
0x9c: {  	v51 =	vadd.s32 v2, v24;
	v24 =	vadd.s32 v3, v24;
	v25 =	vmul.f32 $8.000000000e+00, v25;
	[tilespmem:s24+$0x190] =	vst v28;
	v41 =	vld.idx.msk [tilespmem:v60+s3+$0x0], $0xffff  }
0x9d: {  	v46 =	vadd.s32 v1, v33;
	v53 =	vadd.s32 v2, v33;
	[tilespmem:s24+$0xFFFFFF80] =	vst v27;
	v59 =	vmul.f32 $8.000000000e+00, v36;
	v8 =	vld.idx.msk [tilespmem:v49+s3+$0x0], $0xffff  }
0x9e: {  	s13 =	simm.s32 $0x15;
	v14 =	vmul.f32 $8.000000000e+00, v14;
	v56 =	vshll.u32 v40, $0x3;
	v42 =	vld.idx.msk [tilespmem:v42+s3+$0x0], $0xffff;
	v60 =	vmul.f32 $8.000000000e+00, v62;
	[tilespmem:s24+$0x80] =	vst v25  }
0x9f: {  	s10 =	simm.s32 $0x11;
	v40 =	vand.u32 $0x73, v40;
	v35 =	vmov s13;
	[tilespmem:s24+$0x0] =	vst v59;
	v45 =	vld.idx.msk [tilespmem:v61+s3+$0x0], $0xffff;
	v61 =	vmul.f32 $8.000000000e+00, v32  }
0xa0: {  	s25 =	simm.s32 $0x1B;
	v34 =	vmov s10;
	v27 =	vadd.s32 v3, v38;
	v43 =	vld.idx.msk [tilespmem:v43+s3+$0x0], $0xffff;
	[tilespmem:s24+$0x100] =	vst v60;
	v39 =	vmul.f32 $8.000000000e+00, v39  }
0xa1: {  	s15 =	simm.s32 $0x19;
	v38 =	vmov s25;
	v55 =	vshll.u32 v34, $0x3;
	[tilespmem:s24+$0xFFFFFE10] =	vst v61;
	v62 =	vmul.f32 $8.000000000e+00, v41  }
0xa2: {  	v34 =	vand.u32 $0x71, v34;
	v36 =	vmov s15;
	v46 =	vld.idx.msk [tilespmem:v46+s3+$0x0], $0xffff;
	[tilespmem:s24+$0xFFFFFE90] =	vst v39;
	v25 =	vmul.f32 $8.000000000e+00, v8  }
0xa3: {  	v58 =	vshll.u32 v38, $0x3;
	v38 =	vand.u32 $0x7B, v38;
	v44 =	vld.idx.msk [tilespmem:v44+s3+$0x0], $0xffff;
	v8 =	vmul.f32 $8.000000000e+00, v42;
	[tilespmem:s24+$0xFFFFFF10] =	vst v62  }
0xa4: {  	s6 =	simm.s32 $0x1F;
	v28 =	vadd.s32 v3, v31;
	v31 =	vadd.s32 v3, v33;
	v47 =	vld.idx.msk [tilespmem:v47+s3+$0x0], $0xffff;
	v61 =	vmul.f32 $8.000000000e+00, v45;
	[tilespmem:s24+$0x1A0] =	vst v25  }
0xa5: {  	s14 =	simm.s32 $0x17;
	v33 =	vshll.u32 v35, $0x3;
	v59 =	vmul.f32 $8.000000000e+00, v43;
	v25 =	vmov s6;
	v60 =	vld.idx.msk [tilespmem:v48+s3+$0x0], $0xffff;
	[tilespmem:s24+$0xFFFFFF90] =	vst v8  }
0xa6: {  	v49 =	vmov s14;
	v32 =	vshll.u32 v36, $0x3;
	[tilespmem:s24+$0x90] =	vst v61;
	v27 =	vld.idx.msk [tilespmem:v27+s3+$0x0], $0xffff;
	v63 =	vshll.u32 v25, $0x3  }
0xa7: {  	v8 =	vmul.f32 $8.000000000e+00, v46;
	v25 =	vand.u32 $0x7F, v25;
	[tilespmem:s24+$0x10] =	vst v59;
	v52 =	vld.idx.msk [tilespmem:v52+s3+$0x0], $0xffff;
	v41 =	vand.u32 $0x7FFFFC00, v63  }
0xa8: {  	[tilespmem:s23+$0xFFFFFFD0] =	vst v22;
	v51 =	vld.idx.msk [tilespmem:v51+s3+$0x0], $0xffff;
	v25 =	vor.u32 v25, v41;
	v41 =	vand.u32 $0x7FFFFC00, v56;
	v56 =	vmul.f32 $8.000000000e+00, v44  }
0xa9: {  	v33 =	vand.u32 $0x7FFFFC00, v33;
	v50 =	vld.idx.msk [tilespmem:v50+s3+$0x0], $0xffff;
	[tilespmem:s24+$0x110] =	vst v8;
	v47 =	vmul.f32 $8.000000000e+00, v47;
	v62 =	vadd.s32 v0, v25  }
0xaa: {  	v36 =	vand.u32 $0x79, v36;
	v39 =	vand.u32 $0x7FFFFC00, v58;
	v58 =	vld.idx.msk [tilespmem:v53+s3+$0x0], $0xffff;
	[tilespmem:s24+$0xFFFFFE20] =	vst v56;
	v60 =	vmul.f32 $8.000000000e+00, v60  }
0xab: {  	v57 =	vshll.u32 v49, $0x3;
	v32 =	vand.u32 $0x7FFFFC00, v32;
	[tilespmem:s24+$0xFFFFFEA0] =	vst v47;
	v27 =	vmul.f32 $8.000000000e+00, v27;
	v23 =	vld.idx.msk [tilespmem:v23+s3+$0x0], $0xffff  }
0xac: {  	v42 =	vand.u32 $0x400, v55;
	v63 =	vshll.u32 v37, $0x3;
	v26 =	vld.idx.msk [tilespmem:v26+s3+$0x0], $0xffff;
	v47 =	vmul.f32 $8.000000000e+00, v52;
	[tilespmem:s24+$0xFFFFFF20] =	vst v60  }
0xad: {  	v46 =	vand.u32 $0x7FFFFC00, v57;
	v57 =	vand.u32 $0x7FFFFC00, v63;
	v63 =	vmul.f32 $8.000000000e+00, v51;
	[tilespmem:s24+$0x1B0] =	vst v27;
	v8 =	vld.idx.msk [tilespmem:v54+s3+$0x0], $0xffff  }
0xae: {  	v34 =	vor.u32 v34, v42;
	v40 =	vor.u32 v40, v41;
	[tilespmem:s24+$0xA0] =	vst v47;
	v61 =	vld.idx.msk [tilespmem:v62+s3+$0x0], $0xffff;
	v62 =	vmul.f32 $8.000000000e+00, v50  }
0xaf: {  	v59 =	vand.u32 $0x77, v49;
	v52 =	vadd.s32 v0, v40;
	v49 =	vmul.f32 $8.000000000e+00, v58;
	[tilespmem:s24+$0x20] =	vst v63  }
0xb0: {  	v51 =	vadd.s32 v0, v34;
	v27 =	vand.u32 $0x75, v35;
	v24 =	vld.idx.msk [tilespmem:v24+s3+$0x0], $0xffff;
	[tilespmem:s24+$0xFFFFFFA0] =	vst v62;
	v23 =	vmul.f32 $8.000000000e+00, v23  }
0xb1: {  	v27 =	vor.u32 v27, v33;
	v50 =	vadd.s32 v1, v25;
	[tilespmem:s24+$0x120] =	vst v49;
	v26 =	vmul.f32 $8.000000000e+00, v26;
	v29 =	vld.idx.msk [tilespmem:v29+s3+$0x0], $0xffff  }
0xb2: {  	v32 =	vor.u32 v36, v32;
	v28 =	vld.idx.msk [tilespmem:v28+s3+$0x0], $0xffff;
	v54 =	vadd.s32 v0, v27;
	[tilespmem:s24+$0xFFFFFE30] =	vst v23;
	v23 =	vmul.f32 $8.000000000e+00, v8  }
0xb3: {  	s25 =	simm.s32 $0x20;
	v55 =	vadd.s32 v0, v32;
	v35 =	vor.u32 v59, v46;
	v31 =	vld.idx.msk [tilespmem:v31+s3+$0x0], $0xffff;
	[tilespmem:s24+$0xFFFFFEB0] =	vst v26;
	v53 =	vmul.f32 $8.000000000e+00, v61  }
0xb4: {  	v38 =	vor.u32 v38, v39;
	v45 =	vmov s25;
	v22 =	vadd.s32 v0, v35;
	v39 =	vld.idx.msk [tilespmem:v52+s3+$0x0], $0xffff;
	[tilespmem:s24+$0xFFFFFF30] =	vst v23  }
0xb5: {  	v37 =	vand.u32 $0x7D, v37;
	v56 =	vadd.s32 v0, v38;
	v36 =	vld.idx.msk [tilespmem:v51+s3+$0x0], $0xffff;
	v23 =	vmul.f32 $8.000000000e+00, v24;
	[tilespmem:s24+$0x1C0] =	vst v53  }
0xb6: {  	[tilespmem:s23+$0x50] =	vst v14;
	v48 =	vadd.s32 v1, v38;
	v37 =	vor.u32 v37, v57;
	v57 =	vld.idx.msk [tilespmem:v50+s3+$0x0], $0xffff;
	v26 =	vmul.f32 $8.000000000e+00, v29  }
0xb7: {  	v44 =	vadd.s32 v1, v34;
	v58 =	vadd.s32 v0, v37;
	v24 =	vmul.f32 $8.000000000e+00, v28;
	v41 =	vld.idx.msk [tilespmem:v54+s3+$0x0], $0xffff;
	[tilespmem:s24+$0x30] =	vst v23  }
0xb8: {  	v42 =	vmul.f32 $8.000000000e+00, v19;
	v59 =	vadd.s32 v1, v40;
	v46 =	vadd.s32 v1, v35;
	v43 =	vld.idx.msk [tilespmem:v55+s3+$0x0], $0xffff;
	[tilespmem:s24+$0xFFFFFFB0] =	vst v26  }
0xb9: {  	v63 =	vmul.f32 $8.000000000e+00, v20;
	v60 =	vadd.s32 v1, v27;
	[tilespmem:s24+$0xB0] =	vst v24;
	v26 =	vld.idx.msk [tilespmem:v22+s3+$0x0], $0xffff;
	v22 =	vmul.f32 $8.000000000e+00, v31  }
0xba: {  	v49 =	vadd.s32 v2, v34;
	v19 =	vadd.s32 v3, v27;
	v62 =	vadd.s32 v2, v25;
	v30 =	vld.idx.msk [tilespmem:v56+s3+$0x0], $0xffff  }
0xbb: {  	v5 =	vld.idx.msk [tilespmem:v5+s3+$0x0], $0xffff;
	v52 =	vmul.f32 $8.000000000e+00, v21;
	v55 =	vadd.s32 v2, v38;
	[tilespmem:s24+$0x130] =	vst v22;
	v20 =	vmul.f32 $8.000000000e+00, v57  }
0xbc: {  	v61 =	vadd.s32 v1, v32;
	v51 =	vadd.s32 v2, v40;
	v21 =	vmul.f32 $8.000000000e+00, v36;
	v54 =	vld.idx.msk [tilespmem:v58+s3+$0x0], $0xffff;
	[tilespmem:$0x1FFB0] =	vst v55  }
0xbd: {  	v28 =	vadd.s32 v1, v37;
	v53 =	vadd.s32 v2, v27;
	v22 =	vmul.f32 $8.000000000e+00, v39;
	[tilespmem:s24+$0x1D0] =	vst v20  }
0xbe: {  	v24 =	vadd.s32 v2, v35;
	v39 =	vmul.f32 $8.000000000e+00, v17;
	v56 =	vld.idx.msk [tilespmem:v4+s3+$0x0], $0xffff;
	[tilespmem:s24+$0xFFFFFE40] =	vst v21;
	v4 =	vmul.f32 $8.000000000e+00, v41  }
0xbf: {  	s14 =	simm.s32 $0x28;
	v23 =	vadd.s32 v2, v32;
	v58 =	vmul.f32 $8.000000000e+00, v43;
	v30 =	vmul.f32 $8.000000000e+00, v30;
	[tilespmem:s24+$0xFFFFFEC0] =	vst v22;
	v31 =	vld.idx.msk [tilespmem:v62+s3+$0x0], $0xffff  }
0xc0: {  	v43 =	vmov s14;
	v20 =	vadd.s32 v2, v37;
	v57 =	vld.idx.msk [tilespmem:v44+s3+$0x0], $0xffff;
	[tilespmem:s24+$0xFFFFFF40] =	vst v4;
	v4 =	vadd.s32 v3, v35  }
0xc1: {  	v41 =	vmul.f32 $8.000000000e+00, v18;
	v21 =	vadd.s32 v3, v34;
	v27 =	vld.idx.msk [tilespmem:v59+s3+$0x0], $0xffff;
	[tilespmem:$0x1FFC0] =	vst v4;
	v4 =	vadd.s32 v3, v38  }
0xc2: {  	s13 =	simm.s32 $0x26;
	s10 =	simm.s32 $0x2E;
	v22 =	vadd.s32 v3, v40;
	v26 =	vmul.f32 $8.000000000e+00, v26;
	v29 =	vld.idx.msk [tilespmem:v60+s3+$0x0], $0xffff;
	[tilespmem:$0x1FF30] =	vst v4;
	v4 =	vadd.s32 v3, v37  }
0xc3: {  	s8 =	simm.s32 $0x22;
	v40 =	vmov s13;
	v44 =	vmul.f32 $8.000000000e+00, v5;
	v59 =	vmov s10;
	[tilespmem:$0x1FF40] =	vst v4  }
0xc4: {  	s12 =	simm.s32 $0x24;
	v5 =	vadd.s32 v3, v32;
	v35 =	vmov s8;
	v32 =	vand.u32 $0x7E, v59;
	[tilespmem:s24+$0xFFFFFFC0] =	vst v26  }
0xc5: {  	v38 =	vmov s12;
	v8 =	vshll.u32 v35, $0x3;
	v33 =	vmul.f32 $8.000000000e+00, v54;
	[tilespmem:s24+$0x40] =	vst v58  }
0xc6: {  	v35 =	vand.u32 $0x72, v35;
	v36 =	vmul.f32 $8.000000000e+00, v56;
	v31 =	vmul.f32 $8.000000000e+00, v31;
	[tilespmem:s24+$0xC0] =	vst v30  }
0xc7: {  	v34 =	vmul.f32 $8.000000000e+00, v57;
	v27 =	vmul.f32 $8.000000000e+00, v27;
	[tilespmem:s23+$0xD0] =	vst v63;
	v63 =	vshll.u32 v45, $0x3;
	v37 =	vld.idx.msk [tilespmem:v46+s3+$0x0], $0xffff  }
0xc8: {  	[tilespmem:s24+$0x140] =	vst v33;
	v57 =	vshll.u32 v38, $0x3;
	v58 =	vshll.u32 v43, $0x3;
	v45 =	vand.u32 $0x70, v45;
	v26 =	vld.idx.msk [tilespmem:v61+s3+$0x0], $0xffff  }
0xc9: {  	s15 =	simm.s32 $0x2A;
	[tilespmem:s23+$0xFFFFFE60] =	vst v39;
	v38 =	vand.u32 $0x74, v38;
	v43 =	vand.u32 $0x78, v43;
	v61 =	vshll.u32 v59, $0x3;
	v30 =	vld.idx.msk [tilespmem:v28+s3+$0x0], $0xffff  }
0xca: {  	[tilespmem:s23+$0xFFFFFEE0] =	vst v41;
	v46 =	vmov s15;
	v18 =	vld.idx.msk [tilespmem:v13+s3+$0x0], $0xffff;
	v54 =	vand.u32 $0x400, v58;
	v62 =	vand.u32 $0x400, v61  }
0xcb: {  	v17 =	vld.idx.msk [tilespmem:v11+s3+$0x0], $0xffff;
	[tilespmem:s24+$0xFFFFFED0] =	vst v27;
	v27 =	vshll.u32 v40, $0x3;
	v59 =	vshll.u32 v46, $0x3;
	v47 =	vor.u32 v32, v62  }
0xcc: {  	s26 =	simm.s32 $0x2C;
	v28 =	vld.idx.msk [tilespmem:v10+s3+$0x0], $0xffff;
	[tilespmem:s24+$0x1E0] =	vst v31;
	v31 =	vand.u32 $0x400, v63;
	v46 =	vand.u32 $0x7A, v46;
	v50 =	vadd.s32 v0, v47  }
0xcd: {  	[tilespmem:s23+$0x60] =	vst v36;
	v39 =	vor.u32 v43, v54;
	v60 =	vmul.f32 $8.000000000e+00, v29;
	v29 =	vld.idx.msk [tilespmem:v48+s3+$0x0], $0xffff;
	v48 =	vmov s26  }
0xce: {  	[tilespmem:s24+$0xFFFFFE50] =	vst v34;
	v36 =	vld.idx.msk [tilespmem:v6+s3+$0x0], $0xffff;
	v62 =	vand.u32 $0x400, v57;
	v63 =	vand.u32 $0x400, v27;
	v56 =	vand.u32 $0x400, v59  }
0xcf: {  	[tilespmem:s23+$0x150] =	vst v52;
	v32 =	vld.idx.msk [tilespmem:v49+s3+$0x0], $0xffff;
	v45 =	vor.u32 v45, v31;
	v61 =	vshll.u32 v48, $0x3;
	v43 =	vor.u32 v46, v56  }
0xd0: {  	v33 =	vld.idx.msk [tilespmem:v51+s3+$0x0], $0xffff;
	[tilespmem:s24+$0xFFFFFF50] =	vst v60;
	v60 =	vand.u32 $0x400, v8;
	v57 =	vand.u32 $0x400, v61;
	v61 =	vadd.s32 v0, v45  }
0xd1: {  	[tilespmem:s23+$0xFFFFFF60] =	vst v42;
	v59 =	vand.u32 $0x7C, v48;
	v6 =	vadd.s32 v0, v43;
	v48 =	vor.u32 v35, v60;
	v58 =	vld.idx.msk [tilespmem:v50+s3+$0x0], $0xffff  }
0xd2: {  	v27 =	vld.idx.msk [tilespmem:v12+s3+$0x0], $0xffff;
	v38 =	vor.u32 v38, v62;
	v10 =	vor.u32 v59, v57;
	v62 =	vadd.s32 v0, v48  }
0xd3: {  	v31 =	vld.idx.msk [tilespmem:v9+s3+$0x0], $0xffff;
	v51 =	vadd.s32 v0, v10  }
0xd4: {  	v34 =	vld.idx.msk [tilespmem:v53+s3+$0x0], $0xffff;
	v60 =	vadd.s32 v1, v47  }
0xd5: {  	[tilespmem:s23+$0xFFFFFFE0] =	vst v44;
	v40 =	vand.u32 $0x76, v40;
	v44 =	vadd.s32 v0, v38;
	v42 =	vld.idx.msk [tilespmem:v61+s3+$0x0], $0xffff  }
0xd6: {  	v40 =	vor.u32 v40, v63;
	v8 =	vld.idx.msk [tilespmem:v6+s3+$0x0], $0xffff;
	v63 =	vmul.f32 $8.000000000e+00, v58  }
0xd7: {  	s25 =	simm.s32 $0xCA00;
	v46 =	vadd.s32 v0, v39;
	v11 =	vld.idx.msk [tilespmem:v62+s3+$0x0], $0xffff  }
0xd8: {  	v41 =	vadd.s32 v0, v40;
	v51 =	vld.idx.msk [tilespmem:v51+s3+$0x0], $0xffff;
	[tilespmem:s25+$0x180] =	vst v63  }
0xd9: {  	v49 =	vadd.s32 v1, v45;
	v9 =	vld.idx.msk [tilespmem:v60+s3+$0x0], $0xffff  }
0xda: {  	v54 =	vadd.s32 v1, v39;
	v56 =	vadd.s32 v1, v43;
	v44 =	vld.idx.msk [tilespmem:v44+s3+$0x0], $0xffff;
	v6 =	vmul.f32 $8.000000000e+00, v42  }
0xdb: {  	[tilespmem:s23+$0x1F0] =	vst v15;
	v52 =	vadd.s32 v1, v38;
	v35 =	vld.idx.msk [tilespmem:v7+s3+$0x0], $0xffff;
	v50 =	vadd.s32 v1, v48;
	v8 =	vmul.f32 $8.000000000e+00, v8  }
0xdc: {  	v14 =	vadd.s32 v3, v38;
	v7 =	vadd.s32 v2, v47;
	v46 =	vld.idx.msk [tilespmem:v46+s3+$0x0], $0xffff;
	v11 =	vmul.f32 $8.000000000e+00, v11;
	[tilespmem:s25+$0xFFFFFE00] =	vst v6  }
0xdd: {  	v59 =	vadd.s32 v2, v38;
	v38 =	vadd.s32 v3, v43;
	v41 =	vld.idx.msk [tilespmem:v41+s3+$0x0], $0xffff;
	v51 =	vmul.f32 $8.000000000e+00, v51;
	[tilespmem:s25+$0x80] =	vst v8  }
0xde: {  	v57 =	vadd.s32 v1, v10;
	v62 =	vadd.s32 v2, v43;
	v49 =	vld.idx.msk [tilespmem:v49+s3+$0x0], $0xffff;
	[tilespmem:s25+$0xFFFFFE80] =	vst v11;
	v43 =	vmul.f32 $8.000000000e+00, v9  }
0xdf: {  	s8 =	simm.s32 $0x21;
	s15 =	simm.s32 $0x2B;
	v16 =	vadd.s32 v3, v10;
	v63 =	vadd.s32 v2, v10;
	v10 =	vmul.f32 $8.000000000e+00, v44;
	[tilespmem:s25+$0x100] =	vst v51;
	v51 =	vld.idx.msk [tilespmem:v56+s3+$0x0], $0xffff  }
0xe0: {  	v25 =	vadd.s32 v3, v25;
	s12 =	simm.s32 $0x25;
	v15 =	vmov s8;
	v13 =	vmov s15;
	v50 =	vld.idx.msk [tilespmem:v50+s3+$0x0], $0xffff;
	[tilespmem:s25+$0x190] =	vst v43  }
0xe1: {  	v12 =	vmov s12;
	v53 =	vadd.s32 v1, v40;
	v46 =	vmul.f32 $8.000000000e+00, v46;
	[tilespmem:s25+$0xFFFFFF00] =	vst v10;
	v7 =	vld.idx.msk [tilespmem:v7+s3+$0x0], $0xffff  }
0xe2: {  	v55 =	vadd.s32 v2, v45;
	v45 =	vadd.s32 v3, v45;
	v11 =	vmul.f32 $8.000000000e+00, v41;
	v52 =	vld.idx.msk [tilespmem:v52+s3+$0x0], $0xffff  }
0xe3: {  	v47 =	vadd.s32 v3, v47;
	[tilespmem:s25+$0x0] =	vst v46;
	v6 =	vshll.u32 v15, $0x3;
	v49 =	vmul.f32 $8.000000000e+00, v49  }
0xe4: {  	v37 =	vmul.f32 $8.000000000e+00, v37;
	v8 =	vand.u32 $0x400, v6;
	v6 =	vld.idx.msk [tilespmem:v54+s3+$0x0], $0xffff;
	[tilespmem:s25+$0xFFFFFF80] =	vst v11;
	v51 =	vmul.f32 $8.000000000e+00, v51  }
0xe5: {  	v61 =	vadd.s32 v2, v39;
	v39 =	vadd.s32 v3, v39;
	v50 =	vmul.f32 $8.000000000e+00, v50;
	[tilespmem:s25+$0xFFFFFE10] =	vst v49  }
0xe6: {  	s10 =	simm.s32 $0x23;
	v58 =	vadd.s32 v2, v48;
	v48 =	vadd.s32 v3, v48;
	v53 =	vld.idx.msk [tilespmem:v53+s3+$0x0], $0xffff;
	[tilespmem:s25+$0x90] =	vst v51;
	v7 =	vmul.f32 $8.000000000e+00, v7  }
0xe7: {  	s14 =	simm.s32 $0x29;
	v42 =	vmov s10;
	v11 =	vshll.u32 v12, $0x3;
	v49 =	vmul.f32 $8.000000000e+00, v52;
	[tilespmem:s25+$0xFFFFFE90] =	vst v50;
	v50 =	vld.idx.msk [tilespmem:v55+s3+$0x0], $0xffff  }
0xe8: {  	s6 =	simm.s32 $0x2F;
	v44 =	vmov s14;
	v60 =	vadd.s32 v2, v40;
	[tilespmem:s25+$0x1A0] =	vst v7;
	v7 =	vand.u32 $0x7FFFFC00, v11;
	v11 =	vld.idx.msk [tilespmem:v57+s3+$0x0], $0xffff  }
0xe9: {  	s26 =	simm.s32 $0x2D;
	v40 =	vadd.s32 v3, v40;
	[tilespmem:s25+$0xFFFFFF10] =	vst v49;
	v49 =	vmul.f32 $8.000000000e+00, v6;
	v51 =	vld.idx.msk [tilespmem:v62+s3+$0x0], $0xffff;
	v57 =	vmov s6  }
0xea: {  	v15 =	vand.u32 $0x71, v15;
	v41 =	vmov s26;
	v47 =	vld.idx.msk [tilespmem:v47+s3+$0x0], $0xffff;
	v52 =	vshll.u32 v57, $0x3  }
0xeb: {  	v53 =	vmul.f32 $8.000000000e+00, v53;
	[tilespmem:s25+$0x10] =	vst v49;
	v55 =	vand.u32 $0x7F, v57;
	v57 =	vld.idx.msk [tilespmem:v58+s3+$0x0], $0xffff;
	v52 =	vand.u32 $0x7FFFFC00, v52  }
0xec: {  	v54 =	vshll.u32 v13, $0x3;
	v56 =	vshll.u32 v41, $0x3;
	v49 =	vld.idx.msk [tilespmem:v61+s3+$0x0], $0xffff;
	v6 =	vor.u32 v55, v52  }
0xed: {  	s13 =	simm.s32 $0x27;
	[tilespmem:s25+$0xFFFFFF90] =	vst v53;
	v52 =	vand.u32 $0x7FFFFC00, v54;
	v54 =	vld.idx.msk [tilespmem:v59+s3+$0x0], $0xffff;
	v53 =	vadd.s32 v0, v6;
	v11 =	vmul.f32 $8.000000000e+00, v11  }
0xee: {  	[tilespmem:s24+$0xFFFFFFD0] =	vst v37;
	v43 =	vmov s13;
	v61 =	vmul.f32 $8.000000000e+00, v50;
	v55 =	vand.u32 $0x7FFFFC00, v56;
	v56 =	vld.idx.msk [tilespmem:v60+s3+$0x0], $0xffff  }
0xef: {  	v25 =	vld.idx.msk [tilespmem:v25+s3+$0x0], $0xffff;
	v46 =	vshll.u32 v43, $0x3;
	v43 =	vand.u32 $0x77, v43;
	v47 =	vmul.f32 $8.000000000e+00, v47;
	[tilespmem:s25+$0x110] =	vst v11  }
0xf0: {  	v46 =	vand.u32 $0x7FFFFC00, v46;
	v62 =	vand.u32 $0x7B, v13;
	[tilespmem:s25+$0xFFFFFE20] =	vst v61;
	v58 =	vmul.f32 $8.000000000e+00, v57;
	v13 =	vld.idx.msk [tilespmem:v63+s3+$0x0], $0xffff  }
0xf1: {  	v43 =	vor.u32 v43, v46;
	v61 =	vld.idx.msk [tilespmem:v45+s3+$0x0], $0xffff;
	v46 =	vor.u32 v62, v52;
	v62 =	vmul.f32 $8.000000000e+00, v51;
	[tilespmem:s25+$0x1B0] =	vst v47  }
0xf2: {  	v10 =	vshll.u32 v42, $0x3;
	v42 =	vand.u32 $0x73, v42;
	v59 =	vmul.f32 $8.000000000e+00, v54;
	[tilespmem:s25+$0xFFFFFEA0] =	vst v58;
	v60 =	vld.idx.msk [tilespmem:v53+s3+$0x0], $0xffff  }
0xf3: {  	v10 =	vand.u32 $0x7FFFFC00, v10;
	v15 =	vor.u32 v15, v8;
	[tilespmem:s25+$0xA0] =	vst v62;
	v54 =	vmul.f32 $8.000000000e+00, v56;
	v56 =	vld.idx.msk [tilespmem:v48+s3+$0x0], $0xffff  }
0xf4: {  	v10 =	vor.u32 v42, v10;
	v12 =	vand.u32 $0x75, v12;
	v57 =	vmul.f32 $8.000000000e+00, v49;
	v38 =	vld.idx.msk [tilespmem:v38+s3+$0x0], $0xffff;
	[tilespmem:s25+$0xFFFFFF20] =	vst v59  }
0xf5: {  	v9 =	vshll.u32 v44, $0x3;
	v58 =	vadd.s32 v0, v15;
	[tilespmem:s25+$0xFFFFFFA0] =	vst v54;
	v14 =	vld.idx.msk [tilespmem:v14+s3+$0x0], $0xffff;
	v59 =	vmul.f32 $8.000000000e+00, v13  }
0xf6: {  	v12 =	vor.u32 v12, v7;
	v63 =	vadd.s32 v0, v10;
	[tilespmem:s25+$0x20] =	vst v57;
	v7 =	vmul.f32 $8.000000000e+00, v61;
	v40 =	vld.idx.msk [tilespmem:v40+s3+$0x0], $0xffff  }
0xf7: {  	v44 =	vand.u32 $0x79, v44;
	v39 =	vld.idx.msk [tilespmem:v39+s3+$0x0], $0xffff;
	v13 =	vadd.s32 v1, v6;
	v60 =	vmul.f32 $8.000000000e+00, v60;
	[tilespmem:s25+$0x120] =	vst v59  }
0xf8: {  	v9 =	vand.u32 $0x7FFFFC00, v9;
	v48 =	vadd.s32 v0, v12;
	[tilespmem:s25+$0xFFFFFE30] =	vst v7;
	v8 =	vmul.f32 $8.000000000e+00, v56;
	v16 =	vld.idx.msk [tilespmem:v16+s3+$0x0], $0xffff  }
0xf9: {  	v44 =	vor.u32 v44, v9;
	v9 =	vld.idx.msk [tilespmem:v24+s3+$0x0], $0xffff;
	v49 =	vadd.s32 v0, v43;
	v59 =	vmul.f32 $8.000000000e+00, v38;
	[tilespmem:s25+$0x1C0] =	vst v60  }
0xfa: {  	v50 =	vadd.s32 v0, v46;
	v11 =	vld.idx.msk [tilespmem:v58+s3+$0x0], $0xffff;
	v61 =	vmul.f32 $8.000000000e+00, v14;
	[tilespmem:s25+$0xFFFFFEB0] =	vst v8  }
0xfb: {  	v41 =	vand.u32 $0x7D, v41;
	v45 =	vadd.s32 v0, v44;
	v62 =	vmul.f32 $8.000000000e+00, v40;
	v47 =	vld.idx.msk [tilespmem:v63+s3+$0x0], $0xffff;
	[tilespmem:s25+$0xB0] =	vst v59  }
0xfc: {  	v41 =	vor.u32 v41, v55;
	v63 =	vmul.f32 $8.000000000e+00, v39;
	v13 =	vld.idx.msk [tilespmem:v13+s3+$0x0], $0xffff;
	[tilespmem:s25+$0xFFFFFF30] =	vst v61  }
0xfd: {  	v51 =	vadd.s32 v0, v41;
	[tilespmem:s25+$0xFFFFFFB0] =	vst v62;
	v58 =	vld.idx.msk [tilespmem:v48+s3+$0x0], $0xffff;
	v61 =	vmul.f32 $8.000000000e+00, v16  }
0xfe: {  	v60 =	vld.idx.msk [tilespmem:v49+s3+$0x0], $0xffff;
	[tilespmem:s25+$0x30] =	vst v63  }
0xff: {  	v4 =	vadd.s32 v2, v46;
	v40 =	vmul.f32 $8.000000000e+00, v26;
	v63 =	vld.idx.msk [tilespmem:v50+s3+$0x0], $0xffff;
	[tilespmem:s25+$0x130] =	vst v61  }
0x100: {  	v62 =	vld.idx.msk [tilespmem:v45+s3+$0x0], $0xffff;
	[tilespmem:$0x1FF50] =	vst v4  }
0x101: {  	v16 =	vadd.s32 v2, v6;
	v13 =	vmul.f32 $8.000000000e+00, v13;
	v4 =	vadd.s32 v2, v41;
	[tilespmem:s24+$0x50] =	vst v40  }
0x102: {  	v51 =	vld.idx.msk [tilespmem:v51+s3+$0x0], $0xffff;
	[tilespmem:$0x1FF60] =	vst v4  }
0x103: {  	v42 =	vadd.s32 v1, v15;
	v11 =	vmul.f32 $8.000000000e+00, v11;
	v4 =	vadd.s32 v3, v15;
	[tilespmem:s25+$0x1D0] =	vst v13  }
0x104: {  	v37 =	vadd.s32 v1, v10;
	v23 =	vld.idx.msk [tilespmem:v23+s3+$0x0], $0xffff;
	[tilespmem:$0x1FF70] =	vst v4  }
0x105: {  	v40 =	vmul.f32 $8.000000000e+00, v9;
	v9 =	vmul.f32 $8.000000000e+00, v47;
	v4 =	vadd.s32 v3, v10;
	[tilespmem:s25+$0xFFFFFE40] =	vst v11  }
0x106: {  	v16 =	vld.idx.msk [tilespmem:v16+s3+$0x0], $0xffff;
	[tilespmem:$0x1FF80] =	vst v4  }
0x107: {  	v13 =	vmul.f32 $8.000000000e+00, v58;
	v4 =	vadd.s32 v3, v12;
	[tilespmem:s25+$0xFFFFFEC0] =	vst v9  }
0x108: {  	v56 =	vadd.s32 v2, v15;
	v15 =	vmul.f32 $8.000000000e+00, v18;
	v18 =	vld.idx.msk [tilespmem:v42+s3+$0x0], $0xffff;
	[tilespmem:$0x1FF90] =	vst v4  }
0x109: {  	v47 =	vmul.f32 $8.000000000e+00, v27;
	v27 =	vmul.f32 $8.000000000e+00, v60;
	v4 =	vadd.s32 v3, v43;
	[tilespmem:s25+$0xFFFFFF40] =	vst v13  }
0x10a: {  	v58 =	vld.idx.msk [tilespmem:v37+s3+$0x0], $0xffff;
	v13 =	vmul.f32 $8.000000000e+00, v62;
	[tilespmem:$0x1FFA0] =	vst v4  }
0x10b: {  	v11 =	vmul.f32 $8.000000000e+00, v63;
	[tilespmem:s25+$0xFFFFFFC0] =	vst v27  }
0x10c: {  	v51 =	vmul.f32 $8.000000000e+00, v51;
	[tilespmem:s25+$0x40] =	vst v13  }
0x10d: {  	v52 =	vadd.s32 v1, v12;
	v39 =	vmul.f32 $8.000000000e+00, v29;
	[tilespmem:s25+$0xC0] =	vst v11  }
0x10e: {  	v53 =	vadd.s32 v1, v43;
	v16 =	vmul.f32 $8.000000000e+00, v16;
	[tilespmem:s25+$0x140] =	vst v51  }
0x10f: {  	v54 =	vadd.s32 v1, v44;
	[tilespmem:s24+$0xD0] =	vst v39  }
0x110: {  	v14 =	vadd.s32 v1, v46;
	[tilespmem:s25+$0x1E0] =	vst v16  }
0x111: {  	v55 =	vadd.s32 v1, v41;
	v4 =	vld [tilespmem:$0x1FFB0]  }
0x112: {  	v59 =	vld.idx.msk [tilespmem:v52+s3+$0x0], $0xffff  }
0x113: {  	v30 =	vmul.f32 $8.000000000e+00, v30;
	v50 =	vmul.f32 $8.000000000e+00, v34;
	v34 =	vld.idx.msk [tilespmem:v53+s3+$0x0], $0xffff  }
0x114: {  	v17 =	vmul.f32 $8.000000000e+00, v17;
	v25 =	vmul.f32 $8.000000000e+00, v25;
	s26 =	simm.s32 $0x30;
	v24 =	vadd.s32 v2, v43;
	v7 =	vld.idx.msk [tilespmem:v54+s3+$0x0], $0xffff  }
0x115: {  	v57 =	vadd.s32 v2, v10;
	v38 =	vmov s26;
	v49 =	vmul.f32 $8.000000000e+00, v32;
	v9 =	vld.idx.msk [tilespmem:v14+s3+$0x0], $0xffff  }
0x116: {  	s14 =	simm.s32 $0x38;
	v8 =	vadd.s32 v2, v44;
	v48 =	vadd.s32 v2, v12;
	v45 =	vmul.f32 $8.000000000e+00, v33;
	v10 =	vld.idx.msk [tilespmem:v55+s3+$0x0], $0xffff;
	[tilespmem:s24+$0x150] =	vst v30  }
0x117: {  	v60 =	vmul.f32 $8.000000000e+00, v36;
	v12 =	vadd.s32 v3, v46;
	v46 =	vmov s14;
	[tilespmem:s24+$0xFFFFFE60] =	vst v49;
	v30 =	vld.idx.msk [tilespmem:v20+s3+$0x0], $0xffff  }
0x118: {  	v42 =	vmul.f32 $8.000000000e+00, v28;
	v43 =	vmul.f32 $8.000000000e+00, v31;
	v52 =	vadd.s32 v3, v6;
	v26 =	vld.idx.msk [tilespmem:v21+s3+$0x0], $0xffff  }
0x119: {  	s12 =	simm.s32 $0x34;
	v29 =	vshll.u32 v46, $0x3;
	v37 =	vmul.f32 $8.000000000e+00, v35;
	v18 =	vmul.f32 $8.000000000e+00, v18;
	[tilespmem:s24+$0xFFFFFF60] =	vst v50;
	v6 =	vld.idx.msk [tilespmem:v4+s3+$0x0], $0xffff  }
0x11a: {  	s15 =	simm.s32 $0x3A;
	v13 =	vadd.s32 v3, v44;
	v44 =	vmul.f32 $8.000000000e+00, v23;
	v39 =	vmov s12;
	[tilespmem:s24+$0xFFFFFEE0] =	vst v45;
	v4 =	vld.idx.msk [tilespmem:v19+s3+$0x0], $0xffff  }
0x11b: {  	s8 =	simm.s32 $0x32;
	s10 =	simm.s32 $0x3E;
	v51 =	vmov s15;
	v14 =	vadd.s32 v3, v41;
	v53 =	vmul.f32 $8.000000000e+00, v58;
	[tilespmem:s25+$0xFFFFFE50] =	vst v18;
	v11 =	vld.idx.msk [tilespmem:v22+s3+$0x0], $0xffff  }
0x11c: {  	s13 =	simm.s32 $0x36;
	v16 =	vmov s8;
	v54 =	vmov s10;
	v31 =	vld.idx.msk [tilespmem:v56+s3+$0x0], $0xffff;
	v55 =	vmul.f32 $8.000000000e+00, v59  }
0x11d: {  	v41 =	vmov s13;
	v63 =	vshll.u32 v39, $0x3;
	v58 =	vshll.u32 v54, $0x3;
	v18 =	vld.idx.msk [tilespmem:v52+s3+$0x0], $0xffff;
	[tilespmem:s25+$0xFFFFFED0] =	vst v53  }
0x11e: {  	v35 =	vshll.u32 v51, $0x3;
	v61 =	vand.u32 $0x400, v58;
	v59 =	vand.u32 $0x7E, v54;
	v32 =	vld.idx.msk [tilespmem:v57+s3+$0x0], $0xffff;
	[tilespmem:s25+$0xFFFFFF50] =	vst v55  }
0x11f: {  	v39 =	vand.u32 $0x74, v39;
	v62 =	vshll.u32 v16, $0x3;
	v36 =	vor.u32 v59, v61;
	v33 =	vld.idx.msk [tilespmem:v48+s3+$0x0], $0xffff;
	[tilespmem:$0x1FFF0] =	vst v4  }
0x120: {  	v28 =	vshll.u32 v41, $0x3;
	v45 =	vand.u32 $0x400, v29;
	v53 =	vadd.s32 v0, v36;
	[tilespmem:s24+$0xFFFFFFE0] =	vst v40  }
0x121: {  	v41 =	vand.u32 $0x76, v41;
	v49 =	vand.u32 $0x400, v62;
	v48 =	vshll.u32 v38, $0x3;
	[tilespmem:s24+$0x1F0] =	vst v25  }
0x122: {  	s10 =	simm.s32 $0x3C;
	v62 =	vand.u32 $0x400, v28;
	v48 =	vand.u32 $0x400, v48;
	v25 =	vand.u32 $0x70, v38;
	v4 =	vld [tilespmem:$0x1FFC0]  }
0x123: {  	v58 =	vand.u32 $0x78, v46;
	v52 =	vmov s10;
	[tilespmem:s23+$0xE0] =	vst v15;
	v15 =	vor.u32 v25, v48  }
0x124: {  	v22 =	vshll.u32 v52, $0x3;
	v61 =	vmul.f32 $8.000000000e+00, v18;
	[tilespmem:s23+$0xFFFFFE70] =	vst v17;
	v17 =	vadd.s32 v0, v15  }
0x125: {  	v40 =	vand.u32 $0x400, v63;
	v63 =	vand.u32 $0x400, v35;
	v35 =	vand.u32 $0x400, v22;
	v53 =	vld.idx.msk [tilespmem:v53+s3+$0x0], $0xffff  }
0x126: {  	[tilespmem:s25+$0x1F0] =	vst v61;
	v61 =	vand.u32 $0x7C, v52;
	v39 =	vor.u32 v39, v40;
	v40 =	vor.u32 v41, v62  }
0x127: {  	[tilespmem:s24+$0x60] =	vst v44;
	v41 =	vor.u32 v58, v45;
	v45 =	vor.u32 v61, v35;
	v35 =	vadd.s32 v0, v39  }
0x128: {  	v16 =	vand.u32 $0x72, v16;
	v62 =	vadd.s32 v1, v36;
	v28 =	vld.idx.msk [tilespmem:v5+s3+$0x0], $0xffff  }
0x129: {  	v16 =	vor.u32 v16, v49;
	v59 =	vand.u32 $0x7A, v51;
	v48 =	vadd.s32 v0, v41;
	v55 =	vld.idx.msk [tilespmem:v17+s3+$0x0], $0xffff  }
0x12a: {  	[tilespmem:s23+$0x160] =	vst v47;
	v38 =	vor.u32 v59, v63;
	v63 =	vadd.s32 v0, v16;
	v59 =	vmul.f32 $8.000000000e+00, v53;
	v29 =	vld.idx.msk [tilespmem:v4+s3+$0x0], $0xffff  }
0x12b: {  	s26 =	simm.s32 $0xCE00;
	v49 =	vadd.s32 v0, v38;
	v4 =	vld [tilespmem:$0x1FFD0];
	[tilespmem:s23+$0xFFFFFF70] =	vst v43  }
0x12c: {  	v46 =	vld.idx.msk [tilespmem:v35+s3+$0x0], $0xffff;
	v43 =	vadd.s32 v0, v40;
	[tilespmem:s26+$0x180] =	vst v59  }
0x12d: {  	v51 =	vadd.s32 v1, v16;
	v34 =	vmul.f32 $8.000000000e+00, v34;
	v52 =	vadd.s32 v0, v45;
	v44 =	vld.idx.msk [tilespmem:v62+s3+$0x0], $0xffff  }
0x12e: {  	s14 =	simm.s32 $0x35;
	s15 =	simm.s32 $0x37;
	v47 =	vadd.s32 v1, v39;
	v61 =	vadd.s32 v2, v39;
	v23 =	vadd.s32 v3, v39;
	v39 =	vld.idx.msk [tilespmem:v48+s3+$0x0], $0xffff  }
0x12f: {  	v19 =	vmov s14;
	v18 =	vmov s15;
	v50 =	vadd.s32 v1, v15;
	[tilespmem:s23+$0xFFFFFEF0] =	vst v42;
	v42 =	vld.idx.msk [tilespmem:v63+s3+$0x0], $0xffff  }
0x130: {  	v56 =	vadd.s32 v2, v15;
	v21 =	vadd.s32 v3, v15;
	v15 =	vadd.s32 v2, v36;
	v49 =	vld.idx.msk [tilespmem:v49+s3+$0x0], $0xffff  }
0x131: {  	v22 =	vadd.s32 v3, v16;
	v54 =	vadd.s32 v1, v41;
	v57 =	vadd.s32 v1, v38;
	v43 =	vld.idx.msk [tilespmem:v43+s3+$0x0], $0xffff  }
0x132: {  	v36 =	vadd.s32 v3, v36;
	v58 =	vadd.s32 v1, v45;
	v52 =	vld.idx.msk [tilespmem:v52+s3+$0x0], $0xffff;
	[tilespmem:s23+$0xFFFFFFF0] =	vst v37;
	v44 =	vmul.f32 $8.000000000e+00, v44  }
0x133: {  	s14 =	simm.s32 $0x3D;
	v20 =	vadd.s32 v2, v45;
	v53 =	vadd.s32 v1, v40;
	[tilespmem:s23+$0x70] =	vst v60;
	v60 =	vmul.f32 $8.000000000e+00, v55;
	v27 =	vld.idx.msk [tilespmem:v4+s3+$0x0], $0xffff  }
0x134: {  	v35 =	vadd.s32 v2, v38;
	v17 =	vmov s14;
	v42 =	vmul.f32 $8.000000000e+00, v42;
	v4 =	vld [tilespmem:$0x1FFE0];
	[tilespmem:s26+$0x190] =	vst v44  }
0x135: {  	v59 =	vadd.s32 v2, v16;
	v63 =	vadd.s32 v2, v41;
	[tilespmem:s26+$0xFFFFFE00] =	vst v60;
	v60 =	vmul.f32 $8.000000000e+00, v46;
	v15 =	vld.idx.msk [tilespmem:v15+s3+$0x0], $0xffff  }
0x136: {  	s15 =	simm.s32 $0x3F;
	v41 =	vadd.s32 v3, v41;
	v37 =	vadd.s32 v3, v38;
	[tilespmem:s26+$0xFFFFFE80] =	vst v42;
	v50 =	vld.idx.msk [tilespmem:v50+s3+$0x0], $0xffff;
	v43 =	vmul.f32 $8.000000000e+00, v43  }
0x137: {  	s13 =	simm.s32 $0x33;
	v38 =	vadd.s32 v3, v45;
	v39 =	vmul.f32 $8.000000000e+00, v39;
	v44 =	vld.idx.msk [tilespmem:v51+s3+$0x0], $0xffff;
	v51 =	vmov s15;
	[tilespmem:s26+$0xFFFFFF00] =	vst v60  }
0x138: {  	v16 =	vmov s13;
	v49 =	vmul.f32 $8.000000000e+00, v49;
	v60 =	vshll.u32 v51, $0x3;
	[tilespmem:s26+$0xFFFFFF80] =	vst v43;
	v43 =	vld.idx.msk [tilespmem:v47+s3+$0x0], $0xffff  }
0x139: {  	s12 =	simm.s32 $0x31;
	[tilespmem:s26+$0x0] =	vst v39;
	v51 =	vand.u32 $0x7F, v51;
	v47 =	vmul.f32 $8.000000000e+00, v52;
	v52 =	vand.u32 $0x7FFFFC00, v60;
	v39 =	vld.idx.msk [tilespmem:v53+s3+$0x0], $0xffff  }
0x13a: {  	v62 =	vadd.s32 v2, v40;
	v55 =	vmov s12;
	s12 =	simm.s32 $0x39;
	[tilespmem:s26+$0x80] =	vst v49;
	v60 =	vor.u32 v51, v52;
	v51 =	vld.idx.msk [tilespmem:v54+s3+$0x0], $0xffff  }
0x13b: {  	s13 =	simm.s32 $0x3B;
	v40 =	vadd.s32 v3, v40;
	v45 =	vmov s12;
	[tilespmem:s25+$0xFFFFFFD0] =	vst v34;
	v52 =	vld.idx.msk [tilespmem:v57+s3+$0x0], $0xffff;
	v15 =	vmul.f32 $8.000000000e+00, v15  }
0x13c: {  	v46 =	vmov s13;
	v42 =	vshll.u32 v55, $0x3;
	[tilespmem:s26+$0x100] =	vst v47;
	v50 =	vmul.f32 $8.000000000e+00, v50;
	v48 =	vld.idx.msk [tilespmem:v4+s3+$0x0], $0xffff  }
0x13d: {  	v49 =	vshll.u32 v19, $0x3;
	v44 =	vmul.f32 $8.000000000e+00, v44;
	[tilespmem:s26+$0x1A0] =	vst v15;
	v15 =	vand.u32 $0x400, v42;
	v42 =	vld.idx.msk [tilespmem:v58+s3+$0x0], $0xffff  }
0x13e: {  	v53 =	vshll.u32 v16, $0x3;
	v16 =	vand.u32 $0x73, v16;
	[tilespmem:s26+$0xFFFFFE10] =	vst v50;
	v43 =	vmul.f32 $8.000000000e+00, v43;
	v36 =	vld.idx.msk [tilespmem:v36+s3+$0x0], $0xffff  }
0x13f: {  	v50 =	vand.u32 $0x7FFFFC00, v53;
	v58 =	vand.u32 $0x71, v55;
	[tilespmem:s26+$0xFFFFFE90] =	vst v44;
	v44 =	vld.idx.msk [tilespmem:v56+s3+$0x0], $0xffff;
	v39 =	vmul.f32 $8.000000000e+00, v39  }
0x140: {  	v55 =	vor.u32 v58, v15;
	v51 =	vmul.f32 $8.000000000e+00, v51;
	[tilespmem:s26+$0xFFFFFF10] =	vst v43;
	v43 =	vand.u32 $0x7FFFFC00, v49;
	v49 =	vld.idx.msk [tilespmem:v59+s3+$0x0], $0xffff  }
0x141: {  	v58 =	vor.u32 v16, v50;
	v16 =	vadd.s32 v0, v60;
	v52 =	vmul.f32 $8.000000000e+00, v52;
	[tilespmem:s26+$0xFFFFFF90] =	vst v39;
	v39 =	vld.idx.msk [tilespmem:v61+s3+$0x0], $0xffff  }
0x142: {  	v19 =	vand.u32 $0x75, v19;
	v57 =	vshll.u32 v46, $0x3;
	[tilespmem:s26+$0x10] =	vst v51;
	v51 =	vld.idx.msk [tilespmem:v62+s3+$0x0], $0xffff;
	v42 =	vmul.f32 $8.000000000e+00, v42  }
0x143: {  	v47 =	vshll.u32 v18, $0x3;
	v18 =	vand.u32 $0x77, v18;
	[tilespmem:s26+$0x90] =	vst v52;
	v56 =	vld.idx.msk [tilespmem:v63+s3+$0x0], $0xffff;
	v36 =	vmul.f32 $8.000000000e+00, v36  }
0x144: {  	v47 =	vand.u32 $0x7FFFFC00, v47;
	v52 =	vand.u32 $0x7FFFFC00, v57;
	v35 =	vld.idx.msk [tilespmem:v35+s3+$0x0], $0xffff;
	v57 =	vmul.f32 $8.000000000e+00, v44;
	[tilespmem:s26+$0x110] =	vst v42  }
0x145: {  	v54 =	vshll.u32 v45, $0x3;
	v18 =	vor.u32 v18, v47;
	[tilespmem:s26+$0x1B0] =	vst v36;
	v20 =	vld.idx.msk [tilespmem:v20+s3+$0x0], $0xffff;
	v62 =	vmul.f32 $8.000000000e+00, v49  }
0x146: {  	v47 =	vmul.f32 $8.000000000e+00, v10;
	v15 =	vshll.u32 v17, $0x3;
	[tilespmem:s26+$0xFFFFFE20] =	vst v57;
	v39 =	vmul.f32 $8.000000000e+00, v39;
	v16 =	vld.idx.msk [tilespmem:v16+s3+$0x0], $0xffff  }
0x147: {  	v17 =	vand.u32 $0x7D, v17;
	v15 =	vand.u32 $0x7FFFFC00, v15;
	v21 =	vld.idx.msk [tilespmem:v21+s3+$0x0], $0xffff;
	[tilespmem:s26+$0xFFFFFEA0] =	vst v62;
	v63 =	vmul.f32 $8.000000000e+00, v51  }
0x148: {  	v61 =	vand.u32 $0x7B, v46;
	v46 =	vor.u32 v17, v15;
	v17 =	vmul.f32 $8.000000000e+00, v56;
	v15 =	vld.idx.msk [tilespmem:v22+s3+$0x0], $0xffff;
	[tilespmem:s26+$0xFFFFFF20] =	vst v39  }
0x149: {  	v59 =	vand.u32 $0x79, v45;
	v45 =	vor.u32 v61, v52;
	v52 =	vld.idx.msk [tilespmem:v24+s3+$0x0], $0xffff;
	v35 =	vmul.f32 $8.000000000e+00, v35;
	[tilespmem:s26+$0xFFFFFFA0] =	vst v63  }
0x14a: {  	v10 =	vadd.s32 v2, v60;
	v23 =	vld.idx.msk [tilespmem:v23+s3+$0x0], $0xffff;
	[tilespmem:s26+$0x20] =	vst v17;
	v17 =	vmul.f32 $8.000000000e+00, v20;
	v20 =	vadd.s32 v1, v60  }
0x14b: {  	v53 =	vmul.f32 $8.000000000e+00, v32;
	v22 =	vadd.s32 v0, v55;
	[tilespmem:s26+$0xA0] =	vst v35;
	v40 =	vld.idx.msk [tilespmem:v40+s3+$0x0], $0xffff;
	v16 =	vmul.f32 $8.000000000e+00, v16  }
0x14c: {  	v19 =	vor.u32 v19, v43;
	v39 =	vadd.s32 v0, v58;
	v41 =	vld.idx.msk [tilespmem:v41+s3+$0x0], $0xffff;
	v21 =	vmul.f32 $8.000000000e+00, v21;
	[tilespmem:s26+$0x120] =	vst v17  }
0x14d: {  	v50 =	vand.u32 $0x7FFFFC00, v54;
	v44 =	vadd.s32 v0, v19;
	v37 =	vld.idx.msk [tilespmem:v37+s3+$0x0], $0xffff;
	v15 =	vmul.f32 $8.000000000e+00, v15;
	[tilespmem:s26+$0x1C0] =	vst v16  }
0x14e: {  	v36 =	vor.u32 v59, v50;
	v49 =	vadd.s32 v0, v18;
	v38 =	vld.idx.msk [tilespmem:v38+s3+$0x0], $0xffff;
	[tilespmem:s26+$0xFFFFFE30] =	vst v21;
	v21 =	vmul.f32 $8.000000000e+00, v7  }
0x14f: {  	v54 =	vmul.f32 $8.000000000e+00, v33;
	v50 =	vadd.s32 v0, v36;
	v16 =	vmul.f32 $8.000000000e+00, v23;
	v20 =	vld.idx.msk [tilespmem:v20+s3+$0x0], $0xffff;
	[tilespmem:s26+$0xFFFFFEB0] =	vst v15  }
0x150: {  	v43 =	vadd.s32 v2, v58;
	v34 =	vadd.s32 v1, v19;
	v22 =	vld.idx.msk [tilespmem:v22+s3+$0x0], $0xffff;
	v15 =	vmul.f32 $8.000000000e+00, v40;
	[tilespmem:s25+$0x50] =	vst v21  }
0x151: {  	v61 =	vadd.s32 v1, v18;
	v35 =	vadd.s32 v0, v45;
	v23 =	vld.idx.msk [tilespmem:v39+s3+$0x0], $0xffff;
	[tilespmem:s26+$0xFFFFFF30] =	vst v16;
	v16 =	vmul.f32 $8.000000000e+00, v41  }
0x152: {  	v25 =	vadd.s32 v1, v46;
	v17 =	vadd.s32 v0, v46;
	v39 =	vld.idx.msk [tilespmem:v44+s3+$0x0], $0xffff;
	[tilespmem:s26+$0xFFFFFFB0] =	vst v15;
	v15 =	vmul.f32 $8.000000000e+00, v37  }
0x153: {  	v24 =	vmul.f32 $8.000000000e+00, v9;
	v33 =	vadd.s32 v3, v46;
	v40 =	vld.idx.msk [tilespmem:v49+s3+$0x0], $0xffff;
	[tilespmem:s26+$0x30] =	vst v16;
	v9 =	vmul.f32 $8.000000000e+00, v38  }
0x154: {  	v42 =	vadd.s32 v2, v55;
	v57 =	vadd.s32 v1, v55;
	[tilespmem:s26+$0xB0] =	vst v15;
	v7 =	vld.idx.msk [tilespmem:v50+s3+$0x0], $0xffff;
	v20 =	vmul.f32 $8.000000000e+00, v20  }
0x155: {  	v59 =	vadd.s32 v1, v58;
	v62 =	vadd.s32 v1, v36;
	v21 =	vmul.f32 $8.000000000e+00, v22;
	v22 =	vld.idx.msk [tilespmem:v8+s3+$0x0], $0xffff;
	[tilespmem:s26+$0x130] =	vst v9  }
0x156: {  	v56 =	vmul.f32 $8.000000000e+00, v31;
	v51 =	vadd.s32 v2, v45;
	v9 =	vld.idx.msk [tilespmem:v35+s3+$0x0], $0xffff;
	[tilespmem:s26+$0x1D0] =	vst v20;
	v20 =	vmul.f32 $8.000000000e+00, v23  }
0x157: {  	v52 =	vmul.f32 $8.000000000e+00, v52;
	v63 =	vadd.s32 v1, v45;
	v17 =	vld.idx.msk [tilespmem:v17+s3+$0x0], $0xffff;
	[tilespmem:s26+$0xFFFFFE40] =	vst v21;
	v21 =	vmul.f32 $8.000000000e+00, v39  }
0x158: {  	v41 =	vadd.s32 v3, v18;
	v44 =	vadd.s32 v2, v19;
	v10 =	vld.idx.msk [tilespmem:v10+s3+$0x0], $0xffff;
	v23 =	vmul.f32 $8.000000000e+00, v40;
	[tilespmem:s26+$0xFFFFFEC0] =	vst v20  }
0x159: {  	v37 =	vadd.s32 v2, v46;
	v46 =	vmul.f32 $8.000000000e+00, v27;
	v16 =	vadd.s32 v2, v18;
	v20 =	vld.idx.msk [tilespmem:v57+s3+$0x0], $0xffff;
	[tilespmem:s26+$0xFFFFFF40] =	vst v21  }
0x15a: {  	v49 =	vmul.f32 $8.000000000e+00, v6;
	v38 =	vadd.s32 v3, v55;
	v55 =	vmul.f32 $8.000000000e+00, v26;
	v26 =	vld.idx.msk [tilespmem:v59+s3+$0x0], $0xffff;
	[tilespmem:s26+$0xFFFFFFC0] =	vst v23  }
0x15b: {  	v50 =	vmul.f32 $8.000000000e+00, v30;
	v40 =	vadd.s32 v3, v19;
	v19 =	vmul.f32 $8.000000000e+00, v7;
	v4 =	vld [tilespmem:$0x1FFF0]  }
0x15c: {  	v35 =	vadd.s32 v3, v45;
	v45 =	vmul.f32 $8.000000000e+00, v28;
	v23 =	vld.idx.msk [tilespmem:v34+s3+$0x0], $0xffff;
	v18 =	vmul.f32 $8.000000000e+00, v9  }
0x15d: {  	v15 =	vadd.s32 v2, v36;
	v57 =	vmul.f32 $8.000000000e+00, v11;
	[tilespmem:s26+$0x40] =	vst v19;
	v19 =	vld.idx.msk [tilespmem:v61+s3+$0x0], $0xffff;
	v21 =	vmul.f32 $8.000000000e+00, v17  }
0x15e: {  	v36 =	vadd.s32 v3, v36;
	v59 =	vmul.f32 $8.000000000e+00, v29;
	v34 =	vmul.f32 $8.000000000e+00, v48;
	[tilespmem:s26+$0xC0] =	vst v18;
	v17 =	vld.idx.msk [tilespmem:v62+s3+$0x0], $0xffff  }
0x15f: {  	v39 =	vadd.s32 v3, v58;
	v61 =	vmul.f32 $8.000000000e+00, v22;
	[tilespmem:s26+$0x140] =	vst v21;
	v18 =	vld.idx.msk [tilespmem:v63+s3+$0x0], $0xffff;
	v21 =	vmul.f32 $8.000000000e+00, v10  }
0x160: {  	s29 =	simm.s32 $0x18;
	s30 =	simm.s32 $0x4F;
	s28 =	simm.s32 $0xCE00;
	[tilespmem:s25+$0xD0] =	vst v24;
	v22 =	vadd.s32 v3, v60;
	v24 =	vmul.f32 $8.000000000e+00, v20;
	v20 =	vld.idx.msk [tilespmem:v25+s3+$0x0], $0xffff;
	v58 =	vmul.f32 $8.000000000e+00, v4  }
.LBB2_4:
0x161: {  	v4 =	vld [tilespmem:$0x1FF50];
	_ =	sdelay $0x7  }
0x162: {  	v4 =	vld.idx.msk [tilespmem:v4+s3+$0x0], $0xffff;
	_ =	sdelay $0x4  }
0x163: {  	[tilespmem:$0x1FF10] =	vst v4;
	v4 =	vmov v51  }
0x164: {  	[tilespmem:$0x1FF50] =	vst v4;
	v4 =	vld [tilespmem:$0x1FF60];
	_ =	sdelay $0x6  }
0x165: {  	[tilespmem:s25+$0x150] =	vst v47  }
0x166: {  	v28 =	vld.idx.msk [tilespmem:v4+s3+$0x0], $0xffff;
	v4 =	vmov v37  }
0x167: {  	[tilespmem:$0x1FF60] =	vst v4;
	v4 =	vld [tilespmem:$0x1FF70];
	_ =	sdelay $0x5  }
0x168: {  	[tilespmem:s26+$0xFFFFFE50] =	vst v24  }
0x169: {  	v25 =	vmul.f32 $8.000000000e+00, v26;
	v26 =	vld.idx.msk [tilespmem:v42+s3+$0x0], $0xffff;
	[tilespmem:s25+$0xFFFFFE60] =	vst v56  }
0x16a: {  	v4 =	vld.idx.msk [tilespmem:v4+s3+$0x0], $0xffff;
	_ =	sdelay $0x4  }
0x16b: {  	[tilespmem:$0x1FF20] =	vst v4;
	v4 =	vmov v38  }
0x16c: {  	[tilespmem:$0x1FF70] =	vst v4;
	v4 =	vld [tilespmem:$0x1FF80];
	_ =	sdelay $0x4  }
0x16d: {  	s6 =	sadd.s32 $0xFFFFFFFF, s30;
	[tilespmem:s26+$0x1E0] =	vst v21  }
0x16e: {  	v27 =	vmov s6;
	v24 =	vld.idx.msk [tilespmem:v22+s3+$0x0], $0xffff;
	v23 =	vmul.f32 $8.000000000e+00, v23;
	[tilespmem:s26+$0xFFFFFED0] =	vst v25  }
0x16f: {  	v22 =	vshll.u32 v27, $0x3;
	v25 =	vand.u32 $0x7E, v27;
	v27 =	vld.idx.msk [tilespmem:v43+s3+$0x0], $0xffff;
	[tilespmem:s25+$0xFFFFFEE0] =	vst v53  }
0x170: {  	[tilespmem:s26+$0xFFFFFF50] =	vst v23;
	v23 =	vld.idx.msk [tilespmem:v4+s3+$0x0], $0xffff;
	v4 =	vmov v39  }
0x171: {  	[tilespmem:$0x1FF80] =	vst v4;
	v4 =	vld [tilespmem:$0x1FF90];
	_ =	sdelay $0x6  }
0x172: {  	v22 =	vand.u32 $0x400, v22;
	v31 =	vld.idx.msk [tilespmem:v44+s3+$0x0], $0xffff;
	[tilespmem:s25+$0xFFFFFF60] =	vst v54  }
0x173: {  	v42 =	vor.u32 v25, v22;
	v22 =	vld.idx.msk [tilespmem:v4+s3+$0x0], $0xffff;
	v4 =	vmov v40  }
0x174: {  	[tilespmem:$0x1FF90] =	vst v4;
	v4 =	vld [tilespmem:$0x1FFA0];
	_ =	sdelay $0x1  }
0x175: {  	v47 =	vadd.s32 v0, v42;
	_ =	sdelay $0x1  }
0x176: {  	v62 =	vmul.f32 $8.000000000e+00, v24;
	_ =	sdelay $0x1  }
0x177: {  	[tilespmem:s26+$0x1F0] =	vst v62  }
0x178: {  	s5 =	sadd.s32 $0xFFFFFFF3, s30;
	s12 =	sadd.s32 $0xFFFFFFF5, s30;
	s13 =	sadd.s32 $0xFFFFFFF9, s30;
	[tilespmem:s25+$0xFFFFFFE0] =	vst v52;
	v47 =	vld.idx.msk [tilespmem:v47+s3+$0x0], $0xffff  }
0x179: {  	s15 =	sadd.s32 $0xFFFFFFFD, s30;
	v29 =	vmov s5;
	v30 =	vmov s12;
	v48 =	vmov s13;
	v24 =	vld.idx.msk [tilespmem:v4+s3+$0x0], $0xffff;
	v4 =	vmovc v41  }
0x17a: {  	s12 =	sadd.s32 $0xFFFFFFF1, s30;
	v8 =	vshll.u32 v29, $0x3;
	v9 =	vshll.u32 v30, $0x3;
	v44 =	vmov s15;
	[tilespmem:$0x1FFA0] =	vst v4;
	v4 =	vld [tilespmem:$0x1FF30]  }
0x17b: {  	v10 =	vshll.u32 v48, $0x3;
	v43 =	vmov s12;
	v63 =	vshll.u32 v44, $0x3  }
0x17c: {  	v25 =	vshll.u32 v43, $0x3;
	v53 =	vand.u32 $0x400, v63;
	v63 =	vadd.s32 v1, v42  }
0x17d: {  	v37 =	vand.u32 $0x400, v8;
	v8 =	vand.u32 $0x70, v43;
	v38 =	vand.u32 $0x400, v10  }
0x17e: {  	v10 =	vand.u32 $0x74, v30;
	v39 =	vand.u32 $0x400, v25;
	v40 =	vand.u32 $0x400, v9  }
0x17f: {  	s8 =	sadd.s32 $0xFFFFFFF7, s30;
	[tilespmem:s25+$0x60] =	vst v61;
	v47 =	vmul.f32 $8.000000000e+00, v47;
	v25 =	vmovc v35;
	v35 =	vor.u32 v8, v39;
	v39 =	vor.u32 v10, v40  }
0x180: {  	v32 =	vmov s8;
	[tilespmem:s24+$0xE0] =	vst v49;
	s26 =	sadd.s32 $0x400, s26;
	v10 =	vadd.s32 v0, v39  }
0x181: {  	s14 =	sadd.s32 $0xFFFFFFFB, s30;
	v60 =	vshll.u32 v32, $0x3;
	v61 =	vand.u32 $0x78, v48;
	v44 =	vand.u32 $0x7C, v44;
	[tilespmem:s26+$0x180] =	vst v47  }
0x182: {  	v52 =	vand.u32 $0x400, v60;
	v44 =	vor.u32 v44, v53;
	v51 =	vmov s14;
	[tilespmem:s24+$0xFFFFFEF0] =	vst v57;
	v30 =	vld.idx.msk [tilespmem:v4+s3+$0x0], $0xffff;
	v4 =	vmovc v12  }
0x183: {  	v54 =	vadd.s32 v0, v44;
	v11 =	vshll.u32 v51, $0x3;
	v9 =	vand.u32 $0x72, v29;
	[tilespmem:$0x1FF30] =	vst v4;
	v4 =	vld [tilespmem:$0x1FF40]  }
0x184: {  	v62 =	vand.u32 $0x7A, v51;
	v57 =	vld.idx.msk [tilespmem:v63+s3+$0x0], $0xffff;
	v8 =	vadd.s32 v0, v35;
	[tilespmem:s24+$0xFFFFFF70] =	vst v58;
	v37 =	vor.u32 v9, v37  }
0x185: {  	v43 =	vand.u32 $0x400, v11;
	v11 =	vand.u32 $0x76, v32;
	v9 =	vadd.s32 v0, v37;
	v6 =	vld.idx.msk [tilespmem:v10+s3+$0x0], $0xffff  }
0x186: {  	v21 =	vmovc v36;
	v49 =	vor.u32 v11, v52;
	v48 =	vor.u32 v62, v43;
	v43 =	vadd.s32 v2, v44  }
0x187: {  	[tilespmem:s24+$0xFFFFFE70] =	vst v55;
	v36 =	vor.u32 v61, v38;
	v61 =	vadd.s32 v1, v44;
	v10 =	vadd.s32 v2, v42  }
0x188: {  	v52 =	vadd.s32 v1, v35;
	v47 =	vadd.s32 v1, v39;
	[tilespmem:s24+$0xFFFFFFF0] =	vst v59;
	v59 =	vadd.s32 v2, v35  }
0x189: {  	v58 =	vld.idx.msk [tilespmem:v8+s3+$0x0], $0xffff;
	v41 =	vadd.s32 v3, v35;
	v35 =	vadd.s32 v3, v44;
	v44 =	vmul.f32 $8.000000000e+00, v57  }
0x18a: {  	[tilespmem:s24+$0x160] =	vst v50;
	v62 =	vld.idx.msk [tilespmem:v9+s3+$0x0], $0xffff;
	v6 =	vmul.f32 $8.000000000e+00, v6  }
0x18b: {  	[tilespmem:s26+$0x190] =	vst v44;
	v32 =	vld.idx.msk [tilespmem:v4+s3+$0x0], $0xffff;
	v4 =	vmov v14;
	v14 =	vadd.s32 v0, v49  }
0x18c: {  	v50 =	vadd.s32 v0, v36;
	v10 =	vld.idx.msk [tilespmem:v10+s3+$0x0], $0xffff;
	[tilespmem:s26+$0xFFFFFF00] =	vst v6  }
0x18d: {  	v51 =	vadd.s32 v0, v48;
	v47 =	vld.idx.msk [tilespmem:v47+s3+$0x0], $0xffff  }
0x18e: {  	v54 =	vld.idx.msk [tilespmem:v54+s3+$0x0], $0xffff;
	v60 =	vadd.s32 v1, v48  }
0x18f: {  	v5 =	vadd.s32 v2, v49;
	v29 =	vld.idx.msk [tilespmem:v13+s3+$0x0], $0xffff;
	v11 =	vmul.f32 $8.000000000e+00, v58;
	v42 =	vadd.s32 v3, v42  }
0x190: {  	v55 =	vadd.s32 v1, v49;
	v62 =	vmul.f32 $8.000000000e+00, v62;
	[tilespmem:$0x1FF40] =	vst v4;
	v4 =	vadd.s32 v2, v39;
	v9 =	vld.idx.msk [tilespmem:v14+s3+$0x0], $0xffff  }
0x191: {  	v38 =	vadd.s32 v3, v49;
	v53 =	vadd.s32 v1, v37;
	[tilespmem:s26+$0xFFFFFE00] =	vst v11;
	v10 =	vmul.f32 $8.000000000e+00, v10;
	v49 =	vld.idx.msk [tilespmem:v50+s3+$0x0], $0xffff  }
0x192: {  	v56 =	vadd.s32 v1, v36;
	v7 =	vadd.s32 v2, v36;
	[tilespmem:s26+$0xFFFFFE80] =	vst v62;
	v47 =	vmul.f32 $8.000000000e+00, v47;
	v50 =	vld.idx.msk [tilespmem:v51+s3+$0x0], $0xffff  }
0x193: {  	v8 =	vadd.s32 v2, v48;
	v63 =	vadd.s32 v2, v37;
	v52 =	vld.idx.msk [tilespmem:v52+s3+$0x0], $0xffff;
	[tilespmem:s26+$0x1A0] =	vst v10  }
0x194: {  	s8 =	sadd.s32 $0xFFFFFFF2, s30;
	v54 =	vmul.f32 $8.000000000e+00, v54;
	v40 =	vadd.s32 v3, v37;
	v37 =	vadd.s32 v3, v36;
	v42 =	vld.idx.msk [tilespmem:v42+s3+$0x0], $0xffff;
	[tilespmem:s26+$0xFFFFFF10] =	vst v47  }
0x195: {  	v36 =	vadd.s32 v3, v48;
	v48 =	vmov s8;
	[tilespmem:s24+$0x70] =	vst v45;
	v4 =	vld.idx.msk [tilespmem:v4+s3+$0x0], $0xffff;
	v9 =	vmul.f32 $8.000000000e+00, v9  }
0x196: {  	s5 =	sadd.s32 $0xFFFFFFFA, s30;
	v58 =	vshll.u32 v48, $0x3;
	v48 =	vand.u32 $0x71, v48;
	v53 =	vld.idx.msk [tilespmem:v53+s3+$0x0], $0xffff;
	[tilespmem:s23+$0xF0] =	vst v46;
	v49 =	vmul.f32 $8.000000000e+00, v49  }
0x197: {  	v58 =	vand.u32 $0x400, v58;
	v44 =	vmov s5;
	v50 =	vmul.f32 $8.000000000e+00, v50;
	[tilespmem:s26+$0xFFFFFF80] =	vst v9  }
0x198: {  	v48 =	vor.u32 v48, v58;
	v11 =	vshll.u32 v44, $0x3;
	v39 =	vadd.s32 v3, v39;
	[tilespmem:s26+$0x0] =	vst v49;
	v55 =	vld.idx.msk [tilespmem:v55+s3+$0x0], $0xffff  }
0x199: {  	v44 =	vand.u32 $0x79, v44;
	v52 =	vmul.f32 $8.000000000e+00, v52;
	v12 =	vmul.f32 $8.000000000e+00, v18;
	[tilespmem:s26+$0x80] =	vst v50;
	v56 =	vld.idx.msk [tilespmem:v56+s3+$0x0], $0xffff  }
0x19a: {  	s10 =	sadd.s32 $0xFFFFFFF4, s30;
	s12 =	sadd.s32 $0xFFFFFFF6, s30;
	v11 =	vand.u32 $0x7FFFFC00, v11;
	v42 =	vmul.f32 $8.000000000e+00, v42;
	[tilespmem:s26+$0x100] =	vst v54;
	v60 =	vld.idx.msk [tilespmem:v60+s3+$0x0], $0xffff;
	v4 =	vmul.f32 $8.000000000e+00, v4  }
0x19b: {  	[tilespmem:s26+$0xFFFFFE10] =	vst v52;
	v51 =	vmov s10;
	v46 =	vmov s12;
	v54 =	vld.idx.msk [tilespmem:v61+s3+$0x0], $0xffff;
	v61 =	vmul.f32 $8.000000000e+00, v53  }
0x19c: {  	v52 =	vld.idx.msk [tilespmem:v59+s3+$0x0], $0xffff;
	v62 =	vshll.u32 v51, $0x3;
	v6 =	vshll.u32 v46, $0x3;
	v10 =	vand.u32 $0x73, v51;
	[tilespmem:s26+$0xFFFFFF20] =	vst v4  }
0x19d: {  	v51 =	vmov s30;
	v46 =	vand.u32 $0x75, v46;
	[tilespmem:s26+$0xFFFFFE90] =	vst v61;
	v39 =	vld.idx.msk [tilespmem:v39+s3+$0x0], $0xffff;
	v59 =	vmul.f32 $8.000000000e+00, v55  }
0x19e: {  	[tilespmem:s23+$0x170] =	vst v34;
	v6 =	vand.u32 $0x7FFFFC00, v6;
	v61 =	vshll.u32 v51, $0x3;
	v55 =	vld.idx.msk [tilespmem:v63+s3+$0x0], $0xffff;
	v63 =	vmul.f32 $8.000000000e+00, v56  }
0x19f: {  	s15 =	sadd.s32 $0xFFFFFFFE, s30;
	v51 =	vand.u32 $0x7F, v51;
	v53 =	vand.u32 $0x7FFFFC00, v61;
	v60 =	vmul.f32 $8.000000000e+00, v60;
	[tilespmem:s26+$0xFFFFFF90] =	vst v59  }
0x1a0: {  	v14 =	vmovc v33;
	v33 =	vmov s15;
	v34 =	vor.u32 v51, v53;
	v61 =	vmul.f32 $8.000000000e+00, v54;
	[tilespmem:s26+$0x10] =	vst v63;
	v5 =	vld.idx.msk [tilespmem:v5+s3+$0x0], $0xffff  }
0x1a1: {  	v51 =	vadd.s32 v0, v34;
	v50 =	vshll.u32 v33, $0x3;
	[tilespmem:s26+$0x90] =	vst v60;
	v63 =	vmul.f32 $8.000000000e+00, v52;
	v7 =	vld.idx.msk [tilespmem:v7+s3+$0x0], $0xffff  }
0x1a2: {  	v6 =	vor.u32 v46, v6;
	v33 =	vand.u32 $0x7D, v33;
	v50 =	vand.u32 $0x7FFFFC00, v50;
	[tilespmem:s26+$0x110] =	vst v61;
	v8 =	vld.idx.msk [tilespmem:v8+s3+$0x0], $0xffff  }
0x1a3: {  	s13 =	sadd.s32 $0xFFFFFFF8, s30;
	v43 =	vld.idx.msk [tilespmem:v43+s3+$0x0], $0xffff;
	v33 =	vor.u32 v33, v50;
	v50 =	vadd.s32 v0, v6;
	v18 =	vmul.f32 $8.000000000e+00, v39;
	[tilespmem:s26+$0xFFFFFE20] =	vst v63  }
0x1a4: {  	s14 =	sadd.s32 $0xFFFFFFFC, s30;
	v57 =	vmov s13;
	v11 =	vor.u32 v44, v11;
	[tilespmem:s26+$0x1B0] =	vst v42;
	v52 =	vmul.f32 $8.000000000e+00, v55;
	v41 =	vld.idx.msk [tilespmem:v41+s3+$0x0], $0xffff  }
0x1a5: {  	v45 =	vmov s14;
	v62 =	vand.u32 $0x7FFFFC00, v62;
	[tilespmem:s26+$0xFFFFFF30] =	vst v18;
	v5 =	vmul.f32 $8.000000000e+00, v5  }
0x1a6: {  	v10 =	vor.u32 v10, v62;
	v46 =	vadd.s32 v0, v48;
	v42 =	vld.idx.msk [tilespmem:v51+s3+$0x0], $0xffff;
	[tilespmem:s26+$0xFFFFFEA0] =	vst v52;
	v4 =	vmul.f32 $8.000000000e+00, v7  }
0x1a7: {  	v53 =	vadd.s32 v1, v34;
	v49 =	vshll.u32 v45, $0x3;
	v40 =	vld.idx.msk [tilespmem:v40+s3+$0x0], $0xffff;
	[tilespmem:s26+$0xFFFFFFA0] =	vst v5;
	v5 =	vmul.f32 $8.000000000e+00, v8  }
0x1a8: {  	v45 =	vand.u32 $0x7B, v45;
	v49 =	vand.u32 $0x7FFFFC00, v49;
	v13 =	vld.idx.msk [tilespmem:v50+s3+$0x0], $0xffff;
	[tilespmem:s26+$0x20] =	vst v4;
	v4 =	vmul.f32 $8.000000000e+00, v43  }
0x1a9: {  	v45 =	vor.u32 v45, v49;
	v9 =	vshll.u32 v57, $0x3;
	v54 =	vmul.f32 $8.000000000e+00, v41;
	v38 =	vld.idx.msk [tilespmem:v38+s3+$0x0], $0xffff;
	[tilespmem:s26+$0xA0] =	vst v5  }
0x1aa: {  	v9 =	vand.u32 $0x7FFFFC00, v9;
	v56 =	vand.u32 $0x77, v57;
	v37 =	vld.idx.msk [tilespmem:v37+s3+$0x0], $0xffff;
	v5 =	vmul.f32 $8.000000000e+00, v19;
	[tilespmem:s26+$0x120] =	vst v4  }
0x1ab: {  	s23 =	smov.u32 s24;
	s24 =	smov.u32 s25;
	s25 =	smov.u32 s28;
	v49 =	vadd.s32 v0, v10;
	v9 =	vor.u32 v56, v9;
	v4 =	vmul.f32 $8.000000000e+00, v42;
	[tilespmem:s26+$0xFFFFFE30] =	vst v54;
	v19 =	vld.idx.msk [tilespmem:v36+s3+$0x0], $0xffff  }
0x1ac: {  	v52 =	vadd.s32 v0, v9;
	v35 =	vld.idx.msk [tilespmem:v35+s3+$0x0], $0xffff;
	[tilespmem:s25+$0xFFFFFFD0] =	vst v5;
	v5 =	vmul.f32 $8.000000000e+00, v17;
	v17 =	vmul.f32 $8.000000000e+00, v40  }
0x1ad: {  	v47 =	vmul.f32 $8.000000000e+00, v20;
	v7 =	vadd.s32 v0, v11;
	v20 =	vld.idx.msk [tilespmem:v46+s3+$0x0], $0xffff;
	[tilespmem:s26+$0x1C0] =	vst v4  }
0x1ae: {  	v4 =	vld.idx.msk [tilespmem:v16+s3+$0x0], $0xffff;
	[tilespmem:s26+$0xFFFFFEB0] =	vst v17;
	v17 =	vmul.f32 $8.000000000e+00, v38  }
0x1af: {  	v58 =	vadd.s32 v1, v10;
	v36 =	vld.idx.msk [tilespmem:v53+s3+$0x0], $0xffff;
	v18 =	vmul.f32 $8.000000000e+00, v37  }
0x1b0: {  	v44 =	vadd.s32 v2, v6;
	v61 =	vadd.s32 v1, v11;
	v41 =	vld.idx.msk [tilespmem:v49+s3+$0x0], $0xffff;
	[tilespmem:s26+$0xFFFFFFB0] =	vst v17  }
0x1b1: {  	v62 =	vadd.s32 v1, v45;
	v55 =	vadd.s32 v0, v45;
	v17 =	vmul.f32 $8.000000000e+00, v19;
	[tilespmem:s26+$0x30] =	vst v18;
	v19 =	vld.idx.msk [tilespmem:v52+s3+$0x0], $0xffff  }
0x1b2: {  	v51 =	vadd.s32 v2, v45;
	v57 =	vadd.s32 v1, v48;
	v56 =	vmul.f32 $8.000000000e+00, v26;
	v7 =	vld.idx.msk [tilespmem:v7+s3+$0x0], $0xffff;
	[tilespmem:s25+$0x50] =	vst v5  }
0x1b3: {  	v26 =	vadd.s32 v2, v34;
	v39 =	vadd.s32 v3, v10;
	v8 =	vadd.s32 v0, v33;
	[tilespmem:s26+$0xB0] =	vst v17;
	v17 =	vld [tilespmem:$0x1FF10]  }
0x1b4: {  	v59 =	vadd.s32 v1, v6;
	v60 =	vadd.s32 v1, v9;
	v50 =	vmul.f32 $8.000000000e+00, v28;
	v28 =	vld.idx.msk [tilespmem:v15+s3+$0x0], $0xffff  }
0x1b5: {  	v63 =	vadd.s32 v1, v33;
	v54 =	vmul.f32 $8.000000000e+00, v31;
	v18 =	vmul.f32 $8.000000000e+00, v35;
	v15 =	vld [tilespmem:$0x1FF20]  }
0x1b6: {  	v43 =	vadd.s32 v2, v10;
	v52 =	vmul.f32 $8.000000000e+00, v4;
	v4 =	vld.idx.msk [tilespmem:v55+s3+$0x0], $0xffff;
	v55 =	vmul.f32 $8.000000000e+00, v36  }
0x1b7: {  	v42 =	vadd.s32 v2, v48;
	v31 =	vmul.f32 $8.000000000e+00, v13;
	[tilespmem:s26+$0x130] =	vst v18;
	v5 =	vmul.f32 $8.000000000e+00, v41  }
0x1b8: {  	v40 =	vadd.s32 v3, v6;
	v6 =	vld.idx.msk [tilespmem:v8+s3+$0x0], $0xffff;
	[tilespmem:s26+$0x1D0] =	vst v55;
	v49 =	vmul.f32 $8.000000000e+00, v17;
	v17 =	vmul.f32 $8.000000000e+00, v20  }
0x1b9: {  	v46 =	vadd.s32 v2, v11;
	v16 =	vadd.s32 v2, v9;
	v10 =	vld.idx.msk [tilespmem:v26+s3+$0x0], $0xffff;
	[tilespmem:s26+$0xFFFFFEC0] =	vst v5;
	v5 =	vmul.f32 $8.000000000e+00, v19  }
0x1ba: {  	s29 =	sadd.s32 $0x8, s29;
	v53 =	vmul.f32 $8.000000000e+00, v27;
	v38 =	vadd.s32 v3, v48;
	v7 =	vmul.f32 $8.000000000e+00, v7;
	v26 =	vld.idx.msk [tilespmem:v58+s3+$0x0], $0xffff;
	[tilespmem:s26+$0xFFFFFE40] =	vst v17  }
0x1bb: {  	p2 =	slt.u32 s29, $0x78;
	v35 =	vadd.s32 v3, v45;
	v45 =	vmul.f32 $8.000000000e+00, v29;
	v55 =	vmul.f32 $8.000000000e+00, v15;
	[tilespmem:s26+$0xFFFFFFC0] =	vst v5;
	v48 =	vld.idx.msk [tilespmem:v57+s3+$0x0], $0xffff  }
.Ltmp5:
0x1bc: {  	v37 =	vadd.s32 v2, v33;
	v58 =	vmul.f32 $8.000000000e+00, v22;
	v4 =	vmul.f32 $8.000000000e+00, v4;
	[tilespmem:s26+$0x40] =	vst v7;
	v19 =	vld.idx.msk [tilespmem:v60+s3+$0x0], $0xffff;
	(pc) =	sbr.rel @p2 .LBB2_4-.Ltmp5, $4  }
0x1bd: {  	[tilespmem:s26+$0xFFFFFF40] =	vst v31;
	v33 =	vadd.s32 v3, v33;
	v15 =	vmovc v46;
	v46 =	vmul.f32 $8.000000000e+00, v30;
	v5 =	vmul.f32 $8.000000000e+00, v6;
	v17 =	vld.idx.msk [tilespmem:v61+s3+$0x0], $0xffff  }
0x1be: {  	v22 =	vadd.s32 v3, v34;
	v34 =	vmul.f32 $8.000000000e+00, v32;
	v57 =	vmul.f32 $8.000000000e+00, v23;
	v23 =	vld.idx.msk [tilespmem:v59+s3+$0x0], $0xffff;
	[tilespmem:s26+$0xC0] =	vst v4  }
0x1bf: {  	v13 =	vmovc v21;
	v36 =	vadd.s32 v3, v11;
	v61 =	vmul.f32 $8.000000000e+00, v28;
	v59 =	vmul.f32 $8.000000000e+00, v24;
	[tilespmem:s26+$0x140] =	vst v5;
	v18 =	vld.idx.msk [tilespmem:v62+s3+$0x0], $0xffff  }
0x1c0: {  	s28 =	smov.u32 s26;
	s30 =	sadd.s32 $0x10, s30;
	v41 =	vadd.s32 v3, v9;
	v21 =	vmul.f32 $8.000000000e+00, v10;
	v20 =	vld.idx.msk [tilespmem:v63+s3+$0x0], $0xffff;
	[tilespmem:s25+$0xD0] =	vst v12;
	v12 =	vmovc v25;
	v24 =	vmul.f32 $8.000000000e+00, v48  }
0x1c1: {  	[tilespmem:s25+$0x150] =	vst v47  }
0x1c2: {  	[tilespmem:s25+$0xFFFFFE60] =	vst v56  }
0x1c3: {  	[tilespmem:s25+$0xFFFFFEE0] =	vst v53  }
0x1c4: {  	[tilespmem:s25+$0xFFFFFF60] =	vst v54  }
0x1c5: {  	[tilespmem:s25+$0xFFFFFFE0] =	vst v52  }
0x1c6: {  	[tilespmem:s25+$0x60] =	vst v61  }
0x1c7: {  	[tilespmem:s24+$0xE0] =	vst v49  }
0x1c8: {  	[tilespmem:s24+$0x160] =	vst v50  }
0x1c9: {  	[tilespmem:s24+$0xFFFFFE70] =	vst v55  }
0x1ca: {  	[tilespmem:s24+$0xFFFFFEF0] =	vst v57  }
0x1cb: {  	[tilespmem:s24+$0xFFFFFF70] =	vst v58  }
0x1cc: {  	[tilespmem:s24+$0xFFFFFFF0] =	vst v59  }
0x1cd: {  	[tilespmem:s24+$0x70] =	vst v45  }
0x1ce: {  	[tilespmem:s26+$0x1E0] =	vst v21  }
0x1cf: {  	[tilespmem:s23+$0xF0] =	vst v46;
	v6 =	vld.idx.msk [tilespmem:v22+s3+$0x0], $0xffff  }
0x1d0: {  	v4 =	vmul.f32 $8.000000000e+00, v26;
	[tilespmem:s23+$0x170] =	vst v34  }
0x1d1: {  	[tilespmem:s26+$0xFFFFFE50] =	vst v24;
	v5 =	vmul.f32 $8.000000000e+00, v23  }
0x1d2: {  	v7 =	vmul.f32 $8.000000000e+00, v17;
	[tilespmem:s26+$0xFFFFFED0] =	vst v4  }
0x1d3: {  	[tilespmem:s26+$0xFFFFFF50] =	vst v5;
	v5 =	vmul.f32 $8.000000000e+00, v19  }
0x1d4: {  	v45 =	vld.idx.msk [tilespmem:v43+s3+$0x0], $0xffff;
	[tilespmem:s28+$0x50] =	vst v7;
	v4 =	vmul.f32 $8.000000000e+00, v6  }
0x1d5: {  	v10 =	vld.idx.msk [tilespmem:v15+s3+$0x0], $0xffff;
	[tilespmem:s28+$0xFFFFFFD0] =	vst v5  }
0x1d6: {  	v9 =	vmul.f32 $8.000000000e+00, v18;
	[tilespmem:s26+$0x1F0] =	vst v4;
	v4 =	vld.idx.msk [tilespmem:v42+s3+$0x0], $0xffff  }
0x1d7: {  	v11 =	vld [tilespmem:$0x1FF50]  }
0x1d8: {  	v8 =	vld.idx.msk [tilespmem:v44+s3+$0x0], $0xffff;
	[tilespmem:s28+$0xD0] =	vst v9  }
0x1d9: {  	v47 =	vmul.f32 $8.000000000e+00, v20;
	v9 =	vld [tilespmem:$0x1FF60]  }
0x1da: {  	v5 =	vld.idx.msk [tilespmem:v16+s3+$0x0], $0xffff  }
0x1db: {  	[tilespmem:s28+$0x150] =	vst v47;
	v48 =	vld.idx.msk [tilespmem:v51+s3+$0x0], $0xffff;
	v4 =	vmul.f32 $8.000000000e+00, v4  }
0x1dc: {  	v7 =	vld [tilespmem:$0x1FF70]  }
0x1dd: {  	v6 =	vmul.f32 $8.000000000e+00, v45;
	v50 =	vld.idx.msk [tilespmem:v37+s3+$0x0], $0xffff;
	[tilespmem:s28+$0xFFFFFE60] =	vst v4  }
0x1de: {  	v4 =	vld [tilespmem:$0x1FF80]  }
0x1df: {  	v8 =	vmul.f32 $8.000000000e+00, v8;
	[tilespmem:s28+$0xFFFFFEE0] =	vst v6;
	v11 =	vld.idx.msk [tilespmem:v11+s3+$0x0], $0xffff  }
0x1e0: {  	v6 =	vld [tilespmem:$0x1FF90]  }
0x1e1: {  	v5 =	vmul.f32 $8.000000000e+00, v5;
	[tilespmem:s28+$0xFFFFFF60] =	vst v8;
	v9 =	vld.idx.msk [tilespmem:v9+s3+$0x0], $0xffff  }
0x1e2: {  	v8 =	vld [tilespmem:$0x1FFA0]  }
0x1e3: {  	[tilespmem:s28+$0xFFFFFFE0] =	vst v5;
	v5 =	vld.idx.msk [tilespmem:v13+s3+$0x0], $0xffff  }
0x1e4: {  	v10 =	vmul.f32 $8.000000000e+00, v10;
	v54 =	vld.idx.msk [tilespmem:v40+s3+$0x0], $0xffff  }
0x1e5: {  	v7 =	vld.idx.msk [tilespmem:v7+s3+$0x0], $0xffff  }
0x1e6: {  	[tilespmem:s28+$0x60] =	vst v10;
	v11 =	vmul.f32 $8.000000000e+00, v11;
	v4 =	vld.idx.msk [tilespmem:v4+s3+$0x0], $0xffff  }
0x1e7: {  	v10 =	vld [tilespmem:$0x1FF30];
	v9 =	vmul.f32 $8.000000000e+00, v9  }
0x1e8: {  	v55 =	vmul.f32 $8.000000000e+00, v48;
	v56 =	vld.idx.msk [tilespmem:v36+s3+$0x0], $0xffff;
	[tilespmem:s25+$0xE0] =	vst v11  }
0x1e9: {  	v57 =	vmul.f32 $8.000000000e+00, v50;
	v11 =	vld [tilespmem:$0x1FF40];
	[tilespmem:s25+$0x160] =	vst v9  }
0x1ea: {  	v60 =	vmul.f32 $8.000000000e+00, v54;
	v6 =	vld.idx.msk [tilespmem:v6+s3+$0x0], $0xffff;
	[tilespmem:s28+$0xE0] =	vst v55  }
0x1eb: {  	v58 =	vld.idx.msk [tilespmem:v12+s3+$0x0], $0xffff;
	[tilespmem:s28+$0x160] =	vst v57;
	v4 =	vmul.f32 $8.000000000e+00, v4  }
0x1ec: {  	v7 =	vmul.f32 $8.000000000e+00, v7;
	[tilespmem:s28+$0xFFFFFF70] =	vst v60;
	v8 =	vld.idx.msk [tilespmem:v8+s3+$0x0], $0xffff  }
0x1ed: {  	v9 =	vmul.f32 $8.000000000e+00, v56;
	[tilespmem:s25+$0xFFFFFEF0] =	vst v4;
	v4 =	vmul.f32 $8.000000000e+00, v5;
	v5 =	vld.idx.msk [tilespmem:v38+s3+$0x0], $0xffff  }
0x1ee: {  	[tilespmem:s25+$0xFFFFFE70] =	vst v7;
	v61 =	vld.idx.msk [tilespmem:v35+s3+$0x0], $0xffff  }
0x1ef: {  	v10 =	vld.idx.msk [tilespmem:v10+s3+$0x0], $0xffff;
	[tilespmem:s28+$0x70] =	vst v9;
	v6 =	vmul.f32 $8.000000000e+00, v6  }
0x1f0: {  	v62 =	vmul.f32 $8.000000000e+00, v58;
	[tilespmem:s25+$0x70] =	vst v4;
	v4 =	vld.idx.msk [tilespmem:v41+s3+$0x0], $0xffff  }
0x1f1: {  	v52 =	vld.idx.msk [tilespmem:v39+s3+$0x0], $0xffff;
	v49 =	vmul.f32 $8.000000000e+00, v8;
	[tilespmem:s25+$0xFFFFFF70] =	vst v6  }
0x1f2: {  	v59 =	vld.idx.msk [tilespmem:v14+s3+$0x0], $0xffff;
	[tilespmem:s25+$0xF0] =	vst v62;
	v5 =	vmul.f32 $8.000000000e+00, v5  }
0x1f3: {  	v63 =	vmul.f32 $8.000000000e+00, v61;
	v11 =	vld.idx.msk [tilespmem:v11+s3+$0x0], $0xffff;
	[tilespmem:s25+$0xFFFFFFF0] =	vst v49  }
0x1f4: {  	v51 =	vmul.f32 $8.000000000e+00, v10;
	[tilespmem:s28+$0xFFFFFE70] =	vst v5;
	v5 =	vld.idx.msk [tilespmem:v33+s3+$0x0], $0xffff  }
0x1f5: {  	[tilespmem:s28+$0xF0] =	vst v63;
	v4 =	vmul.f32 $8.000000000e+00, v4  }
0x1f6: {  	v10 =	vmul.f32 $8.000000000e+00, v52;
	[tilespmem:s24+$0xF0] =	vst v51  }
0x1f7: {  	[tilespmem:s28+$0xFFFFFFF0] =	vst v4;
	v4 =	vmul.f32 $8.000000000e+00, v59  }
0x1f8: {  	[tilespmem:s28+$0xFFFFFEF0] =	vst v10;
	v53 =	vmul.f32 $8.000000000e+00, v11  }
0x1f9: {  	[tilespmem:s25+$0x170] =	vst v4;
	v4 =	vmul.f32 $8.000000000e+00, v5  }
0x1fa: {  	s5 =	sshll.u32 s20, $0x11;
	[tilespmem:s24+$0x170] =	vst v53  }
0x1fb: {  	s5 =	sadd.s32 s5, s11;
	[tilespmem:s28+$0x170] =	vst v4  }
0x1fc: {  	[hbm4b:s5+s3] =	stream.linear.scatter [tilespmem:s2], [sflag:$0x3], $0x4000, $0x38;
	[tilespmem:$0x14000] =	vst v63  }
.LBB2_6:
.Ltmp6:
0x1fd: {  	(pc) =	sbr.rel @p1 .LBB2_10-.Ltmp6, $1  }
0x1fe: {  	_ =	sdelay $0x3  }
0x1ff: {  	s5 =	sadd.s32 $0x2, s22  }
0x200: {  	p1 =	sge.u32 s5, s7  }
0x201: {  	s22 =	simm.s32 $0xE;
	s23 =	simm.s32 $0x2;
	s5 =	sshll.u32 @!p1 s5, $0xD  }
0x202: {  	s24 =	simm.s32 $0x4;
	s6 =	simm.s32 @!p1 $0x0;
	s5 =	sadd.s32 @!p1 s5, s4  }
0x203: {  	[tilespmem:s6], [sflag:$0x1] =	stream.linear.gather @!p1 [hbm4b:s5+s6], $0x800, $0x38;
	[tilespmem:$0x14000] =	vst v63  }
0x204: {  	s25 =	simm.s32 $0x6;
	s10 =	simm.s32 @!p1 $0xC00;
	s8 =	sadd.s32 @!p1 $0xF4280, s5  }
0x205: {  	[tilespmem:s10], [sflag:$0x1] =	stream.linear.gather @!p1 [hbm4b:s8+s6], $0x800, $0x38;
	[tilespmem:$0x14000] =	vst v63  }
0x206: {  	s26 =	simm.s32 $0x8;
	s8 =	sadd.s32 @!p1 $0x1E8500, s5;
	s10 =	simm.s32 @!p1 $0x1800  }
0x207: {  	[tilespmem:s10], [sflag:$0x1] =	stream.linear.gather @!p1 [hbm4b:s8+s6], $0x800, $0x38;
	[tilespmem:$0x14000] =	vst v63  }
0x208: {  	s30 =	simm.s32 $0xA;
	s8 =	sadd.s32 @!p1 $0x2DC780, s5;
	s10 =	simm.s32 @!p1 $0x2400  }
0x209: {  	[tilespmem:s10], [sflag:$0x1] =	stream.linear.gather @!p1 [hbm4b:s8+s6], $0x800, $0x38;
	[tilespmem:$0x14000] =	vst v63  }
0x20a: {  	s12 =	simm.s32 $0xC;
	s8 =	sadd.s32 @!p1 $0x3D0A00, s5;
	s10 =	simm.s32 @!p1 $0x3000  }
0x20b: {  	v4 =	vmov s22;
	[tilespmem:s10], [sflag:$0x1] =	stream.linear.gather @!p1 [hbm4b:s8+s6], $0x800, $0x38;
	[tilespmem:$0x14000] =	vst v63  }
0x20c: {  	s15 =	simm.s32 $0x5;
	v5 =	vmov s23;
	v7 =	vmov s24;
	v8 =	vmov s25;
	s8 =	sadd.s32 @!p1 $0x4C4C80, s5;
	s10 =	simm.s32 @!p1 $0x3C00  }
0x20d: {  	v9 =	vmov s26;
	v10 =	vmov s30;
	v13 =	vmov s12;
	[tilespmem:s10], [sflag:$0x1] =	stream.linear.gather @!p1 [hbm4b:s8+s6], $0x800, $0x38;
	[tilespmem:$0x14000] =	vst v63  }
0x20e: {  	v63 =	vmov s15;
	v6 =	vshll.u32 v4, $0x3;
	v4 =	vand.u32 $0x7E, v4;
	s8 =	sadd.s32 @!p1 $0x5B8F00, s5;
	s10 =	simm.s32 @!p1 $0x4800  }
0x20f: {  	v14 =	vshll.u32 v5, $0x3;
	v15 =	vshll.u32 v7, $0x3;
	v16 =	vshll.u32 v8, $0x3;
	[tilespmem:s10], [sflag:$0x1] =	stream.linear.gather @!p1 [hbm4b:s8+s6], $0x800, $0x38;
	[tilespmem:$0x14000] =	vst v63  }
0x210: {  	v17 =	vshll.u32 v9, $0x3;
	v18 =	vshll.u32 v10, $0x3;
	v19 =	vshll.u32 v13, $0x3;
	s5 =	sadd.s32 @!p1 $0x6AD180, s5;
	s8 =	simm.s32 @!p1 $0x5400  }
0x211: {  	v5 =	vand.u32 $0x72, v5;
	v7 =	vand.u32 $0x74, v7;
	v6 =	vand.u32 $0x400, v6;
	[tilespmem:s8], [sflag:$0x1] =	stream.linear.gather @!p1 [hbm4b:s5+s6], $0x800, $0x38;
	[tilespmem:$0x14000] =	vst v63  }
0x212: {  	v8 =	vand.u32 $0x76, v8;
	v9 =	vand.u32 $0x78, v9;
	v4 =	vor.u32 v4, v6;
	_ =	swait.ge [sflag:s1], $0x4000  }
0x213: {  	v10 =	vand.u32 $0x7A, v10;
	v14 =	vand.u32 $0x400, v14;
	v11 =	vadd.s32 v0, v4;
	p1 =	seq.s32 s20, $0x0;
	[sflag:s1] =	ssyncset.done $0x0  }
0x214: {  	s25 =	simm.s32 $0xB;
	v13 =	vand.u32 $0x7C, v13;
	v15 =	vand.u32 $0x400, v15;
	v5 =	vor.u32 v5, v14;
	s6 =	simm.s32 @!p1 $0x4;
	[sflag:s1] =	ssyncadd.s32 $0xFFFFC000  }
0x215: {  	s26 =	simm.s32 $0xD;
	v35 =	vmov s25;
	v7 =	vor.u32 v7, v15;
	v15 =	vadd.s32 v0, v5;
	s10 =	simm.s32 $0x0;
	_ =	swait.ge @!p1 [sflag:s6], $0x4000  }
0x216: {  	v36 =	vmov s26;
	v37 =	vshll.u32 v63, $0x3;
	v61 =	vmov s10;
	[sflag:s6] =	ssyncset.done @!p1 $0x0  }
0x217: {  	v16 =	vand.u32 $0x400, v16;
	v17 =	vand.u32 $0x400, v17;
	v12 =	vshll.u32 v61, $0x3;
	[sflag:s6] =	ssyncadd.s32 @!p1 $0xFFFFC000  }
0x218: {  	v8 =	vor.u32 v8, v16;
	v6 =	vand.u32 $0x70, v61;
	v12 =	vand.u32 $0x400, v12;
	v11 =	vld.idx.msk [tilespmem:v11+s0+$0x0], $0xffff  }
0x219: {  	s30 =	simm.s32 $0xF;
	v9 =	vor.u32 v9, v17;
	v17 =	vadd.s32 v0, v8;
	v6 =	vor.u32 v6, v12  }
0x21a: {  	v41 =	vmov s30;
	v18 =	vand.u32 $0x400, v18;
	v14 =	vadd.s32 v0, v6;
	v15 =	vld.idx.msk [tilespmem:v15+s0+$0x0], $0xffff  }
0x21b: {  	v19 =	vand.u32 $0x400, v19;
	v10 =	vor.u32 v10, v18;
	v12 =	vadd.s32 v1, v4  }
0x21c: {  	v13 =	vor.u32 v13, v19;
	v16 =	vadd.s32 v0, v7;
	v62 =	vadd.s32 v0, v10  }
0x21d: {  	v18 =	vadd.s32 v0, v9;
	v20 =	vadd.s32 v1, v5;
	v11 =	vmul.f32 $8.000000000e+00, v11  }
0x21e: {  	s22 =	simm.s32 $0x10200;
	v21 =	vadd.s32 v0, v13;
	v22 =	vadd.s32 v1, v7;
	v23 =	vadd.s32 v1, v8;
	v17 =	vld.idx.msk [tilespmem:v17+s0+$0x0], $0xffff  }
0x21f: {  	v24 =	vadd.s32 v1, v9;
	v26 =	vadd.s32 v1, v10;
	v14 =	vld.idx.msk [tilespmem:v14+s0+$0x0], $0xffff;
	v15 =	vmul.f32 $8.000000000e+00, v15;
	[tilespmem:s22+$0x180] =	vst v11  }
0x220: {  	v27 =	vadd.s32 v1, v13;
	v28 =	vadd.s32 v2, v5;
	v29 =	vadd.s32 v2, v4;
	v12 =	vld.idx.msk [tilespmem:v12+s0+$0x0], $0xffff  }
0x221: {  	v46 =	vand.u32 $0x7D, v36;
	v30 =	vadd.s32 v2, v7;
	v31 =	vadd.s32 v2, v8;
	v11 =	vld.idx.msk [tilespmem:v62+s0+$0x0], $0xffff;
	[tilespmem:s22+$0xFFFFFE80] =	vst v15  }
0x222: {  	v32 =	vadd.s32 v2, v9;
	v33 =	vadd.s32 v2, v10;
	v19 =	vadd.s32 v1, v6;
	v20 =	vld.idx.msk [tilespmem:v20+s0+$0x0], $0xffff  }
0x223: {  	v34 =	vadd.s32 v2, v13;
	v5 =	vadd.s32 v3, v5;
	v16 =	vld.idx.msk [tilespmem:v16+s0+$0x0], $0xffff;
	v15 =	vmul.f32 $8.000000000e+00, v17  }
0x224: {  	v7 =	vadd.s32 v3, v7;
	v8 =	vadd.s32 v3, v8;
	v18 =	vld.idx.msk [tilespmem:v18+s0+$0x0], $0xffff;
	v14 =	vmul.f32 $8.000000000e+00, v14  }
0x225: {  	v9 =	vadd.s32 v3, v9;
	v10 =	vadd.s32 v3, v10;
	s8 =	simm.s32 $0x1E;
	v21 =	vld.idx.msk [tilespmem:v21+s0+$0x0], $0xffff;
	[tilespmem:s22+$0xFFFFFF80] =	vst v15;
	v12 =	vmul.f32 $8.000000000e+00, v12  }
0x226: {  	v13 =	vadd.s32 v3, v13;
	v61 =	vmov s8;
	[tilespmem:s22+$0xFFFFFE00] =	vst v14;
	v23 =	vld.idx.msk [tilespmem:v23+s0+$0x0], $0xffff;
	v11 =	vmul.f32 $8.000000000e+00, v11  }
0x227: {  	s24 =	simm.s32 $0x9;
	v4 =	vadd.s32 v3, v4;
	v25 =	vadd.s32 v2, v6;
	v19 =	vld.idx.msk [tilespmem:v19+s0+$0x0], $0xffff;
	v20 =	vmul.f32 $8.000000000e+00, v20;
	[tilespmem:s22+$0x190] =	vst v12  }
0x228: {  	s14 =	simm.s32 $0x3;
	s12 =	simm.s32 $0x16;
	v6 =	vadd.s32 v3, v6;
	v15 =	vmov s24;
	[tilespmem:s22+$0x80] =	vst v11;
	v12 =	vmul.f32 $8.000000000e+00, v16;
	v14 =	vld.idx.msk [tilespmem:v29+s0+$0x0], $0xffff  }
0x229: {  	v17 =	vmov s14;
	v62 =	vmov s12;
	v38 =	vshll.u32 v15, $0x3;
	v26 =	vld.idx.msk [tilespmem:v26+s0+$0x0], $0xffff;
	[tilespmem:s22+$0xFFFFFE90] =	vst v20  }
0x22a: {  	s13 =	simm.s32 $0x1;
	v15 =	vand.u32 $0x79, v15;
	v11 =	vand.u32 $0x7F, v41;
	v28 =	vld.idx.msk [tilespmem:v28+s0+$0x0], $0xffff;
	[tilespmem:s22+$0xFFFFFF00] =	vst v12;
	v12 =	vmul.f32 $8.000000000e+00, v18  }
0x22b: {  	s23 =	simm.s32 $0x7;
	v16 =	vmov s13;
	v20 =	vmul.f32 $8.000000000e+00, v23;
	v23 =	vshll.u32 v35, $0x3;
	v22 =	vld.idx.msk [tilespmem:v22+s0+$0x0], $0xffff  }
0x22c: {  	v23 =	vand.u32 $0x7FFFFC00, v23;
	v18 =	vmov s23;
	[tilespmem:s22+$0x0] =	vst v12;
	v12 =	vmul.f32 $8.000000000e+00, v21  }
0x22d: {  	[tilespmem:s22+$0xFFFFFF90] =	vst v20;
	v21 =	vshll.u32 v16, $0x3;
	v16 =	vand.u32 $0x71, v16;
	v24 =	vld.idx.msk [tilespmem:v24+s0+$0x0], $0xffff;
	v40 =	vmul.f32 $8.000000000e+00, v14  }
0x22e: {  	v42 =	vand.u32 $0x400, v21;
	v20 =	vmul.f32 $8.000000000e+00, v26;
	[tilespmem:s22+$0x100] =	vst v12;
	v12 =	vmul.f32 $8.000000000e+00, v19  }
0x22f: {  	v26 =	vshll.u32 v36, $0x3;
	v14 =	vshll.u32 v17, $0x3;
	v19 =	vshll.u32 v18, $0x3;
	v27 =	vld.idx.msk [tilespmem:v27+s0+$0x0], $0xffff;
	[tilespmem:s22+$0x1A0] =	vst v40  }
0x230: {  	v28 =	vmul.f32 $8.000000000e+00, v28;
	[tilespmem:s22+$0xFFFFFE10] =	vst v12;
	v12 =	vmul.f32 $8.000000000e+00, v22;
	v22 =	vshll.u32 v41, $0x3;
	v4 =	vld.idx.msk [tilespmem:v4+s0+$0x0], $0xffff  }
0x231: {  	v18 =	vand.u32 $0x77, v18;
	v14 =	vand.u32 $0x7FFFFC00, v14;
	v25 =	vld.idx.msk [tilespmem:v25+s0+$0x0], $0xffff;
	v22 =	vand.u32 $0x7FFFFC00, v22  }
0x232: {  	v43 =	vld.idx.msk [tilespmem:v31+s0+$0x0], $0xffff;
	v19 =	vand.u32 $0x7FFFFC00, v19;
	[tilespmem:s22+$0xFFFFFF10] =	vst v12;
	v12 =	vmul.f32 $8.000000000e+00, v24;
	v22 =	vor.u32 v11, v22  }
0x233: {  	s23 =	simm.s32 $0x1C;
	[tilespmem:s22+$0x90] =	vst v20;
	v20 =	vand.u32 $0x7FFFFC00, v38;
	v18 =	vor.u32 v18, v19;
	v21 =	vld.idx.msk [tilespmem:v30+s0+$0x0], $0xffff;
	v24 =	vadd.s32 v0, v22  }
0x234: {  	v45 =	vld.idx.msk [tilespmem:v33+s0+$0x0], $0xffff;
	v15 =	vor.u32 v15, v20;
	v40 =	vmov s23;
	[tilespmem:s22+$0x10] =	vst v12;
	v12 =	vmul.f32 $8.000000000e+00, v27  }
0x235: {  	[tilespmem:s22+$0xFFFFFEA0] =	vst v28;
	v20 =	vadd.s32 v0, v15;
	v55 =	vadd.s32 v1, v18;
	v44 =	vld.idx.msk [tilespmem:v32+s0+$0x0], $0xffff;
	v4 =	vmul.f32 $8.000000000e+00, v4  }
0x236: {  	v5 =	vld.idx.msk [tilespmem:v5+s0+$0x0], $0xffff;
	v56 =	vadd.s32 v1, v15;
	v11 =	vor.u32 v16, v42;
	[tilespmem:s22+$0x110] =	vst v12;
	v12 =	vmul.f32 $8.000000000e+00, v25  }
0x237: {  	v16 =	vand.u32 $0x7B, v35;
	v47 =	vadd.s32 v1, v22;
	v25 =	vand.u32 $0x7FFFFC00, v26;
	v26 =	vld.idx.msk [tilespmem:v34+s0+$0x0], $0xffff;
	[tilespmem:s22+$0x1B0] =	vst v4  }
0x238: {  	v16 =	vor.u32 v16, v23;
	v53 =	vadd.s32 v2, v22;
	[tilespmem:s22+$0xFFFFFE20] =	vst v12;
	v12 =	vmul.f32 $8.000000000e+00, v21;
	v21 =	vld.idx.msk [tilespmem:v24+s0+$0x0], $0xffff  }
0x239: {  	v27 =	vand.u32 $0x7FFFFC00, v37;
	v23 =	vadd.s32 v0, v16;
	v6 =	vld.idx.msk [tilespmem:v6+s0+$0x0], $0xffff;
	v24 =	vmul.f32 $8.000000000e+00, v43  }
0x23a: {  	v30 =	vadd.s32 v1, v16;
	v32 =	vadd.s32 v2, v11;
	[tilespmem:s22+$0xFFFFFF20] =	vst v12;
	v12 =	vmul.f32 $8.000000000e+00, v44  }
0x23b: {  	v5 =	vmul.f32 $8.000000000e+00, v5;
	v4 =	vand.u32 $0x73, v17;
	v7 =	vld.idx.msk [tilespmem:v7+s0+$0x0], $0xffff;
	[tilespmem:s22+$0xFFFFFFA0] =	vst v24;
	v24 =	vmul.f32 $8.000000000e+00, v45  }
0x23c: {  	v17 =	vand.u32 $0x75, v63;
	v14 =	vor.u32 v4, v14;
	[tilespmem:s22+$0x20] =	vst v12;
	v12 =	vmul.f32 $8.000000000e+00, v26  }
0x23d: {  	v4 =	vadd.s32 v0, v11;
	v17 =	vor.u32 v17, v27;
	v8 =	vld.idx.msk [tilespmem:v8+s0+$0x0], $0xffff;
	[tilespmem:s22+$0xA0] =	vst v24;
	v21 =	vmul.f32 $8.000000000e+00, v21  }
0x23e: {  	s13 =	simm.s32 $0x18;
	v19 =	vadd.s32 v0, v17;
	v26 =	vadd.s32 v0, v14;
	v9 =	vld.idx.msk [tilespmem:v9+s0+$0x0], $0xffff;
	[tilespmem:s22+$0x120] =	vst v12;
	v6 =	vmul.f32 $8.000000000e+00, v6  }
0x23f: {  	v63 =	vmov s13;
	v27 =	vadd.s32 v1, v17;
	v33 =	vadd.s32 v2, v17;
	v10 =	vld.idx.msk [tilespmem:v10+s0+$0x0], $0xffff;
	[tilespmem:s22+$0x1C0] =	vst v21  }
0x240: {  	v44 =	vshll.u32 v62, $0x3;
	v12 =	vadd.s32 v0, v18;
	v13 =	vld.idx.msk [tilespmem:v13+s0+$0x0], $0xffff;
	[tilespmem:s22+$0xFFFFFE30] =	vst v6;
	v48 =	vmul.f32 $8.000000000e+00, v7  }
0x241: {  	v21 =	vor.u32 v46, v25;
	v25 =	vadd.s32 v1, v14;
	v7 =	vadd.s32 v3, v18;
	v49 =	vld.idx.msk [tilespmem:v47+s0+$0x0], $0xffff  }
0x242: {  	[tilespmem:s22+$0xFFFFFEB0] =	vst v5;
	v6 =	vadd.s32 v3, v15;
	v4 =	vld.idx.msk [tilespmem:v4+s0+$0x0], $0xffff;
	v5 =	vmul.f32 $8.000000000e+00, v8;
	v50 =	vadd.s32 v0, v21  }
0x243: {  	s15 =	simm.s32 $0x10;
	v24 =	vld.idx.msk [tilespmem:v26+s0+$0x0], $0xffff;
	v31 =	vadd.s32 v1, v21;
	[tilespmem:s22+$0xFFFFFF30] =	vst v48;
	v51 =	vmul.f32 $8.000000000e+00, v9;
	v9 =	vadd.s32 v3, v17  }
0x244: {  	v48 =	vmov s15;
	v52 =	vld.idx.msk [tilespmem:v19+s0+$0x0], $0xffff;
	[tilespmem:s22+$0xFFFFFFB0] =	vst v5;
	v5 =	vmul.f32 $8.000000000e+00, v10;
	v19 =	vadd.s32 v1, v11  }
0x245: {  	v11 =	vadd.s32 v3, v11;
	v10 =	vadd.s32 v3, v14;
	v26 =	vld.idx.msk [tilespmem:v12+s0+$0x0], $0xffff;
	[tilespmem:s22+$0x30] =	vst v51;
	v54 =	vmul.f32 $8.000000000e+00, v13  }
0x246: {  	s14 =	simm.s32 $0x1A;
	v39 =	vshll.u32 v48, $0x3;
	v13 =	vadd.s32 v2, v16;
	v20 =	vld.idx.msk [tilespmem:v20+s0+$0x0], $0xffff;
	[tilespmem:s22+$0xB0] =	vst v5;
	v5 =	vmul.f32 $8.000000000e+00, v49  }
0x247: {  	v12 =	vadd.s32 v2, v21;
	v23 =	vld.idx.msk [tilespmem:v23+s0+$0x0], $0xffff;
	[tilespmem:s22+$0x130] =	vst v54;
	v4 =	vmul.f32 $8.000000000e+00, v4;
	v49 =	vmov s14  }
0x248: {  	v57 =	vmul.f32 $8.000000000e+00, v24;
	v24 =	vadd.s32 v2, v14;
	v8 =	vld.idx.msk [tilespmem:v50+s0+$0x0], $0xffff;
	v45 =	vshll.u32 v49, $0x3;
	[tilespmem:s22+$0x1D0] =	vst v5  }
0x249: {  	[tilespmem:s22+$0xFFFFFE40] =	vst v4;
	v58 =	vmul.f32 $8.000000000e+00, v52;
	v5 =	vadd.s32 v2, v18;
	v4 =	vadd.s32 v2, v15;
	v59 =	vld.idx.msk [tilespmem:v53+s0+$0x0], $0xffff  }
0x24a: {  	v50 =	vand.u32 $0x400, v39;
	[tilespmem:s22+$0xFFFFFEC0] =	vst v57;
	v18 =	vadd.s32 v3, v22;
	v15 =	vadd.s32 v3, v16;
	v19 =	vld.idx.msk [tilespmem:v19+s0+$0x0], $0xffff  }
0x24b: {  	v22 =	vshll.u32 v61, $0x3;
	v57 =	vand.u32 $0x76, v62;
	v25 =	vld.idx.msk [tilespmem:v25+s0+$0x0], $0xffff;
	v17 =	vmul.f32 $8.000000000e+00, v26;
	[tilespmem:s22+$0xFFFFFF40] =	vst v58  }
0x24c: {  	v22 =	vand.u32 $0x400, v22;
	v53 =	vand.u32 $0x400, v44;
	v14 =	vld.idx.msk [tilespmem:v27+s0+$0x0], $0xffff;
	[tilespmem:$0x1FEE0] =	vst v15;
	v15 =	vadd.s32 v3, v21  }
0x24d: {  	s6 =	simm.s32 $0x12;
	v20 =	vmul.f32 $8.000000000e+00, v20;
	v58 =	vand.u32 $0x7A, v49;
	v23 =	vmul.f32 $8.000000000e+00, v23;
	[tilespmem:$0x1FEF0] =	vst v15  }
0x24e: {  	v21 =	vmov s6;
	v26 =	vmul.f32 $8.000000000e+00, v8;
	v8 =	vand.u32 $0x7E, v61;
	[tilespmem:s22+$0xFFFFFFC0] =	vst v17  }
0x24f: {  	v29 =	vor.u32 v57, v53;
	v42 =	vshll.u32 v21, $0x3;
	v38 =	vor.u32 v8, v22;
	[tilespmem:s22+$0x40] =	vst v20  }
0x250: {  	v17 =	vshll.u32 v63, $0x3;
	[tilespmem:s22+$0xC0] =	vst v23;
	v60 =	vmul.f32 $8.000000000e+00, v59;
	v41 =	vadd.s32 v0, v38  }
0x251: {  	v51 =	vand.u32 $0x400, v42;
	v20 =	vshll.u32 v40, $0x3;
	v19 =	vmul.f32 $8.000000000e+00, v19;
	v22 =	vld.idx.msk [tilespmem:v55+s0+$0x0], $0xffff;
	[tilespmem:s22+$0x140] =	vst v26  }
0x252: {  	s10 =	simm.s32 $0x14;
	v23 =	vand.u32 $0x70, v48;
	v25 =	vmul.f32 $8.000000000e+00, v25;
	v26 =	vand.u32 $0x72, v21;
	v21 =	vld.idx.msk [tilespmem:v31+s0+$0x0], $0xffff;
	[tilespmem:s22+$0x1E0] =	vst v60  }
0x253: {  	v54 =	vand.u32 $0x400, v17;
	v27 =	vmul.f32 $8.000000000e+00, v14;
	[tilespmem:s22+$0xFFFFFE50] =	vst v19;
	v14 =	vld.idx.msk [tilespmem:v18+s0+$0x0], $0xffff;
	v18 =	vmov s10  }
0x254: {  	v23 =	vor.u32 v23, v50;
	v26 =	vor.u32 v26, v51;
	v17 =	vld.idx.msk [tilespmem:v32+s0+$0x0], $0xffff;
	v43 =	vshll.u32 v18, $0x3  }
0x255: {  	v61 =	vadd.s32 v0, v23;
	[tilespmem:s22+$0xFFFFFED0] =	vst v25;
	v18 =	vand.u32 $0x74, v18;
	v52 =	vand.u32 $0x400, v43;
	v41 =	vld.idx.msk [tilespmem:v41+s0+$0x0], $0xffff  }
0x256: {  	v19 =	vand.u32 $0x78, v63;
	[tilespmem:s22+$0xFFFFFF50] =	vst v27;
	v27 =	vadd.s32 v0, v26;
	v25 =	vor.u32 v18, v52;
	v18 =	vld.idx.msk [tilespmem:v24+s0+$0x0], $0xffff  }
0x257: {  	v8 =	vadd.s32 v0, v29;
	v24 =	vor.u32 v19, v54;
	v19 =	vld.idx.msk [tilespmem:v33+s0+$0x0], $0xffff;
	v63 =	vadd.s32 v0, v25  }
0x258: {  	v55 =	vand.u32 $0x400, v45;
	v60 =	vadd.s32 v1, v38;
	v15 =	vmul.f32 $8.000000000e+00, v14;
	v14 =	vld.idx.msk [tilespmem:v56+s0+$0x0], $0xffff  }
0x259: {  	v42 =	vadd.s32 v1, v29;
	v31 =	vor.u32 v58, v55;
	v56 =	vand.u32 $0x400, v20;
	v20 =	vld.idx.msk [tilespmem:v30+s0+$0x0], $0xffff  }
0x25a: {  	v59 =	vand.u32 $0x7C, v40;
	v57 =	vadd.s32 v0, v31;
	v30 =	vld.idx.msk [tilespmem:v61+s0+$0x0], $0xffff;
	v62 =	vmul.f32 $8.000000000e+00, v41  }
0x25b: {  	s23 =	simm.s32 $0x10600;
	v49 =	vadd.s32 v2, v38;
	v33 =	vor.u32 v59, v56;
	v56 =	vadd.s32 v0, v24;
	v27 =	vld.idx.msk [tilespmem:v27+s0+$0x0], $0xffff  }
0x25c: {  	s25 =	simm.s32 $0x13;
	v50 =	vadd.s32 v2, v29;
	v59 =	vadd.s32 v0, v33;
	[tilespmem:s23+$0x180] =	vst v62;
	v34 =	vld.idx.msk [tilespmem:v63+s0+$0x0], $0xffff  }
0x25d: {  	v29 =	vadd.s32 v3, v29;
	v40 =	vmov s25;
	v58 =	vadd.s32 v1, v23;
	v28 =	vld.idx.msk [tilespmem:v60+s0+$0x0], $0xffff  }
0x25e: {  	v44 =	vadd.s32 v2, v23;
	v39 =	vadd.s32 v1, v26;
	v35 =	vld.idx.msk [tilespmem:v8+s0+$0x0], $0xffff;
	v48 =	vadd.s32 v2, v25  }
0x25f: {  	v54 =	vadd.s32 v3, v25;
	v60 =	vadd.s32 v1, v25;
	v25 =	vld.idx.msk [tilespmem:v57+s0+$0x0], $0xffff;
	v30 =	vmul.f32 $8.000000000e+00, v30  }
0x260: {  	v23 =	vadd.s32 v3, v23;
	v47 =	vadd.s32 v2, v26;
	s10 =	simm.s32 $0x1D;
	v36 =	vld.idx.msk [tilespmem:v56+s0+$0x0], $0xffff;
	v27 =	vmul.f32 $8.000000000e+00, v27  }
0x261: {  	v26 =	vadd.s32 v3, v26;
	v37 =	vmov s10;
	v62 =	vld.idx.msk [tilespmem:v59+s0+$0x0], $0xffff;
	[tilespmem:s23+$0xFFFFFE00] =	vst v30;
	v63 =	vmul.f32 $8.000000000e+00, v34  }
0x262: {  	v22 =	vmul.f32 $8.000000000e+00, v22;
	v61 =	vadd.s32 v1, v31;
	v32 =	vld.idx.msk [tilespmem:v58+s0+$0x0], $0xffff;
	[tilespmem:s23+$0xFFFFFE80] =	vst v27;
	v28 =	vmul.f32 $8.000000000e+00, v28  }
0x263: {  	v52 =	vadd.s32 v2, v31;
	v43 =	vadd.s32 v1, v24;
	v27 =	vmul.f32 $8.000000000e+00, v35;
	v39 =	vld.idx.msk [tilespmem:v39+s0+$0x0], $0xffff;
	[tilespmem:s23+$0xFFFFFF00] =	vst v63  }
0x264: {  	v51 =	vadd.s32 v2, v24;
	v24 =	vadd.s32 v3, v24;
	v25 =	vmul.f32 $8.000000000e+00, v25;
	[tilespmem:s23+$0x190] =	vst v28;
	v41 =	vld.idx.msk [tilespmem:v60+s0+$0x0], $0xffff  }
0x265: {  	v46 =	vadd.s32 v1, v33;
	v53 =	vadd.s32 v2, v33;
	[tilespmem:s23+$0xFFFFFF80] =	vst v27;
	v59 =	vmul.f32 $8.000000000e+00, v36;
	v8 =	vld.idx.msk [tilespmem:v49+s0+$0x0], $0xffff  }
0x266: {  	s26 =	simm.s32 $0x15;
	v14 =	vmul.f32 $8.000000000e+00, v14;
	v56 =	vshll.u32 v40, $0x3;
	v42 =	vld.idx.msk [tilespmem:v42+s0+$0x0], $0xffff;
	v60 =	vmul.f32 $8.000000000e+00, v62;
	[tilespmem:s23+$0x80] =	vst v25  }
0x267: {  	s24 =	simm.s32 $0x11;
	v40 =	vand.u32 $0x73, v40;
	v35 =	vmov s26;
	[tilespmem:s23+$0x0] =	vst v59;
	v45 =	vld.idx.msk [tilespmem:v61+s0+$0x0], $0xffff;
	v61 =	vmul.f32 $8.000000000e+00, v32  }
0x268: {  	s8 =	simm.s32 $0x1B;
	v34 =	vmov s24;
	v27 =	vadd.s32 v3, v38;
	v43 =	vld.idx.msk [tilespmem:v43+s0+$0x0], $0xffff;
	[tilespmem:s23+$0x100] =	vst v60;
	v39 =	vmul.f32 $8.000000000e+00, v39  }
0x269: {  	s6 =	simm.s32 $0x19;
	v38 =	vmov s8;
	v55 =	vshll.u32 v34, $0x3;
	[tilespmem:s23+$0xFFFFFE10] =	vst v61;
	v62 =	vmul.f32 $8.000000000e+00, v41  }
0x26a: {  	v34 =	vand.u32 $0x71, v34;
	v36 =	vmov s6;
	v46 =	vld.idx.msk [tilespmem:v46+s0+$0x0], $0xffff;
	[tilespmem:s23+$0xFFFFFE90] =	vst v39;
	v25 =	vmul.f32 $8.000000000e+00, v8  }
0x26b: {  	v58 =	vshll.u32 v38, $0x3;
	v38 =	vand.u32 $0x7B, v38;
	v44 =	vld.idx.msk [tilespmem:v44+s0+$0x0], $0xffff;
	v8 =	vmul.f32 $8.000000000e+00, v42;
	[tilespmem:s23+$0xFFFFFF10] =	vst v62  }
0x26c: {  	s12 =	simm.s32 $0x1F;
	v28 =	vadd.s32 v3, v31;
	v31 =	vadd.s32 v3, v33;
	v47 =	vld.idx.msk [tilespmem:v47+s0+$0x0], $0xffff;
	v61 =	vmul.f32 $8.000000000e+00, v45;
	[tilespmem:s23+$0x1A0] =	vst v25  }
0x26d: {  	s30 =	simm.s32 $0x17;
	v33 =	vshll.u32 v35, $0x3;
	v59 =	vmul.f32 $8.000000000e+00, v43;
	v25 =	vmov s12;
	v60 =	vld.idx.msk [tilespmem:v48+s0+$0x0], $0xffff;
	[tilespmem:s23+$0xFFFFFF90] =	vst v8  }
0x26e: {  	v49 =	vmov s30;
	v32 =	vshll.u32 v36, $0x3;
	[tilespmem:s23+$0x90] =	vst v61;
	v27 =	vld.idx.msk [tilespmem:v27+s0+$0x0], $0xffff;
	v63 =	vshll.u32 v25, $0x3  }
0x26f: {  	v8 =	vmul.f32 $8.000000000e+00, v46;
	v25 =	vand.u32 $0x7F, v25;
	[tilespmem:s23+$0x10] =	vst v59;
	v52 =	vld.idx.msk [tilespmem:v52+s0+$0x0], $0xffff;
	v41 =	vand.u32 $0x7FFFFC00, v63  }
0x270: {  	[tilespmem:s22+$0xFFFFFFD0] =	vst v22;
	v51 =	vld.idx.msk [tilespmem:v51+s0+$0x0], $0xffff;
	v25 =	vor.u32 v25, v41;
	v41 =	vand.u32 $0x7FFFFC00, v56;
	v56 =	vmul.f32 $8.000000000e+00, v44  }
0x271: {  	v33 =	vand.u32 $0x7FFFFC00, v33;
	v50 =	vld.idx.msk [tilespmem:v50+s0+$0x0], $0xffff;
	[tilespmem:s23+$0x110] =	vst v8;
	v47 =	vmul.f32 $8.000000000e+00, v47;
	v62 =	vadd.s32 v0, v25  }
0x272: {  	v36 =	vand.u32 $0x79, v36;
	v39 =	vand.u32 $0x7FFFFC00, v58;
	v58 =	vld.idx.msk [tilespmem:v53+s0+$0x0], $0xffff;
	[tilespmem:s23+$0xFFFFFE20] =	vst v56;
	v60 =	vmul.f32 $8.000000000e+00, v60  }
0x273: {  	v57 =	vshll.u32 v49, $0x3;
	v32 =	vand.u32 $0x7FFFFC00, v32;
	[tilespmem:s23+$0xFFFFFEA0] =	vst v47;
	v27 =	vmul.f32 $8.000000000e+00, v27;
	v23 =	vld.idx.msk [tilespmem:v23+s0+$0x0], $0xffff  }
0x274: {  	v42 =	vand.u32 $0x400, v55;
	v63 =	vshll.u32 v37, $0x3;
	v26 =	vld.idx.msk [tilespmem:v26+s0+$0x0], $0xffff;
	v47 =	vmul.f32 $8.000000000e+00, v52;
	[tilespmem:s23+$0xFFFFFF20] =	vst v60  }
0x275: {  	v46 =	vand.u32 $0x7FFFFC00, v57;
	v57 =	vand.u32 $0x7FFFFC00, v63;
	v63 =	vmul.f32 $8.000000000e+00, v51;
	[tilespmem:s23+$0x1B0] =	vst v27;
	v8 =	vld.idx.msk [tilespmem:v54+s0+$0x0], $0xffff  }
0x276: {  	v34 =	vor.u32 v34, v42;
	v40 =	vor.u32 v40, v41;
	[tilespmem:s23+$0xA0] =	vst v47;
	v61 =	vld.idx.msk [tilespmem:v62+s0+$0x0], $0xffff;
	v62 =	vmul.f32 $8.000000000e+00, v50  }
0x277: {  	v59 =	vand.u32 $0x77, v49;
	v52 =	vadd.s32 v0, v40;
	v49 =	vmul.f32 $8.000000000e+00, v58;
	[tilespmem:s23+$0x20] =	vst v63  }
0x278: {  	v51 =	vadd.s32 v0, v34;
	v27 =	vand.u32 $0x75, v35;
	v24 =	vld.idx.msk [tilespmem:v24+s0+$0x0], $0xffff;
	[tilespmem:s23+$0xFFFFFFA0] =	vst v62;
	v23 =	vmul.f32 $8.000000000e+00, v23  }
0x279: {  	v27 =	vor.u32 v27, v33;
	v50 =	vadd.s32 v1, v25;
	[tilespmem:s23+$0x120] =	vst v49;
	v26 =	vmul.f32 $8.000000000e+00, v26;
	v29 =	vld.idx.msk [tilespmem:v29+s0+$0x0], $0xffff  }
0x27a: {  	v32 =	vor.u32 v36, v32;
	v28 =	vld.idx.msk [tilespmem:v28+s0+$0x0], $0xffff;
	v54 =	vadd.s32 v0, v27;
	[tilespmem:s23+$0xFFFFFE30] =	vst v23;
	v23 =	vmul.f32 $8.000000000e+00, v8  }
0x27b: {  	s30 =	simm.s32 $0x20;
	v55 =	vadd.s32 v0, v32;
	v35 =	vor.u32 v59, v46;
	v31 =	vld.idx.msk [tilespmem:v31+s0+$0x0], $0xffff;
	[tilespmem:s23+$0xFFFFFEB0] =	vst v26;
	v53 =	vmul.f32 $8.000000000e+00, v61  }
0x27c: {  	v38 =	vor.u32 v38, v39;
	v45 =	vmov s30;
	v22 =	vadd.s32 v0, v35;
	v39 =	vld.idx.msk [tilespmem:v52+s0+$0x0], $0xffff;
	[tilespmem:s23+$0xFFFFFF30] =	vst v23  }
0x27d: {  	v37 =	vand.u32 $0x7D, v37;
	v56 =	vadd.s32 v0, v38;
	v36 =	vld.idx.msk [tilespmem:v51+s0+$0x0], $0xffff;
	v23 =	vmul.f32 $8.000000000e+00, v24;
	[tilespmem:s23+$0x1C0] =	vst v53  }
0x27e: {  	[tilespmem:s22+$0x50] =	vst v14;
	v48 =	vadd.s32 v1, v38;
	v37 =	vor.u32 v37, v57;
	v57 =	vld.idx.msk [tilespmem:v50+s0+$0x0], $0xffff;
	v26 =	vmul.f32 $8.000000000e+00, v29  }
0x27f: {  	v44 =	vadd.s32 v1, v34;
	v58 =	vadd.s32 v0, v37;
	v24 =	vmul.f32 $8.000000000e+00, v28;
	v41 =	vld.idx.msk [tilespmem:v54+s0+$0x0], $0xffff;
	[tilespmem:s23+$0x30] =	vst v23  }
0x280: {  	v42 =	vmul.f32 $8.000000000e+00, v19;
	v59 =	vadd.s32 v1, v40;
	v46 =	vadd.s32 v1, v35;
	v43 =	vld.idx.msk [tilespmem:v55+s0+$0x0], $0xffff;
	[tilespmem:s23+$0xFFFFFFB0] =	vst v26  }
0x281: {  	v63 =	vmul.f32 $8.000000000e+00, v20;
	v60 =	vadd.s32 v1, v27;
	[tilespmem:s23+$0xB0] =	vst v24;
	v26 =	vld.idx.msk [tilespmem:v22+s0+$0x0], $0xffff;
	v22 =	vmul.f32 $8.000000000e+00, v31  }
0x282: {  	v49 =	vadd.s32 v2, v34;
	v19 =	vadd.s32 v3, v27;
	v62 =	vadd.s32 v2, v25;
	v30 =	vld.idx.msk [tilespmem:v56+s0+$0x0], $0xffff  }
0x283: {  	v5 =	vld.idx.msk [tilespmem:v5+s0+$0x0], $0xffff;
	v52 =	vmul.f32 $8.000000000e+00, v21;
	v55 =	vadd.s32 v2, v38;
	[tilespmem:s23+$0x130] =	vst v22;
	v20 =	vmul.f32 $8.000000000e+00, v57  }
0x284: {  	v61 =	vadd.s32 v1, v32;
	v51 =	vadd.s32 v2, v40;
	v21 =	vmul.f32 $8.000000000e+00, v36;
	v54 =	vld.idx.msk [tilespmem:v58+s0+$0x0], $0xffff;
	[tilespmem:$0x1FEC0] =	vst v55  }
0x285: {  	v28 =	vadd.s32 v1, v37;
	v53 =	vadd.s32 v2, v27;
	v22 =	vmul.f32 $8.000000000e+00, v39;
	[tilespmem:s23+$0x1D0] =	vst v20  }
0x286: {  	v24 =	vadd.s32 v2, v35;
	v39 =	vmul.f32 $8.000000000e+00, v17;
	v56 =	vld.idx.msk [tilespmem:v4+s0+$0x0], $0xffff;
	[tilespmem:s23+$0xFFFFFE40] =	vst v21;
	v4 =	vmul.f32 $8.000000000e+00, v41  }
0x287: {  	s25 =	simm.s32 $0x28;
	v23 =	vadd.s32 v2, v32;
	v58 =	vmul.f32 $8.000000000e+00, v43;
	v30 =	vmul.f32 $8.000000000e+00, v30;
	[tilespmem:s23+$0xFFFFFEC0] =	vst v22;
	v31 =	vld.idx.msk [tilespmem:v62+s0+$0x0], $0xffff  }
0x288: {  	v43 =	vmov s25;
	v20 =	vadd.s32 v2, v37;
	v57 =	vld.idx.msk [tilespmem:v44+s0+$0x0], $0xffff;
	[tilespmem:s23+$0xFFFFFF40] =	vst v4;
	v4 =	vadd.s32 v3, v35  }
0x289: {  	v41 =	vmul.f32 $8.000000000e+00, v18;
	v21 =	vadd.s32 v3, v34;
	v27 =	vld.idx.msk [tilespmem:v59+s0+$0x0], $0xffff;
	[tilespmem:$0x1FED0] =	vst v4;
	v4 =	vadd.s32 v3, v38  }
0x28a: {  	s14 =	simm.s32 $0x2E;
	s24 =	simm.s32 $0x26;
	v22 =	vadd.s32 v3, v40;
	v26 =	vmul.f32 $8.000000000e+00, v26;
	v29 =	vld.idx.msk [tilespmem:v60+s0+$0x0], $0xffff;
	[tilespmem:$0x1FE40] =	vst v4;
	v4 =	vadd.s32 v3, v37  }
0x28b: {  	s13 =	simm.s32 $0x22;
	v40 =	vmov s24;
	v44 =	vmul.f32 $8.000000000e+00, v5;
	v59 =	vmov s14;
	[tilespmem:$0x1FE50] =	vst v4  }
0x28c: {  	s15 =	simm.s32 $0x24;
	v5 =	vadd.s32 v3, v32;
	v35 =	vmov s13;
	v32 =	vand.u32 $0x7E, v59;
	[tilespmem:s23+$0xFFFFFFC0] =	vst v26  }
0x28d: {  	v38 =	vmov s15;
	v8 =	vshll.u32 v35, $0x3;
	v33 =	vmul.f32 $8.000000000e+00, v54;
	[tilespmem:s23+$0x40] =	vst v58  }
0x28e: {  	v35 =	vand.u32 $0x72, v35;
	v36 =	vmul.f32 $8.000000000e+00, v56;
	v31 =	vmul.f32 $8.000000000e+00, v31;
	[tilespmem:s23+$0xC0] =	vst v30  }
0x28f: {  	v34 =	vmul.f32 $8.000000000e+00, v57;
	v27 =	vmul.f32 $8.000000000e+00, v27;
	[tilespmem:s22+$0xD0] =	vst v63;
	v63 =	vshll.u32 v45, $0x3;
	v37 =	vld.idx.msk [tilespmem:v46+s0+$0x0], $0xffff  }
0x290: {  	[tilespmem:s23+$0x140] =	vst v33;
	v57 =	vshll.u32 v38, $0x3;
	v58 =	vshll.u32 v43, $0x3;
	v45 =	vand.u32 $0x70, v45;
	v26 =	vld.idx.msk [tilespmem:v61+s0+$0x0], $0xffff  }
0x291: {  	s26 =	simm.s32 $0x2A;
	[tilespmem:s22+$0xFFFFFE60] =	vst v39;
	v38 =	vand.u32 $0x74, v38;
	v43 =	vand.u32 $0x78, v43;
	v61 =	vshll.u32 v59, $0x3;
	v30 =	vld.idx.msk [tilespmem:v28+s0+$0x0], $0xffff  }
0x292: {  	[tilespmem:s22+$0xFFFFFEE0] =	vst v41;
	v46 =	vmov s26;
	v18 =	vld.idx.msk [tilespmem:v13+s0+$0x0], $0xffff;
	v54 =	vand.u32 $0x400, v58;
	v62 =	vand.u32 $0x400, v61  }
0x293: {  	v17 =	vld.idx.msk [tilespmem:v11+s0+$0x0], $0xffff;
	[tilespmem:s23+$0xFFFFFED0] =	vst v27;
	v27 =	vshll.u32 v40, $0x3;
	v59 =	vshll.u32 v46, $0x3;
	v47 =	vor.u32 v32, v62  }
0x294: {  	s10 =	simm.s32 $0x2C;
	v28 =	vld.idx.msk [tilespmem:v10+s0+$0x0], $0xffff;
	[tilespmem:s23+$0x1E0] =	vst v31;
	v31 =	vand.u32 $0x400, v63;
	v46 =	vand.u32 $0x7A, v46;
	v50 =	vadd.s32 v0, v47  }
0x295: {  	[tilespmem:s22+$0x60] =	vst v36;
	v39 =	vor.u32 v43, v54;
	v60 =	vmul.f32 $8.000000000e+00, v29;
	v29 =	vld.idx.msk [tilespmem:v48+s0+$0x0], $0xffff;
	v48 =	vmov s10  }
0x296: {  	[tilespmem:s23+$0xFFFFFE50] =	vst v34;
	v36 =	vld.idx.msk [tilespmem:v6+s0+$0x0], $0xffff;
	v62 =	vand.u32 $0x400, v57;
	v63 =	vand.u32 $0x400, v27;
	v56 =	vand.u32 $0x400, v59  }
0x297: {  	[tilespmem:s22+$0x150] =	vst v52;
	v32 =	vld.idx.msk [tilespmem:v49+s0+$0x0], $0xffff;
	v45 =	vor.u32 v45, v31;
	v61 =	vshll.u32 v48, $0x3;
	v43 =	vor.u32 v46, v56  }
0x298: {  	v33 =	vld.idx.msk [tilespmem:v51+s0+$0x0], $0xffff;
	[tilespmem:s23+$0xFFFFFF50] =	vst v60;
	v60 =	vand.u32 $0x400, v8;
	v57 =	vand.u32 $0x400, v61;
	v61 =	vadd.s32 v0, v45  }
0x299: {  	[tilespmem:s22+$0xFFFFFF60] =	vst v42;
	v59 =	vand.u32 $0x7C, v48;
	v6 =	vadd.s32 v0, v43;
	v48 =	vor.u32 v35, v60;
	v58 =	vld.idx.msk [tilespmem:v50+s0+$0x0], $0xffff  }
0x29a: {  	v27 =	vld.idx.msk [tilespmem:v12+s0+$0x0], $0xffff;
	v38 =	vor.u32 v38, v62;
	v10 =	vor.u32 v59, v57;
	v62 =	vadd.s32 v0, v48  }
0x29b: {  	v31 =	vld.idx.msk [tilespmem:v9+s0+$0x0], $0xffff;
	v51 =	vadd.s32 v0, v10  }
0x29c: {  	v34 =	vld.idx.msk [tilespmem:v53+s0+$0x0], $0xffff;
	v60 =	vadd.s32 v1, v47  }
0x29d: {  	[tilespmem:s22+$0xFFFFFFE0] =	vst v44;
	v40 =	vand.u32 $0x76, v40;
	v44 =	vadd.s32 v0, v38;
	v42 =	vld.idx.msk [tilespmem:v61+s0+$0x0], $0xffff  }
0x29e: {  	v40 =	vor.u32 v40, v63;
	v8 =	vld.idx.msk [tilespmem:v6+s0+$0x0], $0xffff;
	v63 =	vmul.f32 $8.000000000e+00, v58  }
0x29f: {  	s24 =	simm.s32 $0x10A00;
	v46 =	vadd.s32 v0, v39;
	v11 =	vld.idx.msk [tilespmem:v62+s0+$0x0], $0xffff  }
0x2a0: {  	v41 =	vadd.s32 v0, v40;
	v51 =	vld.idx.msk [tilespmem:v51+s0+$0x0], $0xffff;
	[tilespmem:s24+$0x180] =	vst v63  }
0x2a1: {  	v49 =	vadd.s32 v1, v45;
	v9 =	vld.idx.msk [tilespmem:v60+s0+$0x0], $0xffff  }
0x2a2: {  	v54 =	vadd.s32 v1, v39;
	v56 =	vadd.s32 v1, v43;
	v44 =	vld.idx.msk [tilespmem:v44+s0+$0x0], $0xffff;
	v6 =	vmul.f32 $8.000000000e+00, v42  }
0x2a3: {  	[tilespmem:s22+$0x1F0] =	vst v15;
	v52 =	vadd.s32 v1, v38;
	v35 =	vld.idx.msk [tilespmem:v7+s0+$0x0], $0xffff;
	v50 =	vadd.s32 v1, v48;
	v8 =	vmul.f32 $8.000000000e+00, v8  }
0x2a4: {  	v14 =	vadd.s32 v3, v38;
	v7 =	vadd.s32 v2, v47;
	v46 =	vld.idx.msk [tilespmem:v46+s0+$0x0], $0xffff;
	v11 =	vmul.f32 $8.000000000e+00, v11;
	[tilespmem:s24+$0xFFFFFE00] =	vst v6  }
0x2a5: {  	v59 =	vadd.s32 v2, v38;
	v38 =	vadd.s32 v3, v43;
	v41 =	vld.idx.msk [tilespmem:v41+s0+$0x0], $0xffff;
	v51 =	vmul.f32 $8.000000000e+00, v51;
	[tilespmem:s24+$0x80] =	vst v8  }
0x2a6: {  	v57 =	vadd.s32 v1, v10;
	v62 =	vadd.s32 v2, v43;
	v49 =	vld.idx.msk [tilespmem:v49+s0+$0x0], $0xffff;
	[tilespmem:s24+$0xFFFFFE80] =	vst v11;
	v43 =	vmul.f32 $8.000000000e+00, v9  }
0x2a7: {  	s12 =	simm.s32 $0x21;
	s26 =	simm.s32 $0x2B;
	v16 =	vadd.s32 v3, v10;
	v63 =	vadd.s32 v2, v10;
	v10 =	vmul.f32 $8.000000000e+00, v44;
	[tilespmem:s24+$0x100] =	vst v51;
	v51 =	vld.idx.msk [tilespmem:v56+s0+$0x0], $0xffff  }
0x2a8: {  	v25 =	vadd.s32 v3, v25;
	s14 =	simm.s32 $0x25;
	v15 =	vmov s12;
	v13 =	vmov s26;
	v50 =	vld.idx.msk [tilespmem:v50+s0+$0x0], $0xffff;
	[tilespmem:s24+$0x190] =	vst v43  }
0x2a9: {  	v12 =	vmov s14;
	v53 =	vadd.s32 v1, v40;
	v46 =	vmul.f32 $8.000000000e+00, v46;
	[tilespmem:s24+$0xFFFFFF00] =	vst v10;
	v7 =	vld.idx.msk [tilespmem:v7+s0+$0x0], $0xffff  }
0x2aa: {  	v55 =	vadd.s32 v2, v45;
	v45 =	vadd.s32 v3, v45;
	v11 =	vmul.f32 $8.000000000e+00, v41;
	v52 =	vld.idx.msk [tilespmem:v52+s0+$0x0], $0xffff  }
0x2ab: {  	v47 =	vadd.s32 v3, v47;
	[tilespmem:s24+$0x0] =	vst v46;
	v6 =	vshll.u32 v15, $0x3;
	v49 =	vmul.f32 $8.000000000e+00, v49  }
0x2ac: {  	v37 =	vmul.f32 $8.000000000e+00, v37;
	v8 =	vand.u32 $0x400, v6;
	v6 =	vld.idx.msk [tilespmem:v54+s0+$0x0], $0xffff;
	[tilespmem:s24+$0xFFFFFF80] =	vst v11;
	v51 =	vmul.f32 $8.000000000e+00, v51  }
0x2ad: {  	v61 =	vadd.s32 v2, v39;
	v39 =	vadd.s32 v3, v39;
	v50 =	vmul.f32 $8.000000000e+00, v50;
	[tilespmem:s24+$0xFFFFFE10] =	vst v49  }
0x2ae: {  	s13 =	simm.s32 $0x23;
	v58 =	vadd.s32 v2, v48;
	v48 =	vadd.s32 v3, v48;
	v53 =	vld.idx.msk [tilespmem:v53+s0+$0x0], $0xffff;
	[tilespmem:s24+$0x90] =	vst v51;
	v7 =	vmul.f32 $8.000000000e+00, v7  }
0x2af: {  	s25 =	simm.s32 $0x29;
	v42 =	vmov s13;
	v11 =	vshll.u32 v12, $0x3;
	v49 =	vmul.f32 $8.000000000e+00, v52;
	[tilespmem:s24+$0xFFFFFE90] =	vst v50;
	v50 =	vld.idx.msk [tilespmem:v55+s0+$0x0], $0xffff  }
0x2b0: {  	s8 =	simm.s32 $0x2F;
	v44 =	vmov s25;
	v60 =	vadd.s32 v2, v40;
	[tilespmem:s24+$0x1A0] =	vst v7;
	v7 =	vand.u32 $0x7FFFFC00, v11;
	v11 =	vld.idx.msk [tilespmem:v57+s0+$0x0], $0xffff  }
0x2b1: {  	s30 =	simm.s32 $0x2D;
	v40 =	vadd.s32 v3, v40;
	[tilespmem:s24+$0xFFFFFF10] =	vst v49;
	v49 =	vmul.f32 $8.000000000e+00, v6;
	v51 =	vld.idx.msk [tilespmem:v62+s0+$0x0], $0xffff;
	v57 =	vmov s8  }
0x2b2: {  	v15 =	vand.u32 $0x71, v15;
	v41 =	vmov s30;
	v47 =	vld.idx.msk [tilespmem:v47+s0+$0x0], $0xffff;
	v52 =	vshll.u32 v57, $0x3  }
0x2b3: {  	v53 =	vmul.f32 $8.000000000e+00, v53;
	[tilespmem:s24+$0x10] =	vst v49;
	v55 =	vand.u32 $0x7F, v57;
	v57 =	vld.idx.msk [tilespmem:v58+s0+$0x0], $0xffff;
	v52 =	vand.u32 $0x7FFFFC00, v52  }
0x2b4: {  	v54 =	vshll.u32 v13, $0x3;
	v56 =	vshll.u32 v41, $0x3;
	v49 =	vld.idx.msk [tilespmem:v61+s0+$0x0], $0xffff;
	v6 =	vor.u32 v55, v52  }
0x2b5: {  	s15 =	simm.s32 $0x27;
	[tilespmem:s24+$0xFFFFFF90] =	vst v53;
	v52 =	vand.u32 $0x7FFFFC00, v54;
	v54 =	vld.idx.msk [tilespmem:v59+s0+$0x0], $0xffff;
	v53 =	vadd.s32 v0, v6;
	v11 =	vmul.f32 $8.000000000e+00, v11  }
0x2b6: {  	[tilespmem:s23+$0xFFFFFFD0] =	vst v37;
	v43 =	vmov s15;
	v61 =	vmul.f32 $8.000000000e+00, v50;
	v55 =	vand.u32 $0x7FFFFC00, v56;
	v56 =	vld.idx.msk [tilespmem:v60+s0+$0x0], $0xffff  }
0x2b7: {  	v25 =	vld.idx.msk [tilespmem:v25+s0+$0x0], $0xffff;
	v46 =	vshll.u32 v43, $0x3;
	v43 =	vand.u32 $0x77, v43;
	v47 =	vmul.f32 $8.000000000e+00, v47;
	[tilespmem:s24+$0x110] =	vst v11  }
0x2b8: {  	v46 =	vand.u32 $0x7FFFFC00, v46;
	v62 =	vand.u32 $0x7B, v13;
	[tilespmem:s24+$0xFFFFFE20] =	vst v61;
	v58 =	vmul.f32 $8.000000000e+00, v57;
	v13 =	vld.idx.msk [tilespmem:v63+s0+$0x0], $0xffff  }
0x2b9: {  	v43 =	vor.u32 v43, v46;
	v61 =	vld.idx.msk [tilespmem:v45+s0+$0x0], $0xffff;
	v46 =	vor.u32 v62, v52;
	v62 =	vmul.f32 $8.000000000e+00, v51;
	[tilespmem:s24+$0x1B0] =	vst v47  }
0x2ba: {  	v10 =	vshll.u32 v42, $0x3;
	v42 =	vand.u32 $0x73, v42;
	v59 =	vmul.f32 $8.000000000e+00, v54;
	[tilespmem:s24+$0xFFFFFEA0] =	vst v58;
	v60 =	vld.idx.msk [tilespmem:v53+s0+$0x0], $0xffff  }
0x2bb: {  	v10 =	vand.u32 $0x7FFFFC00, v10;
	v15 =	vor.u32 v15, v8;
	[tilespmem:s24+$0xA0] =	vst v62;
	v54 =	vmul.f32 $8.000000000e+00, v56;
	v56 =	vld.idx.msk [tilespmem:v48+s0+$0x0], $0xffff  }
0x2bc: {  	v10 =	vor.u32 v42, v10;
	v12 =	vand.u32 $0x75, v12;
	v57 =	vmul.f32 $8.000000000e+00, v49;
	v38 =	vld.idx.msk [tilespmem:v38+s0+$0x0], $0xffff;
	[tilespmem:s24+$0xFFFFFF20] =	vst v59  }
0x2bd: {  	v9 =	vshll.u32 v44, $0x3;
	v58 =	vadd.s32 v0, v15;
	[tilespmem:s24+$0xFFFFFFA0] =	vst v54;
	v14 =	vld.idx.msk [tilespmem:v14+s0+$0x0], $0xffff;
	v59 =	vmul.f32 $8.000000000e+00, v13  }
0x2be: {  	v12 =	vor.u32 v12, v7;
	v63 =	vadd.s32 v0, v10;
	[tilespmem:s24+$0x20] =	vst v57;
	v7 =	vmul.f32 $8.000000000e+00, v61;
	v40 =	vld.idx.msk [tilespmem:v40+s0+$0x0], $0xffff  }
0x2bf: {  	v44 =	vand.u32 $0x79, v44;
	v39 =	vld.idx.msk [tilespmem:v39+s0+$0x0], $0xffff;
	v13 =	vadd.s32 v1, v6;
	v60 =	vmul.f32 $8.000000000e+00, v60;
	[tilespmem:s24+$0x120] =	vst v59  }
0x2c0: {  	v9 =	vand.u32 $0x7FFFFC00, v9;
	v48 =	vadd.s32 v0, v12;
	[tilespmem:s24+$0xFFFFFE30] =	vst v7;
	v8 =	vmul.f32 $8.000000000e+00, v56;
	v16 =	vld.idx.msk [tilespmem:v16+s0+$0x0], $0xffff  }
0x2c1: {  	v44 =	vor.u32 v44, v9;
	v9 =	vld.idx.msk [tilespmem:v24+s0+$0x0], $0xffff;
	v49 =	vadd.s32 v0, v43;
	v59 =	vmul.f32 $8.000000000e+00, v38;
	[tilespmem:s24+$0x1C0] =	vst v60  }
0x2c2: {  	v50 =	vadd.s32 v0, v46;
	v11 =	vld.idx.msk [tilespmem:v58+s0+$0x0], $0xffff;
	v61 =	vmul.f32 $8.000000000e+00, v14;
	[tilespmem:s24+$0xFFFFFEB0] =	vst v8  }
0x2c3: {  	v41 =	vand.u32 $0x7D, v41;
	v45 =	vadd.s32 v0, v44;
	v62 =	vmul.f32 $8.000000000e+00, v40;
	v47 =	vld.idx.msk [tilespmem:v63+s0+$0x0], $0xffff;
	[tilespmem:s24+$0xB0] =	vst v59  }
0x2c4: {  	v41 =	vor.u32 v41, v55;
	v63 =	vmul.f32 $8.000000000e+00, v39;
	v13 =	vld.idx.msk [tilespmem:v13+s0+$0x0], $0xffff;
	[tilespmem:s24+$0xFFFFFF30] =	vst v61  }
0x2c5: {  	v51 =	vadd.s32 v0, v41;
	[tilespmem:s24+$0xFFFFFFB0] =	vst v62;
	v58 =	vld.idx.msk [tilespmem:v48+s0+$0x0], $0xffff;
	v61 =	vmul.f32 $8.000000000e+00, v16  }
0x2c6: {  	v60 =	vld.idx.msk [tilespmem:v49+s0+$0x0], $0xffff;
	[tilespmem:s24+$0x30] =	vst v63  }
0x2c7: {  	v4 =	vadd.s32 v2, v46;
	v40 =	vmul.f32 $8.000000000e+00, v26;
	v63 =	vld.idx.msk [tilespmem:v50+s0+$0x0], $0xffff;
	[tilespmem:s24+$0x130] =	vst v61  }
0x2c8: {  	v62 =	vld.idx.msk [tilespmem:v45+s0+$0x0], $0xffff;
	[tilespmem:$0x1FE60] =	vst v4  }
0x2c9: {  	v16 =	vadd.s32 v2, v6;
	v13 =	vmul.f32 $8.000000000e+00, v13;
	v4 =	vadd.s32 v2, v41;
	[tilespmem:s23+$0x50] =	vst v40  }
0x2ca: {  	v51 =	vld.idx.msk [tilespmem:v51+s0+$0x0], $0xffff;
	[tilespmem:$0x1FE70] =	vst v4  }
0x2cb: {  	v42 =	vadd.s32 v1, v15;
	v11 =	vmul.f32 $8.000000000e+00, v11;
	v4 =	vadd.s32 v3, v15;
	[tilespmem:s24+$0x1D0] =	vst v13  }
0x2cc: {  	v37 =	vadd.s32 v1, v10;
	v23 =	vld.idx.msk [tilespmem:v23+s0+$0x0], $0xffff;
	[tilespmem:$0x1FE80] =	vst v4  }
0x2cd: {  	v40 =	vmul.f32 $8.000000000e+00, v9;
	v9 =	vmul.f32 $8.000000000e+00, v47;
	v4 =	vadd.s32 v3, v10;
	[tilespmem:s24+$0xFFFFFE40] =	vst v11  }
0x2ce: {  	v16 =	vld.idx.msk [tilespmem:v16+s0+$0x0], $0xffff;
	[tilespmem:$0x1FE90] =	vst v4  }
0x2cf: {  	v13 =	vmul.f32 $8.000000000e+00, v58;
	v4 =	vadd.s32 v3, v12;
	[tilespmem:s24+$0xFFFFFEC0] =	vst v9  }
0x2d0: {  	v56 =	vadd.s32 v2, v15;
	v15 =	vmul.f32 $8.000000000e+00, v18;
	v18 =	vld.idx.msk [tilespmem:v42+s0+$0x0], $0xffff;
	[tilespmem:$0x1FEA0] =	vst v4  }
0x2d1: {  	v47 =	vmul.f32 $8.000000000e+00, v27;
	v27 =	vmul.f32 $8.000000000e+00, v60;
	v4 =	vadd.s32 v3, v43;
	[tilespmem:s24+$0xFFFFFF40] =	vst v13  }
0x2d2: {  	v58 =	vld.idx.msk [tilespmem:v37+s0+$0x0], $0xffff;
	v13 =	vmul.f32 $8.000000000e+00, v62;
	[tilespmem:$0x1FEB0] =	vst v4  }
0x2d3: {  	v11 =	vmul.f32 $8.000000000e+00, v63;
	[tilespmem:s24+$0xFFFFFFC0] =	vst v27  }
0x2d4: {  	v51 =	vmul.f32 $8.000000000e+00, v51;
	[tilespmem:s24+$0x40] =	vst v13  }
0x2d5: {  	v52 =	vadd.s32 v1, v12;
	v39 =	vmul.f32 $8.000000000e+00, v29;
	[tilespmem:s24+$0xC0] =	vst v11  }
0x2d6: {  	v53 =	vadd.s32 v1, v43;
	v16 =	vmul.f32 $8.000000000e+00, v16;
	[tilespmem:s24+$0x140] =	vst v51  }
0x2d7: {  	v54 =	vadd.s32 v1, v44;
	[tilespmem:s23+$0xD0] =	vst v39  }
0x2d8: {  	v14 =	vadd.s32 v1, v46;
	[tilespmem:s24+$0x1E0] =	vst v16  }
0x2d9: {  	v55 =	vadd.s32 v1, v41;
	v4 =	vld [tilespmem:$0x1FEC0]  }
0x2da: {  	v59 =	vld.idx.msk [tilespmem:v52+s0+$0x0], $0xffff  }
0x2db: {  	v30 =	vmul.f32 $8.000000000e+00, v30;
	v50 =	vmul.f32 $8.000000000e+00, v34;
	v34 =	vld.idx.msk [tilespmem:v53+s0+$0x0], $0xffff  }
0x2dc: {  	s26 =	simm.s32 $0x30;
	v17 =	vmul.f32 $8.000000000e+00, v17;
	v25 =	vmul.f32 $8.000000000e+00, v25;
	v24 =	vadd.s32 v2, v43;
	v7 =	vld.idx.msk [tilespmem:v54+s0+$0x0], $0xffff  }
0x2dd: {  	v57 =	vadd.s32 v2, v10;
	v38 =	vmov s26;
	v49 =	vmul.f32 $8.000000000e+00, v32;
	v9 =	vld.idx.msk [tilespmem:v14+s0+$0x0], $0xffff  }
0x2de: {  	s15 =	simm.s32 $0x38;
	v8 =	vadd.s32 v2, v44;
	v48 =	vadd.s32 v2, v12;
	v45 =	vmul.f32 $8.000000000e+00, v33;
	v10 =	vld.idx.msk [tilespmem:v55+s0+$0x0], $0xffff;
	[tilespmem:s23+$0x150] =	vst v30  }
0x2df: {  	v60 =	vmul.f32 $8.000000000e+00, v36;
	v12 =	vadd.s32 v3, v46;
	v46 =	vmov s15;
	[tilespmem:s23+$0xFFFFFE60] =	vst v49;
	v30 =	vld.idx.msk [tilespmem:v20+s0+$0x0], $0xffff  }
0x2e0: {  	v42 =	vmul.f32 $8.000000000e+00, v28;
	v43 =	vmul.f32 $8.000000000e+00, v31;
	v52 =	vadd.s32 v3, v6;
	v26 =	vld.idx.msk [tilespmem:v21+s0+$0x0], $0xffff  }
0x2e1: {  	s13 =	simm.s32 $0x34;
	v29 =	vshll.u32 v46, $0x3;
	v37 =	vmul.f32 $8.000000000e+00, v35;
	v18 =	vmul.f32 $8.000000000e+00, v18;
	[tilespmem:s23+$0xFFFFFF60] =	vst v50;
	v6 =	vld.idx.msk [tilespmem:v4+s0+$0x0], $0xffff  }
0x2e2: {  	s25 =	simm.s32 $0x3A;
	v13 =	vadd.s32 v3, v44;
	v44 =	vmul.f32 $8.000000000e+00, v23;
	v39 =	vmov s13;
	[tilespmem:s23+$0xFFFFFEE0] =	vst v45;
	v4 =	vld.idx.msk [tilespmem:v19+s0+$0x0], $0xffff  }
0x2e3: {  	s12 =	simm.s32 $0x3E;
	s10 =	simm.s32 $0x32;
	v51 =	vmov s25;
	v14 =	vadd.s32 v3, v41;
	v53 =	vmul.f32 $8.000000000e+00, v58;
	[tilespmem:s24+$0xFFFFFE50] =	vst v18;
	v11 =	vld.idx.msk [tilespmem:v22+s0+$0x0], $0xffff  }
0x2e4: {  	s14 =	simm.s32 $0x36;
	v16 =	vmov s10;
	v54 =	vmov s12;
	v31 =	vld.idx.msk [tilespmem:v56+s0+$0x0], $0xffff;
	v55 =	vmul.f32 $8.000000000e+00, v59  }
0x2e5: {  	v41 =	vmov s14;
	v63 =	vshll.u32 v39, $0x3;
	v58 =	vshll.u32 v54, $0x3;
	v18 =	vld.idx.msk [tilespmem:v52+s0+$0x0], $0xffff;
	[tilespmem:s24+$0xFFFFFED0] =	vst v53  }
0x2e6: {  	v35 =	vshll.u32 v51, $0x3;
	v61 =	vand.u32 $0x400, v58;
	v59 =	vand.u32 $0x7E, v54;
	v32 =	vld.idx.msk [tilespmem:v57+s0+$0x0], $0xffff;
	[tilespmem:s24+$0xFFFFFF50] =	vst v55  }
0x2e7: {  	v39 =	vand.u32 $0x74, v39;
	v62 =	vshll.u32 v16, $0x3;
	v36 =	vor.u32 v59, v61;
	v33 =	vld.idx.msk [tilespmem:v48+s0+$0x0], $0xffff;
	[tilespmem:$0x1FF00] =	vst v4  }
0x2e8: {  	v28 =	vshll.u32 v41, $0x3;
	v45 =	vand.u32 $0x400, v29;
	v53 =	vadd.s32 v0, v36;
	[tilespmem:s23+$0xFFFFFFE0] =	vst v40  }
0x2e9: {  	v41 =	vand.u32 $0x76, v41;
	v49 =	vand.u32 $0x400, v62;
	v48 =	vshll.u32 v38, $0x3;
	[tilespmem:s23+$0x1F0] =	vst v25  }
0x2ea: {  	s30 =	simm.s32 $0x3C;
	v62 =	vand.u32 $0x400, v28;
	v48 =	vand.u32 $0x400, v48;
	v25 =	vand.u32 $0x70, v38;
	v4 =	vld [tilespmem:$0x1FED0]  }
0x2eb: {  	v58 =	vand.u32 $0x78, v46;
	v52 =	vmov s30;
	[tilespmem:s22+$0xE0] =	vst v15;
	v15 =	vor.u32 v25, v48  }
0x2ec: {  	v22 =	vshll.u32 v52, $0x3;
	v61 =	vmul.f32 $8.000000000e+00, v18;
	[tilespmem:s22+$0xFFFFFE70] =	vst v17;
	v17 =	vadd.s32 v0, v15  }
0x2ed: {  	v40 =	vand.u32 $0x400, v63;
	v63 =	vand.u32 $0x400, v35;
	v35 =	vand.u32 $0x400, v22;
	v53 =	vld.idx.msk [tilespmem:v53+s0+$0x0], $0xffff  }
0x2ee: {  	[tilespmem:s24+$0x1F0] =	vst v61;
	v61 =	vand.u32 $0x7C, v52;
	v39 =	vor.u32 v39, v40;
	v40 =	vor.u32 v41, v62  }
0x2ef: {  	[tilespmem:s23+$0x60] =	vst v44;
	v41 =	vor.u32 v58, v45;
	v45 =	vor.u32 v61, v35;
	v35 =	vadd.s32 v0, v39  }
0x2f0: {  	v16 =	vand.u32 $0x72, v16;
	v62 =	vadd.s32 v1, v36;
	v28 =	vld.idx.msk [tilespmem:v5+s0+$0x0], $0xffff  }
0x2f1: {  	v16 =	vor.u32 v16, v49;
	v59 =	vand.u32 $0x7A, v51;
	v48 =	vadd.s32 v0, v41;
	v55 =	vld.idx.msk [tilespmem:v17+s0+$0x0], $0xffff  }
0x2f2: {  	[tilespmem:s22+$0x160] =	vst v47;
	v38 =	vor.u32 v59, v63;
	v63 =	vadd.s32 v0, v16;
	v59 =	vmul.f32 $8.000000000e+00, v53;
	v29 =	vld.idx.msk [tilespmem:v4+s0+$0x0], $0xffff  }
0x2f3: {  	s25 =	simm.s32 $0x10E00;
	v49 =	vadd.s32 v0, v38;
	v4 =	vld [tilespmem:$0x1FEE0];
	[tilespmem:s22+$0xFFFFFF70] =	vst v43  }
0x2f4: {  	v46 =	vld.idx.msk [tilespmem:v35+s0+$0x0], $0xffff;
	v43 =	vadd.s32 v0, v40;
	[tilespmem:s25+$0x180] =	vst v59  }
0x2f5: {  	v51 =	vadd.s32 v1, v16;
	v34 =	vmul.f32 $8.000000000e+00, v34;
	v52 =	vadd.s32 v0, v45;
	v44 =	vld.idx.msk [tilespmem:v62+s0+$0x0], $0xffff  }
0x2f6: {  	s13 =	simm.s32 $0x37;
	s12 =	simm.s32 $0x35;
	v47 =	vadd.s32 v1, v39;
	v61 =	vadd.s32 v2, v39;
	v23 =	vadd.s32 v3, v39;
	v39 =	vld.idx.msk [tilespmem:v48+s0+$0x0], $0xffff  }
0x2f7: {  	v19 =	vmov s12;
	v18 =	vmov s13;
	v50 =	vadd.s32 v1, v15;
	[tilespmem:s22+$0xFFFFFEF0] =	vst v42;
	v42 =	vld.idx.msk [tilespmem:v63+s0+$0x0], $0xffff  }
0x2f8: {  	v56 =	vadd.s32 v2, v15;
	v21 =	vadd.s32 v3, v15;
	v15 =	vadd.s32 v2, v36;
	v49 =	vld.idx.msk [tilespmem:v49+s0+$0x0], $0xffff  }
0x2f9: {  	v22 =	vadd.s32 v3, v16;
	v54 =	vadd.s32 v1, v41;
	v57 =	vadd.s32 v1, v38;
	v43 =	vld.idx.msk [tilespmem:v43+s0+$0x0], $0xffff  }
0x2fa: {  	v36 =	vadd.s32 v3, v36;
	v58 =	vadd.s32 v1, v45;
	v52 =	vld.idx.msk [tilespmem:v52+s0+$0x0], $0xffff;
	[tilespmem:s22+$0xFFFFFFF0] =	vst v37;
	v44 =	vmul.f32 $8.000000000e+00, v44  }
0x2fb: {  	s26 =	simm.s32 $0x3D;
	v20 =	vadd.s32 v2, v45;
	v53 =	vadd.s32 v1, v40;
	[tilespmem:s22+$0x70] =	vst v60;
	v60 =	vmul.f32 $8.000000000e+00, v55;
	v27 =	vld.idx.msk [tilespmem:v4+s0+$0x0], $0xffff  }
0x2fc: {  	v35 =	vadd.s32 v2, v38;
	v17 =	vmov s26;
	v42 =	vmul.f32 $8.000000000e+00, v42;
	v4 =	vld [tilespmem:$0x1FEF0];
	[tilespmem:s25+$0x190] =	vst v44  }
0x2fd: {  	v59 =	vadd.s32 v2, v16;
	v63 =	vadd.s32 v2, v41;
	[tilespmem:s25+$0xFFFFFE00] =	vst v60;
	v60 =	vmul.f32 $8.000000000e+00, v46;
	v15 =	vld.idx.msk [tilespmem:v15+s0+$0x0], $0xffff  }
0x2fe: {  	s30 =	simm.s32 $0x3F;
	v41 =	vadd.s32 v3, v41;
	v37 =	vadd.s32 v3, v38;
	[tilespmem:s25+$0xFFFFFE80] =	vst v42;
	v50 =	vld.idx.msk [tilespmem:v50+s0+$0x0], $0xffff;
	v43 =	vmul.f32 $8.000000000e+00, v43  }
0x2ff: {  	s10 =	simm.s32 $0x33;
	v38 =	vadd.s32 v3, v45;
	v39 =	vmul.f32 $8.000000000e+00, v39;
	v44 =	vld.idx.msk [tilespmem:v51+s0+$0x0], $0xffff;
	v51 =	vmov s30;
	[tilespmem:s25+$0xFFFFFF00] =	vst v60  }
0x300: {  	v16 =	vmov s10;
	v49 =	vmul.f32 $8.000000000e+00, v49;
	v60 =	vshll.u32 v51, $0x3;
	[tilespmem:s25+$0xFFFFFF80] =	vst v43;
	v43 =	vld.idx.msk [tilespmem:v47+s0+$0x0], $0xffff  }
0x301: {  	s14 =	simm.s32 $0x39;
	[tilespmem:s25+$0x0] =	vst v39;
	v51 =	vand.u32 $0x7F, v51;
	v47 =	vmul.f32 $8.000000000e+00, v52;
	v52 =	vand.u32 $0x7FFFFC00, v60;
	v39 =	vld.idx.msk [tilespmem:v53+s0+$0x0], $0xffff  }
0x302: {  	s8 =	simm.s32 $0x31;
	v45 =	vmov s14;
	v62 =	vadd.s32 v2, v40;
	[tilespmem:s25+$0x80] =	vst v49;
	v60 =	vor.u32 v51, v52;
	v51 =	vld.idx.msk [tilespmem:v54+s0+$0x0], $0xffff  }
0x303: {  	s15 =	simm.s32 $0x3B;
	v40 =	vadd.s32 v3, v40;
	v55 =	vmov s8;
	[tilespmem:s24+$0xFFFFFFD0] =	vst v34;
	v52 =	vld.idx.msk [tilespmem:v57+s0+$0x0], $0xffff;
	v15 =	vmul.f32 $8.000000000e+00, v15  }
0x304: {  	v46 =	vmov s15;
	v42 =	vshll.u32 v55, $0x3;
	[tilespmem:s25+$0x100] =	vst v47;
	v50 =	vmul.f32 $8.000000000e+00, v50;
	v48 =	vld.idx.msk [tilespmem:v4+s0+$0x0], $0xffff  }
0x305: {  	v49 =	vshll.u32 v19, $0x3;
	v44 =	vmul.f32 $8.000000000e+00, v44;
	[tilespmem:s25+$0x1A0] =	vst v15;
	v15 =	vand.u32 $0x400, v42;
	v42 =	vld.idx.msk [tilespmem:v58+s0+$0x0], $0xffff  }
0x306: {  	v53 =	vshll.u32 v16, $0x3;
	v16 =	vand.u32 $0x73, v16;
	[tilespmem:s25+$0xFFFFFE10] =	vst v50;
	v43 =	vmul.f32 $8.000000000e+00, v43;
	v36 =	vld.idx.msk [tilespmem:v36+s0+$0x0], $0xffff  }
0x307: {  	v50 =	vand.u32 $0x7FFFFC00, v53;
	v58 =	vand.u32 $0x71, v55;
	[tilespmem:s25+$0xFFFFFE90] =	vst v44;
	v44 =	vld.idx.msk [tilespmem:v56+s0+$0x0], $0xffff;
	v39 =	vmul.f32 $8.000000000e+00, v39  }
0x308: {  	v55 =	vor.u32 v58, v15;
	v51 =	vmul.f32 $8.000000000e+00, v51;
	[tilespmem:s25+$0xFFFFFF10] =	vst v43;
	v43 =	vand.u32 $0x7FFFFC00, v49;
	v49 =	vld.idx.msk [tilespmem:v59+s0+$0x0], $0xffff  }
0x309: {  	v58 =	vor.u32 v16, v50;
	v16 =	vadd.s32 v0, v60;
	v52 =	vmul.f32 $8.000000000e+00, v52;
	[tilespmem:s25+$0xFFFFFF90] =	vst v39;
	v39 =	vld.idx.msk [tilespmem:v61+s0+$0x0], $0xffff  }
0x30a: {  	v19 =	vand.u32 $0x75, v19;
	v57 =	vshll.u32 v46, $0x3;
	[tilespmem:s25+$0x10] =	vst v51;
	v51 =	vld.idx.msk [tilespmem:v62+s0+$0x0], $0xffff;
	v42 =	vmul.f32 $8.000000000e+00, v42  }
0x30b: {  	v47 =	vshll.u32 v18, $0x3;
	v18 =	vand.u32 $0x77, v18;
	[tilespmem:s25+$0x90] =	vst v52;
	v56 =	vld.idx.msk [tilespmem:v63+s0+$0x0], $0xffff;
	v36 =	vmul.f32 $8.000000000e+00, v36  }
0x30c: {  	v47 =	vand.u32 $0x7FFFFC00, v47;
	v52 =	vand.u32 $0x7FFFFC00, v57;
	v35 =	vld.idx.msk [tilespmem:v35+s0+$0x0], $0xffff;
	v57 =	vmul.f32 $8.000000000e+00, v44;
	[tilespmem:s25+$0x110] =	vst v42  }
0x30d: {  	v54 =	vshll.u32 v45, $0x3;
	v18 =	vor.u32 v18, v47;
	[tilespmem:s25+$0x1B0] =	vst v36;
	v20 =	vld.idx.msk [tilespmem:v20+s0+$0x0], $0xffff;
	v62 =	vmul.f32 $8.000000000e+00, v49  }
0x30e: {  	v47 =	vmul.f32 $8.000000000e+00, v10;
	v15 =	vshll.u32 v17, $0x3;
	[tilespmem:s25+$0xFFFFFE20] =	vst v57;
	v39 =	vmul.f32 $8.000000000e+00, v39;
	v16 =	vld.idx.msk [tilespmem:v16+s0+$0x0], $0xffff  }
0x30f: {  	v17 =	vand.u32 $0x7D, v17;
	v15 =	vand.u32 $0x7FFFFC00, v15;
	v21 =	vld.idx.msk [tilespmem:v21+s0+$0x0], $0xffff;
	[tilespmem:s25+$0xFFFFFEA0] =	vst v62;
	v63 =	vmul.f32 $8.000000000e+00, v51  }
0x310: {  	v61 =	vand.u32 $0x7B, v46;
	v46 =	vor.u32 v17, v15;
	v17 =	vmul.f32 $8.000000000e+00, v56;
	v15 =	vld.idx.msk [tilespmem:v22+s0+$0x0], $0xffff;
	[tilespmem:s25+$0xFFFFFF20] =	vst v39  }
0x311: {  	v59 =	vand.u32 $0x79, v45;
	v45 =	vor.u32 v61, v52;
	v52 =	vld.idx.msk [tilespmem:v24+s0+$0x0], $0xffff;
	v35 =	vmul.f32 $8.000000000e+00, v35;
	[tilespmem:s25+$0xFFFFFFA0] =	vst v63  }
0x312: {  	v10 =	vadd.s32 v2, v60;
	v23 =	vld.idx.msk [tilespmem:v23+s0+$0x0], $0xffff;
	[tilespmem:s25+$0x20] =	vst v17;
	v17 =	vmul.f32 $8.000000000e+00, v20;
	v20 =	vadd.s32 v1, v60  }
0x313: {  	v53 =	vmul.f32 $8.000000000e+00, v32;
	v22 =	vadd.s32 v0, v55;
	[tilespmem:s25+$0xA0] =	vst v35;
	v40 =	vld.idx.msk [tilespmem:v40+s0+$0x0], $0xffff;
	v16 =	vmul.f32 $8.000000000e+00, v16  }
0x314: {  	v19 =	vor.u32 v19, v43;
	v39 =	vadd.s32 v0, v58;
	v41 =	vld.idx.msk [tilespmem:v41+s0+$0x0], $0xffff;
	v21 =	vmul.f32 $8.000000000e+00, v21;
	[tilespmem:s25+$0x120] =	vst v17  }
0x315: {  	v50 =	vand.u32 $0x7FFFFC00, v54;
	v44 =	vadd.s32 v0, v19;
	v37 =	vld.idx.msk [tilespmem:v37+s0+$0x0], $0xffff;
	v15 =	vmul.f32 $8.000000000e+00, v15;
	[tilespmem:s25+$0x1C0] =	vst v16  }
0x316: {  	v36 =	vor.u32 v59, v50;
	v49 =	vadd.s32 v0, v18;
	v38 =	vld.idx.msk [tilespmem:v38+s0+$0x0], $0xffff;
	[tilespmem:s25+$0xFFFFFE30] =	vst v21;
	v21 =	vmul.f32 $8.000000000e+00, v7  }
0x317: {  	v54 =	vmul.f32 $8.000000000e+00, v33;
	v50 =	vadd.s32 v0, v36;
	v16 =	vmul.f32 $8.000000000e+00, v23;
	v20 =	vld.idx.msk [tilespmem:v20+s0+$0x0], $0xffff;
	[tilespmem:s25+$0xFFFFFEB0] =	vst v15  }
0x318: {  	v43 =	vadd.s32 v2, v58;
	v34 =	vadd.s32 v1, v19;
	v22 =	vld.idx.msk [tilespmem:v22+s0+$0x0], $0xffff;
	v15 =	vmul.f32 $8.000000000e+00, v40;
	[tilespmem:s24+$0x50] =	vst v21  }
0x319: {  	v61 =	vadd.s32 v1, v18;
	v35 =	vadd.s32 v0, v45;
	v23 =	vld.idx.msk [tilespmem:v39+s0+$0x0], $0xffff;
	[tilespmem:s25+$0xFFFFFF30] =	vst v16;
	v16 =	vmul.f32 $8.000000000e+00, v41  }
0x31a: {  	v25 =	vadd.s32 v1, v46;
	v17 =	vadd.s32 v0, v46;
	v39 =	vld.idx.msk [tilespmem:v44+s0+$0x0], $0xffff;
	[tilespmem:s25+$0xFFFFFFB0] =	vst v15;
	v15 =	vmul.f32 $8.000000000e+00, v37  }
0x31b: {  	v24 =	vmul.f32 $8.000000000e+00, v9;
	v33 =	vadd.s32 v3, v46;
	v40 =	vld.idx.msk [tilespmem:v49+s0+$0x0], $0xffff;
	[tilespmem:s25+$0x30] =	vst v16;
	v9 =	vmul.f32 $8.000000000e+00, v38  }
0x31c: {  	v42 =	vadd.s32 v2, v55;
	v57 =	vadd.s32 v1, v55;
	[tilespmem:s25+$0xB0] =	vst v15;
	v7 =	vld.idx.msk [tilespmem:v50+s0+$0x0], $0xffff;
	v20 =	vmul.f32 $8.000000000e+00, v20  }
0x31d: {  	v59 =	vadd.s32 v1, v58;
	v62 =	vadd.s32 v1, v36;
	v21 =	vmul.f32 $8.000000000e+00, v22;
	v22 =	vld.idx.msk [tilespmem:v8+s0+$0x0], $0xffff;
	[tilespmem:s25+$0x130] =	vst v9  }
0x31e: {  	v56 =	vmul.f32 $8.000000000e+00, v31;
	v51 =	vadd.s32 v2, v45;
	v9 =	vld.idx.msk [tilespmem:v35+s0+$0x0], $0xffff;
	[tilespmem:s25+$0x1D0] =	vst v20;
	v20 =	vmul.f32 $8.000000000e+00, v23  }
0x31f: {  	v52 =	vmul.f32 $8.000000000e+00, v52;
	v63 =	vadd.s32 v1, v45;
	v17 =	vld.idx.msk [tilespmem:v17+s0+$0x0], $0xffff;
	[tilespmem:s25+$0xFFFFFE40] =	vst v21;
	v21 =	vmul.f32 $8.000000000e+00, v39  }
0x320: {  	v41 =	vadd.s32 v3, v18;
	v44 =	vadd.s32 v2, v19;
	v10 =	vld.idx.msk [tilespmem:v10+s0+$0x0], $0xffff;
	v23 =	vmul.f32 $8.000000000e+00, v40;
	[tilespmem:s25+$0xFFFFFEC0] =	vst v20  }
0x321: {  	v37 =	vadd.s32 v2, v46;
	v46 =	vmul.f32 $8.000000000e+00, v27;
	v16 =	vadd.s32 v2, v18;
	v20 =	vld.idx.msk [tilespmem:v57+s0+$0x0], $0xffff;
	[tilespmem:s25+$0xFFFFFF40] =	vst v21  }
0x322: {  	v49 =	vmul.f32 $8.000000000e+00, v6;
	v38 =	vadd.s32 v3, v55;
	v55 =	vmul.f32 $8.000000000e+00, v26;
	v26 =	vld.idx.msk [tilespmem:v59+s0+$0x0], $0xffff;
	[tilespmem:s25+$0xFFFFFFC0] =	vst v23  }
0x323: {  	v50 =	vmul.f32 $8.000000000e+00, v30;
	v40 =	vadd.s32 v3, v19;
	v19 =	vmul.f32 $8.000000000e+00, v7;
	v4 =	vld [tilespmem:$0x1FF00]  }
0x324: {  	v35 =	vadd.s32 v3, v45;
	v45 =	vmul.f32 $8.000000000e+00, v28;
	v23 =	vld.idx.msk [tilespmem:v34+s0+$0x0], $0xffff;
	v18 =	vmul.f32 $8.000000000e+00, v9  }
0x325: {  	v15 =	vadd.s32 v2, v36;
	v57 =	vmul.f32 $8.000000000e+00, v11;
	[tilespmem:s25+$0x40] =	vst v19;
	v19 =	vld.idx.msk [tilespmem:v61+s0+$0x0], $0xffff;
	v21 =	vmul.f32 $8.000000000e+00, v17  }
0x326: {  	v36 =	vadd.s32 v3, v36;
	v59 =	vmul.f32 $8.000000000e+00, v29;
	v34 =	vmul.f32 $8.000000000e+00, v48;
	[tilespmem:s25+$0xC0] =	vst v18;
	v17 =	vld.idx.msk [tilespmem:v62+s0+$0x0], $0xffff  }
0x327: {  	v39 =	vadd.s32 v3, v58;
	v61 =	vmul.f32 $8.000000000e+00, v22;
	[tilespmem:s25+$0x140] =	vst v21;
	v18 =	vld.idx.msk [tilespmem:v63+s0+$0x0], $0xffff;
	v21 =	vmul.f32 $8.000000000e+00, v10  }
0x328: {  	s28 =	simm.s32 $0x18;
	s29 =	simm.s32 $0x4F;
	s26 =	simm.s32 $0x10E00;
	[tilespmem:s24+$0xD0] =	vst v24;
	v22 =	vadd.s32 v3, v60;
	v24 =	vmul.f32 $8.000000000e+00, v20;
	v20 =	vld.idx.msk [tilespmem:v25+s0+$0x0], $0xffff;
	v58 =	vmul.f32 $8.000000000e+00, v4  }
.LBB2_8:
0x329: {  	v4 =	vld [tilespmem:$0x1FE60];
	_ =	sdelay $0x7  }
0x32a: {  	v4 =	vld.idx.msk [tilespmem:v4+s0+$0x0], $0xffff;
	_ =	sdelay $0x4  }
0x32b: {  	[tilespmem:$0x1FE20] =	vst v4;
	v4 =	vmov v51  }
0x32c: {  	[tilespmem:$0x1FE60] =	vst v4;
	v4 =	vld [tilespmem:$0x1FE70];
	_ =	sdelay $0x6  }
0x32d: {  	[tilespmem:s24+$0x150] =	vst v47  }
0x32e: {  	v28 =	vld.idx.msk [tilespmem:v4+s0+$0x0], $0xffff;
	v4 =	vmov v37  }
0x32f: {  	[tilespmem:$0x1FE70] =	vst v4;
	v4 =	vld [tilespmem:$0x1FE80];
	_ =	sdelay $0x5  }
0x330: {  	[tilespmem:s25+$0xFFFFFE50] =	vst v24  }
0x331: {  	v25 =	vmul.f32 $8.000000000e+00, v26;
	v26 =	vld.idx.msk [tilespmem:v42+s0+$0x0], $0xffff;
	[tilespmem:s24+$0xFFFFFE60] =	vst v56  }
0x332: {  	v4 =	vld.idx.msk [tilespmem:v4+s0+$0x0], $0xffff;
	_ =	sdelay $0x4  }
0x333: {  	[tilespmem:$0x1FE30] =	vst v4;
	v4 =	vmov v38  }
0x334: {  	[tilespmem:$0x1FE80] =	vst v4;
	v4 =	vld [tilespmem:$0x1FE90];
	_ =	sdelay $0x4  }
0x335: {  	s6 =	sadd.s32 $0xFFFFFFFF, s29;
	[tilespmem:s25+$0x1E0] =	vst v21  }
0x336: {  	v27 =	vmov s6;
	v24 =	vld.idx.msk [tilespmem:v22+s0+$0x0], $0xffff;
	v23 =	vmul.f32 $8.000000000e+00, v23;
	[tilespmem:s25+$0xFFFFFED0] =	vst v25  }
0x337: {  	v22 =	vshll.u32 v27, $0x3;
	v25 =	vand.u32 $0x7E, v27;
	v27 =	vld.idx.msk [tilespmem:v43+s0+$0x0], $0xffff;
	[tilespmem:s24+$0xFFFFFEE0] =	vst v53  }
0x338: {  	[tilespmem:s25+$0xFFFFFF50] =	vst v23;
	v23 =	vld.idx.msk [tilespmem:v4+s0+$0x0], $0xffff;
	v4 =	vmov v39  }
0x339: {  	[tilespmem:$0x1FE90] =	vst v4;
	v4 =	vld [tilespmem:$0x1FEA0];
	_ =	sdelay $0x6  }
0x33a: {  	v22 =	vand.u32 $0x400, v22;
	v31 =	vld.idx.msk [tilespmem:v44+s0+$0x0], $0xffff;
	[tilespmem:s24+$0xFFFFFF60] =	vst v54  }
0x33b: {  	v42 =	vor.u32 v25, v22;
	v22 =	vld.idx.msk [tilespmem:v4+s0+$0x0], $0xffff;
	v4 =	vmov v40  }
0x33c: {  	[tilespmem:$0x1FEA0] =	vst v4;
	v4 =	vld [tilespmem:$0x1FEB0];
	_ =	sdelay $0x1  }
0x33d: {  	v47 =	vadd.s32 v0, v42;
	_ =	sdelay $0x1  }
0x33e: {  	v62 =	vmul.f32 $8.000000000e+00, v24;
	_ =	sdelay $0x1  }
0x33f: {  	[tilespmem:s25+$0x1F0] =	vst v62  }
0x340: {  	s5 =	sadd.s32 $0xFFFFFFF3, s29;
	s12 =	sadd.s32 $0xFFFFFFF5, s29;
	s13 =	sadd.s32 $0xFFFFFFF9, s29;
	[tilespmem:s24+$0xFFFFFFE0] =	vst v52;
	v47 =	vld.idx.msk [tilespmem:v47+s0+$0x0], $0xffff  }
0x341: {  	s15 =	sadd.s32 $0xFFFFFFFD, s29;
	v29 =	vmov s5;
	v30 =	vmov s12;
	v48 =	vmov s13;
	v24 =	vld.idx.msk [tilespmem:v4+s0+$0x0], $0xffff;
	v4 =	vmovc v41  }
0x342: {  	s12 =	sadd.s32 $0xFFFFFFF1, s29;
	v8 =	vshll.u32 v29, $0x3;
	v9 =	vshll.u32 v30, $0x3;
	v44 =	vmov s15;
	[tilespmem:$0x1FEB0] =	vst v4;
	v4 =	vld [tilespmem:$0x1FE40]  }
0x343: {  	v10 =	vshll.u32 v48, $0x3;
	v43 =	vmov s12;
	v63 =	vshll.u32 v44, $0x3  }
0x344: {  	v25 =	vshll.u32 v43, $0x3;
	v53 =	vand.u32 $0x400, v63;
	v63 =	vadd.s32 v1, v42  }
0x345: {  	v37 =	vand.u32 $0x400, v8;
	v8 =	vand.u32 $0x70, v43;
	v38 =	vand.u32 $0x400, v10  }
0x346: {  	v10 =	vand.u32 $0x74, v30;
	v39 =	vand.u32 $0x400, v25;
	v40 =	vand.u32 $0x400, v9  }
0x347: {  	s8 =	sadd.s32 $0xFFFFFFF7, s29;
	[tilespmem:s24+$0x60] =	vst v61;
	v47 =	vmul.f32 $8.000000000e+00, v47;
	v25 =	vmovc v35;
	v35 =	vor.u32 v8, v39;
	v39 =	vor.u32 v10, v40  }
0x348: {  	v32 =	vmov s8;
	[tilespmem:s23+$0xE0] =	vst v49;
	s25 =	sadd.s32 $0x400, s25;
	v10 =	vadd.s32 v0, v39  }
0x349: {  	s14 =	sadd.s32 $0xFFFFFFFB, s29;
	v60 =	vshll.u32 v32, $0x3;
	v61 =	vand.u32 $0x78, v48;
	v44 =	vand.u32 $0x7C, v44;
	[tilespmem:s25+$0x180] =	vst v47  }
0x34a: {  	v52 =	vand.u32 $0x400, v60;
	v44 =	vor.u32 v44, v53;
	v51 =	vmov s14;
	[tilespmem:s23+$0xFFFFFEF0] =	vst v57;
	v30 =	vld.idx.msk [tilespmem:v4+s0+$0x0], $0xffff;
	v4 =	vmovc v12  }
0x34b: {  	v54 =	vadd.s32 v0, v44;
	v11 =	vshll.u32 v51, $0x3;
	v9 =	vand.u32 $0x72, v29;
	[tilespmem:$0x1FE40] =	vst v4;
	v4 =	vld [tilespmem:$0x1FE50]  }
0x34c: {  	v62 =	vand.u32 $0x7A, v51;
	v57 =	vld.idx.msk [tilespmem:v63+s0+$0x0], $0xffff;
	v8 =	vadd.s32 v0, v35;
	[tilespmem:s23+$0xFFFFFF70] =	vst v58;
	v37 =	vor.u32 v9, v37  }
0x34d: {  	v43 =	vand.u32 $0x400, v11;
	v11 =	vand.u32 $0x76, v32;
	v9 =	vadd.s32 v0, v37;
	v6 =	vld.idx.msk [tilespmem:v10+s0+$0x0], $0xffff  }
0x34e: {  	v21 =	vmovc v36;
	v49 =	vor.u32 v11, v52;
	v48 =	vor.u32 v62, v43;
	v43 =	vadd.s32 v2, v44  }
0x34f: {  	[tilespmem:s23+$0xFFFFFE70] =	vst v55;
	v36 =	vor.u32 v61, v38;
	v61 =	vadd.s32 v1, v44;
	v10 =	vadd.s32 v2, v42  }
0x350: {  	v52 =	vadd.s32 v1, v35;
	v47 =	vadd.s32 v1, v39;
	[tilespmem:s23+$0xFFFFFFF0] =	vst v59;
	v59 =	vadd.s32 v2, v35  }
0x351: {  	v58 =	vld.idx.msk [tilespmem:v8+s0+$0x0], $0xffff;
	v41 =	vadd.s32 v3, v35;
	v35 =	vadd.s32 v3, v44;
	v44 =	vmul.f32 $8.000000000e+00, v57  }
0x352: {  	[tilespmem:s23+$0x160] =	vst v50;
	v62 =	vld.idx.msk [tilespmem:v9+s0+$0x0], $0xffff;
	v6 =	vmul.f32 $8.000000000e+00, v6  }
0x353: {  	[tilespmem:s25+$0x190] =	vst v44;
	v32 =	vld.idx.msk [tilespmem:v4+s0+$0x0], $0xffff;
	v4 =	vmov v14;
	v14 =	vadd.s32 v0, v49  }
0x354: {  	v50 =	vadd.s32 v0, v36;
	v10 =	vld.idx.msk [tilespmem:v10+s0+$0x0], $0xffff;
	[tilespmem:s25+$0xFFFFFF00] =	vst v6  }
0x355: {  	v51 =	vadd.s32 v0, v48;
	v47 =	vld.idx.msk [tilespmem:v47+s0+$0x0], $0xffff  }
0x356: {  	v54 =	vld.idx.msk [tilespmem:v54+s0+$0x0], $0xffff;
	v60 =	vadd.s32 v1, v48  }
0x357: {  	v5 =	vadd.s32 v2, v49;
	v29 =	vld.idx.msk [tilespmem:v13+s0+$0x0], $0xffff;
	v11 =	vmul.f32 $8.000000000e+00, v58;
	v42 =	vadd.s32 v3, v42  }
0x358: {  	v55 =	vadd.s32 v1, v49;
	v62 =	vmul.f32 $8.000000000e+00, v62;
	[tilespmem:$0x1FE50] =	vst v4;
	v4 =	vadd.s32 v2, v39;
	v9 =	vld.idx.msk [tilespmem:v14+s0+$0x0], $0xffff  }
0x359: {  	v38 =	vadd.s32 v3, v49;
	v53 =	vadd.s32 v1, v37;
	[tilespmem:s25+$0xFFFFFE00] =	vst v11;
	v10 =	vmul.f32 $8.000000000e+00, v10;
	v49 =	vld.idx.msk [tilespmem:v50+s0+$0x0], $0xffff  }
0x35a: {  	v56 =	vadd.s32 v1, v36;
	v7 =	vadd.s32 v2, v36;
	[tilespmem:s25+$0xFFFFFE80] =	vst v62;
	v47 =	vmul.f32 $8.000000000e+00, v47;
	v50 =	vld.idx.msk [tilespmem:v51+s0+$0x0], $0xffff  }
0x35b: {  	v8 =	vadd.s32 v2, v48;
	v63 =	vadd.s32 v2, v37;
	v52 =	vld.idx.msk [tilespmem:v52+s0+$0x0], $0xffff;
	[tilespmem:s25+$0x1A0] =	vst v10  }
0x35c: {  	s8 =	sadd.s32 $0xFFFFFFF2, s29;
	v54 =	vmul.f32 $8.000000000e+00, v54;
	v40 =	vadd.s32 v3, v37;
	v37 =	vadd.s32 v3, v36;
	v42 =	vld.idx.msk [tilespmem:v42+s0+$0x0], $0xffff;
	[tilespmem:s25+$0xFFFFFF10] =	vst v47  }
0x35d: {  	v36 =	vadd.s32 v3, v48;
	v48 =	vmov s8;
	[tilespmem:s23+$0x70] =	vst v45;
	v4 =	vld.idx.msk [tilespmem:v4+s0+$0x0], $0xffff;
	v9 =	vmul.f32 $8.000000000e+00, v9  }
0x35e: {  	s5 =	sadd.s32 $0xFFFFFFFA, s29;
	v58 =	vshll.u32 v48, $0x3;
	v48 =	vand.u32 $0x71, v48;
	v53 =	vld.idx.msk [tilespmem:v53+s0+$0x0], $0xffff;
	[tilespmem:s22+$0xF0] =	vst v46;
	v49 =	vmul.f32 $8.000000000e+00, v49  }
0x35f: {  	v58 =	vand.u32 $0x400, v58;
	v44 =	vmov s5;
	v50 =	vmul.f32 $8.000000000e+00, v50;
	[tilespmem:s25+$0xFFFFFF80] =	vst v9  }
0x360: {  	v48 =	vor.u32 v48, v58;
	v11 =	vshll.u32 v44, $0x3;
	v39 =	vadd.s32 v3, v39;
	[tilespmem:s25+$0x0] =	vst v49;
	v55 =	vld.idx.msk [tilespmem:v55+s0+$0x0], $0xffff  }
0x361: {  	v44 =	vand.u32 $0x79, v44;
	v52 =	vmul.f32 $8.000000000e+00, v52;
	v12 =	vmul.f32 $8.000000000e+00, v18;
	[tilespmem:s25+$0x80] =	vst v50;
	v56 =	vld.idx.msk [tilespmem:v56+s0+$0x0], $0xffff  }
0x362: {  	s10 =	sadd.s32 $0xFFFFFFF4, s29;
	s12 =	sadd.s32 $0xFFFFFFF6, s29;
	v11 =	vand.u32 $0x7FFFFC00, v11;
	v42 =	vmul.f32 $8.000000000e+00, v42;
	[tilespmem:s25+$0x100] =	vst v54;
	v60 =	vld.idx.msk [tilespmem:v60+s0+$0x0], $0xffff;
	v4 =	vmul.f32 $8.000000000e+00, v4  }
0x363: {  	[tilespmem:s25+$0xFFFFFE10] =	vst v52;
	v51 =	vmov s10;
	v46 =	vmov s12;
	v54 =	vld.idx.msk [tilespmem:v61+s0+$0x0], $0xffff;
	v61 =	vmul.f32 $8.000000000e+00, v53  }
0x364: {  	v52 =	vld.idx.msk [tilespmem:v59+s0+$0x0], $0xffff;
	v62 =	vshll.u32 v51, $0x3;
	v6 =	vshll.u32 v46, $0x3;
	v10 =	vand.u32 $0x73, v51;
	[tilespmem:s25+$0xFFFFFF20] =	vst v4  }
0x365: {  	v51 =	vmov s29;
	v46 =	vand.u32 $0x75, v46;
	[tilespmem:s25+$0xFFFFFE90] =	vst v61;
	v39 =	vld.idx.msk [tilespmem:v39+s0+$0x0], $0xffff;
	v59 =	vmul.f32 $8.000000000e+00, v55  }
0x366: {  	[tilespmem:s22+$0x170] =	vst v34;
	v6 =	vand.u32 $0x7FFFFC00, v6;
	v61 =	vshll.u32 v51, $0x3;
	v55 =	vld.idx.msk [tilespmem:v63+s0+$0x0], $0xffff;
	v63 =	vmul.f32 $8.000000000e+00, v56  }
0x367: {  	s30 =	sadd.s32 $0xFFFFFFFE, s29;
	v51 =	vand.u32 $0x7F, v51;
	v53 =	vand.u32 $0x7FFFFC00, v61;
	v60 =	vmul.f32 $8.000000000e+00, v60;
	[tilespmem:s25+$0xFFFFFF90] =	vst v59  }
0x368: {  	v14 =	vmovc v33;
	v33 =	vmov s30;
	v34 =	vor.u32 v51, v53;
	v61 =	vmul.f32 $8.000000000e+00, v54;
	[tilespmem:s25+$0x10] =	vst v63;
	v5 =	vld.idx.msk [tilespmem:v5+s0+$0x0], $0xffff  }
0x369: {  	v51 =	vadd.s32 v0, v34;
	v50 =	vshll.u32 v33, $0x3;
	[tilespmem:s25+$0x90] =	vst v60;
	v63 =	vmul.f32 $8.000000000e+00, v52;
	v7 =	vld.idx.msk [tilespmem:v7+s0+$0x0], $0xffff  }
0x36a: {  	v6 =	vor.u32 v46, v6;
	v33 =	vand.u32 $0x7D, v33;
	v50 =	vand.u32 $0x7FFFFC00, v50;
	[tilespmem:s25+$0x110] =	vst v61;
	v8 =	vld.idx.msk [tilespmem:v8+s0+$0x0], $0xffff  }
0x36b: {  	s13 =	sadd.s32 $0xFFFFFFF8, s29;
	v43 =	vld.idx.msk [tilespmem:v43+s0+$0x0], $0xffff;
	v33 =	vor.u32 v33, v50;
	v50 =	vadd.s32 v0, v6;
	v18 =	vmul.f32 $8.000000000e+00, v39;
	[tilespmem:s25+$0xFFFFFE20] =	vst v63  }
0x36c: {  	s14 =	sadd.s32 $0xFFFFFFFC, s29;
	v57 =	vmov s13;
	v11 =	vor.u32 v44, v11;
	[tilespmem:s25+$0x1B0] =	vst v42;
	v52 =	vmul.f32 $8.000000000e+00, v55;
	v41 =	vld.idx.msk [tilespmem:v41+s0+$0x0], $0xffff  }
0x36d: {  	v45 =	vmov s14;
	v62 =	vand.u32 $0x7FFFFC00, v62;
	[tilespmem:s25+$0xFFFFFF30] =	vst v18;
	v5 =	vmul.f32 $8.000000000e+00, v5  }
0x36e: {  	v10 =	vor.u32 v10, v62;
	v46 =	vadd.s32 v0, v48;
	v42 =	vld.idx.msk [tilespmem:v51+s0+$0x0], $0xffff;
	[tilespmem:s25+$0xFFFFFEA0] =	vst v52;
	v4 =	vmul.f32 $8.000000000e+00, v7  }
0x36f: {  	v53 =	vadd.s32 v1, v34;
	v49 =	vshll.u32 v45, $0x3;
	v40 =	vld.idx.msk [tilespmem:v40+s0+$0x0], $0xffff;
	[tilespmem:s25+$0xFFFFFFA0] =	vst v5;
	v5 =	vmul.f32 $8.000000000e+00, v8  }
0x370: {  	v45 =	vand.u32 $0x7B, v45;
	v49 =	vand.u32 $0x7FFFFC00, v49;
	v13 =	vld.idx.msk [tilespmem:v50+s0+$0x0], $0xffff;
	[tilespmem:s25+$0x20] =	vst v4;
	v4 =	vmul.f32 $8.000000000e+00, v43  }
0x371: {  	v45 =	vor.u32 v45, v49;
	v9 =	vshll.u32 v57, $0x3;
	v54 =	vmul.f32 $8.000000000e+00, v41;
	v38 =	vld.idx.msk [tilespmem:v38+s0+$0x0], $0xffff;
	[tilespmem:s25+$0xA0] =	vst v5  }
0x372: {  	v9 =	vand.u32 $0x7FFFFC00, v9;
	v56 =	vand.u32 $0x77, v57;
	v37 =	vld.idx.msk [tilespmem:v37+s0+$0x0], $0xffff;
	v5 =	vmul.f32 $8.000000000e+00, v19;
	[tilespmem:s25+$0x120] =	vst v4  }
0x373: {  	s22 =	smov.u32 s23;
	s23 =	smov.u32 s24;
	s24 =	smov.u32 s26;
	v49 =	vadd.s32 v0, v10;
	v9 =	vor.u32 v56, v9;
	v4 =	vmul.f32 $8.000000000e+00, v42;
	[tilespmem:s25+$0xFFFFFE30] =	vst v54;
	v19 =	vld.idx.msk [tilespmem:v36+s0+$0x0], $0xffff  }
0x374: {  	v52 =	vadd.s32 v0, v9;
	v35 =	vld.idx.msk [tilespmem:v35+s0+$0x0], $0xffff;
	[tilespmem:s24+$0xFFFFFFD0] =	vst v5;
	v5 =	vmul.f32 $8.000000000e+00, v17;
	v17 =	vmul.f32 $8.000000000e+00, v40  }
0x375: {  	v47 =	vmul.f32 $8.000000000e+00, v20;
	v7 =	vadd.s32 v0, v11;
	v20 =	vld.idx.msk [tilespmem:v46+s0+$0x0], $0xffff;
	[tilespmem:s25+$0x1C0] =	vst v4  }
0x376: {  	v4 =	vld.idx.msk [tilespmem:v16+s0+$0x0], $0xffff;
	[tilespmem:s25+$0xFFFFFEB0] =	vst v17;
	v17 =	vmul.f32 $8.000000000e+00, v38  }
0x377: {  	v58 =	vadd.s32 v1, v10;
	v36 =	vld.idx.msk [tilespmem:v53+s0+$0x0], $0xffff;
	v18 =	vmul.f32 $8.000000000e+00, v37  }
0x378: {  	v44 =	vadd.s32 v2, v6;
	v61 =	vadd.s32 v1, v11;
	v41 =	vld.idx.msk [tilespmem:v49+s0+$0x0], $0xffff;
	[tilespmem:s25+$0xFFFFFFB0] =	vst v17  }
0x379: {  	v62 =	vadd.s32 v1, v45;
	v55 =	vadd.s32 v0, v45;
	v17 =	vmul.f32 $8.000000000e+00, v19;
	[tilespmem:s25+$0x30] =	vst v18;
	v19 =	vld.idx.msk [tilespmem:v52+s0+$0x0], $0xffff  }
0x37a: {  	v51 =	vadd.s32 v2, v45;
	v57 =	vadd.s32 v1, v48;
	v56 =	vmul.f32 $8.000000000e+00, v26;
	v7 =	vld.idx.msk [tilespmem:v7+s0+$0x0], $0xffff;
	[tilespmem:s24+$0x50] =	vst v5  }
0x37b: {  	v26 =	vadd.s32 v2, v34;
	v39 =	vadd.s32 v3, v10;
	v8 =	vadd.s32 v0, v33;
	[tilespmem:s25+$0xB0] =	vst v17;
	v17 =	vld [tilespmem:$0x1FE20]  }
0x37c: {  	v59 =	vadd.s32 v1, v6;
	v60 =	vadd.s32 v1, v9;
	v50 =	vmul.f32 $8.000000000e+00, v28;
	v28 =	vld.idx.msk [tilespmem:v15+s0+$0x0], $0xffff  }
0x37d: {  	v63 =	vadd.s32 v1, v33;
	v54 =	vmul.f32 $8.000000000e+00, v31;
	v18 =	vmul.f32 $8.000000000e+00, v35;
	v15 =	vld [tilespmem:$0x1FE30]  }
0x37e: {  	v43 =	vadd.s32 v2, v10;
	v52 =	vmul.f32 $8.000000000e+00, v4;
	v4 =	vld.idx.msk [tilespmem:v55+s0+$0x0], $0xffff;
	v55 =	vmul.f32 $8.000000000e+00, v36  }
0x37f: {  	v42 =	vadd.s32 v2, v48;
	v31 =	vmul.f32 $8.000000000e+00, v13;
	[tilespmem:s25+$0x130] =	vst v18;
	v5 =	vmul.f32 $8.000000000e+00, v41  }
0x380: {  	v40 =	vadd.s32 v3, v6;
	v6 =	vld.idx.msk [tilespmem:v8+s0+$0x0], $0xffff;
	[tilespmem:s25+$0x1D0] =	vst v55;
	v49 =	vmul.f32 $8.000000000e+00, v17;
	v17 =	vmul.f32 $8.000000000e+00, v20  }
0x381: {  	v46 =	vadd.s32 v2, v11;
	v16 =	vadd.s32 v2, v9;
	v10 =	vld.idx.msk [tilespmem:v26+s0+$0x0], $0xffff;
	[tilespmem:s25+$0xFFFFFEC0] =	vst v5;
	v5 =	vmul.f32 $8.000000000e+00, v19  }
0x382: {  	s28 =	sadd.s32 $0x8, s28;
	v53 =	vmul.f32 $8.000000000e+00, v27;
	v38 =	vadd.s32 v3, v48;
	v7 =	vmul.f32 $8.000000000e+00, v7;
	v26 =	vld.idx.msk [tilespmem:v58+s0+$0x0], $0xffff;
	[tilespmem:s25+$0xFFFFFE40] =	vst v17  }
0x383: {  	p1 =	slt.u32 s28, $0x78;
	v35 =	vadd.s32 v3, v45;
	v45 =	vmul.f32 $8.000000000e+00, v29;
	v55 =	vmul.f32 $8.000000000e+00, v15;
	[tilespmem:s25+$0xFFFFFFC0] =	vst v5;
	v48 =	vld.idx.msk [tilespmem:v57+s0+$0x0], $0xffff  }
.Ltmp7:
0x384: {  	v37 =	vadd.s32 v2, v33;
	v58 =	vmul.f32 $8.000000000e+00, v22;
	v4 =	vmul.f32 $8.000000000e+00, v4;
	[tilespmem:s25+$0x40] =	vst v7;
	v19 =	vld.idx.msk [tilespmem:v60+s0+$0x0], $0xffff;
	(pc) =	sbr.rel @p1 .LBB2_8-.Ltmp7, $4  }
0x385: {  	[tilespmem:s25+$0xFFFFFF40] =	vst v31;
	v33 =	vadd.s32 v3, v33;
	v15 =	vmovc v46;
	v46 =	vmul.f32 $8.000000000e+00, v30;
	v5 =	vmul.f32 $8.000000000e+00, v6;
	v17 =	vld.idx.msk [tilespmem:v61+s0+$0x0], $0xffff  }
0x386: {  	v22 =	vadd.s32 v3, v34;
	v34 =	vmul.f32 $8.000000000e+00, v32;
	v57 =	vmul.f32 $8.000000000e+00, v23;
	v23 =	vld.idx.msk [tilespmem:v59+s0+$0x0], $0xffff;
	[tilespmem:s25+$0xC0] =	vst v4  }
0x387: {  	v13 =	vmovc v21;
	v36 =	vadd.s32 v3, v11;
	v61 =	vmul.f32 $8.000000000e+00, v28;
	v59 =	vmul.f32 $8.000000000e+00, v24;
	[tilespmem:s25+$0x140] =	vst v5;
	v18 =	vld.idx.msk [tilespmem:v62+s0+$0x0], $0xffff  }
0x388: {  	s26 =	smov.u32 s25;
	s29 =	sadd.s32 $0x10, s29;
	v41 =	vadd.s32 v3, v9;
	v21 =	vmul.f32 $8.000000000e+00, v10;
	v20 =	vld.idx.msk [tilespmem:v63+s0+$0x0], $0xffff;
	[tilespmem:s24+$0xD0] =	vst v12;
	v12 =	vmovc v25;
	v24 =	vmul.f32 $8.000000000e+00, v48  }
0x389: {  	[tilespmem:s24+$0x150] =	vst v47  }
0x38a: {  	[tilespmem:s24+$0xFFFFFE60] =	vst v56  }
0x38b: {  	[tilespmem:s24+$0xFFFFFEE0] =	vst v53  }
0x38c: {  	[tilespmem:s24+$0xFFFFFF60] =	vst v54  }
0x38d: {  	[tilespmem:s24+$0xFFFFFFE0] =	vst v52  }
0x38e: {  	[tilespmem:s24+$0x60] =	vst v61  }
0x38f: {  	[tilespmem:s23+$0xE0] =	vst v49  }
0x390: {  	[tilespmem:s23+$0x160] =	vst v50  }
0x391: {  	[tilespmem:s23+$0xFFFFFE70] =	vst v55  }
0x392: {  	[tilespmem:s23+$0xFFFFFEF0] =	vst v57  }
0x393: {  	[tilespmem:s23+$0xFFFFFF70] =	vst v58  }
0x394: {  	[tilespmem:s23+$0xFFFFFFF0] =	vst v59  }
0x395: {  	[tilespmem:s23+$0x70] =	vst v45  }
0x396: {  	[tilespmem:s25+$0x1E0] =	vst v21  }
0x397: {  	[tilespmem:s22+$0xF0] =	vst v46;
	v6 =	vld.idx.msk [tilespmem:v22+s0+$0x0], $0xffff  }
0x398: {  	v4 =	vmul.f32 $8.000000000e+00, v26;
	[tilespmem:s22+$0x170] =	vst v34  }
0x399: {  	[tilespmem:s25+$0xFFFFFE50] =	vst v24;
	v5 =	vmul.f32 $8.000000000e+00, v23  }
0x39a: {  	v7 =	vmul.f32 $8.000000000e+00, v17;
	[tilespmem:s25+$0xFFFFFED0] =	vst v4  }
0x39b: {  	[tilespmem:s25+$0xFFFFFF50] =	vst v5;
	v5 =	vmul.f32 $8.000000000e+00, v19  }
0x39c: {  	v45 =	vld.idx.msk [tilespmem:v43+s0+$0x0], $0xffff;
	[tilespmem:s26+$0x50] =	vst v7;
	v4 =	vmul.f32 $8.000000000e+00, v6  }
0x39d: {  	v10 =	vld.idx.msk [tilespmem:v15+s0+$0x0], $0xffff;
	[tilespmem:s26+$0xFFFFFFD0] =	vst v5  }
0x39e: {  	v9 =	vmul.f32 $8.000000000e+00, v18;
	[tilespmem:s25+$0x1F0] =	vst v4;
	v4 =	vld.idx.msk [tilespmem:v42+s0+$0x0], $0xffff  }
0x39f: {  	v11 =	vld [tilespmem:$0x1FE60]  }
0x3a0: {  	v8 =	vld.idx.msk [tilespmem:v44+s0+$0x0], $0xffff;
	[tilespmem:s26+$0xD0] =	vst v9  }
0x3a1: {  	v47 =	vmul.f32 $8.000000000e+00, v20;
	v9 =	vld [tilespmem:$0x1FE70]  }
0x3a2: {  	v5 =	vld.idx.msk [tilespmem:v16+s0+$0x0], $0xffff  }
0x3a3: {  	[tilespmem:s26+$0x150] =	vst v47;
	v48 =	vld.idx.msk [tilespmem:v51+s0+$0x0], $0xffff;
	v4 =	vmul.f32 $8.000000000e+00, v4  }
0x3a4: {  	v7 =	vld [tilespmem:$0x1FE80]  }
0x3a5: {  	v6 =	vmul.f32 $8.000000000e+00, v45;
	v50 =	vld.idx.msk [tilespmem:v37+s0+$0x0], $0xffff;
	[tilespmem:s26+$0xFFFFFE60] =	vst v4  }
0x3a6: {  	v4 =	vld [tilespmem:$0x1FE90]  }
0x3a7: {  	v8 =	vmul.f32 $8.000000000e+00, v8;
	[tilespmem:s26+$0xFFFFFEE0] =	vst v6;
	v11 =	vld.idx.msk [tilespmem:v11+s0+$0x0], $0xffff  }
0x3a8: {  	v6 =	vld [tilespmem:$0x1FEA0]  }
0x3a9: {  	v5 =	vmul.f32 $8.000000000e+00, v5;
	[tilespmem:s26+$0xFFFFFF60] =	vst v8;
	v9 =	vld.idx.msk [tilespmem:v9+s0+$0x0], $0xffff  }
0x3aa: {  	v8 =	vld [tilespmem:$0x1FEB0]  }
0x3ab: {  	[tilespmem:s26+$0xFFFFFFE0] =	vst v5;
	v5 =	vld.idx.msk [tilespmem:v13+s0+$0x0], $0xffff  }
0x3ac: {  	v10 =	vmul.f32 $8.000000000e+00, v10;
	v54 =	vld.idx.msk [tilespmem:v40+s0+$0x0], $0xffff  }
0x3ad: {  	v7 =	vld.idx.msk [tilespmem:v7+s0+$0x0], $0xffff  }
0x3ae: {  	[tilespmem:s26+$0x60] =	vst v10;
	v11 =	vmul.f32 $8.000000000e+00, v11;
	v4 =	vld.idx.msk [tilespmem:v4+s0+$0x0], $0xffff  }
0x3af: {  	v10 =	vld [tilespmem:$0x1FE40];
	v9 =	vmul.f32 $8.000000000e+00, v9  }
0x3b0: {  	v55 =	vmul.f32 $8.000000000e+00, v48;
	v56 =	vld.idx.msk [tilespmem:v36+s0+$0x0], $0xffff;
	[tilespmem:s24+$0xE0] =	vst v11  }
0x3b1: {  	v57 =	vmul.f32 $8.000000000e+00, v50;
	v11 =	vld [tilespmem:$0x1FE50];
	[tilespmem:s24+$0x160] =	vst v9  }
0x3b2: {  	v60 =	vmul.f32 $8.000000000e+00, v54;
	v6 =	vld.idx.msk [tilespmem:v6+s0+$0x0], $0xffff;
	[tilespmem:s26+$0xE0] =	vst v55  }
0x3b3: {  	v58 =	vld.idx.msk [tilespmem:v12+s0+$0x0], $0xffff;
	[tilespmem:s26+$0x160] =	vst v57;
	v4 =	vmul.f32 $8.000000000e+00, v4  }
0x3b4: {  	v7 =	vmul.f32 $8.000000000e+00, v7;
	[tilespmem:s26+$0xFFFFFF70] =	vst v60;
	v8 =	vld.idx.msk [tilespmem:v8+s0+$0x0], $0xffff  }
0x3b5: {  	v9 =	vmul.f32 $8.000000000e+00, v56;
	[tilespmem:s24+$0xFFFFFEF0] =	vst v4;
	v4 =	vmul.f32 $8.000000000e+00, v5;
	v5 =	vld.idx.msk [tilespmem:v38+s0+$0x0], $0xffff  }
0x3b6: {  	[tilespmem:s24+$0xFFFFFE70] =	vst v7;
	v61 =	vld.idx.msk [tilespmem:v35+s0+$0x0], $0xffff  }
0x3b7: {  	v10 =	vld.idx.msk [tilespmem:v10+s0+$0x0], $0xffff;
	[tilespmem:s26+$0x70] =	vst v9;
	v6 =	vmul.f32 $8.000000000e+00, v6  }
0x3b8: {  	v62 =	vmul.f32 $8.000000000e+00, v58;
	[tilespmem:s24+$0x70] =	vst v4;
	v4 =	vld.idx.msk [tilespmem:v41+s0+$0x0], $0xffff  }
0x3b9: {  	v52 =	vld.idx.msk [tilespmem:v39+s0+$0x0], $0xffff;
	v49 =	vmul.f32 $8.000000000e+00, v8;
	[tilespmem:s24+$0xFFFFFF70] =	vst v6  }
0x3ba: {  	v59 =	vld.idx.msk [tilespmem:v14+s0+$0x0], $0xffff;
	[tilespmem:s24+$0xF0] =	vst v62;
	v5 =	vmul.f32 $8.000000000e+00, v5  }
0x3bb: {  	v63 =	vmul.f32 $8.000000000e+00, v61;
	v11 =	vld.idx.msk [tilespmem:v11+s0+$0x0], $0xffff;
	[tilespmem:s24+$0xFFFFFFF0] =	vst v49  }
0x3bc: {  	v51 =	vmul.f32 $8.000000000e+00, v10;
	[tilespmem:s26+$0xFFFFFE70] =	vst v5;
	v5 =	vld.idx.msk [tilespmem:v33+s0+$0x0], $0xffff  }
0x3bd: {  	[tilespmem:s26+$0xF0] =	vst v63;
	v4 =	vmul.f32 $8.000000000e+00, v4  }
0x3be: {  	v10 =	vmul.f32 $8.000000000e+00, v52;
	[tilespmem:s23+$0xF0] =	vst v51  }
0x3bf: {  	[tilespmem:s26+$0xFFFFFFF0] =	vst v4;
	v4 =	vmul.f32 $8.000000000e+00, v59  }
.Ltmp8:
0x3c0: {  	[tilespmem:s26+$0xFFFFFEF0] =	vst v10;
	v53 =	vmul.f32 $8.000000000e+00, v11;
	(pc) =	sbr.rel .LBB2_10-.Ltmp8, $4  }
0x3c1: {  	[tilespmem:s24+$0x170] =	vst v4;
	v4 =	vmul.f32 $8.000000000e+00, v5  }
0x3c2: {  	s5 =	sshll.u32 s21, $0x10;
	[tilespmem:s23+$0x170] =	vst v53  }
0x3c3: {  	s5 =	sadd.s32 s5, s11;
	[tilespmem:s26+$0x170] =	vst v4  }
0x3c4: {  	[hbm4b:s5+s3] =	stream.linear.scatter [tilespmem:s9], [sflag:$0x4], $0x4000, $0x38;
	[tilespmem:$0x14000] =	vst v63  }
.LBB2_11:
0x3c5: {  	_ =	swait.ge [sflag:s16], $0x4000  }
.Ltmp9:
0x3c6: {  	[sflag:s16] =	ssyncset.done $0x0;
	(pc) =	sbr.rel @p0 .LBB2_15-.Ltmp9, $4  }
0x3c7: {  	[sflag:s16] =	ssyncadd.s32 $0xFFFFC000  }
0x3c8: {  	_ =	swait.ge [sflag:s17], $0x4000  }
0x3c9: {  	[sflag:s17] =	ssyncset.done $0x0  }
0x3ca: {  	[sflag:s17] =	ssyncadd.s32 $0xFFFFC000  }
0x3cb: {  	s5 =	rddreg [dreg:$0x1]  }
0x3cc: {  	s10 =	rddreg [dreg:$0xd]  }
0x3cd: {  	[tilespmem:s3], [sflag:$0x5] =	stream.linear.gather [hbm4b:s5+s3], $0x400, $0x38;
	[tilespmem:$0x14000] =	vst v63  }
0x3ce: {  	s6 =	simm.s32 $0xC00;
	s12 =	rddreg [dreg:$0xe]  }
0x3cf: {  	[tilespmem:s6], [sflag:$0x5] =	stream.linear.gather [hbm4b:s10+s3], $0x400, $0x38;
	[tilespmem:$0x14000] =	vst v63  }
0x3d0: {  	s13 =	simm.s32 $0x1800;
	s14 =	rddreg [dreg:$0xf]  }
0x3d1: {  	[tilespmem:s13], [sflag:$0x5] =	stream.linear.gather [hbm4b:s12+s3], $0x400, $0x38;
	[tilespmem:$0x14000] =	vst v63  }
0x3d2: {  	s15 =	simm.s32 $0x2400;
	s20 =	rddreg [dreg:$0x10]  }
0x3d3: {  	[tilespmem:s15], [sflag:$0x5] =	stream.linear.gather [hbm4b:s14+s3], $0x400, $0x38;
	[tilespmem:$0x14000] =	vst v63  }
0x3d4: {  	s21 =	simm.s32 $0x3000;
	s22 =	rddreg [dreg:$0x11]  }
0x3d5: {  	[tilespmem:s21], [sflag:$0x5] =	stream.linear.gather [hbm4b:s20+s3], $0x400, $0x38;
	[tilespmem:$0x14000] =	vst v63  }
0x3d6: {  	s23 =	simm.s32 $0x3C00;
	s24 =	rddreg [dreg:$0x12]  }
0x3d7: {  	[tilespmem:s23], [sflag:$0x5] =	stream.linear.gather [hbm4b:s22+s3], $0x400, $0x38;
	[tilespmem:$0x14000] =	vst v63  }
0x3d8: {  	s25 =	simm.s32 $0x4800;
	s26 =	rddreg [dreg:$0x13];
	s14 =	simm.s32 $0x6  }
0x3d9: {  	[tilespmem:s25], [sflag:$0x5] =	stream.linear.gather [hbm4b:s24+s3], $0x400, $0x38;
	[tilespmem:$0x14000] =	vst v63  }
0x3da: {  	s28 =	simm.s32 $0x5400;
	s8 =	simm.s32 $0xA;
	s10 =	simm.s32 $0x8;
	v4 =	vor.u32 s14, v0  }
0x3db: {  	v5 =	vor.u32 s10, v0;
	[tilespmem:s28], [sflag:$0x5] =	stream.linear.gather [hbm4b:s26+s3], $0x400, $0x38;
	[tilespmem:$0x14000] =	vst v63  }
0x3dc: {  	s29 =	simm.s32 $0xE;
	v6 =	vor.u32 s8, v0;
	_ =	swait.ge [sflag:s18], $0x2000  }
0x3dd: {  	s30 =	simm.s32 $0xC;
	v7 =	vor.u32 s29, v0;
	[sflag:s18] =	ssyncset.done $0x0  }
0x3de: {  	v8 =	vor.u32 s30, v0;
	s12 =	simm.s32 $0x0;
	[sflag:s18] =	ssyncadd.s32 $0xFFFFE000  }
0x3df: {  	v9 =	vor.u32 s12, v0;
	v4 =	vld.idx.msk [tilespmem:v4+s3+$0x0], $0xffff  }
0x3e0: {  	s21 =	simm.s32 $0x2;
	v5 =	vld.idx.msk [tilespmem:v5+s3+$0x0], $0xffff  }
0x3e1: {  	v10 =	vor.u32 s21, v0;
	v6 =	vld.idx.msk [tilespmem:v6+s3+$0x0], $0xffff  }
0x3e2: {  	v11 =	vor.u32 s14, v1;
	v7 =	vld.idx.msk [tilespmem:v7+s3+$0x0], $0xffff  }
0x3e3: {  	v12 =	vor.u32 s10, v1;
	v8 =	vld.idx.msk [tilespmem:v8+s3+$0x0], $0xffff  }
0x3e4: {  	v13 =	vor.u32 s8, v1;
	v9 =	vld.idx.msk [tilespmem:v9+s3+$0x0], $0xffff;
	v4 =	vmul.f32 $8.000000000e+00, v4  }
0x3e5: {  	v14 =	vor.u32 s29, v1;
	s20 =	simm.s32 $0xC200;
	v5 =	vmul.f32 $8.000000000e+00, v5  }
0x3e6: {  	v10 =	vld.idx.msk [tilespmem:v10+s3+$0x0], $0xffff;
	[tilespmem:s20+$0xFFFFFF80] =	vst v4;
	v4 =	vmul.f32 $8.000000000e+00, v6;
	v6 =	vor.u32 s30, v1  }
0x3e7: {  	s13 =	simm.s32 $0x4;
	v15 =	vor.u32 s12, v1;
	[tilespmem:s20+$0x0] =	vst v5;
	v5 =	vmul.f32 $8.000000000e+00, v7;
	v11 =	vld.idx.msk [tilespmem:v11+s3+$0x0], $0xffff  }
0x3e8: {  	v8 =	vmul.f32 $8.000000000e+00, v8;
	v7 =	vor.u32 s13, v0;
	v12 =	vld.idx.msk [tilespmem:v12+s3+$0x0], $0xffff;
	[tilespmem:s20+$0x80] =	vst v4  }
0x3e9: {  	v4 =	vmul.f32 $8.000000000e+00, v9;
	v9 =	vor.u32 s21, v1;
	[tilespmem:s20+$0x180] =	vst v5;
	v13 =	vld.idx.msk [tilespmem:v13+s3+$0x0], $0xffff  }
0x3ea: {  	[tilespmem:s20+$0x100] =	vst v8;
	v5 =	vor.u32 s14, v2;
	v8 =	vld.idx.msk [tilespmem:v14+s3+$0x0], $0xffff  }
0x3eb: {  	[tilespmem:s20+$0xFFFFFE00] =	vst v4;
	v4 =	vmul.f32 $8.000000000e+00, v10;
	v10 =	vor.u32 s10, v2;
	v6 =	vld.idx.msk [tilespmem:v6+s3+$0x0], $0xffff  }
0x3ec: {  	v14 =	vld.idx.msk [tilespmem:v15+s3+$0x0], $0xffff;
	v15 =	vor.u32 s8, v2;
	v11 =	vmul.f32 $8.000000000e+00, v11  }
0x3ed: {  	v7 =	vld.idx.msk [tilespmem:v7+s3+$0x0], $0xffff;
	[tilespmem:s20+$0xFFFFFE80] =	vst v4;
	v4 =	vmul.f32 $8.000000000e+00, v12;
	v12 =	vor.u32 s29, v2  }
0x3ee: {  	v16 =	vor.u32 s30, v2;
	v9 =	vld.idx.msk [tilespmem:v9+s3+$0x0], $0xffff;
	[tilespmem:s20+$0xFFFFFF90] =	vst v11;
	v11 =	vmul.f32 $8.000000000e+00, v13  }
0x3ef: {  	v13 =	vor.u32 s12, v2;
	[tilespmem:s20+$0x10] =	vst v4;
	v4 =	vmul.f32 $8.000000000e+00, v8;
	v5 =	vld.idx.msk [tilespmem:v5+s3+$0x0], $0xffff  }
0x3f0: {  	v8 =	vld.idx.msk [tilespmem:v10+s3+$0x0], $0xffff;
	[tilespmem:s20+$0x90] =	vst v11;
	v6 =	vmul.f32 $8.000000000e+00, v6  }
0x3f1: {  	v18 =	vor.u32 s8, v3;
	v10 =	vor.u32 s13, v1;
	v11 =	vmul.f32 $8.000000000e+00, v14;
	[tilespmem:s20+$0x190] =	vst v4;
	v14 =	vld.idx.msk [tilespmem:v15+s3+$0x0], $0xffff  }
0x3f2: {  	v20 =	vor.u32 s30, v3;
	v15 =	vor.u32 s14, v3;
	[tilespmem:s20+$0x110] =	vst v6;
	v6 =	vld.idx.msk [tilespmem:v12+s3+$0x0], $0xffff  }
0x3f3: {  	v17 =	vor.u32 s21, v3;
	v4 =	vmul.f32 $8.000000000e+00, v7;
	v7 =	vor.u32 s21, v2;
	[tilespmem:s20+$0xFFFFFE10] =	vst v11;
	v16 =	vld.idx.msk [tilespmem:v16+s3+$0x0], $0xffff  }
0x3f4: {  	v9 =	vmul.f32 $8.000000000e+00, v9;
	v11 =	vor.u32 s13, v3;
	v13 =	vld.idx.msk [tilespmem:v13+s3+$0x0], $0xffff;
	v5 =	vmul.f32 $8.000000000e+00, v5  }
0x3f5: {  	v12 =	vor.u32 s10, v3;
	[tilespmem:s20+$0xFFFFFF00] =	vst v4;
	s10 =	simm.s32 $0x7;
	v19 =	vmul.f32 $8.000000000e+00, v8;
	v8 =	vor.u32 s29, v3  }
0x3f6: {  	v4 =	vor.u32 s12, v3;
	s12 =	simm.s32 $0xF;
	v10 =	vld.idx.msk [tilespmem:v10+s3+$0x0], $0xffff;
	[tilespmem:s20+$0xFFFFFFA0] =	vst v5;
	v5 =	vmul.f32 $8.000000000e+00, v14;
	v14 =	vmov s10  }
0x3f7: {  	[tilespmem:s20+$0xFFFFFE90] =	vst v9;
	v9 =	vmov s12;
	v15 =	vld.idx.msk [tilespmem:v15+s3+$0x0], $0xffff;
	v14 =	vshll.u32 v14, $0x3;
	v6 =	vmul.f32 $8.000000000e+00, v6  }
0x3f8: {  	v21 =	vld.idx.msk [tilespmem:v7+s3+$0x0], $0xffff;
	v9 =	vshll.u32 v9, $0x3;
	[tilespmem:s20+$0xA0] =	vst v5;
	v5 =	vand.u32 $0x7FFFFC00, v14;
	v14 =	vmul.f32 $8.000000000e+00, v16  }
0x3f9: {  	v13 =	vmul.f32 $8.000000000e+00, v13;
	v16 =	vor.u32 s13, v2;
	s13 =	simm.s32 $0xD;
	v18 =	vld.idx.msk [tilespmem:v18+s3+$0x0], $0xffff;
	v7 =	vadd.s32 s10, v5;
	[tilespmem:s20+$0x1A0] =	vst v6  }
0x3fa: {  	s14 =	simm.s32 $0xB;
	v5 =	vand.u32 $0x7FFFFC00, v9;
	v6 =	vadd.s32 v0, v7;
	[tilespmem:s20+$0x120] =	vst v14;
	v9 =	vld.idx.msk [tilespmem:v8+s3+$0x0], $0xffff;
	v8 =	vmov s13  }
0x3fb: {  	v10 =	vmul.f32 $8.000000000e+00, v10;
	[tilespmem:s20+$0xFFFFFE20] =	vst v13;
	v13 =	vmov s14;
	v14 =	vld.idx.msk [tilespmem:v20+s3+$0x0], $0xffff;
	v20 =	vshll.u32 v8, $0x3  }
0x3fc: {  	v22 =	vld.idx.msk [tilespmem:v4+s3+$0x0], $0xffff;
	v8 =	vadd.s32 s12, v5;
	v4 =	vmul.f32 $8.000000000e+00, v15;
	v5 =	vand.u32 $0x7FFFFC00, v20  }
0x3fd: {  	s15 =	simm.s32 $0x3;
	[tilespmem:s20+$0xFFFFFF10] =	vst v10;
	v15 =	vmul.f32 $8.000000000e+00, v21;
	v10 =	vadd.s32 v0, v8;
	v20 =	vadd.s32 s13, v5  }
0x3fe: {  	v5 =	vshll.u32 v13, $0x3;
	v13 =	vld.idx.msk [tilespmem:v16+s3+$0x0], $0xffff;
	v16 =	vmov s15;
	[tilespmem:s20+$0xFFFFFFB0] =	vst v4;
	v21 =	vadd.s32 v0, v20  }
0x3ff: {  	s21 =	simm.s32 $0x1;
	v4 =	vand.u32 $0x7FFFFC00, v5;
	v5 =	vmul.f32 $8.000000000e+00, v18;
	v6 =	vld.idx.msk [tilespmem:v6+s3+$0x0], $0xffff;
	v9 =	vmul.f32 $8.000000000e+00, v9  }
0x400: {  	s23 =	simm.s32 $0x9;
	[tilespmem:s20+$0xFFFFFEA0] =	vst v15;
	v15 =	vor.u32 s21, v0;
	v16 =	vshll.u32 v16, $0x3;
	v14 =	vmul.f32 $8.000000000e+00, v14  }
0x401: {  	v4 =	vadd.s32 s14, v4;
	v17 =	vld.idx.msk [tilespmem:v17+s3+$0x0], $0xffff;
	v18 =	vmul.f32 $8.000000000e+00, v22;
	v22 =	vmov s23;
	[tilespmem:s20+$0x1B0] =	vst v9  }
0x402: {  	v9 =	vshll.u32 v22, $0x3;
	v22 =	vadd.s32 v1, v7;
	[tilespmem:s20+$0x130] =	vst v14;
	v14 =	vld.idx.msk [tilespmem:v10+s3+$0x0], $0xffff;
	v10 =	vand.u32 $0x7FFFFC00, v16  }
0x403: {  	[tilespmem:s20+$0x20] =	vst v19;
	v13 =	vmul.f32 $8.000000000e+00, v13;
	v16 =	vadd.s32 v0, v4;
	v19 =	vld.idx.msk [tilespmem:v21+s3+$0x0], $0xffff;
	v10 =	vadd.s32 s15, v10  }
0x404: {  	s24 =	simm.s32 $0x5;
	v12 =	vld.idx.msk [tilespmem:v12+s3+$0x0], $0xffff;
	[tilespmem:s20+$0xFFFFFE30] =	vst v18;
	v9 =	vand.u32 $0x7FFFFC00, v9;
	v18 =	vmul.f32 $8.000000000e+00, v6;
	v21 =	vadd.s32 v0, v10  }
0x405: {  	v6 =	vadd.s32 s23, v9;
	v9 =	vld.idx.msk [tilespmem:v15+s3+$0x0], $0xffff;
	[tilespmem:s20+$0xFFFFFF20] =	vst v13;
	v13 =	vmov s24;
	v15 =	vadd.s32 v1, v8  }
0x406: {  	v17 =	vmul.f32 $8.000000000e+00, v17;
	v11 =	vld.idx.msk [tilespmem:v11+s3+$0x0], $0xffff;
	v13 =	vshll.u32 v13, $0x3;
	[tilespmem:s20+$0xFFFFFFC0] =	vst v18;
	v18 =	vadd.s32 v1, v20  }
0x407: {  	[tilespmem:s20+$0xB0] =	vst v5;
	v5 =	vand.u32 $0x7FFFFC00, v13;
	v13 =	vadd.s32 v0, v6;
	v22 =	vld.idx.msk [tilespmem:v22+s3+$0x0], $0xffff;
	v14 =	vmul.f32 $8.000000000e+00, v14  }
0x408: {  	[tilespmem:s20+$0xFFFFFEB0] =	vst v17;
	v17 =	vor.u32 s21, v1;
	v16 =	vld.idx.msk [tilespmem:v16+s3+$0x0], $0xffff;
	v5 =	vadd.s32 s24, v5;
	v19 =	vmul.f32 $8.000000000e+00, v19  }
0x409: {  	v12 =	vmul.f32 $8.000000000e+00, v12;
	v23 =	vadd.s32 v0, v5;
	v21 =	vld.idx.msk [tilespmem:v21+s3+$0x0], $0xffff;
	[tilespmem:s20+$0x1C0] =	vst v14  }
0x40a: {  	v9 =	vmul.f32 $8.000000000e+00, v9;
	v14 =	vadd.s32 v2, v7;
	[tilespmem:s20+$0x140] =	vst v19;
	v15 =	vld.idx.msk [tilespmem:v15+s3+$0x0], $0xffff  }
0x40b: {  	[tilespmem:s20+$0x30] =	vst v12;
	v11 =	vmul.f32 $8.000000000e+00, v11;
	v12 =	vld.idx.msk [tilespmem:v18+s3+$0x0], $0xffff;
	v18 =	vadd.s32 v1, v4  }
0x40c: {  	v19 =	vadd.s32 v1, v10;
	[tilespmem:s20+$0xFFFFFE40] =	vst v9;
	v13 =	vld.idx.msk [tilespmem:v13+s3+$0x0], $0xffff;
	v9 =	vmul.f32 $8.000000000e+00, v22  }
0x40d: {  	v17 =	vld.idx.msk [tilespmem:v17+s3+$0x0], $0xffff;
	[tilespmem:s20+$0xFFFFFF30] =	vst v11;
	v11 =	vmul.f32 $8.000000000e+00, v16;
	v16 =	vadd.s32 v2, v8  }
0x40e: {  	v22 =	vld.idx.msk [tilespmem:v23+s3+$0x0], $0xffff;
	[tilespmem:s20+$0xFFFFFFD0] =	vst v9;
	v9 =	vmul.f32 $8.000000000e+00, v21;
	v21 =	vadd.s32 v2, v20  }
0x40f: {  	s25 =	simm.s32 $0x10;
	v23 =	vadd.s32 v1, v6;
	[tilespmem:s20+$0xC0] =	vst v11;
	v14 =	vld.idx.msk [tilespmem:v14+s3+$0x0], $0xffff;
	v11 =	vmul.f32 $8.000000000e+00, v15  }
0x410: {  	v15 =	vor.u32 s25, v0;
	[tilespmem:s20+$0xFFFFFEC0] =	vst v9;
	v18 =	vld.idx.msk [tilespmem:v18+s3+$0x0], $0xffff;
	v12 =	vmul.f32 $8.000000000e+00, v12  }
0x411: {  	s26 =	simm.s32 $0x12;
	v24 =	vor.u32 s21, v2;
	v13 =	vmul.f32 $8.000000000e+00, v13;
	v9 =	vld.idx.msk [tilespmem:v19+s3+$0x0], $0xffff;
	[tilespmem:s20+$0x1D0] =	vst v11  }
0x412: {  	s28 =	simm.s32 $0x14;
	v11 =	vor.u32 s26, v0;
	[tilespmem:s20+$0x150] =	vst v12;
	v12 =	vld.idx.msk [tilespmem:v16+s3+$0x0], $0xffff  }
0x413: {  	s22 =	simm.s32 $0x16;
	v17 =	vmul.f32 $8.000000000e+00, v17;
	v16 =	vor.u32 s28, v0;
	[tilespmem:s20+$0x40] =	vst v13;
	v13 =	vld.idx.msk [tilespmem:v21+s3+$0x0], $0xffff  }
0x414: {  	v19 =	vor.u32 s22, v0;
	v21 =	vmul.f32 $8.000000000e+00, v22;
	v22 =	vld.idx.msk [tilespmem:v23+s3+$0x0], $0xffff  }
0x415: {  	s23 =	simm.s32 $0x18;
	v7 =	vadd.s32 v3, v7;
	[tilespmem:s20+$0xFFFFFE50] =	vst v17;
	v15 =	vld.idx.msk [tilespmem:v15+s3+$0x0], $0xffff  }
0x416: {  	s29 =	simm.s32 $0x1A;
	v23 =	vor.u32 s23, v0;
	v14 =	vmul.f32 $8.000000000e+00, v14;
	[tilespmem:s20+$0xFFFFFF40] =	vst v21;
	v21 =	vld.idx.msk [tilespmem:v24+s3+$0x0], $0xffff  }
0x417: {  	s30 =	simm.s32 $0x1C;
	v17 =	vor.u32 s29, v0;
	v18 =	vmul.f32 $8.000000000e+00, v18;
	v11 =	vld.idx.msk [tilespmem:v11+s3+$0x0], $0xffff  }
0x418: {  	v24 =	vor.u32 s30, v0;
	[tilespmem:s20+$0xFFFFFFE0] =	vst v14;
	v12 =	vmul.f32 $8.000000000e+00, v12;
	v14 =	vld.idx.msk [tilespmem:v16+s3+$0x0], $0xffff  }
0x419: {  	s15 =	simm.s32 $0x1E;
	v8 =	vadd.s32 v3, v8;
	[tilespmem:s20+$0xD0] =	vst v18;
	v18 =	vld.idx.msk [tilespmem:v19+s3+$0x0], $0xffff;
	v13 =	vmul.f32 $8.000000000e+00, v13  }
0x41a: {  	v16 =	vor.u32 s15, v0;
	v19 =	vadd.s32 v3, v20;
	v7 =	vld.idx.msk [tilespmem:v7+s3+$0x0], $0xffff;
	v20 =	vmul.f32 $8.000000000e+00, v22;
	[tilespmem:s20+$0x1E0] =	vst v12  }
0x41b: {  	v12 =	vld.idx.msk [tilespmem:v23+s3+$0x0], $0xffff;
	v15 =	vmul.f32 $8.000000000e+00, v15;
	[tilespmem:s20+$0x160] =	vst v13  }
0x41c: {  	v22 =	vadd.s32 v2, v6;
	v13 =	vld.idx.msk [tilespmem:v17+s3+$0x0], $0xffff;
	v17 =	vor.u32 s21, v3;
	v21 =	vmul.f32 $8.000000000e+00, v21;
	[tilespmem:s20+$0x50] =	vst v20;
	s21 =	simm.s32 $0xC600  }
0x41d: {  	v20 =	vld.idx.msk [tilespmem:v24+s3+$0x0], $0xffff;
	[tilespmem:s21+$0xFFFFFE00] =	vst v15;
	v11 =	vmul.f32 $8.000000000e+00, v11  }
0x41e: {  	v8 =	vld.idx.msk [tilespmem:v8+s3+$0x0], $0xffff;
	v15 =	vor.u32 s22, v1;
	v14 =	vmul.f32 $8.000000000e+00, v14;
	[tilespmem:s20+$0xFFFFFE60] =	vst v21  }
0x41f: {  	v16 =	vld.idx.msk [tilespmem:v16+s3+$0x0], $0xffff;
	v21 =	vor.u32 s23, v1;
	v7 =	vmul.f32 $8.000000000e+00, v7;
	[tilespmem:s21+$0xFFFFFE80] =	vst v11  }
0x420: {  	v19 =	vld.idx.msk [tilespmem:v19+s3+$0x0], $0xffff;
	v11 =	vmul.f32 $8.000000000e+00, v18;
	v18 =	vor.u32 s29, v1;
	[tilespmem:s21+$0xFFFFFF00] =	vst v14  }
0x421: {  	v22 =	vld.idx.msk [tilespmem:v22+s3+$0x0], $0xffff;
	v12 =	vmul.f32 $8.000000000e+00, v12;
	v14 =	vor.u32 s25, v1;
	[tilespmem:s20+$0xFFFFFFF0] =	vst v7  }
0x422: {  	v24 =	vadd.s32 v1, v5;
	v17 =	vld.idx.msk [tilespmem:v17+s3+$0x0], $0xffff;
	[tilespmem:s21+$0xFFFFFF80] =	vst v11;
	v11 =	vmul.f32 $8.000000000e+00, v13  }
0x423: {  	v13 =	vor.u32 s15, v1;
	[tilespmem:s21+$0x0] =	vst v12;
	v12 =	vmul.f32 $8.000000000e+00, v20;
	v15 =	vld.idx.msk [tilespmem:v15+s3+$0x0], $0xffff  }
0x424: {  	v20 =	vor.u32 s30, v1;
	[tilespmem:s21+$0x80] =	vst v11;
	v11 =	vmul.f32 $8.000000000e+00, v16;
	v16 =	vld.idx.msk [tilespmem:v21+s3+$0x0], $0xffff  }
0x425: {  	[tilespmem:s21+$0x100] =	vst v12;
	v12 =	vmul.f32 $8.000000000e+00, v19;
	v19 =	vor.u32 s26, v1;
	v18 =	vld.idx.msk [tilespmem:v18+s3+$0x0], $0xffff  }
0x426: {  	v8 =	vmul.f32 $8.000000000e+00, v8;
	[tilespmem:s21+$0x180] =	vst v11;
	v11 =	vld.idx.msk [tilespmem:v14+s3+$0x0], $0xffff;
	v14 =	vadd.s32 v2, v4  }
0x427: {  	v24 =	vld.idx.msk [tilespmem:v24+s3+$0x0], $0xffff;
	v17 =	vmul.f32 $8.000000000e+00, v17;
	[tilespmem:s20+$0x170] =	vst v12;
	v12 =	vor.u32 s22, v2  }
0x428: {  	[tilespmem:s20+$0x1F0] =	vst v8;
	v8 =	vor.u32 s23, v2;
	v21 =	vmul.f32 $8.000000000e+00, v22;
	v13 =	vld.idx.msk [tilespmem:v13+s3+$0x0], $0xffff  }
0x429: {  	v20 =	vld.idx.msk [tilespmem:v20+s3+$0x0], $0xffff;
	v15 =	vmul.f32 $8.000000000e+00, v15;
	[tilespmem:s20+$0xFFFFFE70] =	vst v17;
	v17 =	vor.u32 s29, v2  }
0x42a: {  	[tilespmem:s20+$0x60] =	vst v21;
	v21 =	vor.u32 s25, v2;
	v16 =	vmul.f32 $8.000000000e+00, v16;
	v19 =	vld.idx.msk [tilespmem:v19+s3+$0x0], $0xffff  }
0x42b: {  	[tilespmem:s21+$0xFFFFFF90] =	vst v15;
	v15 =	vmul.f32 $8.000000000e+00, v18;
	v18 =	vor.u32 s15, v2;
	v14 =	vld.idx.msk [tilespmem:v14+s3+$0x0], $0xffff  }
0x42c: {  	v11 =	vmul.f32 $8.000000000e+00, v11;
	[tilespmem:s21+$0x10] =	vst v16;
	v16 =	vor.u32 s30, v2;
	v12 =	vld.idx.msk [tilespmem:v12+s3+$0x0], $0xffff  }
0x42d: {  	v22 =	vor.u32 s28, v1;
	[tilespmem:s21+$0x90] =	vst v15;
	v13 =	vmul.f32 $8.000000000e+00, v13;
	v8 =	vld.idx.msk [tilespmem:v8+s3+$0x0], $0xffff  }
0x42e: {  	v25 =	vor.u32 s25, v3;
	s24 =	simm.s32 $0x17;
	v23 =	vor.u32 s26, v2;
	[tilespmem:s21+$0xFFFFFE10] =	vst v11;
	v11 =	vmul.f32 $8.000000000e+00, v20;
	v17 =	vld.idx.msk [tilespmem:v17+s3+$0x0], $0xffff  }
0x42f: {  	v26 =	vor.u32 s30, v3;
	v27 =	vmov s24;
	[tilespmem:s21+$0x190] =	vst v13;
	v21 =	vld.idx.msk [tilespmem:v21+s3+$0x0], $0xffff;
	v19 =	vmul.f32 $8.000000000e+00, v19  }
0x430: {  	v27 =	vshll.u32 v27, $0x3;
	v15 =	vor.u32 s22, v3;
	[tilespmem:s21+$0x110] =	vst v11;
	v18 =	vld.idx.msk [tilespmem:v18+s3+$0x0], $0xffff;
	v7 =	vmul.f32 $8.000000000e+00, v14  }
0x431: {  	v20 =	vor.u32 s23, v3;
	v14 =	vmul.f32 $8.000000000e+00, v9;
	v9 =	vld.idx.msk [tilespmem:v16+s3+$0x0], $0xffff;
	[tilespmem:s21+$0xFFFFFE90] =	vst v19;
	v12 =	vmul.f32 $8.000000000e+00, v12  }
0x432: {  	v11 =	vor.u32 s29, v3;
	v16 =	vadd.s32 v3, v6;
	v6 =	vld.idx.msk [tilespmem:v22+s3+$0x0], $0xffff;
	v8 =	vmul.f32 $8.000000000e+00, v8;
	[tilespmem:s20+$0xE0] =	vst v7  }
0x433: {  	v4 =	vadd.s32 v3, v4;
	v24 =	vmul.f32 $8.000000000e+00, v24;
	v7 =	vld.idx.msk [tilespmem:v23+s3+$0x0], $0xffff;
	[tilespmem:s21+$0xFFFFFFA0] =	vst v12;
	v12 =	vmul.f32 $8.000000000e+00, v17  }
0x434: {  	v13 =	vor.u32 s26, v3;
	v17 =	vor.u32 s15, v3;
	v21 =	vmul.f32 $8.000000000e+00, v21;
	[tilespmem:s21+$0x20] =	vst v8  }
0x435: {  	v22 =	vadd.s32 v2, v5;
	v19 =	vadd.s32 v2, v10;
	v15 =	vld.idx.msk [tilespmem:v15+s3+$0x0], $0xffff;
	[tilespmem:s21+$0xA0] =	vst v12;
	v12 =	vmul.f32 $8.000000000e+00, v18  }
0x436: {  	s23 =	simm.s32 $0x1F;
	v23 =	vor.u32 s28, v3;
	v20 =	vld.idx.msk [tilespmem:v20+s3+$0x0], $0xffff;
	v18 =	vor.u32 s28, v2;
	[tilespmem:s21+$0xFFFFFE20] =	vst v21;
	v9 =	vmul.f32 $8.000000000e+00, v9  }
0x437: {  	v8 =	vmov s23;
	v21 =	vand.u32 $0x7FFFFC00, v27;
	v27 =	vmul.f32 $8.000000000e+00, v6;
	v11 =	vld.idx.msk [tilespmem:v11+s3+$0x0], $0xffff;
	[tilespmem:s21+$0x1A0] =	vst v12  }
0x438: {  	s25 =	simm.s32 $0x1B;
	v8 =	vshll.u32 v8, $0x3;
	v6 =	vadd.s32 s24, v21;
	v12 =	vld.idx.msk [tilespmem:v25+s3+$0x0], $0xffff;
	v7 =	vmul.f32 $8.000000000e+00, v7;
	[tilespmem:s21+$0x120] =	vst v9  }
0x439: {  	s26 =	simm.s32 $0x1D;
	v8 =	vand.u32 $0x7FFFFC00, v8;
	v21 =	vmov s25;
	v25 =	vadd.s32 v0, v6;
	[tilespmem:s21+$0xFFFFFF10] =	vst v27;
	v17 =	vld.idx.msk [tilespmem:v17+s3+$0x0], $0xffff  }
0x43a: {  	v9 =	vadd.s32 s23, v8;
	v8 =	vld.idx.msk [tilespmem:v26+s3+$0x0], $0xffff;
	v26 =	vmov s26;
	[tilespmem:s21+$0xFFFFFEA0] =	vst v7;
	v7 =	vmul.f32 $8.000000000e+00, v15  }
0x43b: {  	[tilespmem:s20+$0xFFFFFF50] =	vst v24;
	v15 =	vshll.u32 v21, $0x3;
	v21 =	vshll.u32 v26, $0x3;
	v26 =	vadd.s32 v0, v9;
	v18 =	vld.idx.msk [tilespmem:v18+s3+$0x0], $0xffff  }
0x43c: {  	[tilespmem:s20+$0xFFFFFED0] =	vst v14;
	v13 =	vld.idx.msk [tilespmem:v13+s3+$0x0], $0xffff;
	v15 =	vand.u32 $0x7FFFFC00, v15;
	v21 =	vand.u32 $0x7FFFFC00, v21;
	v24 =	vmul.f32 $8.000000000e+00, v11  }
0x43d: {  	s28 =	simm.s32 $0x13;
	[tilespmem:s21+$0xFFFFFFB0] =	vst v7;
	v7 =	vadd.s32 s25, v15;
	v11 =	vadd.s32 s26, v21;
	v15 =	vld.idx.msk [tilespmem:v22+s3+$0x0], $0xffff;
	v12 =	vmul.f32 $8.000000000e+00, v12  }
0x43e: {  	s29 =	simm.s32 $0x19;
	s24 =	simm.s32 $0x11;
	v14 =	vmov s28;
	v21 =	vld.idx.msk [tilespmem:v25+s3+$0x0], $0xffff;
	v22 =	vadd.s32 v0, v11;
	[tilespmem:s21+$0xB0] =	vst v24;
	v17 =	vmul.f32 $8.000000000e+00, v17  }
0x43f: {  	v27 =	vld.idx.msk [tilespmem:v4+s3+$0x0], $0xffff;
	v25 =	vor.u32 s24, v0;
	v24 =	vmov s29;
	v4 =	vmul.f32 $8.000000000e+00, v8;
	[tilespmem:s21+$0xFFFFFE30] =	vst v12  }
0x440: {  	v8 =	vshll.u32 v24, $0x3;
	v12 =	vshll.u32 v14, $0x3;
	v14 =	vld.idx.msk [tilespmem:v16+s3+$0x0], $0xffff;
	v16 =	vmul.f32 $8.000000000e+00, v20;
	[tilespmem:s21+$0x1B0] =	vst v17  }
0x441: {  	v8 =	vand.u32 $0x7FFFFC00, v8;
	v17 =	vld.idx.msk [tilespmem:v19+s3+$0x0], $0xffff;
	v13 =	vmul.f32 $8.000000000e+00, v13;
	v19 =	vadd.s32 v1, v6;
	[tilespmem:s21+$0x130] =	vst v4  }
0x442: {  	v18 =	vmul.f32 $8.000000000e+00, v18;
	v4 =	vand.u32 $0x7FFFFC00, v12;
	v12 =	vadd.s32 v0, v7;
	v20 =	vld.idx.msk [tilespmem:v26+s3+$0x0], $0xffff;
	[tilespmem:s21+$0x30] =	vst v16  }
0x443: {  	v4 =	vadd.s32 s28, v4;
	v16 =	vld.idx.msk [tilespmem:v22+s3+$0x0], $0xffff;
	[tilespmem:s21+$0xFFFFFEB0] =	vst v13;
	v13 =	vmul.f32 $8.000000000e+00, v21;
	v21 =	vadd.s32 v3, v5  }
0x444: {  	s30 =	simm.s32 $0x15;
	v8 =	vadd.s32 s29, v8;
	v15 =	vmul.f32 $8.000000000e+00, v15;
	v22 =	vld.idx.msk [tilespmem:v25+s3+$0x0], $0xffff;
	v24 =	vadd.s32 v0, v4;
	[tilespmem:s21+$0xFFFFFF20] =	vst v18  }
0x445: {  	v5 =	vmul.f32 $8.000000000e+00, v27;
	v26 =	vadd.s32 v0, v8;
	v18 =	vld.idx.msk [tilespmem:v23+s3+$0x0], $0xffff;
	v23 =	vmov s30;
	[tilespmem:s21+$0xFFFFFFC0] =	vst v13  }
0x446: {  	v25 =	vadd.s32 v1, v9;
	[tilespmem:s20+$0xFFFFFF60] =	vst v15;
	v13 =	vshll.u32 v23, $0x3;
	v19 =	vld.idx.msk [tilespmem:v19+s3+$0x0], $0xffff;
	v17 =	vmul.f32 $8.000000000e+00, v17  }
0x447: {  	v23 =	vadd.s32 v1, v11;
	[tilespmem:s20+$0xF0] =	vst v5;
	v5 =	vand.u32 $0x7FFFFC00, v13;
	v27 =	vld.idx.msk [tilespmem:v12+s3+$0x0], $0xffff;
	v12 =	vmul.f32 $8.000000000e+00, v20  }
0x448: {  	v28 =	vor.u32 s24, v1;
	v5 =	vadd.s32 s30, v5;
	v15 =	vmul.f32 $8.000000000e+00, v16;
	[tilespmem:s20+$0xFFFFFEE0] =	vst v17;
	v13 =	vld.idx.msk [tilespmem:v21+s3+$0x0], $0xffff  }
0x449: {  	v29 =	vld.idx.msk [tilespmem:v24+s3+$0x0], $0xffff;
	v30 =	vadd.s32 v0, v5;
	[tilespmem:s21+$0x1C0] =	vst v12;
	v12 =	vmul.f32 $8.000000000e+00, v14;
	v14 =	vmul.f32 $8.000000000e+00, v22  }
0x44a: {  	v20 =	vld.idx.msk [tilespmem:v26+s3+$0x0], $0xffff;
	v22 =	vadd.s32 v2, v6;
	[tilespmem:s21+$0x140] =	vst v15  }
0x44b: {  	v18 =	vmul.f32 $8.000000000e+00, v18;
	v17 =	vld.idx.msk [tilespmem:v25+s3+$0x0], $0xffff;
	[tilespmem:s21+$0xFFFFFE40] =	vst v14;
	v14 =	vadd.s32 v3, v10  }
0x44c: {  	v24 =	vadd.s32 v1, v7;
	v15 =	vld.idx.msk [tilespmem:v23+s3+$0x0], $0xffff;
	[tilespmem:s20+$0x70] =	vst v12;
	v19 =	vmul.f32 $8.000000000e+00, v19  }
0x44d: {  	v21 =	vadd.s32 v1, v4;
	[tilespmem:s21+$0xFFFFFF30] =	vst v18;
	v26 =	vmul.f32 $8.000000000e+00, v27;
	v16 =	vld.idx.msk [tilespmem:v28+s3+$0x0], $0xffff  }
0x44e: {  	v12 =	vadd.s32 v1, v8;
	v18 =	vadd.s32 v2, v9;
	v23 =	vld.idx.msk [tilespmem:v30+s3+$0x0], $0xffff;
	[tilespmem:s21+$0xFFFFFFD0] =	vst v19  }
0x44f: {  	s22 =	simm.s32 $0x8;
	s23 =	simm.s32 $0x2F;
	v10 =	vor.u32 s24, v2;
	v25 =	vmul.f32 $8.000000000e+00, v29;
	[tilespmem:s21+$0xC0] =	vst v26;
	v19 =	vld.idx.msk [tilespmem:v22+s3+$0x0], $0xffff;
	v22 =	vadd.s32 v2, v11  }
.LBB2_13:
0x450: {  	s26 =	sadd.s32 $0xFFFFFFF1, s23;
	s22 =	sadd.s32 $0x8, s22;
	v17 =	vmul.f32 $8.000000000e+00, v17;
	v14 =	vld.idx.msk [tilespmem:v14+s3+$0x0], $0xffff  }
0x451: {  	s28 =	sadd.s32 $0xFFFFFFF3, s23;
	v15 =	vmul.f32 $8.000000000e+00, v15;
	v26 =	vor.u32 s26, v0;
	p1 =	slt.u32 s22, $0x18;
	[tilespmem:s21+$0xFFFFFEC0] =	vst v25;
	v24 =	vld.idx.msk [tilespmem:v24+s3+$0x0], $0xffff  }
0x452: {  	s25 =	sadd.s32 $0xFFFFFFF5, s23;
	v25 =	vor.u32 s28, v0;
	v20 =	vmul.f32 $8.000000000e+00, v20;
	v21 =	vld.idx.msk [tilespmem:v21+s3+$0x0], $0xffff;
	[tilespmem:s21+$0x1D0] =	vst v17  }
0x453: {  	s5 =	sadd.s32 $0xFFFFFFF7, s23;
	v17 =	vor.u32 s25, v0;
	v16 =	vmul.f32 $8.000000000e+00, v16;
	[tilespmem:s21+$0x150] =	vst v15;
	v15 =	vld.idx.msk [tilespmem:v18+s3+$0x0], $0xffff  }
0x454: {  	s6 =	sadd.s32 $0xFFFFFFF9, s23;
	v18 =	vor.u32 s5, v0;
	v23 =	vmul.f32 $8.000000000e+00, v23;
	[tilespmem:s21+$0x40] =	vst v20;
	v20 =	vld.idx.msk [tilespmem:v22+s3+$0x0], $0xffff  }
0x455: {  	s30 =	sadd.s32 $0xFFFFFFFB, s23;
	v22 =	vor.u32 s6, v0;
	[tilespmem:s21+$0xFFFFFE50] =	vst v16;
	v16 =	vmul.f32 $8.000000000e+00, v19;
	v12 =	vld.idx.msk [tilespmem:v12+s3+$0x0], $0xffff  }
0x456: {  	s29 =	sadd.s32 $0xFFFFFFFD, s23;
	v13 =	vmul.f32 $8.000000000e+00, v13;
	v19 =	vld.idx.msk [tilespmem:v26+s3+$0x0], $0xffff;
	v26 =	vor.u32 s30, v0;
	[tilespmem:s21+$0xFFFFFF40] =	vst v23  }
0x457: {  	v14 =	vmul.f32 $8.000000000e+00, v14;
	v23 =	vor.u32 s29, v0;
	v27 =	vld.idx.msk [tilespmem:v10+s3+$0x0], $0xffff;
	[tilespmem:s21+$0xFFFFFFE0] =	vst v16;
	v16 =	vmul.f32 $8.000000000e+00, v24  }
0x458: {  	s8 =	sadd.s32 $0xFFFFFFFF, s23;
	v10 =	vmul.f32 $8.000000000e+00, v21;
	v24 =	vld.idx.msk [tilespmem:v25+s3+$0x0], $0xffff;
	[tilespmem:s20+$0xFFFFFF70] =	vst v13  }
0x459: {  	v15 =	vmul.f32 $8.000000000e+00, v15;
	v13 =	vld.idx.msk [tilespmem:v17+s3+$0x0], $0xffff;
	v17 =	vor.u32 s8, v0;
	[tilespmem:s21+$0xD0] =	vst v16  }
0x45a: {  	v11 =	vadd.s32 v3, v11;
	v16 =	vld.idx.msk [tilespmem:v18+s3+$0x0], $0xffff;
	v18 =	vmul.f32 $8.000000000e+00, v20;
	[tilespmem:s20+$0xFFFFFEF0] =	vst v14;
	s20 =	smov.u32 s21  }
0x45b: {  	v9 =	vadd.s32 v3, v9;
	v12 =	vmul.f32 $8.000000000e+00, v12;
	v14 =	vld.idx.msk [tilespmem:v22+s3+$0x0], $0xffff;
	[tilespmem:s21+$0x1E0] =	vst v15  }
0x45c: {  	v21 =	vor.u32 s24, v3;
	v15 =	vmul.f32 $8.000000000e+00, v19;
	v19 =	vor.u32 s25, v1;
	v20 =	vld.idx.msk [tilespmem:v26+s3+$0x0], $0xffff;
	[tilespmem:s21+$0x160] =	vst v18  }
0x45d: {  	v22 =	vmul.f32 $8.000000000e+00, v27;
	s21 =	sadd.s32 $0x400, s21;
	v18 =	vld.idx.msk [tilespmem:v23+s3+$0x0], $0xffff;
	[tilespmem:s20+$0x50] =	vst v12;
	v12 =	vadd.s32 v2, v8  }
0x45e: {  	v23 =	vor.u32 s5, v1;
	[tilespmem:s21+$0xFFFFFE00] =	vst v15;
	v15 =	vmul.f32 $8.000000000e+00, v24;
	v17 =	vld.idx.msk [tilespmem:v17+s3+$0x0], $0xffff  }
0x45f: {  	v13 =	vmul.f32 $8.000000000e+00, v13;
	v24 =	vor.u32 s6, v1;
	[tilespmem:s20+$0xFFFFFE60] =	vst v22;
	v11 =	vld.idx.msk [tilespmem:v11+s3+$0x0], $0xffff  }
0x460: {  	[tilespmem:s21+$0xFFFFFE80] =	vst v15;
	v15 =	vmul.f32 $8.000000000e+00, v16;
	v16 =	vor.u32 s30, v1;
	v9 =	vld.idx.msk [tilespmem:v9+s3+$0x0], $0xffff  }
0x461: {  	v22 =	vor.u32 s26, v1;
	[tilespmem:s21+$0xFFFFFF00] =	vst v13;
	v13 =	vmul.f32 $8.000000000e+00, v14;
	v14 =	vld.idx.msk [tilespmem:v21+s3+$0x0], $0xffff  }
0x462: {  	[tilespmem:s21+$0xFFFFFF80] =	vst v15;
	v15 =	vmul.f32 $8.000000000e+00, v20;
	v20 =	vor.u32 s8, v1;
	v12 =	vld.idx.msk [tilespmem:v12+s3+$0x0], $0xffff  }
0x463: {  	v21 =	vld.idx.msk [tilespmem:v23+s3+$0x0], $0xffff;
	[tilespmem:s21+$0x0] =	vst v13;
	v13 =	vmul.f32 $8.000000000e+00, v18;
	v18 =	vor.u32 s29, v1  }
0x464: {  	v6 =	vadd.s32 v3, v6;
	v23 =	vld.idx.msk [tilespmem:v24+s3+$0x0], $0xffff;
	[tilespmem:s21+$0x80] =	vst v15;
	v15 =	vmul.f32 $8.000000000e+00, v17  }
0x465: {  	v17 =	vor.u32 s28, v1;
	v11 =	vmul.f32 $8.000000000e+00, v11;
	v16 =	vld.idx.msk [tilespmem:v16+s3+$0x0], $0xffff;
	[tilespmem:s21+$0x100] =	vst v13  }
0x466: {  	v9 =	vmul.f32 $8.000000000e+00, v9;
	v13 =	vld.idx.msk [tilespmem:v22+s3+$0x0], $0xffff;
	v22 =	vor.u32 s5, v2;
	[tilespmem:s21+$0x180] =	vst v15;
	v15 =	vadd.s32 v2, v7  }
0x467: {  	v14 =	vmul.f32 $8.000000000e+00, v14;
	v20 =	vld.idx.msk [tilespmem:v20+s3+$0x0], $0xffff;
	[tilespmem:s20+$0x170] =	vst v11  }
0x468: {  	v11 =	vor.u32 s6, v2;
	v12 =	vmul.f32 $8.000000000e+00, v12;
	v18 =	vld.idx.msk [tilespmem:v18+s3+$0x0], $0xffff;
	[tilespmem:s20+$0x1F0] =	vst v9  }
0x469: {  	v24 =	vor.u32 s29, v2;
	v9 =	vmul.f32 $8.000000000e+00, v21;
	v21 =	vor.u32 s30, v2;
	[tilespmem:s20+$0xFFFFFE70] =	vst v14;
	v6 =	vld.idx.msk [tilespmem:v6+s3+$0x0], $0xffff  }
0x46a: {  	v14 =	vor.u32 s26, v2;
	v23 =	vmul.f32 $8.000000000e+00, v23;
	v17 =	vld.idx.msk [tilespmem:v17+s3+$0x0], $0xffff;
	[tilespmem:s20+$0x60] =	vst v12  }
0x46b: {  	v12 =	vor.u32 s8, v2;
	[tilespmem:s21+$0xFFFFFF90] =	vst v9;
	v9 =	vmul.f32 $8.000000000e+00, v16;
	v15 =	vld.idx.msk [tilespmem:v15+s3+$0x0], $0xffff  }
0x46c: {  	v13 =	vmul.f32 $8.000000000e+00, v13;
	v16 =	vld.idx.msk [tilespmem:v22+s3+$0x0], $0xffff;
	[tilespmem:s21+$0x10] =	vst v23  }
0x46d: {  	v11 =	vld.idx.msk [tilespmem:v11+s3+$0x0], $0xffff;
	[tilespmem:s21+$0x90] =	vst v9;
	v9 =	vmul.f32 $8.000000000e+00, v20;
	v20 =	vadd.s32 v3, v7  }
0x46e: {  	v8 =	vadd.s32 v3, v8;
	v7 =	vor.u32 s28, v2;
	[tilespmem:s21+$0xFFFFFE10] =	vst v13;
	v21 =	vld.idx.msk [tilespmem:v21+s3+$0x0], $0xffff;
	v13 =	vmul.f32 $8.000000000e+00, v18  }
0x46f: {  	v18 =	vadd.s32 v2, v4;
	v6 =	vmul.f32 $8.000000000e+00, v6;
	v14 =	vld.idx.msk [tilespmem:v14+s3+$0x0], $0xffff;
	[tilespmem:s21+$0x190] =	vst v9;
	v9 =	vadd.s32 v1, v5  }
0x470: {  	v22 =	vor.u32 s5, v3;
	v23 =	vadd.s32 v2, v5;
	v17 =	vmul.f32 $8.000000000e+00, v17;
	[tilespmem:s21+$0x110] =	vst v13;
	v12 =	vld.idx.msk [tilespmem:v12+s3+$0x0], $0xffff  }
0x471: {  	v25 =	vor.u32 s6, v3;
	v13 =	vor.u32 s25, v3;
	v24 =	vld.idx.msk [tilespmem:v24+s3+$0x0], $0xffff;
	[tilespmem:s20+$0xFFFFFFF0] =	vst v6;
	v6 =	vmul.f32 $8.000000000e+00, v15  }
0x472: {  	v15 =	vor.u32 s28, v3;
	v16 =	vmul.f32 $8.000000000e+00, v16;
	[tilespmem:s21+$0xFFFFFE90] =	vst v17;
	v17 =	vld.idx.msk [tilespmem:v19+s3+$0x0], $0xffff;
	v19 =	vor.u32 s30, v3  }
0x473: {  	v26 =	vor.u32 s26, v3;
	v27 =	vmov s23;
	v11 =	vmul.f32 $8.000000000e+00, v11;
	v7 =	vld.idx.msk [tilespmem:v7+s3+$0x0], $0xffff;
	[tilespmem:s20+$0xE0] =	vst v6  }
0x474: {  	s5 =	sadd.s32 $0xFFFFFFF8, s23;
	v6 =	vmul.f32 $8.000000000e+00, v21;
	v21 =	vshll.u32 v27, $0x3;
	[tilespmem:s21+$0xFFFFFFA0] =	vst v16;
	v16 =	vor.u32 s8, v3;
	v27 =	vld.idx.msk [tilespmem:v9+s3+$0x0], $0xffff  }
0x475: {  	v9 =	vmul.f32 $8.000000000e+00, v14;
	v14 =	vld.idx.msk [tilespmem:v22+s3+$0x0], $0xffff;
	v22 =	vmov s5;
	[tilespmem:s21+$0x20] =	vst v11;
	v11 =	vor.u32 s29, v3  }
0x476: {  	v28 =	vor.u32 s25, v2;
	s6 =	sadd.s32 $0xFFFFFFFC, s23;
	v12 =	vmul.f32 $8.000000000e+00, v12;
	v22 =	vshll.u32 v22, $0x3;
	v25 =	vld.idx.msk [tilespmem:v25+s3+$0x0], $0xffff;
	[tilespmem:s21+$0xA0] =	vst v6  }
0x477: {  	v21 =	vand.u32 $0x7FFFFC00, v21;
	[tilespmem:s21+$0xFFFFFE20] =	vst v9;
	v6 =	vand.u32 $0x7FFFFC00, v22;
	v19 =	vld.idx.msk [tilespmem:v19+s3+$0x0], $0xffff;
	v9 =	vmul.f32 $8.000000000e+00, v24  }
0x478: {  	v17 =	vmul.f32 $8.000000000e+00, v17;
	v24 =	vmov s6;
	v22 =	vld.idx.msk [tilespmem:v26+s3+$0x0], $0xffff;
	v6 =	vadd.s32 s5, v6;
	[tilespmem:s21+$0x1A0] =	vst v12  }
0x479: {  	v7 =	vmul.f32 $8.000000000e+00, v7;
	s5 =	sadd.s32 $0xFFFFFFFE, s23;
	v12 =	vadd.s32 v0, v6;
	[tilespmem:s21+$0x120] =	vst v9;
	v16 =	vld.idx.msk [tilespmem:v16+s3+$0x0], $0xffff;
	v9 =	vadd.s32 s23, v21  }
0x47a: {  	s8 =	sadd.s32 $0xFFFFFFFA, s23;
	[tilespmem:s21+$0xFFFFFF10] =	vst v17;
	v17 =	vshll.u32 v24, $0x3;
	v21 =	vld.idx.msk [tilespmem:v11+s3+$0x0], $0xffff;
	v11 =	vmov s5;
	v24 =	vmul.f32 $8.000000000e+00, v27  }
0x47b: {  	s10 =	sadd.s32 $0xFFFFFFF4, s23;
	s24 =	sadd.s32 $0xFFFFFFF2, s23;
	[tilespmem:s21+$0xFFFFFEA0] =	vst v7;
	v26 =	vld.idx.msk [tilespmem:v28+s3+$0x0], $0xffff;
	v7 =	vmul.f32 $8.000000000e+00, v14;
	v11 =	vshll.u32 v11, $0x3;
	v14 =	vadd.s32 v0, v9  }
0x47c: {  	v27 =	vmov s10;
	v17 =	vand.u32 $0x7FFFFC00, v17;
	v15 =	vld.idx.msk [tilespmem:v15+s3+$0x0], $0xffff;
	v11 =	vand.u32 $0x7FFFFC00, v11;
	[tilespmem:s20+$0xFFFFFF50] =	vst v24  }
0x47d: {  	v19 =	vmul.f32 $8.000000000e+00, v19;
	[tilespmem:s21+$0xFFFFFFB0] =	vst v7;
	v7 =	vadd.s32 s6, v17;
	v11 =	vadd.s32 s5, v11;
	v17 =	vld.idx.msk [tilespmem:v23+s3+$0x0], $0xffff  }
0x47e: {  	v22 =	vmul.f32 $8.000000000e+00, v22;
	v23 =	vld.idx.msk [tilespmem:v12+s3+$0x0], $0xffff;
	v12 =	vmov s8;
	v24 =	vadd.s32 v0, v11;
	[tilespmem:s20+$0xFFFFFED0] =	vst v10  }
0x47f: {  	v10 =	vor.u32 s24, v0;
	v16 =	vmul.f32 $8.000000000e+00, v16;
	v12 =	vshll.u32 v12, $0x3;
	[tilespmem:s21+$0xB0] =	vst v19;
	v19 =	vld.idx.msk [tilespmem:v20+s3+$0x0], $0xffff  }
0x480: {  	v20 =	vshll.u32 v27, $0x3;
	v21 =	vmul.f32 $8.000000000e+00, v21;
	[tilespmem:s21+$0xFFFFFE30] =	vst v22;
	v12 =	vand.u32 $0x7FFFFC00, v12;
	v22 =	vld.idx.msk [tilespmem:v8+s3+$0x0], $0xffff  }
0x481: {  	v25 =	vmul.f32 $8.000000000e+00, v25;
	v26 =	vmul.f32 $8.000000000e+00, v26;
	v8 =	vadd.s32 s8, v12;
	[tilespmem:s21+$0x1B0] =	vst v16;
	v16 =	vld.idx.msk [tilespmem:v18+s3+$0x0], $0xffff  }
0x482: {  	v15 =	vmul.f32 $8.000000000e+00, v15;
	v18 =	vadd.s32 v1, v6;
	v12 =	vadd.s32 v1, v8;
	[tilespmem:s21+$0x130] =	vst v21;
	v14 =	vld.idx.msk [tilespmem:v14+s3+$0x0], $0xffff  }
0x483: {  	v20 =	vand.u32 $0x7FFFFC00, v20;
	v21 =	vadd.s32 v0, v7;
	v17 =	vmul.f32 $8.000000000e+00, v17;
	[tilespmem:s21+$0x30] =	vst v25;
	v24 =	vld.idx.msk [tilespmem:v24+s3+$0x0], $0xffff  }
0x484: {  	v20 =	vadd.s32 s10, v20;
	v10 =	vld.idx.msk [tilespmem:v10+s3+$0x0], $0xffff;
	[tilespmem:s21+$0xFFFFFEB0] =	vst v15;
	v15 =	vmul.f32 $8.000000000e+00, v23;
	v23 =	vadd.s32 v3, v5  }
0x485: {  	s5 =	sadd.s32 $0xFFFFFFF6, s23;
	v27 =	vadd.s32 v0, v20;
	v25 =	vor.u32 s24, v1;
	v5 =	vmul.f32 $8.000000000e+00, v19;
	[tilespmem:s21+$0xFFFFFF20] =	vst v26  }
0x486: {  	v19 =	vld.idx.msk [tilespmem:v13+s3+$0x0], $0xffff;
	v13 =	vmov s5;
	[tilespmem:s21+$0xFFFFFFC0] =	vst v15;
	v15 =	vadd.s32 v1, v9  }
0x487: {  	v26 =	vadd.s32 v1, v11;
	v16 =	vmul.f32 $8.000000000e+00, v16;
	v13 =	vshll.u32 v13, $0x3;
	v18 =	vld.idx.msk [tilespmem:v18+s3+$0x0], $0xffff;
	[tilespmem:s20+$0xF0] =	vst v5  }
0x488: {  	v28 =	vadd.s32 v0, v8;
	v14 =	vmul.f32 $8.000000000e+00, v14;
	v5 =	vand.u32 $0x7FFFFC00, v13;
	v29 =	vld.idx.msk [tilespmem:v21+s3+$0x0], $0xffff;
	[tilespmem:s20+$0xFFFFFF60] =	vst v17  }
0x489: {  	v17 =	vmul.f32 $8.000000000e+00, v24;
	v5 =	vadd.s32 s5, v5;
	[tilespmem:s20+$0xFFFFFEE0] =	vst v16;
	v13 =	vld.idx.msk [tilespmem:v23+s3+$0x0], $0xffff  }
0x48a: {  	v16 =	vmul.f32 $8.000000000e+00, v22;
	v27 =	vld.idx.msk [tilespmem:v27+s3+$0x0], $0xffff;
	v23 =	vadd.s32 v0, v5;
	[tilespmem:s21+$0x1C0] =	vst v14  }
0x48b: {  	v10 =	vmul.f32 $8.000000000e+00, v10;
	v22 =	vadd.s32 v2, v6;
	[tilespmem:s21+$0x140] =	vst v17;
	v17 =	vld.idx.msk [tilespmem:v15+s3+$0x0], $0xffff  }
.Ltmp10:
0x48c: {  	v14 =	vadd.s32 v3, v4;
	v4 =	vmov v20;
	v19 =	vmul.f32 $8.000000000e+00, v19;
	v15 =	vld.idx.msk [tilespmem:v26+s3+$0x0], $0xffff;
	[tilespmem:s20+$0x70] =	vst v16;
	(pc) =	sbr.rel @p1 .LBB2_13-.Ltmp10, $4  }
0x48d: {  	v24 =	vadd.s32 v1, v7;
	v18 =	vmul.f32 $8.000000000e+00, v18;
	[tilespmem:s21+$0xFFFFFE40] =	vst v10;
	v20 =	vld.idx.msk [tilespmem:v28+s3+$0x0], $0xffff  }
0x48e: {  	v21 =	vadd.s32 v1, v4;
	v10 =	vor.u32 s24, v2;
	v26 =	vmul.f32 $8.000000000e+00, v29;
	v16 =	vld.idx.msk [tilespmem:v25+s3+$0x0], $0xffff;
	[tilespmem:s21+$0xFFFFFF30] =	vst v19  }
0x48f: {  	v23 =	vld.idx.msk [tilespmem:v23+s3+$0x0], $0xffff;
	[tilespmem:s21+$0xFFFFFFD0] =	vst v18;
	v18 =	vadd.s32 v2, v9  }
0x490: {  	s23 =	sadd.s32 $0x10, s23;
	v25 =	vmul.f32 $8.000000000e+00, v27;
	v19 =	vld.idx.msk [tilespmem:v22+s3+$0x0], $0xffff;
	[tilespmem:s21+$0xC0] =	vst v26;
	v22 =	vadd.s32 v2, v11  }
0x491: {  	_ =	sdelay $0x1  }
0x492: {  	v26 =	vadd.s32 v1, v5;
	v17 =	vmul.f32 $8.000000000e+00, v17  }
0x493: {  	v20 =	vmul.f32 $8.000000000e+00, v20;
	[tilespmem:s21+$0xFFFFFEC0] =	vst v25  }
0x494: {  	v24 =	vld.idx.msk [tilespmem:v24+s3+$0x0], $0xffff;
	[tilespmem:s21+$0x1D0] =	vst v17;
	v23 =	vmul.f32 $8.000000000e+00, v23  }
0x495: {  	v15 =	vmul.f32 $8.000000000e+00, v15;
	v41 =	vld.idx.msk [tilespmem:v21+s3+$0x0], $0xffff;
	[tilespmem:s21+$0x40] =	vst v20  }
0x496: {  	v13 =	vmul.f32 $8.000000000e+00, v13;
	v12 =	vld.idx.msk [tilespmem:v12+s3+$0x0], $0xffff;
	[tilespmem:s21+$0xFFFFFF40] =	vst v23  }
0x497: {  	v43 =	vadd.s32 v2, v7;
	v16 =	vmul.f32 $8.000000000e+00, v16;
	[tilespmem:s21+$0x150] =	vst v15;
	v40 =	vld.idx.msk [tilespmem:v26+s3+$0x0], $0xffff  }
0x498: {  	v48 =	vadd.s32 v2, v4;
	v14 =	vld.idx.msk [tilespmem:v14+s3+$0x0], $0xffff;
	[tilespmem:s20+$0xFFFFFF70] =	vst v13;
	v42 =	vmul.f32 $8.000000000e+00, v19  }
0x499: {  	v45 =	vadd.s32 v2, v8;
	v44 =	vld.idx.msk [tilespmem:v22+s3+$0x0], $0xffff;
	[tilespmem:s21+$0xFFFFFE50] =	vst v16;
	v46 =	vmul.f32 $8.000000000e+00, v24  }
0x49a: {  	v47 =	vadd.s32 v2, v5;
	v18 =	vld.idx.msk [tilespmem:v18+s3+$0x0], $0xffff;
	[tilespmem:s21+$0xFFFFFFE0] =	vst v42;
	v50 =	vmul.f32 $8.000000000e+00, v41  }
0x49b: {  	v6 =	vadd.s32 v3, v6;
	v10 =	vld.idx.msk [tilespmem:v10+s3+$0x0], $0xffff;
	[tilespmem:s21+$0xD0] =	vst v46;
	v12 =	vmul.f32 $8.000000000e+00, v12  }
0x49c: {  	v11 =	vadd.s32 v3, v11;
	v51 =	vld.idx.msk [tilespmem:v43+s3+$0x0], $0xffff;
	[tilespmem:s21+$0xFFFFFED0] =	vst v50;
	v49 =	vmul.f32 $8.000000000e+00, v40  }
0x49d: {  	v9 =	vadd.s32 v3, v9;
	v14 =	vmul.f32 $8.000000000e+00, v14;
	v13 =	vld.idx.msk [tilespmem:v48+s3+$0x0], $0xffff;
	[tilespmem:s21+$0x50] =	vst v12  }
0x49e: {  	v53 =	vor.u32 s24, v3;
	v52 =	vmul.f32 $8.000000000e+00, v44;
	v16 =	vld.idx.msk [tilespmem:v45+s3+$0x0], $0xffff;
	[tilespmem:s21+$0xFFFFFF50] =	vst v49  }
0x49f: {  	v56 =	vadd.s32 v3, v7;
	[tilespmem:s20+$0xFFFFFEF0] =	vst v14;
	v54 =	vmul.f32 $8.000000000e+00, v18;
	v55 =	vld.idx.msk [tilespmem:v47+s3+$0x0], $0xffff  }
0x4a0: {  	v4 =	vadd.s32 v3, v4;
	v6 =	vld.idx.msk [tilespmem:v6+s3+$0x0], $0xffff;
	[tilespmem:s21+$0x160] =	vst v52;
	v10 =	vmul.f32 $8.000000000e+00, v10  }
0x4a1: {  	v57 =	vadd.s32 v3, v8;
	[tilespmem:s21+$0x1E0] =	vst v54;
	v11 =	vld.idx.msk [tilespmem:v11+s3+$0x0], $0xffff;
	v58 =	vmul.f32 $8.000000000e+00, v51  }
0x4a2: {  	v5 =	vadd.s32 v3, v5;
	v9 =	vld.idx.msk [tilespmem:v9+s3+$0x0], $0xffff;
	[tilespmem:s21+$0xFFFFFE60] =	vst v10;
	v13 =	vmul.f32 $8.000000000e+00, v13  }
0x4a3: {  	v59 =	vld.idx.msk [tilespmem:v53+s3+$0x0], $0xffff;
	[tilespmem:s21+$0xE0] =	vst v58;
	v60 =	vmul.f32 $8.000000000e+00, v16  }
0x4a4: {  	v7 =	vld.idx.msk [tilespmem:v56+s3+$0x0], $0xffff;
	[tilespmem:s21+$0xFFFFFEE0] =	vst v13;
	v61 =	vmul.f32 $8.000000000e+00, v55  }
0x4a5: {  	v6 =	vmul.f32 $8.000000000e+00, v6;
	v4 =	vld.idx.msk [tilespmem:v4+s3+$0x0], $0xffff;
	[tilespmem:s21+$0x60] =	vst v60  }
0x4a6: {  	v11 =	vmul.f32 $8.000000000e+00, v11;
	v8 =	vld.idx.msk [tilespmem:v57+s3+$0x0], $0xffff;
	[tilespmem:s21+$0xFFFFFF60] =	vst v61  }
0x4a7: {  	[tilespmem:s21+$0xFFFFFFF0] =	vst v6;
	v9 =	vmul.f32 $8.000000000e+00, v9;
	v5 =	vld.idx.msk [tilespmem:v5+s3+$0x0], $0xffff  }
0x4a8: {  	v62 =	vmul.f32 $8.000000000e+00, v59;
	[tilespmem:s21+$0x170] =	vst v11  }
0x4a9: {  	[tilespmem:s21+$0x1F0] =	vst v9;
	v7 =	vmul.f32 $8.000000000e+00, v7  }
0x4aa: {  	[tilespmem:s21+$0xFFFFFE70] =	vst v62;
	v4 =	vmul.f32 $8.000000000e+00, v4  }
0x4ab: {  	[tilespmem:s21+$0xF0] =	vst v7;
	v63 =	vmul.f32 $8.000000000e+00, v8  }
0x4ac: {  	[tilespmem:s21+$0xFFFFFEF0] =	vst v4;
	v5 =	vmul.f32 $8.000000000e+00, v5  }
0x4ad: {  	[tilespmem:s21+$0x70] =	vst v63  }
0x4ae: {  	[tilespmem:s21+$0xFFFFFF70] =	vst v5  }
.Ltmp11:
0x4af: {  	s5 =	rddreg [dreg:$0x7];
	(pc) =	sbr.rel .LBB2_15-.Ltmp11, $4  }
0x4b0: {  	[hbm4b:s5+s3] =	stream.linear.scatter [tilespmem:s2], [sflag:$0x5], $0x1000, $0x38;
	[tilespmem:$0x14000] =	vst v63  }
0x4b1: {  	_ =	swait.ge [sflag:s18], $0x1000  }
0x4b2: {  	[sflag:s18] =	ssyncset.done $0x0  }
0x4b3: {  	[sflag:s18] =	ssyncadd.s32 $0xFFFFF000  }
.LBB2_16:
0x4b4: {  	_ =	sfence.sel $0x180000  }
0x4b5: {  	[bflag:$0x0] =	sbarrier.arrive $0xFFFF  }
0x4b6: {  	_ =	strace $0x90000047  }
0x4b7: {  	s0 =	stileid.u32;
	[bflag:$0x2] =	sbarrier.arrive $0xFFFF  }
0x4b8: {  	p0 =	sne.s32 s0, $0x0;
	s0 =	rddreg [dreg:$0x3]  }
0x4b9: {  	s0 =	sadd.s32 @!p0 $0x100000, s0  }
0x4ba: {  	[sflag:s0] =	ssyncadd.tile.s32 @!p0 $0x1;
	_ =	shalt  }
.Lfunc_end2:
_tile_overlayer_lowered:
.L_overlay_start_2:
0x4bb: {  	(tag) =	ssettag $0x2  }
0x4bc: {  	s0 =	rddreg [dreg:$0x0];
	s2 =	stileid.u32  }
0x4bd: {  	s1 =	rddreg [dreg:$0x1];
	p0 =	sne.s32 s2, $0x0  }
0x4be: {  	s3 =	rddreg [dreg:$0x2];
	[bflag:$0x3] =	sbarrier.arrive $0xFFFF;
	s2 =	simm.s32 @!p0 $0x1C05  }
0x4bf: {  	[timem:s3], [sflag:s2] =	dma.local @!p0 [hbm:s0], s1  }
0x4c0: {  	s0 =	simm.s32 @!p0 $0x5  }
0x4c1: {  	_ =	swait.ge @!p0 [sflag:s0], s1  }
0x4c2: {  	s1 =	ssub.s32 @!p0 $0x0, s1;
	[sflag:s0] =	ssyncset.done @!p0 $0x0  }
0x4c3: {  	[sflag:s0] =	ssyncadd.s32 @!p0 s1  }
0x4c4: {  	[bflag:$0x3] =	sbarrier.arrive $0xFFFF  }
0x4c5: {  	_ =	shalt  }

// kernel: kernel.7.cloned.1.call-start
scs
__scs_entry_jumppad:
0x0: {  	(pc) =	sbr.rel $0x88, $3  }
0x1: {  	(tag) =	ssettag $0x0;
	lr =	simm.s32 $0x1  }
0x2: {  	[smem:$0x3F9F] =	sst lr;
	_ =	strace $0xD0000000  }
0x3: {  	_ = 	snop  }
0x4: {  	_ = 	snop  }
0x5: {  	_ = 	snop  }
0x6: {  	_ = 	snop  }
0x7: {  	_ = 	snop  }
__scs_overlays_trampoline_lowered:
0x8: {  	[smem:$0x3FAE] =	sst s0  }
0x9: {  	[smem:$0x3FAF] =	sst s1  }
0xa: {  	[smem:$0x3FB0] =	sst s2  }
0xb: {  	[smem:$0x3FB1] =	sst s3  }
0xc: {  	[smem:$0x3FB2] =	sst s4  }
0xd: {  	[smem:$0x3FB3] =	sst s5  }
0xe: {  	[smem:$0x3FB4] =	sst s6  }
0xf: {  	[smem:$0x3FB5] =	sst s7  }
0x10: {  	[smem:$0x3FB6] =	sst s8  }
0x11: {  	[smem:$0x3FB7] =	sst s9;
	s0 =	simm.s32 @!p0 $0x0  }
0x12: {  	s1 =	sld [smem:$0x3F9D];
	s0 =	simm.s32 @p0 $0x1  }
0x13: {  	[smem:$0x3FB8] =	sst s0;
	s0 =	simm.s32 @!p1 $0x0  }
0x14: {  	s2 =	sld [smem:$0x3F9C];
	s0 =	simm.s32 @p1 $0x1  }
0x15: {  	[smem:$0x3FB9] =	sst s0;
	s0 =	simm.s32 @!p2 $0x0  }
0x16: {  	s3 =	sld [smem:$0x3FDB];
	s0 =	simm.s32 @p2 $0x1  }
0x17: {  	s4 =	simm.s32 $0x1BF5;
	[smem:$0x3FBB] =	sst s0  }
0x18: {  	s0 =	sld [smem:$0x3F9E];
	_ =	swait.ge [sflag:s4], $0x0  }
0x19: {  	s7 =	sld [smem:$0x3F9F]  }
0x1a: {  	s8 =	sadd.s32 $0xFFFFE003, lr  }
0x1b: {  	s9 =	sadd.s32 $0xFFFFFEF7, lr;
	s5 =	simm.s32 $0xFFFFFFFF;
	p2 =	slt.u32 s8, $0xFFFFF086  }
0x1c: {  	p1 =	slt.u32 s9, $0xF7A;
	s5 =	simm.s32 @!p2 $0x0  }
0x1d: {  	s5 =	simm.s32 @p1 $0x1;
	p0 =	seq.s32 s7, s2  }
0x1e: {  	s7 =	smul.u32 @!p0 $0xF7A, s2;
	p2 =	seq.s32 @!p0 s5, $0x0  }
0x1f: {  	s9 =	smul.u32 $0xF7A, s1;
	s8 =	simm.s32 @!p0 $0x1BF5;
	p2 =	por !p2, p0  }
0x20: {  	[sflag:s8] =	ssyncset.s32 @!p0 $0xFFFFF086;
	s6 =	sadd.s32 @!p0 s3, s7;
	s7 =	simm.s32 @!p0 $0x108  }
0x21: {  	s3 =	sadd.s32 s3, s9;
	s6 =	sadd.s32 @!p0 $0x88, s6;
	s7 =	simm.s32 @p2 $0x1082  }
0x22: {  	[simem:s7], [sflag:s8] =	dma.local @!p0 [hbm:s6], $0xF7A  }
0x23: {  	s9 =	sor.u32 $0xD0000000, s2;
	s6 =	simm.s32 $0x108;
	_ =	swait.ge @!p0 [sflag:s8], $0x0  }
0x24: {  	s3 =	sadd.s32 $0x88, s3;
	s6 =	simm.s32 @!p1 $0x1082;
	[sflag:s4] =	ssyncset.s32 $0xFFFFF086  }
0x25: {  	[simem:s6], [sflag:s4] =	dma.local [hbm:s3], $0xF7A  }
0x26: {  	[smem:$0x3F9F] =	sst s1;
	(tag) =	ssettag s2;
	_ =	strace s9  }
0x27: {  	s1 =	sld [smem:$0x3FAF]  }
0x28: {  	s2 =	sld [smem:$0x3FB0]  }
0x29: {  	s4 =	sld [smem:$0x3FB2]  }
0x2a: {  	p0 =	seq.s32 s5, $0x0;
	s5 =	sld [smem:$0x3FB3]  }
0x2b: {  	s6 =	sld [smem:$0x3FB4]  }
0x2c: {  	s7 =	sld [smem:$0x3FB5]  }
0x2d: {  	s3 =	simm.s32 $0x108;
	s8 =	sld [smem:$0x3FB6]  }
0x2e: {  	s3 =	simm.s32 @!p0 $0x1082;
	s9 =	sld [smem:$0x3FB7]  }
0x2f: {  	lr =	sadd.s32 s0, s3;
	s0 =	sld [smem:$0x3FAE]  }
0x30: {  	s3 =	sld [smem:$0x3FB1]  }
0x31: {  	[smem:$0x3FBA] =	sst s10  }
0x32: {  	s10 =	sld [smem:$0x3FB8];
	_ =	sdelay $0x3  }
0x33: {  	p0 =	seq.s32 s10, $0x1;
	s10 =	sld [smem:$0x3FBA];
	_ =	sdelay $0x3  }
0x34: {  	[smem:$0x3FBA] =	sst s10  }
0x35: {  	s10 =	sld [smem:$0x3FB9];
	_ =	sdelay $0x3  }
0x36: {  	p1 =	seq.s32 s10, $0x1;
	s10 =	sld [smem:$0x3FBA];
	_ =	sdelay $0x3  }
0x37: {  	[smem:$0x3FBA] =	sst s10  }
0x38: {  	s10 =	sld [smem:$0x3FBB]  }
0x39: {  	_ = 	snop;
	(pc) =	sbr.ind lr, $3  }
0x3a: {  	_ = 	snop  }
0x3b: {  	_ = 	snop  }
0x3c: {  	p2 =	seq.s32 s10, $0x1;
	s10 =	sld [smem:$0x3FBA]  }
0x3d: {  	_ =	shalt  }
0x3e: {  	_ =	shalt  }
0x3f: {  	_ =	shalt  }
0x40: {  	_ =	shalt  }
0x41: {  	_ =	shalt  }
0x42: {  	_ =	shalt  }
0x43: {  	_ =	shalt  }
0x44: {  	_ =	shalt  }
0x45: {  	_ =	shalt  }
0x46: {  	_ =	shalt  }
0x47: {  	_ =	shalt  }
0x48: {  	_ =	shalt  }
0x49: {  	_ =	shalt  }
0x4a: {  	_ =	shalt  }
0x4b: {  	_ =	shalt  }
0x4c: {  	_ =	shalt  }
0x4d: {  	_ =	shalt  }
0x4e: {  	_ =	shalt  }
0x4f: {  	_ =	shalt  }
0x50: {  	_ =	shalt  }
0x51: {  	_ =	shalt  }
0x52: {  	_ =	shalt  }
0x53: {  	_ =	shalt  }
0x54: {  	_ =	shalt  }
0x55: {  	_ =	shalt  }
0x56: {  	_ =	shalt  }
0x57: {  	_ =	shalt  }
0x58: {  	_ =	shalt  }
0x59: {  	_ =	shalt  }
0x5a: {  	_ =	shalt  }
0x5b: {  	_ =	shalt  }
0x5c: {  	_ =	shalt  }
0x5d: {  	_ =	shalt  }
0x5e: {  	_ =	shalt  }
0x5f: {  	_ =	shalt  }
0x60: {  	_ =	shalt  }
0x61: {  	_ =	shalt  }
0x62: {  	_ =	shalt  }
0x63: {  	_ =	shalt  }
0x64: {  	_ =	shalt  }
0x65: {  	_ =	shalt  }
0x66: {  	_ =	shalt  }
0x67: {  	_ =	shalt  }
0x68: {  	_ =	shalt  }
0x69: {  	_ =	shalt  }
0x6a: {  	_ =	shalt  }
0x6b: {  	_ =	shalt  }
0x6c: {  	_ =	shalt  }
0x6d: {  	_ =	shalt  }
0x6e: {  	_ =	shalt  }
0x6f: {  	_ =	shalt  }
0x70: {  	_ =	shalt  }
0x71: {  	_ =	shalt  }
0x72: {  	_ =	shalt  }
0x73: {  	_ =	shalt  }
0x74: {  	_ =	shalt  }
0x75: {  	_ =	shalt  }
0x76: {  	_ =	shalt  }
0x77: {  	_ =	shalt  }
0x78: {  	_ =	shalt  }
0x79: {  	_ =	shalt  }
0x7a: {  	_ =	shalt  }
0x7b: {  	_ =	shalt  }
0x7c: {  	_ =	shalt  }
0x7d: {  	_ =	shalt  }
0x7e: {  	_ =	shalt  }
0x7f: {  	_ =	shalt  }
0x80: {  	_ =	shalt  }
0x81: {  	_ =	shalt  }
0x82: {  	_ =	shalt  }
0x83: {  	_ =	shalt  }
0x84: {  	_ =	shalt  }
0x85: {  	_ =	shalt  }
0x86: {  	_ =	shalt  }
0x87: {  	_ =	shalt  }
.Lfunc_end0:
.L_simem_size_0:
called_computation.1_lowered:
.L_overlay_start_0:
0x88: {  	s2 =	sld [smem:$0x3FD9]  }
0x89: {  	s3 =	sld [smem:$0x3FFE];
	_ =	sdelay $0x1  }
0x8a: {  	s1 =	srdreg.scid  }
0x8b: {  	s0 =	sand.u32 $0x1, s1  }
0x8c: {  	s17 =	sshll.u32 s0, $0xA;
	s2 =	sadd.s32 s3, s2  }
0x8d: {  	s2 =	sadd.s32 s2, s17  }
0x8e: {  	[smem:$0x3FC6] =	sst s2  }
0x8f: {  	_ = 	snop  }
0x90: {  	s2 =	sld [smem:$0x3FD0];
	(tm) =	ssettm $0x1  }
0x91: {  	s18 =	sld [smem:$0x3FFB];
	_ =	sdelay $0x3  }
0x92: {  	_ =	strace s18  }
0x93: {  	s3 =	sld [smem:$0x3FFC];
	_ =	sdelay $0x3  }
0x94: {  	_ =	strace s3  }
0x95: {  	s3 =	sld [smem:$0x3FFD];
	_ =	sdelay $0x3  }
0x96: {  	_ =	strace s3  }
0x97: {  	_ =	strace $0x8FFFFFFF  }
0x98: {  	s19 =	sld [smem:$0x3FDB];
	_ =	sdelay $0x1  }
0x99: {  	s4 =	simm.s32 $_scs_section_size  }
0x9a: {  	s5 =	simm.s32 $_size__tile_overlayer_lowered;
	s6 =	simm.s32 $_tile_overlayer_lowered  }
0x9b: {  	s22 =	simm.s32 $0x1BFF;
	s21 =	sshll.u32 s6, $0x1;
	s3 =	sadd.s32 s4, s19  }
0x9c: {  	s7 =	simm.s32 $0x0;
	s20 =	sshll.u32 s5, $0x1;
	s5 =	sadd.s32 s21, s3  }
0x9d: {  	[timem:s7], [sflag:s22] =	dma.local [hbm:s5], s20  }
0x9e: {  	_ =	swait.ge [sflag:s22], s20  }
0x9f: {  	s4 =	ssub.s32 $0x0, s20;
	[sflag:s22] =	ssyncset.done $0x0  }
0xa0: {  	[sflag:s22] =	ssyncadd.s32 s4;
	_ =	sdelay $0x1  }
0xa1: {  	s23 =	simm.s32 $0x1B8B  }
0xa2: {  	_ =	swait.ge [sflag:s23], $0x1  }
0xa3: {  	[sflag:s23] =	ssyncset.done $0x0  }
0xa4: {  	s25 =	simm.s32 $0x1B8E;
	s24 =	sld [smem:$0x3FFE];
	[sflag:s23] =	ssyncadd.s32 $0xFFFFFFFF  }
0xa5: {  	s26 =	simm.s32 $execute0_lowered;
	[smem:$0x3FD2] =	sst s25  }
0xa6: {  	s5 =	sshll.u32 s26, $0x1;
	_ =	strace $0x80000049;
	[dreg:$0x1] =	wrdreg $0xFFFFFFFF  }
0xa7: {  	s28 =	simm.s32 $_size_execute0_lowered;
	s3 =	sadd.s32 s3, s5;
	[dreg:$0x0] =	wrdreg $0x0  }
0xa8: {  	s5 =	sshll.u32 s28, $0x1;
	[dreg:$0x2] =	wrdreg s3  }
0xa9: {  	[dreg:$0x3] =	wrdreg s5  }
0xaa: {  	[dreg:$0x4] =	wrdreg $0xC0  }
0xab: {  	_ =	task [dreg:s7], $0x5FFFF  }
0xac: {  	[dreg:$0x1] =	wrdreg $0xFFFFFFFF  }
0xad: {  	[dreg:$0x0] =	wrdreg $0x60  }
0xae: {  	[dreg:$0x2] =	wrdreg s24  }
0xaf: {  	[dreg:$0x3] =	wrdreg s2  }
0xb0: {  	[dreg:$0x4] =	wrdreg $0x9  }
0xb1: {  	_ =	task.clear_ibuf [dreg:s7], $0x5FFFF;
	_ =	strace $0x90000049  }
0xb2: {  	s29 =	simm.s32 $0x9;
	_ =	strace $0x8000004B  }
0xb3: {  	_ =	swait.ge [sflag:s29], $0x1  }
0xb4: {  	[sflag:s29] =	ssyncadd.s32 $0xFFFFFFFF  }
0xb5: {  	_ =	strace $0x9000004B  }
0xb6: {  	_ =	sfence  }
0xb7: {  	s30 =	sld [smem:$0x0];
	_ =	sdelay $0x2  }
0xb8: {  	s31 =	sshll.u32 s1, $0xD;
	s1 =	sshrl.u32 s1, $0x2  }
0xb9: {  	s3 =	sand.u32 $0x4000, s31;
	s1 =	sadd.s32 s1, s30  }
0xba: {  	s0 =	sor.u32 s3, s0;
	s1 =	sshll.u32 s1, $0x11  }
0xbb: {  	s0 =	sor.u32 s1, s0  }
0xbc: {  	s0 =	sadd.s32 $0x8F2B, s0  }
0xbd: {  	[sflag:s0] =	ssyncadd.remote.s32 $0x1  }
0xbe: {  	_ =	sfence.sel $0xFFFF  }
0xbf: {  	[dreg:$0x0] =	wrdreg $0xFFFFFFFF;
	(pc) =	sbr.abs _section_cstart, $3  }
0xc0: {  	[dreg:$0x1] =	wrdreg $0xFFFFFFFF  }
0xc1: {  	_ =	task.clear_ibuf [dreg:s7], $0x2FFFF;
	_ =	strace $0x9FFFFFFF  }
0xc2: {  	(tm) =	ssettm $0x7FFFFFFF  }
0xc3: {  	_ =	shalt  }
tec
execute0_lowered:
.L_overlay_start_1:
0x0: {  	(tag) =	ssettag $0x1  }
0x1: {  	s4 =	rddreg [dreg:$0x0];
	s1 =	srdreg.scid  }
0x2: {  	s0 =	stileid.u32;
	s2 =	rddreg [dreg:$0x1]  }
0x3: {  	s3 =	simm.s32 $0x0;
	s9 =	simm.s32 $0x100;
	s10 =	simm.s32 $0x6400  }
0x4: {  	s11 =	simm.s32 $0xA400;
	s12 =	simm.s32 $0x1;
	s13 =	simm.s32 $0xE400  }
0x5: {  	v0 =	vlaneseq.u32;
	s14 =	simm.s32 $0x2;
	s15 =	simm.s32 $0x4;
	s16 =	simm.s32 $0x12800  }
0x6: {  	s17 =	simm.s32 $0x3;
	s5 =	sand.u32 $0x1, s1;
	s6 =	sshll.u32 s0, $0x1;
	v4 =	vmul.u32 $0x88, v0  }
0x7: {  	s18 =	simm.s32 $0x0;
	s1 =	rddreg [dreg:$0x2];
	s6 =	sor.u32 s5, s6  }
0x8: {  	[smem:$0x7FF] =	sst s3;
	s5 =	ssub.s32 $0x2, s5;
	s7 =	smul.u32 $0xC80, s6;
	v0 =	vadd.s32 $0x1100, v4  }
0x9: {  	_ =	strace $0x8000004A;
	s8 =	sshrl.u32 s5, $0x1;
	s6 =	sshll.u32 s6, $0xA;
	v2 =	vadd.s32 $0x1980, v4;
	[tilespmem:$0x1FFD0] =	vst v0  }
0xa: {  	v1 =	vimm.s32 $0x0;
	vm0 =	vcmask $0x300;
	v3 =	vadd.s32 $0x880, v4;
	s8 =	ssub.s32 s5, s8;
	[tilespmem:$0x1FFE0] =	vst v2;
	s7 =	sadd.s32 s7, s4;
	s4 =	sadd.s32 $0xA00, s4  }
0xb: {  	v1 =	vsel vm0, $0x3, v1;
	[tilespmem:$0x1FFF0] =	vst v3;
	s5 =	sadd.s32 $0x7A1C00, s7;
	s7 =	smax.u32 s8, $0x1;
	s8 =	simm.s32 $0x5  }
.LBB2_1:
0xc: {  	[tilespmem:s3], [sflag:$0x5] =	stream.linear.gather [hbm4b:s5+s3], $0x6400, $0x38;
	[tilespmem:$0x16C00] =	vst v63  }
0xd: {  	_ =	swait.ge [sflag:s8], $0x6400  }
0xe: {  	[sflag:s8] =	ssyncset.done $0x0  }
0xf: {  	s19 =	simm.s32 $0x0;
	[sflag:s8] =	ssyncadd.s32 $0xFFFF9C00  }
0x10: {  	[tilespmem:s10], [sflag:$0x1] =	stream.indirect.gather [hbm4b:s4+s9], $0x40, s3, s9, $0xb8;
	[tilespmem:$0x16C00] =	vst v63  }
.LBB2_2:
0x11: {  	s20 =	simm.s32 $0x0;
	s21 =	simm.s32 $0x0  }
0x12: {  	s22 =	simm.s32 $0x1;
	s23 =	simm.s32 $0x2;
	s30 =	simm.s32 $0x6  }
0x13: {  	s31 =	simm.s32 $0x5;
	s25 =	simm.s32 $0x3;
	s20 =	sand.u32 $0x78, s20;
	v5 =	vmov s21  }
0x14: {  	s28 =	sand.u32 $0x78, s22;
	s29 =	sand.u32 $0x78, s23;
	s22 =	sand.u32 $0x78, s30;
	v6 =	vmov s20;
	v5 =	vmul.u32 $0x2200, v5  }
0x15: {  	s21 =	sand.u32 $0x78, s31;
	s23 =	simm.s32 $0x7;
	s26 =	sand.u32 $0x78, s25;
	v7 =	vmov s28;
	v8 =	vmov s29;
	v9 =	vmov s22  }
0x16: {  	s24 =	simm.s32 $0x4;
	v10 =	vmov s21;
	s20 =	sand.u32 $0x78, s23;
	v12 =	vmov s26;
	v6 =	vshrl.u32 v6, $0x3  }
0x17: {  	s25 =	simm.s32 $0xA;
	s22 =	sand.u32 $0x78, s24;
	v7 =	vshrl.u32 v7, $0x3;
	v8 =	vshrl.u32 v8, $0x3;
	v13 =	vmov s20  }
0x18: {  	s30 =	simm.s32 $0xE;
	s26 =	simm.s32 $0x0;
	s29 =	sand.u32 $0x78, s25;
	v11 =	vmov s22;
	v9 =	vshrl.u32 v9, $0x3;
	v17 =	vshrl.u32 v12, $0x3  }
0x19: {  	s25 =	sand.u32 $0x78, s30;
	v10 =	vshrl.u32 v10, $0x3;
	v60 =	vmov s26;
	v47 =	vmov s29  }
0x1a: {  	v63 =	vmov s25;
	v5 =	vbroadcast v5, $0x0;
	v6 =	vshll.u32 v6, v1  }
0x1b: {  	s24 =	simm.s32 $0x9;
	v7 =	vshll.u32 v7, v1;
	v8 =	vshll.u32 v8, v1;
	v16 =	vshrl.u32 v11, $0x3  }
0x1c: {  	s24 =	sand.u32 $0x78, s24;
	v9 =	vshll.u32 v9, v1;
	v10 =	vshll.u32 v10, v1;
	v21 =	vshrl.u32 v13, $0x3  }
0x1d: {  	v61 =	vmov s24;
	v7 =	vbroadcast v7, $0x0;
	v8 =	vbroadcast v8, $0x0  }
0x1e: {  	v6 =	vbroadcast v6, $0x0;
	v9 =	vbroadcast v9, $0x0;
	v21 =	vshll.u32 v21, v1  }
0x1f: {  	v16 =	vshll.u32 v16, v1;
	v14 =	vadd.s32 v4, v5;
	v15 =	vadd.s32 v0, v5  }
0x20: {  	s20 =	sshllo.u32 s19, $0x1;
	v24 =	vadd.s32 v2, v5;
	v5 =	vadd.s32 v3, v5;
	v30 =	vbroadcast v21, $0x0  }
0x21: {  	s28 =	sshll.u32 s20, $0x8;
	v16 =	vbroadcast v16, $0x0;
	v11 =	vadd.s32 v14, v7;
	v18 =	vadd.s32 v5, v7  }
0x22: {  	s21 =	sand.u32 $0x3FFFFF00, s28;
	v19 =	vadd.s32 v5, v8;
	v23 =	vor.u32 $0x1, v11;
	v11 =	vadd.s32 v14, v8  }
0x23: {  	[tilespmem:s11], [sflag:$0x2] =	stream.indirect.gather [hbm4b:s4+s9], $0x40, s21, s9, $0xb8;
	v28 =	vadd.s32 v6, v5;
	v12 =	vor.u32 $0x2, v11;
	v11 =	vadd.s32 v24, v7;
	[tilespmem:$0x16C00] =	vst v63  }
0x24: {  	v31 =	vadd.s32 v6, v14;
	v32 =	vadd.s32 v15, v9;
	v27 =	vadd.s32 v14, v30;
	[tilespmem:$0x1FFC0] =	vst v11  }
0x25: {  	v33 =	vadd.s32 v5, v30;
	v37 =	vor.u32 $0x1, v18;
	v39 =	vadd.s32 v15, v16;
	_ =	swait.ge [sflag:s12], $0x4000  }
0x26: {  	p0 =	seq.s32 s19, $0x0;
	v42 =	vadd.s32 v15, v30;
	v34 =	vor.u32 $0x7, v27;
	v27 =	vadd.s32 v15, v8;
	[sflag:s12] =	ssyncset.done $0x0  }
0x27: {  	s21 =	simm.s32 @!p0 $0x3;
	v11 =	vshll.u32 v17, v1;
	v17 =	vbroadcast v10, $0x0;
	v10 =	vadd.s32 v14, v9;
	[sflag:s12] =	ssyncadd.s32 $0xFFFFC000  }
0x28: {  	v7 =	vadd.s32 v15, v7;
	v25 =	vbroadcast v11, $0x0;
	v11 =	vor.u32 $0x6, v10;
	_ =	swait.ge @!p0 [sflag:s21], $0x4000  }
0x29: {  	v22 =	vadd.s32 v14, v17;
	v21 =	vadd.s32 v5, v17;
	v38 =	vadd.s32 v15, v17;
	[sflag:s21] =	ssyncset.done @!p0 $0x0  }
0x2a: {  	s22 =	simm.s32 $0x6500;
	v10 =	vadd.s32 v14, v25;
	v26 =	vadd.s32 v5, v25;
	v29 =	vor.u32 $0x5, v22;
	[sflag:s21] =	ssyncadd.s32 @!p0 $0xFFFFC000  }
0x2b: {  	v22 =	vadd.s32 v5, v9;
	v14 =	vadd.s32 v14, v16;
	v5 =	vadd.s32 v5, v16;
	v41 =	vld [tilespmem:s22+$0xFFFFFF00]  }
0x2c: {  	v40 =	vor.u32 $0x5, v21;
	v43 =	vadd.s32 v15, v25;
	v21 =	vor.u32 $0x3, v26;
	v26 =	vld [tilespmem:s22+$0x40]  }
0x2d: {  	v35 =	vor.u32 $0x4, v14;
	v14 =	vadd.s32 v24, v16;
	v16 =	vadd.s32 v24, v17;
	v17 =	vld [tilespmem:s22+$0xFFFFFF40]  }
0x2e: {  	v18 =	vor.u32 $0x6, v22;
	v22 =	vor.u32 $0x6, v32;
	v32 =	vadd.s32 v6, v15;
	v15 =	vld [tilespmem:s22+$0x0]  }
0x2f: {  	v13 =	vadd.s32 v6, v24;
	v30 =	vadd.s32 v24, v30;
	v25 =	vadd.s32 v24, v25;
	v44 =	vld [tilespmem:s22+$0xC0]  }
0x30: {  	v36 =	vor.u32 $0x4, v5;
	v5 =	vadd.s32 v24, v8;
	v6 =	vadd.s32 v24, v9;
	v24 =	vld [tilespmem:s22+$0xFFFFFF80]  }
0x31: {  	v19 =	vor.u32 $0x2, v19;
	v33 =	vor.u32 $0x7, v33;
	v48 =	vor.u32 $0x4, v39;
	v45 =	vld [tilespmem:s22+$0xFFFFFFC0]  }
0x32: {  	v27 =	vor.u32 $0x2, v27;
	v46 =	vor.u32 $0x1, v7;
	v7 =	vor.u32 $0x3, v25;
	s21 =	simm.s32 $0x6700;
	v25 =	vld [tilespmem:s22+$0x80];
	[tilespmem:v29+s13+$0x0] =	vst.idx.msk $0xffff, v26  }
0x33: {  	s23 =	simm.s32 $0x8;
	v38 =	vor.u32 $0x5, v38;
	v10 =	vor.u32 $0x3, v10;
	v8 =	vor.u32 $0x7, v30;
	v9 =	vld [tilespmem:s21+$0xFFFFFF00];
	[tilespmem:v31+s13+$0x0] =	vst.idx.msk $0xffff, v41  }
0x34: {  	s31 =	simm.s32 $0xD;
	s28 =	sand.u32 $0x78, s23;
	v30 =	vor.u32 $0x7, v42;
	v42 =	vmul.u32 $0x2200, v60;
	v5 =	vor.u32 $0x2, v5;
	v49 =	vld [tilespmem:s21+$0xFFFFFF40];
	[tilespmem:v23+s13+$0x0] =	vst.idx.msk $0xffff, v17  }
0x35: {  	s26 =	sand.u32 $0x78, s31;
	v29 =	vor.u32 $0x3, v43;
	v26 =	vor.u32 $0x5, v16;
	v16 =	vmov s28;
	[tilespmem:v35+s13+$0x0] =	vst.idx.msk $0xffff, v15;
	v62 =	vld [tilespmem:s22+$0x50]  }
0x36: {  	v31 =	vshrl.u32 v61, $0x3;
	v17 =	vbroadcast v42, $0x0;
	v23 =	vmov s26;
	[tilespmem:v12+s13+$0x0] =	vst.idx.msk $0xffff, v24;
	v56 =	vld [tilespmem:s22+$0xFFFFFF10]  }
0x37: {  	s29 =	simm.s32 $0xC;
	[tilespmem:v34+s13+$0x0] =	vst.idx.msk $0xffff, v44;
	v16 =	vshrl.u32 v16, $0x3;
	v15 =	vshll.u32 v31, v1;
	v31 =	vshrl.u32 v47, $0x3;
	v58 =	vld [tilespmem:s22+$0x10]  }
0x38: {  	s30 =	simm.s32 $0xB;
	s26 =	sand.u32 $0x78, s29;
	[tilespmem:v10+s13+$0x0] =	vst.idx.msk $0xffff, v45;
	v52 =	vld [tilespmem:s22+$0xFFFFFF50];
	v23 =	vshrl.u32 v23, $0x3;
	v16 =	vshll.u32 v16, v1;
	v24 =	vadd.s32 v4, v17  }
0x39: {  	s31 =	sand.u32 $0x78, s30;
	[tilespmem:v11+s13+$0x0] =	vst.idx.msk $0xffff, v25;
	v61 =	vld [tilespmem:s22+$0xFFFFFFD0];
	v12 =	vshll.u32 v31, v1;
	v31 =	vmov s26;
	v50 =	vadd.s32 v0, v17  }
0x3a: {  	v25 =	vld [tilespmem:s22+$0x90];
	v51 =	vbroadcast v15, $0x0;
	v15 =	vmov s31;
	v55 =	vadd.s32 v2, v17;
	[tilespmem:v40+s13+$0x0] =	vst.idx.msk $0xffff, v62  }
0x3b: {  	v43 =	vld [tilespmem:s22+$0xFFFFFF90];
	v23 =	vshll.u32 v23, v1;
	v42 =	vadd.s32 v3, v17;
	v31 =	vshrl.u32 v31, $0x3;
	[tilespmem:v28+s13+$0x0] =	vst.idx.msk $0xffff, v56  }
0x3c: {  	v60 =	vshrl.u32 v15, $0x3;
	v53 =	vbroadcast v16, $0x0;
	v59 =	vadd.s32 v24, v51;
	[tilespmem:v36+s13+$0x0] =	vst.idx.msk $0xffff, v58;
	v62 =	vld [tilespmem:s22+$0xD0]  }
0x3d: {  	v44 =	vbroadcast v23, $0x0;
	v10 =	vadd.s32 v55, v51;
	v45 =	vadd.s32 v42, v51;
	[tilespmem:v37+s13+$0x0] =	vst.idx.msk $0xffff, v52;
	v16 =	vld [tilespmem:s22+$0xFFFFFF20]  }
0x3e: {  	v31 =	vshll.u32 v31, v1;
	v54 =	vor.u32 $0x1, v59;
	v17 =	vadd.s32 v53, v42;
	[tilespmem:v21+s13+$0x0] =	vst.idx.msk $0xffff, v61;
	v28 =	vld [tilespmem:s22+$0x60]  }
0x3f: {  	v39 =	vadd.s32 v53, v24;
	v40 =	vbroadcast v12, $0x0;
	v12 =	vshrl.u32 v63, $0x3;
	[tilespmem:v18+s13+$0x0] =	vst.idx.msk $0xffff, v25;
	v23 =	vld [tilespmem:s22+$0x20]  }
0x40: {  	v41 =	vld [tilespmem:s21+$0x40];
	v31 =	vbroadcast v31, $0x0;
	v63 =	vadd.s32 v24, v44;
	[tilespmem:v19+s13+$0x0] =	vst.idx.msk $0xffff, v43;
	v12 =	vshll.u32 v12, v1  }
0x41: {  	v36 =	vbroadcast v12, $0x0;
	v12 =	vshll.u32 v60, v1;
	v60 =	vld [tilespmem:s22+$0xFFFFFFE0];
	[tilespmem:v33+s13+$0x0] =	vst.idx.msk $0xffff, v62;
	v33 =	vor.u32 $0x5, v63  }
0x42: {  	v20 =	vor.u32 $0x4, v14;
	s28 =	simm.s32 $0xF;
	v58 =	vadd.s32 v42, v44;
	v14 =	vadd.s32 v24, v31;
	[tilespmem:v32+s13+$0x0] =	vst.idx.msk $0xffff, v16;
	v32 =	vld [tilespmem:s22+$0xFFFFFF60]  }
0x43: {  	v6 =	vor.u32 $0x6, v6;
	s24 =	sand.u32 $0x78, s28;
	v19 =	vadd.s32 v42, v31;
	v35 =	vadd.s32 v50, v31;
	[tilespmem:v38+s13+$0x0] =	vst.idx.msk $0xffff, v28;
	v21 =	vld [tilespmem:s22+$0xE0]  }
0x44: {  	v57 =	vmov s24;
	v15 =	vadd.s32 v24, v40;
	v52 =	vadd.s32 v42, v40;
	[tilespmem:v48+s13+$0x0] =	vst.idx.msk $0xffff, v23;
	v48 =	vld [tilespmem:s22+$0xA0]  }
0x45: {  	v43 =	vor.u32 $0x4, v14;
	v11 =	vadd.s32 v24, v36;
	[tilespmem:v54+s13+$0x0] =	vst.idx.msk $0xffff, v49;
	v28 =	vshrl.u32 v57, $0x3;
	v57 =	vld [tilespmem:s22+$0x70]  }
0x46: {  	v47 =	vbroadcast v12, $0x0;
	v34 =	vadd.s32 v42, v36;
	v56 =	vld [tilespmem:s22+$0xFFFFFF30];
	v28 =	vshll.u32 v28, v1;
	[tilespmem:v33+s13+$0x0] =	vst.idx.msk $0xffff, v41  }
0x47: {  	v61 =	vadd.s32 v50, v36;
	v12 =	vor.u32 $0x6, v11;
	v59 =	vbroadcast v28, $0x0;
	[tilespmem:v46+s13+$0x0] =	vst.idx.msk $0xffff, v32;
	v32 =	vld [tilespmem:s22+$0xFFFFFFA0]  }
0x48: {  	v11 =	vadd.s32 v53, v55;
	v37 =	vadd.s32 v42, v47;
	v23 =	vor.u32 $0x1, v45;
	v45 =	vld [tilespmem:s21+$0xFFFFFF80];
	[tilespmem:v30+s13+$0x0] =	vst.idx.msk $0xffff, v21  }
0x49: {  	v15 =	vor.u32 $0x2, v15;
	v16 =	vadd.s32 v24, v47;
	v63 =	vld [tilespmem:s22+$0x30];
	v18 =	vadd.s32 v24, v59;
	[tilespmem:v22+s13+$0x0] =	vst.idx.msk $0xffff, v48  }
0x4a: {  	v16 =	vor.u32 $0x3, v16;
	v62 =	vadd.s32 v42, v59;
	v42 =	vadd.s32 v50, v40;
	v46 =	vld [tilespmem:s21+$0x0];
	[tilespmem:v26+s13+$0x0] =	vst.idx.msk $0xffff, v57  }
0x4b: {  	v25 =	vor.u32 $0x7, v18;
	v18 =	vor.u32 $0x6, v34;
	v34 =	vadd.s32 v50, v59;
	v30 =	vld [tilespmem:s21+$0xC0];
	[tilespmem:v13+s13+$0x0] =	vst.idx.msk $0xffff, v56  }
0x4c: {  	v28 =	vor.u32 $0x5, v58;
	v48 =	vadd.s32 v55, v59;
	v59 =	vadd.s32 v55, v40;
	v40 =	vld [tilespmem:s21+$0xFFFFFFC0];
	[tilespmem:v27+s13+$0x0] =	vst.idx.msk $0xffff, v32  }
0x4d: {  	v24 =	vor.u32 $0x4, v19;
	v41 =	vadd.s32 v50, v44;
	v27 =	vor.u32 $0x7, v62;
	v62 =	vld [tilespmem:$0x1FFC0]  }
0x4e: {  	v19 =	vadd.s32 v55, v31;
	v44 =	vadd.s32 v55, v44;
	v31 =	vadd.s32 v50, v51;
	v38 =	vld [tilespmem:s22+$0xFFFFFF70]  }
0x4f: {  	v14 =	vor.u32 $0x2, v42;
	v21 =	vor.u32 $0x3, v37;
	v42 =	vadd.s32 v50, v47;
	v33 =	vld [tilespmem:s22+$0xF0]  }
0x50: {  	v22 =	vor.u32 $0x2, v52;
	v47 =	vadd.s32 v55, v47;
	v26 =	vadd.s32 v53, v50;
	v50 =	vld [tilespmem:s22+$0xB0]  }
0x51: {  	v13 =	vor.u32 $0x6, v61;
	v61 =	vadd.s32 v55, v36;
	v37 =	vor.u32 $0x2, v59;
	v36 =	vld [tilespmem:s21+$0x80];
	[tilespmem:v20+s13+$0x0] =	vst.idx.msk $0xffff, v63  }
0x52: {  	s24 =	simm.s32 $0x6900;
	v3 =	vmovc v4;
	v4 =	vmovc v2;
	v32 =	vor.u32 $0x5, v41;
	v41 =	vor.u32 $0x6, v61;
	v49 =	vld [tilespmem:s22+$0xFFFFFFB0];
	[tilespmem:v29+s13+$0x0] =	vst.idx.msk $0xffff, v60;
	v51 =	vor.u32 $0x1, v62  }
.LBB2_3:
0x53: {  	s25 =	sadd.s32 $0x9, s23;
	[tilespmem:v39+s13+$0x0] =	vst.idx.msk $0xffff, v9;
	v62 =	vld [tilespmem:s22+$0xFFFFFFF0]  }
0x54: {  	s26 =	sadd.s32 $0xA, s23;
	s28 =	smov.u32 s23;
	s23 =	sadd.s32 $0x8, s23;
	v0 =	vld [tilespmem:$0x1FFD0];
	[tilespmem:v15+s13+$0x0] =	vst.idx.msk $0xffff, v45  }
0x55: {  	v31 =	vor.u32 $0x1, v31;
	v61 =	vor.u32 $0x3, v47;
	v47 =	vor.u32 $0x7, v48;
	s22 =	smov.u32 s21;
	s30 =	sand.u32 $0x78, s23;
	v9 =	vld [tilespmem:s24+$0xFFFFFF00];
	[tilespmem:v43+s13+$0x0] =	vst.idx.msk $0xffff, v46  }
0x56: {  	v20 =	vor.u32 $0x3, v42;
	v29 =	vor.u32 $0x5, v44;
	s29 =	sshrl.u32 s23, $0x7;
	v63 =	vmov s30;
	[tilespmem:v6+s13+$0x0] =	vst.idx.msk $0xffff, v50;
	v50 =	vld [tilespmem:s22+$0x50]  }
0x57: {  	v34 =	vor.u32 $0x7, v34;
	s25 =	sand.u32 $0x78, s25;
	s31 =	sadd.s32 $0xC, s28;
	s30 =	sand.u32 $0x78, s26;
	v56 =	vshrl.u32 v63, $0x3;
	v46 =	vor.u32 $0x4, v35;
	[tilespmem:v51+s13+$0x0] =	vst.idx.msk $0xffff, v38;
	v35 =	vld [tilespmem:s24+$0x40]  }
0x58: {  	v52 =	vmov s29;
	v53 =	vmov s25;
	s26 =	sadd.s32 $0xD, s28;
	s29 =	sadd.s32 $0xE, s28;
	s25 =	sadd.s32 $0xB, s28;
	v15 =	vshll.u32 v56, v1;
	v56 =	vld [tilespmem:s22+$0xFFFFFF10];
	[tilespmem:v5+s13+$0x0] =	vst.idx.msk $0xffff, v49  }
0x59: {  	v2 =	vor.u32 $0x4, v19;
	s28 =	sadd.s32 $0xF, s28;
	v54 =	vmul.u32 $0x2200, v52;
	v55 =	vmov s30;
	s29 =	sand.u32 $0x78, s29;
	s26 =	sand.u32 $0x78, s26;
	v5 =	vmovc v37;
	[tilespmem:v8+s13+$0x0] =	vst.idx.msk $0xffff, v33;
	v37 =	vld [tilespmem:s24+$0xFFFFFF40]  }
0x5a: {  	v57 =	vshrl.u32 v53, $0x3;
	s30 =	sand.u32 $0x78, s31;
	s31 =	sand.u32 $0x78, s28;
	v58 =	vmov s29;
	v38 =	vmov s26;
	[tilespmem:v7+s13+$0x0] =	vst.idx.msk $0xffff, v62;
	v63 =	vld [tilespmem:s22+$0x10]  }
0x5b: {  	s25 =	sand.u32 $0x78, s25;
	v59 =	vshll.u32 v57, v1;
	v60 =	vshrl.u32 v55, $0x3;
	v43 =	vmov s31;
	v53 =	vld [tilespmem:s22+$0xFFFFFF50];
	[tilespmem:v25+s13+$0x0] =	vst.idx.msk $0xffff, v30  }
0x5c: {  	v57 =	vmov s25;
	v45 =	vbroadcast v54, $0x0;
	v7 =	vmovc v61;
	v61 =	vshll.u32 v60, v1;
	v42 =	vld [tilespmem:s22+$0xFFFFFF90];
	[tilespmem:v16+s13+$0x0] =	vst.idx.msk $0xffff, v40  }
0x5d: {  	v6 =	vmovc v41;
	v8 =	vmovc v47;
	v62 =	vmov s30;
	v52 =	vbroadcast v59, $0x0;
	v58 =	vshrl.u32 v58, $0x3;
	[tilespmem:v12+s13+$0x0] =	vst.idx.msk $0xffff, v36;
	v60 =	vld [tilespmem:s22+$0xFFFFFFD0]  }
0x5e: {  	v30 =	vshrl.u32 v57, $0x3;
	v48 =	vadd.s32 v3, v45;
	v47 =	vadd.s32 v0, v45;
	v0 =	vld [tilespmem:$0x1FFF0];
	[tilespmem:v28+s13+$0x0] =	vst.idx.msk $0xffff, v50  }
0x5f: {  	v41 =	vbroadcast v61, $0x0;
	v16 =	vshll.u32 v58, v1;
	v25 =	vadd.s32 v48, v52;
	[tilespmem:v17+s13+$0x0] =	vst.idx.msk $0xffff, v56;
	v17 =	vld [tilespmem:s22+$0x60]  }
0x60: {  	v61 =	vshrl.u32 v43, $0x3;
	v54 =	vadd.s32 v4, v45;
	v51 =	vor.u32 $0x1, v25;
	v25 =	vld [tilespmem:s22+$0xFFFFFF20];
	[tilespmem:v24+s13+$0x0] =	vst.idx.msk $0xffff, v63  }
0x61: {  	v59 =	vshrl.u32 v38, $0x3;
	v39 =	vshll.u32 v61, v1;
	v55 =	vadd.s32 v54, v52;
	[tilespmem:v23+s13+$0x0] =	vst.idx.msk $0xffff, v53;
	v23 =	vld [tilespmem:s22+$0xD0]  }
0x62: {  	v28 =	vshrl.u32 v62, $0x3;
	v56 =	vbroadcast v16, $0x0;
	v24 =	vshll.u32 v59, v1;
	[tilespmem:v22+s13+$0x0] =	vst.idx.msk $0xffff, v42  }
0x63: {  	v50 =	vbroadcast v15, $0x0;
	v16 =	vshll.u32 v30, v1;
	v40 =	vbroadcast v24, $0x0;
	v24 =	vld [tilespmem:s22+$0x20];
	[tilespmem:v21+s13+$0x0] =	vst.idx.msk $0xffff, v60  }
0x64: {  	v15 =	vadd.s32 v48, v41;
	v36 =	vbroadcast v16, $0x0;
	v12 =	vadd.s32 v48, v56;
	v60 =	vld [tilespmem:s22+$0xFFFFFFE0];
	[tilespmem:v32+s13+$0x0] =	vst.idx.msk $0xffff, v17  }
0x65: {  	v59 =	vbroadcast v39, $0x0;
	v44 =	vadd.s32 v50, v54;
	v39 =	vadd.s32 v50, v48;
	v32 =	vld [tilespmem:s22+$0x90];
	[tilespmem:v26+s13+$0x0] =	vst.idx.msk $0xffff, v25  }
0x66: {  	v15 =	vor.u32 $0x2, v15;
	v61 =	vadd.s32 v47, v56;
	v33 =	vadd.s32 v0, v45;
	v26 =	vld [tilespmem:s22+$0xFFFFFF60];
	[tilespmem:v27+s13+$0x0] =	vst.idx.msk $0xffff, v23  }
0x67: {  	v16 =	vadd.s32 v48, v36;
	v42 =	vadd.s32 v47, v36;
	v25 =	vadd.s32 v48, v40;
	v21 =	vld [tilespmem:s22+$0xE0]  }
0x68: {  	v30 =	vadd.s32 v33, v52;
	v49 =	vadd.s32 v33, v41;
	v45 =	vld [tilespmem:s22+$0xFFFFFF30];
	v57 =	vor.u32 $0x5, v25  }
0x69: {  	v12 =	vor.u32 $0x6, v12;
	v58 =	vadd.s32 v33, v40;
	v63 =	vadd.s32 v33, v59;
	v53 =	vld [tilespmem:s22+$0x70];
	[tilespmem:v46+s13+$0x0] =	vst.idx.msk $0xffff, v24  }
0x6a: {  	v16 =	vor.u32 $0x3, v16;
	v17 =	vadd.s32 v50, v33;
	v23 =	vshll.u32 v28, v1;
	v0 =	vld [tilespmem:s22+$0x30];
	[tilespmem:v18+s13+$0x0] =	vst.idx.msk $0xffff, v32  }
0x6b: {  	v27 =	vadd.s32 v33, v36;
	v28 =	vadd.s32 v33, v56;
	v46 =	vld [tilespmem:s24+$0x0];
	v32 =	vbroadcast v23, $0x0;
	[tilespmem:v31+s13+$0x0] =	vst.idx.msk $0xffff, v26  }
0x6c: {  	v18 =	vadd.s32 v48, v59;
	v26 =	vadd.s32 v47, v41;
	v23 =	vor.u32 $0x1, v30;
	v62 =	vld [tilespmem:s22+$0xA0];
	[tilespmem:v34+s13+$0x0] =	vst.idx.msk $0xffff, v21  }
0x6d: {  	v31 =	vadd.s32 v47, v52;
	v25 =	vor.u32 $0x7, v18;
	v38 =	vld [tilespmem:s22+$0xFFFFFF70];
	[tilespmem:v57+s13+$0x0] =	vst.idx.msk $0xffff, v35;
	v57 =	vadd.s32 v47, v40  }
0x6e: {  	v18 =	vor.u32 $0x6, v28;
	v28 =	vor.u32 $0x5, v58;
	v34 =	vadd.s32 v47, v59;
	[tilespmem:v11+s13+$0x0] =	vst.idx.msk $0xffff, v45;
	v45 =	vld [tilespmem:s24+$0xFFFFFF80]  }
0x6f: {  	v21 =	vor.u32 $0x3, v27;
	v11 =	vmovc v44;
	v44 =	vadd.s32 v54, v40;
	v19 =	vadd.s32 v48, v32;
	v48 =	vld [tilespmem:s22+$0xFFFFFFA0]  }
0x70: {  	p1 =	slt.u32 s23, $0xF8;
	[tilespmem:v51+s13+$0x0] =	vst.idx.msk $0xffff, v37;
	v27 =	vor.u32 $0x7, v63;
	v40 =	vld [tilespmem:s24+$0xFFFFFFC0];
	v63 =	vadd.s32 v54, v56;
	v51 =	vor.u32 $0x1, v10  }
.Ltmp0:
0x71: {  	v22 =	vadd.s32 v33, v32;
	v35 =	vadd.s32 v47, v32;
	[tilespmem:v29+s13+$0x0] =	vst.idx.msk $0xffff, v53;
	v33 =	vld [tilespmem:s22+$0xF0];
	v29 =	vor.u32 $0x2, v26;
	(pc) =	sbr.rel @p1 .LBB2_3-.Ltmp0, $4  }
0x72: {  	v30 =	vld [tilespmem:s24+$0xC0];
	v26 =	vadd.s32 v50, v47;
	v47 =	vadd.s32 v54, v36;
	v43 =	vor.u32 $0x4, v19;
	[tilespmem:v13+s13+$0x0] =	vst.idx.msk $0xffff, v62  }
0x73: {  	s21 =	smov.u32 s24;
	[tilespmem:v20+s13+$0x0] =	vst.idx.msk $0xffff, v60;
	v24 =	vor.u32 $0x4, v22;
	v19 =	vadd.s32 v54, v32;
	v22 =	vor.u32 $0x2, v49;
	v50 =	vld [tilespmem:s22+$0xB0]  }
0x74: {  	v10 =	vmovc v55;
	v32 =	vor.u32 $0x5, v57;
	v13 =	vor.u32 $0x6, v61;
	v62 =	vadd.s32 v54, v41;
	[tilespmem:v14+s13+$0x0] =	vst.idx.msk $0xffff, v48;
	v36 =	vld [tilespmem:s21+$0x80]  }
0x75: {  	[tilespmem:v2+s13+$0x0] =	vst.idx.msk $0xffff, v0;
	s24 =	sadd.s32 $0x200, s24;
	v41 =	vor.u32 $0x6, v63;
	v48 =	vadd.s32 v54, v59;
	v37 =	vor.u32 $0x2, v62;
	v14 =	vmovc v29;
	v49 =	vld [tilespmem:s22+$0xFFFFFFB0]  }
0x76: {  	_ =	sdelay $0x3  }
0x77: {  	v20 =	vld [tilespmem:$0x1FFF0];
	[tilespmem:v39+s13+$0x0] =	vst.idx.msk $0xffff, v9  }
0x78: {  	[tilespmem:v43+s13+$0x0] =	vst.idx.msk $0xffff, v46  }
0x79: {  	[tilespmem:v51+s13+$0x0] =	vst.idx.msk $0xffff, v38  }
0x7a: {  	[tilespmem:v15+s13+$0x0] =	vst.idx.msk $0xffff, v45  }
0x7b: {  	v0 =	vld [tilespmem:s22+$0xFFFFFFF0];
	[tilespmem:v8+s13+$0x0] =	vst.idx.msk $0xffff, v33  }
0x7c: {  	v2 =	vld [tilespmem:s21+$0x50];
	[tilespmem:v16+s13+$0x0] =	vst.idx.msk $0xffff, v40  }
0x7d: {  	[tilespmem:v25+s13+$0x0] =	vst.idx.msk $0xffff, v30  }
0x7e: {  	v39 =	vld [tilespmem:s21+$0xFFFFFF10];
	[tilespmem:v6+s13+$0x0] =	vst.idx.msk $0xffff, v50  }
0x7f: {  	v43 =	vld [tilespmem:s21+$0xD0];
	[tilespmem:v12+s13+$0x0] =	vst.idx.msk $0xffff, v36  }
0x80: {  	[tilespmem:v7+s13+$0x0] =	vst.idx.msk $0xffff, v0;
	v0 =	vld [tilespmem:s21+$0x10]  }
0x81: {  	[tilespmem:v28+s13+$0x0] =	vst.idx.msk $0xffff, v2;
	v2 =	vld [tilespmem:s21+$0xFFFFFF50]  }
0x82: {  	v45 =	vld [tilespmem:s21+$0xFFFFFFD0];
	[tilespmem:v5+s13+$0x0] =	vst.idx.msk $0xffff, v49  }
0x83: {  	[tilespmem:v17+s13+$0x0] =	vst.idx.msk $0xffff, v39;
	v5 =	vld [tilespmem:s21+$0x60]  }
0x84: {  	v6 =	vld [tilespmem:s21+$0xFFFFFF20];
	[tilespmem:v27+s13+$0x0] =	vst.idx.msk $0xffff, v43  }
0x85: {  	[tilespmem:v24+s13+$0x0] =	vst.idx.msk $0xffff, v0;
	v0 =	vld [tilespmem:s21+$0x90]  }
0x86: {  	[tilespmem:v23+s13+$0x0] =	vst.idx.msk $0xffff, v2;
	v2 =	vld [tilespmem:s21+$0xFFFFFF90]  }
0x87: {  	v51 =	vor.u32 $0x7, v34;
	[tilespmem:v21+s13+$0x0] =	vst.idx.msk $0xffff, v45;
	v52 =	vld [tilespmem:s21+$0xE0]  }
0x88: {  	[tilespmem:v32+s13+$0x0] =	vst.idx.msk $0xffff, v5;
	v5 =	vor.u32 $0x4, v35;
	v46 =	vld [tilespmem:s21+$0x20]  }
0x89: {  	v49 =	vor.u32 $0x1, v31;
	v50 =	vld [tilespmem:s21+$0xFFFFFF60];
	[tilespmem:v26+s13+$0x0] =	vst.idx.msk $0xffff, v6  }
0x8a: {  	v53 =	vor.u32 $0x5, v44;
	v54 =	vld [tilespmem:s21+$0x70];
	[tilespmem:v18+s13+$0x0] =	vst.idx.msk $0xffff, v0  }
0x8b: {  	[tilespmem:v22+s13+$0x0] =	vst.idx.msk $0xffff, v2;
	v0 =	vld [tilespmem:s21+$0xA0]  }
0x8c: {  	[tilespmem:v51+s13+$0x0] =	vst.idx.msk $0xffff, v52;
	v2 =	vld [tilespmem:s21+$0xFFFFFFA0]  }
0x8d: {  	v56 =	vld [tilespmem:s21+$0xFFFFFF30];
	[tilespmem:v5+s13+$0x0] =	vst.idx.msk $0xffff, v46  }
0x8e: {  	v55 =	vld [tilespmem:s21+$0xFFFFFFE0];
	v5 =	vor.u32 $0x3, v42;
	[tilespmem:v49+s13+$0x0] =	vst.idx.msk $0xffff, v50  }
0x8f: {  	v62 =	vor.u32 $0x7, v48;
	v63 =	vld [tilespmem:s21+$0xF0];
	[tilespmem:v53+s13+$0x0] =	vst.idx.msk $0xffff, v54  }
0x90: {  	v58 =	vor.u32 $0x4, v19;
	v57 =	vld [tilespmem:s21+$0x30];
	[tilespmem:v13+s13+$0x0] =	vst.idx.msk $0xffff, v0  }
0x91: {  	v59 =	vld [tilespmem:s21+$0xFFFFFF70];
	[tilespmem:v14+s13+$0x0] =	vst.idx.msk $0xffff, v2;
	v2 =	vor.u32 $0x1, v10  }
0x92: {  	[tilespmem:v11+s13+$0x0] =	vst.idx.msk $0xffff, v56;
	v0 =	vld [tilespmem:s21+$0xB0]  }
0x93: {  	[tilespmem:v5+s13+$0x0] =	vst.idx.msk $0xffff, v55;
	v60 =	vld [tilespmem:s21+$0xFFFFFFB0]  }
0x94: {  	[tilespmem:v62+s13+$0x0] =	vst.idx.msk $0xffff, v63;
	v5 =	vor.u32 $0x3, v47;
	v61 =	vld [tilespmem:s21+$0xFFFFFFF0]  }
0x95: {  	[tilespmem:v58+s13+$0x0] =	vst.idx.msk $0xffff, v57  }
0x96: {  	s26 =	sshll.u32 s19, $0x14;
	[tilespmem:v2+s13+$0x0] =	vst.idx.msk $0xffff, v59  }
0x97: {  	s21 =	sor.u32 s6, s26;
	[tilespmem:v41+s13+$0x0] =	vst.idx.msk $0xffff, v0  }
0x98: {  	s21 =	sshrl.u32 s21, $0x3;
	[tilespmem:v37+s13+$0x0] =	vst.idx.msk $0xffff, v60  }
0x99: {  	s28 =	simm.s32 $0xE400;
	s22 =	sadd.s32 s2, s21;
	[tilespmem:v5+s13+$0x0] =	vst.idx.msk $0xffff, v61  }
0x9a: {  	[hbm4b:s22+s3] =	stream.linear.scatter [tilespmem:s28], [sflag:$0x3], $0x80, $0x38;
	[tilespmem:$0x16C00] =	vst v63  }
0x9b: {  	s29 =	simm.s32 $0xE488;
	s23 =	sadd.s32 $0x10, s22  }
0x9c: {  	[hbm4b:s23+s3] =	stream.linear.scatter [tilespmem:s29], [sflag:$0x3], $0x80, $0x38;
	[tilespmem:$0x16C00] =	vst v63  }
0x9d: {  	s30 =	simm.s32 $0xE510;
	s25 =	simm.s32 $0xE620;
	s31 =	sadd.s32 $0x20, s22  }
0x9e: {  	[hbm4b:s31+s3] =	stream.linear.scatter [tilespmem:s30], [sflag:$0x3], $0x80, $0x38;
	[tilespmem:$0x16C00] =	vst v63  }
0x9f: {  	s21 =	simm.s32 $0x440;
	s24 =	sadd.s32 $0x30, s22;
	s23 =	simm.s32 $0xE598  }
0xa0: {  	[hbm4b:s24+s3] =	stream.linear.scatter [tilespmem:s23], [sflag:$0x3], $0x80, $0x38;
	[tilespmem:$0x16C00] =	vst v63  }
0xa1: {  	s26 =	sadd.s32 $0x40, s22;
	s28 =	simm.s32 $0xE6A8;
	s29 =	sadd.s32 $0x50, s22  }
0xa2: {  	[hbm4b:s26+s3] =	stream.linear.scatter [tilespmem:s25], [sflag:$0x3], $0x80, $0x38;
	[tilespmem:$0x16C00] =	vst v63  }
0xa3: {  	s30 =	simm.s32 $0xE730;
	s31 =	sadd.s32 $0x60, s22;
	s23 =	simm.s32 $0x2200  }
0xa4: {  	[hbm4b:s29+s3] =	stream.linear.scatter [tilespmem:s28], [sflag:$0x3], $0x80, $0x38;
	[tilespmem:$0x16C00] =	vst v63  }
0xa5: {  	s24 =	simm.s32 $0xE7B8;
	s25 =	sadd.s32 $0x70, s22;
	s22 =	sadd.s32 $0x1000, s22  }
0xa6: {  	[hbm4b:s31+s3] =	stream.linear.scatter [tilespmem:s30], [sflag:$0x3], $0x80, $0x38;
	[tilespmem:$0x16C00] =	vst v63  }
.LBB2_5:
0xa7: {  	[hbm4b:s25+s3] =	stream.linear.scatter [tilespmem:s24], [sflag:$0x3], $0x80, $0x38;
	[tilespmem:$0x16C00] =	vst v63  }
0xa8: {  	s24 =	smov.u32 s21;
	s21 =	smov.u32 s23  }
0xa9: {  	s26 =	sadd.s32 $0x1100, s23;
	s21 =	sshra.s32 s21, $0x2;
	s25 =	sadd.s32 $0xE400, s24  }
0xaa: {  	[hbm4b:s22+s3] =	stream.linear.scatter [tilespmem:s25], [sflag:$0x3], $0x80, $0x38;
	[tilespmem:$0x16C00] =	vst v63  }
0xab: {  	p1 =	sne.s32 s23, $0xFF00;
	s23 =	sadd.s32 $0xE488, s24;
	s25 =	sadd.s32 $0x10, s22  }
0xac: {  	[hbm4b:s25+s3] =	stream.linear.scatter [tilespmem:s23], [sflag:$0x3], $0x80, $0x38;
	[tilespmem:$0x16C00] =	vst v63  }
0xad: {  	s23 =	sadd.s32 $0xE510, s24;
	s25 =	sadd.s32 $0x20, s22  }
0xae: {  	[hbm4b:s25+s3] =	stream.linear.scatter [tilespmem:s23], [sflag:$0x3], $0x80, $0x38;
	[tilespmem:$0x16C00] =	vst v63  }
0xaf: {  	s23 =	sadd.s32 $0xE598, s24;
	s25 =	sadd.s32 $0x30, s22  }
0xb0: {  	[hbm4b:s25+s3] =	stream.linear.scatter [tilespmem:s23], [sflag:$0x3], $0x80, $0x38;
	[tilespmem:$0x16C00] =	vst v63  }
0xb1: {  	s23 =	sadd.s32 $0xE620, s24;
	s25 =	sadd.s32 $0x40, s22  }
0xb2: {  	[hbm4b:s25+s3] =	stream.linear.scatter [tilespmem:s23], [sflag:$0x3], $0x80, $0x38;
	[tilespmem:$0x16C00] =	vst v63  }
.Ltmp1:
0xb3: {  	s23 =	sadd.s32 $0xE6A8, s24;
	s25 =	sadd.s32 $0x50, s22;
	(pc) =	sbr.rel @p1 .LBB2_5-.Ltmp1, $4  }
0xb4: {  	[hbm4b:s25+s3] =	stream.linear.scatter [tilespmem:s23], [sflag:$0x3], $0x80, $0x38;
	[tilespmem:$0x16C00] =	vst v63  }
0xb5: {  	s23 =	sadd.s32 $0xE730, s24;
	s25 =	sadd.s32 $0x60, s22;
	s24 =	sadd.s32 $0xE7B8, s24  }
0xb6: {  	[hbm4b:s25+s3] =	stream.linear.scatter [tilespmem:s23], [sflag:$0x3], $0x80, $0x38;
	[tilespmem:$0x16C00] =	vst v63  }
0xb7: {  	s25 =	sadd.s32 $0x70, s22;
	s22 =	sadd.s32 $0x1000, s22;
	s23 =	smov.u32 s26  }
0xb8: {  	[hbm4b:s25+s3] =	stream.linear.scatter [tilespmem:s24], [sflag:$0x3], $0x80, $0x38;
	[tilespmem:$0x16C00] =	vst v63  }
0xb9: {  	s23 =	sadd.s32 $0xE400, s21  }
0xba: {  	[hbm4b:s22+s3] =	stream.linear.scatter [tilespmem:s23], [sflag:$0x3], $0x80, $0x38;
	[tilespmem:$0x16C00] =	vst v63  }
0xbb: {  	s30 =	sadd.s32 $0xE488, s21;
	s31 =	sadd.s32 $0x10, s22  }
0xbc: {  	[hbm4b:s31+s3] =	stream.linear.scatter [tilespmem:s30], [sflag:$0x3], $0x80, $0x38;
	[tilespmem:$0x16C00] =	vst v63  }
0xbd: {  	s25 =	sadd.s32 $0xE510, s21;
	s26 =	sadd.s32 $0x20, s22  }
0xbe: {  	[hbm4b:s26+s3] =	stream.linear.scatter [tilespmem:s25], [sflag:$0x3], $0x80, $0x38;
	[tilespmem:$0x16C00] =	vst v63  }
0xbf: {  	s28 =	sadd.s32 $0xE598, s21;
	s29 =	sadd.s32 $0x30, s22  }
0xc0: {  	[hbm4b:s29+s3] =	stream.linear.scatter [tilespmem:s28], [sflag:$0x3], $0x80, $0x38;
	[tilespmem:$0x16C00] =	vst v63  }
0xc1: {  	s30 =	sadd.s32 $0xE620, s21;
	s31 =	sadd.s32 $0x40, s22  }
0xc2: {  	[hbm4b:s31+s3] =	stream.linear.scatter [tilespmem:s30], [sflag:$0x3], $0x80, $0x38;
	[tilespmem:$0x16C00] =	vst v63  }
0xc3: {  	p1 =	sne.s32 s19, $0x31;
	s25 =	sadd.s32 $0xE6A8, s21;
	s26 =	sadd.s32 $0x50, s22  }
0xc4: {  	[hbm4b:s26+s3] =	stream.linear.scatter [tilespmem:s25], [sflag:$0x3], $0x80, $0x38;
	[tilespmem:$0x16C00] =	vst v63  }
.Ltmp2:
0xc5: {  	_ = 	snop;
	(pc) =	sbr.rel @p1 .LBB2_8-.Ltmp2, $4  }
0xc6: {  	s28 =	sadd.s32 $0xE730, s21;
	s29 =	sadd.s32 $0x60, s22  }
0xc7: {  	[hbm4b:s29+s3] =	stream.linear.scatter [tilespmem:s28], [sflag:$0x3], $0x80, $0x38;
	[tilespmem:$0x16C00] =	vst v63  }
0xc8: {  	s30 =	sadd.s32 $0xE7B8, s21;
	s31 =	sadd.s32 $0x70, s22  }
0xc9: {  	v4 =	vmov v3;
	[hbm4b:s31+s3] =	stream.linear.scatter [tilespmem:s30], [sflag:$0x3], $0x80, $0x38;
	[tilespmem:$0x16C00] =	vst v63  }
.Ltmp3:
0xca: {  	(pc) =	sbr.rel .LBB2_9-.Ltmp3, $4  }
0xcb: {  	_ = 	snop  }
0xcc: {  	_ =	swait.ge [sflag:s14], $0x4000  }
0xcd: {  	[sflag:s14] =	ssyncset.done $0x0  }
0xce: {  	v3 =	vmov v20;
	[sflag:s14] =	ssyncadd.s32 $0xFFFFC000  }
.LBB2_8:
0xcf: {  	s21 =	sshll.u32 s19, $0x9  }
0xd0: {  	s21 =	sand.u32 $0x3FFFFE00, s21  }
.Ltmp4:
0xd1: {  	s21 =	sadd.s32 $0x200, s21;
	(pc) =	sbr.rel @p0 .LBB2_10-.Ltmp4, $4  }
0xd2: {  	[tilespmem:s10], [sflag:$0x1] =	stream.indirect.gather [hbm4b:s4+s9], $0x40, s21, s9, $0xb8;
	[tilespmem:$0x16C00] =	vst v63  }
0xd3: {  	_ =	swait.ge [sflag:s14], $0x4000  }
0xd4: {  	[sflag:s14] =	ssyncset.done $0x0  }
0xd5: {  	v3 =	vmov v20;
	[sflag:s14] =	ssyncadd.s32 $0xFFFFC000  }
.LBB2_9:
0xd6: {  	_ =	swait.ge [sflag:s15], $0x4000  }
0xd7: {  	[sflag:s15] =	ssyncset.done $0x0  }
0xd8: {  	[sflag:s15] =	ssyncadd.s32 $0xFFFFC000  }
.LBB2_10:
0xd9: {  	s21 =	simm.s32 $0x0  }
0xda: {  	s22 =	simm.s32 $0x0;
	s23 =	simm.s32 $0x1;
	s24 =	simm.s32 $0x2  }
0xdb: {  	s31 =	simm.s32 $0x6;
	s28 =	simm.s32 $0x4;
	s21 =	sand.u32 $0x78, s21;
	v0 =	vmov s22  }
0xdc: {  	s29 =	sand.u32 $0x78, s23;
	s30 =	sand.u32 $0x78, s24;
	s25 =	sand.u32 $0x78, s31;
	v2 =	vmov s21;
	v0 =	vmul.u32 $0x2200, v0  }
0xdd: {  	s26 =	simm.s32 $0x7;
	s24 =	simm.s32 $0x5;
	s23 =	sand.u32 $0x78, s28;
	v5 =	vmov s29;
	v6 =	vmov s30;
	v7 =	vmov s25  }
0xde: {  	s22 =	sand.u32 $0x78, s24;
	s21 =	sand.u32 $0x78, s26;
	v11 =	vmov s23;
	v2 =	vshrl.u32 v2, $0x3;
	v5 =	vshrl.u32 v5, $0x3  }
0xdf: {  	s31 =	simm.s32 $0x9;
	s26 =	simm.s32 $0x0;
	v8 =	vmov s22;
	v6 =	vshrl.u32 v6, $0x3;
	v9 =	vmov s21  }
0xe0: {  	s29 =	simm.s32 $0x3;
	s24 =	sand.u32 $0x78, s31;
	v14 =	vshrl.u32 v11, $0x3;
	v7 =	vshrl.u32 v7, $0x3;
	v53 =	vmov s26  }
0xe1: {  	s30 =	sand.u32 $0x78, s29;
	v54 =	vmov s24;
	v0 =	vbroadcast v0, $0x0;
	v2 =	vshll.u32 v2, v1  }
0xe2: {  	v22 =	vld [tilespmem:$0x1FFD0];
	s23 =	simm.s32 $0x8;
	s25 =	simm.s32 $0xA;
	v5 =	vshll.u32 v5, v1;
	v6 =	vshll.u32 v6, v1;
	v13 =	vmov s30  }
0xe3: {  	v52 =	vld [tilespmem:$0x1FFE0];
	s28 =	sand.u32 $0x78, s23;
	s29 =	sand.u32 $0x78, s25;
	v8 =	vshrl.u32 v8, $0x3;
	v7 =	vshll.u32 v7, v1;
	v9 =	vshrl.u32 v9, $0x3  }
0xe4: {  	v14 =	vshll.u32 v14, v1;
	v51 =	vmov s28;
	v45 =	vmov s29  }
0xe5: {  	v55 =	vshrl.u32 v54, $0x3;
	v5 =	vbroadcast v5, $0x0;
	v6 =	vbroadcast v6, $0x0  }
0xe6: {  	v13 =	vshrl.u32 v13, $0x3;
	v2 =	vbroadcast v2, $0x0;
	v8 =	vshll.u32 v8, v1  }
0xe7: {  	v7 =	vbroadcast v7, $0x0;
	v9 =	vshll.u32 v9, v1;
	v14 =	vbroadcast v14, $0x0  }
0xe8: {  	s30 =	simm.s32 $0xE;
	s28 =	simm.s32 $0xF;
	v10 =	vadd.s32 v4, v0;
	v12 =	vadd.s32 v22, v0;
	v16 =	vadd.s32 v52, v0  }
0xe9: {  	s25 =	sand.u32 $0x78, s30;
	s24 =	sand.u32 $0x78, s28;
	v0 =	vadd.s32 v3, v0;
	v8 =	vbroadcast v8, $0x0;
	v9 =	vbroadcast v9, $0x0  }
0xea: {  	v56 =	vmov s25;
	v58 =	vmov s24;
	v11 =	vadd.s32 v10, v5  }
0xeb: {  	v18 =	vadd.s32 v0, v5;
	v19 =	vadd.s32 v0, v6;
	v24 =	vadd.s32 v2, v0  }
0xec: {  	v27 =	vadd.s32 v0, v7;
	v28 =	vadd.s32 v2, v10;
	v29 =	vadd.s32 v12, v7  }
0xed: {  	v32 =	vadd.s32 v12, v6;
	v35 =	vadd.s32 v12, v14;
	v60 =	vshrl.u32 v58, $0x3  }
0xee: {  	v15 =	vor.u32 $0x1, v11;
	v11 =	vadd.s32 v10, v6;
	v21 =	vadd.s32 v10, v8  }
0xef: {  	v30 =	vadd.s32 v10, v9;
	v31 =	vadd.s32 v0, v9;
	v33 =	vor.u32 $0x1, v18  }
0xf0: {  	v34 =	vadd.s32 v12, v8;
	v18 =	vor.u32 $0x6, v27;
	v38 =	vadd.s32 v12, v9  }
0xf1: {  	v27 =	vor.u32 $0x2, v32;
	v17 =	vor.u32 $0x2, v11;
	v11 =	vadd.s32 v16, v5  }
0xf2: {  	s22 =	simm.s32 $0xA500;
	v40 =	vadd.s32 v16, v8;
	v19 =	vor.u32 $0x2, v19;
	v9 =	vadd.s32 v16, v9;
	[tilespmem:$0x1FFB0] =	vst v11  }
0xf3: {  	v35 =	vor.u32 $0x4, v35;
	v26 =	vor.u32 $0x5, v21;
	v21 =	vadd.s32 v0, v8;
	v37 =	vld [tilespmem:s22+$0xFFFFFF00]  }
0xf4: {  	v30 =	vor.u32 $0x7, v30;
	v8 =	vadd.s32 v12, v5;
	v11 =	vshll.u32 v13, v1;
	v50 =	vld [tilespmem:s22+$0x40]  }
0xf5: {  	v5 =	vadd.s32 v16, v6;
	v6 =	vadd.s32 v16, v7;
	v23 =	vbroadcast v11, $0x0;
	v41 =	vld [tilespmem:s22+$0xFFFFFF40]  }
0xf6: {  	v13 =	vadd.s32 v2, v16;
	v2 =	vadd.s32 v2, v12;
	v44 =	vor.u32 $0x1, v8;
	v42 =	vld [tilespmem:s22+$0xC0]  }
0xf7: {  	s21 =	simm.s32 $0xA700;
	v8 =	vor.u32 $0x7, v9;
	v11 =	vadd.s32 v10, v7;
	v43 =	vld [tilespmem:s22+$0xFFFFFFC0];
	v20 =	vadd.s32 v10, v23  }
0xf8: {  	v9 =	vld [tilespmem:s21+$0xFFFFFF00];
	v10 =	vadd.s32 v10, v14;
	v39 =	vadd.s32 v12, v23;
	v25 =	vor.u32 $0x3, v20  }
0xf9: {  	v12 =	vld [tilespmem:s22+$0x0];
	v20 =	vadd.s32 v0, v23;
	v0 =	vadd.s32 v0, v14;
	v10 =	vor.u32 $0x4, v10  }
0xfa: {  	v31 =	vor.u32 $0x7, v31;
	v14 =	vadd.s32 v16, v14;
	v23 =	vadd.s32 v16, v23;
	v16 =	vld [tilespmem:s22+$0xFFFFFF80];
	[tilespmem:v26+s16+$0x0] =	vst.idx.msk $0xffff, v50  }
0xfb: {  	v36 =	vor.u32 $0x5, v21;
	v21 =	vor.u32 $0x6, v29;
	v47 =	vld [tilespmem:s21+$0xFFFFFF40];
	v11 =	vor.u32 $0x6, v11;
	[tilespmem:v28+s16+$0x0] =	vst.idx.msk $0xffff, v37  }
0xfc: {  	v29 =	vor.u32 $0x3, v39;
	v39 =	vmul.u32 $0x2200, v53;
	v7 =	vor.u32 $0x3, v23;
	v23 =	vld [tilespmem:s22+$0x80];
	[tilespmem:v15+s16+$0x0] =	vst.idx.msk $0xffff, v41  }
0xfd: {  	s31 =	simm.s32 $0xD;
	v34 =	vor.u32 $0x5, v34;
	v32 =	vor.u32 $0x7, v38;
	v0 =	vor.u32 $0x4, v0;
	[tilespmem:v30+s16+$0x0] =	vst.idx.msk $0xffff, v42;
	v46 =	vld [tilespmem:s22+$0x50]  }
0xfe: {  	s26 =	sand.u32 $0x78, s31;
	v20 =	vor.u32 $0x3, v20;
	v28 =	vshrl.u32 v51, $0x3;
	v39 =	vbroadcast v39, $0x0;
	v57 =	vld [tilespmem:s22+$0xFFFFFF10];
	[tilespmem:v10+s16+$0x0] =	vst.idx.msk $0xffff, v12  }
0xff: {  	v26 =	vor.u32 $0x5, v40;
	v15 =	vshll.u32 v28, v1;
	v28 =	vmov s26;
	v50 =	vld [tilespmem:s22+$0xFFFFFF50];
	[tilespmem:v17+s16+$0x0] =	vst.idx.msk $0xffff, v16  }
0x100: {  	s29 =	simm.s32 $0xC;
	v48 =	vadd.s32 v22, v39;
	v28 =	vshrl.u32 v28, $0x3;
	v10 =	vshll.u32 v55, v1;
	[tilespmem:v25+s16+$0x0] =	vst.idx.msk $0xffff, v43;
	v17 =	vld [tilespmem:s22+$0x10]  }
0x101: {  	s26 =	sand.u32 $0x78, s29;
	v41 =	vbroadcast v15, $0x0;
	v52 =	vadd.s32 v52, v39;
	v49 =	vbroadcast v10, $0x0;
	v25 =	vld [tilespmem:s22+$0xFFFFFFD0];
	[tilespmem:v11+s16+$0x0] =	vst.idx.msk $0xffff, v23  }
0x102: {  	s30 =	simm.s32 $0xB;
	v12 =	vshrl.u32 v45, $0x3;
	v45 =	vadd.s32 v4, v39;
	v16 =	vmov s26;
	v38 =	vld [tilespmem:s22+$0xFFFFFF90];
	[tilespmem:v36+s16+$0x0] =	vst.idx.msk $0xffff, v46  }
0x103: {  	s31 =	sand.u32 $0x78, s30;
	v12 =	vshll.u32 v12, v1;
	v59 =	vshrl.u32 v16, $0x3;
	v16 =	vadd.s32 v45, v49;
	[tilespmem:v24+s16+$0x0] =	vst.idx.msk $0xffff, v57;
	v24 =	vld [tilespmem:s22+$0x60]  }
0x104: {  	v10 =	vmov s31;
	v36 =	vbroadcast v12, $0x0;
	[tilespmem:v33+s16+$0x0] =	vst.idx.msk $0xffff, v50;
	v51 =	vor.u32 $0x1, v16;
	v16 =	vld [tilespmem:s22+$0xFFFFFF20]  }
0x105: {  	v40 =	vld [tilespmem:s21+$0x40];
	v12 =	vshrl.u32 v56, $0x3;
	v33 =	vadd.s32 v3, v39;
	v39 =	vadd.s32 v41, v45;
	[tilespmem:v0+s16+$0x0] =	vst.idx.msk $0xffff, v17  }
0x106: {  	v30 =	vshrl.u32 v10, $0x3;
	v12 =	vshll.u32 v12, v1;
	v0 =	vshll.u32 v28, v1;
	v28 =	vld [tilespmem:s22+$0xD0];
	[tilespmem:v20+s16+$0x0] =	vst.idx.msk $0xffff, v25  }
0x107: {  	v23 =	vadd.s32 v33, v49;
	v53 =	vbroadcast v12, $0x0;
	v12 =	vshll.u32 v30, v1;
	[tilespmem:v19+s16+$0x0] =	vst.idx.msk $0xffff, v38;
	v30 =	vld [tilespmem:s22+$0x20]  }
0x108: {  	v5 =	vor.u32 $0x2, v5;
	v10 =	vadd.s32 v45, v36;
	v50 =	vadd.s32 v33, v36;
	[tilespmem:v34+s16+$0x0] =	vst.idx.msk $0xffff, v24;
	v24 =	vld [tilespmem:s22+$0x90]  }
0x109: {  	v15 =	vor.u32 $0x2, v10;
	v10 =	vadd.s32 v52, v49;
	v0 =	vbroadcast v0, $0x0;
	[tilespmem:v2+s16+$0x0] =	vst.idx.msk $0xffff, v16;
	v2 =	vld [tilespmem:s22+$0xFFFFFF60]  }
0x10a: {  	v6 =	vor.u32 $0x6, v6;
	v17 =	vadd.s32 v41, v33;
	v25 =	vshll.u32 v59, v1;
	[tilespmem:v51+s16+$0x0] =	vst.idx.msk $0xffff, v47;
	v42 =	vld [tilespmem:s22+$0x70]  }
0x10b: {  	v54 =	vbroadcast v12, $0x0;
	v11 =	vadd.s32 v45, v53;
	v61 =	vadd.s32 v45, v0;
	v55 =	vld [tilespmem:s22+$0xFFFFFF30];
	[tilespmem:v31+s16+$0x0] =	vst.idx.msk $0xffff, v28  }
0x10c: {  	v46 =	vld [tilespmem:s21+$0x0];
	v56 =	vadd.s32 v33, v53;
	v59 =	vbroadcast v25, $0x0;
	v28 =	vor.u32 $0x5, v61;
	[tilespmem:v35+s16+$0x0] =	vst.idx.msk $0xffff, v30  }
0x10d: {  	v12 =	vor.u32 $0x6, v11;
	v11 =	vadd.s32 v41, v52;
	v16 =	vadd.s32 v45, v54;
	v20 =	vld [tilespmem:s22+$0xE0];
	[tilespmem:v18+s16+$0x0] =	vst.idx.msk $0xffff, v24  }
0x10e: {  	v22 =	vor.u32 $0x4, v14;
	v34 =	vshll.u32 v60, v1;
	v37 =	vadd.s32 v33, v0;
	[tilespmem:v44+s16+$0x0] =	vst.idx.msk $0xffff, v2;
	v2 =	vld [tilespmem:s22+$0xFFFFFFA0]  }
0x10f: {  	v23 =	vor.u32 $0x1, v23;
	v60 =	vadd.s32 v48, v53;
	v14 =	vadd.s32 v45, v59;
	v61 =	vld [tilespmem:s22+$0xA0];
	[tilespmem:v26+s16+$0x0] =	vst.idx.msk $0xffff, v42  }
0x110: {  	v58 =	vld [tilespmem:s22+$0xFFFFFFE0];
	v19 =	vadd.s32 v33, v59;
	v47 =	vadd.s32 v52, v54;
	v57 =	vbroadcast v34, $0x0;
	[tilespmem:v13+s16+$0x0] =	vst.idx.msk $0xffff, v55  }
0x111: {  	v43 =	vor.u32 $0x4, v14;
	v31 =	vadd.s32 v33, v54;
	v30 =	vadd.s32 v48, v36;
	v63 =	vld [tilespmem:s22+$0x30];
	[tilespmem:v28+s16+$0x0] =	vst.idx.msk $0xffff, v40  }
0x112: {  	v62 =	vadd.s32 v33, v57;
	v35 =	vadd.s32 v48, v59;
	v14 =	vor.u32 $0x2, v30;
	v30 =	vld [tilespmem:s21+$0xC0];
	[tilespmem:v32+s16+$0x0] =	vst.idx.msk $0xffff, v20  }
0x113: {  	v16 =	vor.u32 $0x3, v16;
	v34 =	vadd.s32 v48, v57;
	v18 =	vadd.s32 v45, v57;
	v45 =	vld [tilespmem:s21+$0xFFFFFF80];
	[tilespmem:v27+s16+$0x0] =	vst.idx.msk $0xffff, v2  }
0x114: {  	v24 =	vor.u32 $0x4, v19;
	v19 =	vadd.s32 v52, v59;
	v44 =	vadd.s32 v52, v0;
	v38 =	vld [tilespmem:s22+$0xFFFFFF70];
	[tilespmem:v21+s16+$0x0] =	vst.idx.msk $0xffff, v61  }
0x115: {  	v25 =	vor.u32 $0x7, v18;
	v18 =	vor.u32 $0x6, v56;
	v27 =	vor.u32 $0x7, v62;
	v62 =	vld [tilespmem:$0x1FFB0]  }
0x116: {  	v42 =	vadd.s32 v48, v54;
	v13 =	vor.u32 $0x6, v60;
	v26 =	vadd.s32 v41, v48;
	v40 =	vld [tilespmem:s21+$0xFFFFFFC0]  }
0x117: {  	v28 =	vor.u32 $0x5, v37;
	v32 =	vadd.s32 v48, v0;
	v0 =	vadd.s32 v52, v36;
	v36 =	vld [tilespmem:s21+$0x80]  }
0x118: {  	v20 =	vor.u32 $0x3, v31;
	v31 =	vadd.s32 v48, v49;
	v48 =	vadd.s32 v52, v57;
	v33 =	vld [tilespmem:s22+$0xF0]  }
0x119: {  	v37 =	vor.u32 $0x2, v0;
	v2 =	vadd.s32 v52, v53;
	v21 =	vor.u32 $0x2, v50;
	v50 =	vld [tilespmem:s22+$0xB0];
	[tilespmem:v22+s16+$0x0] =	vst.idx.msk $0xffff, v63  }
0x11a: {  	s24 =	simm.s32 $0xA900;
	v32 =	vor.u32 $0x5, v32;
	v49 =	vld [tilespmem:s22+$0xFFFFFFB0];
	v41 =	vor.u32 $0x6, v2;
	[tilespmem:v29+s16+$0x0] =	vst.idx.msk $0xffff, v58;
	v51 =	vor.u32 $0x1, v62  }
.LBB2_11:
0x11b: {  	[tilespmem:v39+s16+$0x0] =	vst.idx.msk $0xffff, v9;
	v39 =	vld [tilespmem:s22+$0xFFFFFFF0]  }
0x11c: {  	s25 =	sadd.s32 $0x9, s23;
	s26 =	sadd.s32 $0xA, s23;
	v31 =	vor.u32 $0x1, v31;
	s28 =	smov.u32 s23;
	v3 =	vld [tilespmem:$0x1FFE0];
	[tilespmem:v15+s16+$0x0] =	vst.idx.msk $0xffff, v45  }
0x11d: {  	v0 =	vor.u32 $0x3, v47;
	v2 =	vor.u32 $0x7, v48;
	s23 =	sadd.s32 $0x8, s23;
	s22 =	smov.u32 s21;
	v22 =	vor.u32 $0x3, v42;
	v9 =	vld [tilespmem:s24+$0xFFFFFF00];
	s25 =	sand.u32 $0x78, s25;
	[tilespmem:v43+s16+$0x0] =	vst.idx.msk $0xffff, v46  }
0x11e: {  	v29 =	vor.u32 $0x5, v44;
	v34 =	vor.u32 $0x7, v34;
	s29 =	sshrl.u32 s23, $0x7;
	s30 =	sand.u32 $0x78, s23;
	s31 =	sadd.s32 $0xC, s28;
	v47 =	vld [tilespmem:s22+$0x50];
	v54 =	vmov s25;
	[tilespmem:v6+s16+$0x0] =	vst.idx.msk $0xffff, v50  }
0x11f: {  	v52 =	vmov s30;
	v53 =	vmov s29;
	s30 =	sand.u32 $0x78, s26;
	s26 =	sadd.s32 $0xD, s28;
	s29 =	sadd.s32 $0xE, s28;
	v58 =	vshrl.u32 v54, $0x3;
	v54 =	vld [tilespmem:s22+$0xFFFFFF10];
	[tilespmem:v51+s16+$0x0] =	vst.idx.msk $0xffff, v38  }
0x120: {  	s25 =	sadd.s32 $0xB, s28;
	s28 =	sadd.s32 $0xF, s28;
	v55 =	vmul.u32 $0x2200, v53;
	s29 =	sand.u32 $0x78, s29;
	v57 =	vshrl.u32 v52, $0x3;
	v46 =	vor.u32 $0x4, v35;
	v35 =	vld [tilespmem:s24+$0x40];
	[tilespmem:v5+s16+$0x0] =	vst.idx.msk $0xffff, v49  }
0x121: {  	v56 =	vmov s30;
	s26 =	sand.u32 $0x78, s26;
	s30 =	sand.u32 $0x78, s31;
	s31 =	sand.u32 $0x78, s28;
	v59 =	vmov s29;
	v15 =	vshll.u32 v57, v1;
	[tilespmem:v8+s16+$0x0] =	vst.idx.msk $0xffff, v33;
	v8 =	vmovc v2;
	v2 =	vld [tilespmem:$0x1FFD0]  }
0x122: {  	s25 =	sand.u32 $0x78, s25;
	v60 =	vmov s26;
	v5 =	vmovc v37;
	v61 =	vshll.u32 v58, v1;
	v63 =	vmov s31;
	v37 =	vld [tilespmem:s24+$0xFFFFFF40];
	[tilespmem:v7+s16+$0x0] =	vst.idx.msk $0xffff, v39  }
0x123: {  	v62 =	vshrl.u32 v56, $0x3;
	v56 =	vmov s30;
	v58 =	vmov s25;
	v57 =	vld [tilespmem:s22+$0x10];
	[tilespmem:v25+s16+$0x0] =	vst.idx.msk $0xffff, v30  }
0x124: {  	v45 =	vbroadcast v55, $0x0;
	v55 =	vshll.u32 v62, v1;
	v50 =	vbroadcast v61, $0x0;
	v51 =	vld [tilespmem:s22+$0xFFFFFF50];
	[tilespmem:v12+s16+$0x0] =	vst.idx.msk $0xffff, v36  }
0x125: {  	v59 =	vshrl.u32 v59, $0x3;
	v42 =	vld [tilespmem:s22+$0xFFFFFF90];
	v30 =	vshrl.u32 v58, $0x3;
	v60 =	vshrl.u32 v60, $0x3;
	[tilespmem:v28+s16+$0x0] =	vst.idx.msk $0xffff, v47  }
0x126: {  	v6 =	vmovc v41;
	v63 =	vshrl.u32 v63, $0x3;
	v41 =	vbroadcast v55, $0x0;
	v47 =	vbroadcast v15, $0x0;
	[tilespmem:v16+s16+$0x0] =	vst.idx.msk $0xffff, v40;
	v62 =	vld [tilespmem:s22+$0x90]  }
0x127: {  	v7 =	vmovc v0;
	v16 =	vshll.u32 v59, v1;
	v39 =	vshll.u32 v63, v1;
	v0 =	vadd.s32 v4, v45;
	v61 =	vld [tilespmem:s22+$0xFFFFFFD0]  }
0x128: {  	v52 =	vadd.s32 v3, v45;
	v3 =	vld [tilespmem:$0x1FFF0];
	v25 =	vadd.s32 v0, v50;
	v15 =	vadd.s32 v0, v41  }
0x129: {  	[tilespmem:v17+s16+$0x0] =	vst.idx.msk $0xffff, v54;
	v17 =	vld [tilespmem:s22+$0x60];
	v53 =	vadd.s32 v52, v50;
	v54 =	vbroadcast v16, $0x0;
	v16 =	vshll.u32 v30, v1  }
0x12a: {  	v44 =	vadd.s32 v47, v52;
	v2 =	vadd.s32 v2, v45;
	v48 =	vor.u32 $0x1, v25;
	v25 =	vld [tilespmem:s22+$0xFFFFFF20];
	[tilespmem:v24+s16+$0x0] =	vst.idx.msk $0xffff, v57  }
0x12b: {  	v36 =	vbroadcast v16, $0x0;
	v24 =	vshll.u32 v60, v1;
	[tilespmem:v23+s16+$0x0] =	vst.idx.msk $0xffff, v51;
	v23 =	vld [tilespmem:s22+$0xD0];
	v12 =	vadd.s32 v0, v54  }
0x12c: {  	v57 =	vbroadcast v39, $0x0;
	v39 =	vadd.s32 v47, v0;
	v40 =	vbroadcast v24, $0x0;
	v24 =	vld [tilespmem:s22+$0x20];
	[tilespmem:v18+s16+$0x0] =	vst.idx.msk $0xffff, v62  }
0x12d: {  	v28 =	vshrl.u32 v56, $0x3;
	v59 =	vadd.s32 v2, v54;
	[tilespmem:v21+s16+$0x0] =	vst.idx.msk $0xffff, v42;
	v21 =	vadd.s32 v2, v41;
	v60 =	vld [tilespmem:s22+$0xA0]  }
0x12e: {  	v63 =	vor.u32 $0x4, v19;
	v16 =	vadd.s32 v0, v36;
	v33 =	vadd.s32 v3, v45;
	[tilespmem:v20+s16+$0x0] =	vst.idx.msk $0xffff, v61;
	v3 =	vld [tilespmem:s22+$0xFFFFFFA0]  }
0x12f: {  	v15 =	vor.u32 $0x2, v15;
	v42 =	vadd.s32 v2, v36;
	v18 =	vadd.s32 v0, v57;
	[tilespmem:v32+s16+$0x0] =	vst.idx.msk $0xffff, v17;
	v58 =	vld [tilespmem:s22+$0xFFFFFFE0]  }
0x130: {  	v12 =	vor.u32 $0x6, v12;
	v30 =	vadd.s32 v33, v50;
	[tilespmem:v26+s16+$0x0] =	vst.idx.msk $0xffff, v25;
	v26 =	vld [tilespmem:s22+$0xFFFFFF60];
	v25 =	vadd.s32 v0, v40  }
0x131: {  	v49 =	vadd.s32 v33, v41;
	v17 =	vadd.s32 v47, v33;
	v51 =	vld [tilespmem:s22+$0x70];
	v55 =	vor.u32 $0x5, v25  }
0x132: {  	v16 =	vor.u32 $0x3, v16;
	v56 =	vadd.s32 v33, v40;
	v45 =	vld [tilespmem:s22+$0xFFFFFF30];
	[tilespmem:v27+s16+$0x0] =	vst.idx.msk $0xffff, v23;
	v23 =	vshll.u32 v28, v1  }
0x133: {  	v61 =	vadd.s32 v33, v57;
	v27 =	vadd.s32 v33, v36;
	v20 =	vld [tilespmem:s22+$0xE0];
	v32 =	vbroadcast v23, $0x0;
	[tilespmem:v46+s16+$0x0] =	vst.idx.msk $0xffff, v24  }
0x134: {  	v28 =	vadd.s32 v33, v54;
	v25 =	vor.u32 $0x7, v18;
	v23 =	vor.u32 $0x1, v30;
	v62 =	vld [tilespmem:s22+$0x30];
	[tilespmem:v13+s16+$0x0] =	vst.idx.msk $0xffff, v60  }
0x135: {  	v18 =	vor.u32 $0x6, v28;
	v28 =	vor.u32 $0x5, v56;
	v46 =	vld [tilespmem:s24+$0x0];
	v0 =	vadd.s32 v0, v32;
	[tilespmem:v31+s16+$0x0] =	vst.idx.msk $0xffff, v26  }
0x136: {  	s21 =	smov.u32 s24;
	v13 =	vor.u32 $0x6, v59;
	v19 =	vadd.s32 v33, v32;
	v31 =	vadd.s32 v2, v50;
	v50 =	vld [tilespmem:s22+$0xB0];
	[tilespmem:v55+s16+$0x0] =	vst.idx.msk $0xffff, v35  }
0x137: {  	v43 =	vor.u32 $0x4, v0;
	v26 =	vadd.s32 v47, v2;
	v47 =	vadd.s32 v52, v36;
	v36 =	vld [tilespmem:s21+$0x80];
	[tilespmem:v11+s16+$0x0] =	vst.idx.msk $0xffff, v45  }
0x138: {  	p0 =	slt.u32 s23, $0xF8;
	v24 =	vor.u32 $0x4, v19;
	v0 =	vadd.s32 v2, v40;
	v19 =	vadd.s32 v52, v32;
	v45 =	vld [tilespmem:s24+$0xFFFFFF80];
	[tilespmem:v14+s16+$0x0] =	vst.idx.msk $0xffff, v3  }
.Ltmp5:
0x139: {  	v38 =	vld [tilespmem:s22+$0xFFFFFF70];
	v35 =	vadd.s32 v2, v32;
	v11 =	vmov v44;
	v44 =	vadd.s32 v52, v40;
	[tilespmem:v48+s16+$0x0] =	vst.idx.msk $0xffff, v37;
	(pc) =	sbr.rel @p0 .LBB2_11-.Ltmp5, $4  }
0x13a: {  	v48 =	vadd.s32 v52, v57;
	v40 =	vld [tilespmem:s24+$0xFFFFFFC0];
	v3 =	vadd.s32 v52, v54;
	v32 =	vor.u32 $0x5, v0;
	[tilespmem:v34+s16+$0x0] =	vst.idx.msk $0xffff, v20  }
0x13b: {  	v34 =	vadd.s32 v2, v57;
	[tilespmem:v29+s16+$0x0] =	vst.idx.msk $0xffff, v51;
	v29 =	vor.u32 $0x2, v21;
	v21 =	vor.u32 $0x2, v49;
	v49 =	vld [tilespmem:s22+$0xFFFFFFB0]  }
0x13c: {  	[tilespmem:v22+s16+$0x0] =	vst.idx.msk $0xffff, v58;
	v20 =	vor.u32 $0x3, v27;
	v27 =	vor.u32 $0x7, v61;
	v2 =	vadd.s32 v52, v41;
	v33 =	vld [tilespmem:s22+$0xF0]  }
0x13d: {  	v51 =	vor.u32 $0x1, v10;
	v41 =	vor.u32 $0x6, v3;
	v10 =	vmovc v53;
	v30 =	vld [tilespmem:s24+$0xC0];
	[tilespmem:v63+s16+$0x0] =	vst.idx.msk $0xffff, v62;
	v37 =	vor.u32 $0x2, v2;
	s24 =	sadd.s32 $0x200, s24;
	v14 =	vmovc v29  }
0x13e: {  	_ =	sdelay $0x3  }
0x13f: {  	v22 =	vld [tilespmem:$0x1FFF0];
	[tilespmem:v39+s16+$0x0] =	vst.idx.msk $0xffff, v9  }
0x140: {  	[tilespmem:v43+s16+$0x0] =	vst.idx.msk $0xffff, v46  }
0x141: {  	[tilespmem:v6+s16+$0x0] =	vst.idx.msk $0xffff, v50  }
0x142: {  	v0 =	vld [tilespmem:s22+$0xFFFFFFF0];
	[tilespmem:v51+s16+$0x0] =	vst.idx.msk $0xffff, v38  }
0x143: {  	v2 =	vld [tilespmem:s21+$0x50];
	[tilespmem:v15+s16+$0x0] =	vst.idx.msk $0xffff, v45  }
0x144: {  	[tilespmem:v12+s16+$0x0] =	vst.idx.msk $0xffff, v36  }
0x145: {  	v3 =	vld [tilespmem:s21+$0xFFFFFF10];
	[tilespmem:v16+s16+$0x0] =	vst.idx.msk $0xffff, v40  }
0x146: {  	[tilespmem:v25+s16+$0x0] =	vst.idx.msk $0xffff, v30  }
0x147: {  	[tilespmem:v7+s16+$0x0] =	vst.idx.msk $0xffff, v0;
	v0 =	vld [tilespmem:s21+$0x10]  }
0x148: {  	[tilespmem:v28+s16+$0x0] =	vst.idx.msk $0xffff, v2;
	v2 =	vld [tilespmem:s21+$0xFFFFFF50]  }
0x149: {  	[tilespmem:v5+s16+$0x0] =	vst.idx.msk $0xffff, v49;
	v6 =	vld [tilespmem:s21+$0xD0]  }
0x14a: {  	[tilespmem:v17+s16+$0x0] =	vst.idx.msk $0xffff, v3;
	v3 =	vld [tilespmem:s21+$0x60]  }
0x14b: {  	[tilespmem:v8+s16+$0x0] =	vst.idx.msk $0xffff, v33;
	v7 =	vld [tilespmem:s21+$0xFFFFFFD0]  }
0x14c: {  	v5 =	vld [tilespmem:s21+$0xFFFFFF20];
	[tilespmem:v24+s16+$0x0] =	vst.idx.msk $0xffff, v0  }
0x14d: {  	v0 =	vld [tilespmem:s21+$0x90];
	[tilespmem:v23+s16+$0x0] =	vst.idx.msk $0xffff, v2  }
0x14e: {  	v2 =	vld [tilespmem:s21+$0xFFFFFF90];
	[tilespmem:v27+s16+$0x0] =	vst.idx.msk $0xffff, v6  }
0x14f: {  	[tilespmem:v32+s16+$0x0] =	vst.idx.msk $0xffff, v3;
	v3 =	vor.u32 $0x4, v35;
	v55 =	vld [tilespmem:s21+$0x20]  }
0x150: {  	v6 =	vor.u32 $0x7, v34;
	[tilespmem:v20+s16+$0x0] =	vst.idx.msk $0xffff, v7;
	v57 =	vld [tilespmem:s21+$0xE0]  }
0x151: {  	v56 =	vld [tilespmem:s21+$0xFFFFFF60];
	[tilespmem:v26+s16+$0x0] =	vst.idx.msk $0xffff, v5;
	v5 =	vor.u32 $0x1, v31  }
0x152: {  	v7 =	vor.u32 $0x5, v44;
	v58 =	vld [tilespmem:s21+$0x70];
	[tilespmem:v18+s16+$0x0] =	vst.idx.msk $0xffff, v0  }
0x153: {  	[tilespmem:v21+s16+$0x0] =	vst.idx.msk $0xffff, v2;
	v0 =	vld [tilespmem:s21+$0xA0]  }
0x154: {  	[tilespmem:v3+s16+$0x0] =	vst.idx.msk $0xffff, v55;
	v2 =	vld [tilespmem:s21+$0xFFFFFFA0]  }
0x155: {  	v59 =	vld [tilespmem:s21+$0xFFFFFFE0];
	v3 =	vor.u32 $0x3, v42;
	[tilespmem:v6+s16+$0x0] =	vst.idx.msk $0xffff, v57  }
0x156: {  	[tilespmem:v5+s16+$0x0] =	vst.idx.msk $0xffff, v56;
	v5 =	vld [tilespmem:s21+$0xFFFFFF30]  }
0x157: {  	v60 =	vor.u32 $0x4, v19;
	v6 =	vld [tilespmem:s21+$0x30];
	[tilespmem:v7+s16+$0x0] =	vst.idx.msk $0xffff, v58  }
0x158: {  	v62 =	vor.u32 $0x7, v48;
	v63 =	vld [tilespmem:s21+$0xF0];
	[tilespmem:v13+s16+$0x0] =	vst.idx.msk $0xffff, v0  }
0x159: {  	v7 =	vld [tilespmem:s21+$0xFFFFFF70];
	[tilespmem:v14+s16+$0x0] =	vst.idx.msk $0xffff, v2;
	v2 =	vor.u32 $0x1, v10  }
0x15a: {  	[tilespmem:v3+s16+$0x0] =	vst.idx.msk $0xffff, v59;
	v0 =	vld [tilespmem:s21+$0xB0]  }
0x15b: {  	v61 =	vld [tilespmem:s21+$0xFFFFFFB0];
	[tilespmem:v11+s16+$0x0] =	vst.idx.msk $0xffff, v5  }
0x15c: {  	v3 =	vor.u32 $0x3, v47;
	v5 =	vld [tilespmem:s21+$0xFFFFFFF0];
	[tilespmem:v60+s16+$0x0] =	vst.idx.msk $0xffff, v6  }
0x15d: {  	[tilespmem:v62+s16+$0x0] =	vst.idx.msk $0xffff, v63  }
0x15e: {  	s20 =	sshll.u32 s20, $0x13;
	[tilespmem:v2+s16+$0x0] =	vst.idx.msk $0xffff, v7  }
0x15f: {  	s20 =	sor.u32 s6, s20;
	[tilespmem:v41+s16+$0x0] =	vst.idx.msk $0xffff, v0  }
0x160: {  	s20 =	sshrl.u32 s20, $0x3;
	[tilespmem:v37+s16+$0x0] =	vst.idx.msk $0xffff, v61  }
0x161: {  	s26 =	simm.s32 $0x12800;
	s21 =	sadd.s32 s2, s20;
	[tilespmem:v3+s16+$0x0] =	vst.idx.msk $0xffff, v5  }
0x162: {  	[hbm4b:s21+s3] =	stream.linear.scatter [tilespmem:s26], [sflag:$0x4], $0x80, $0x38;
	[tilespmem:$0x16C00] =	vst v63  }
0x163: {  	s28 =	simm.s32 $0x12888;
	s29 =	sadd.s32 $0x10, s21  }
0x164: {  	[hbm4b:s29+s3] =	stream.linear.scatter [tilespmem:s28], [sflag:$0x4], $0x80, $0x38;
	[tilespmem:$0x16C00] =	vst v63  }
0x165: {  	s30 =	simm.s32 $0x12910;
	s23 =	simm.s32 $0x12998;
	s31 =	sadd.s32 $0x20, s21  }
0x166: {  	[hbm4b:s31+s3] =	stream.linear.scatter [tilespmem:s30], [sflag:$0x4], $0x80, $0x38;
	[tilespmem:$0x16C00] =	vst v63  }
0x167: {  	s25 =	simm.s32 $0x12A20;
	s22 =	simm.s32 $0x2200;
	s24 =	sadd.s32 $0x30, s21  }
0x168: {  	[hbm4b:s24+s3] =	stream.linear.scatter [tilespmem:s23], [sflag:$0x4], $0x80, $0x38;
	[tilespmem:$0x16C00] =	vst v63  }
0x169: {  	s20 =	simm.s32 $0x440;
	s26 =	sadd.s32 $0x40, s21;
	s28 =	simm.s32 $0x12AA8  }
0x16a: {  	[hbm4b:s26+s3] =	stream.linear.scatter [tilespmem:s25], [sflag:$0x4], $0x80, $0x38;
	[tilespmem:$0x16C00] =	vst v63  }
0x16b: {  	s29 =	sadd.s32 $0x50, s21;
	s30 =	simm.s32 $0x12B30;
	s31 =	sadd.s32 $0x60, s21  }
0x16c: {  	[hbm4b:s29+s3] =	stream.linear.scatter [tilespmem:s28], [sflag:$0x4], $0x80, $0x38;
	[tilespmem:$0x16C00] =	vst v63  }
0x16d: {  	s23 =	simm.s32 $0x12BB8;
	s24 =	sadd.s32 $0x70, s21;
	s21 =	sadd.s32 $0x1000, s21  }
0x16e: {  	[hbm4b:s31+s3] =	stream.linear.scatter [tilespmem:s30], [sflag:$0x4], $0x80, $0x38;
	[tilespmem:$0x16C00] =	vst v63  }
.LBB2_13:
0x16f: {  	[hbm4b:s24+s3] =	stream.linear.scatter [tilespmem:s23], [sflag:$0x4], $0x80, $0x38;
	[tilespmem:$0x16C00] =	vst v63  }
0x170: {  	s23 =	smov.u32 s20;
	s20 =	smov.u32 s22  }
0x171: {  	s25 =	sadd.s32 $0x1100, s22;
	s20 =	sshra.s32 s20, $0x2;
	s24 =	sadd.s32 $0x12800, s23  }
0x172: {  	[hbm4b:s21+s3] =	stream.linear.scatter [tilespmem:s24], [sflag:$0x4], $0x80, $0x38;
	[tilespmem:$0x16C00] =	vst v63  }
0x173: {  	p0 =	sne.s32 s22, $0xFF00;
	s22 =	sadd.s32 $0x12888, s23;
	s24 =	sadd.s32 $0x10, s21  }
0x174: {  	[hbm4b:s24+s3] =	stream.linear.scatter [tilespmem:s22], [sflag:$0x4], $0x80, $0x38;
	[tilespmem:$0x16C00] =	vst v63  }
0x175: {  	s22 =	sadd.s32 $0x12910, s23;
	s24 =	sadd.s32 $0x20, s21  }
0x176: {  	[hbm4b:s24+s3] =	stream.linear.scatter [tilespmem:s22], [sflag:$0x4], $0x80, $0x38;
	[tilespmem:$0x16C00] =	vst v63  }
0x177: {  	s22 =	sadd.s32 $0x12998, s23;
	s24 =	sadd.s32 $0x30, s21  }
0x178: {  	[hbm4b:s24+s3] =	stream.linear.scatter [tilespmem:s22], [sflag:$0x4], $0x80, $0x38;
	[tilespmem:$0x16C00] =	vst v63  }
0x179: {  	s22 =	sadd.s32 $0x12A20, s23;
	s24 =	sadd.s32 $0x40, s21  }
0x17a: {  	[hbm4b:s24+s3] =	stream.linear.scatter [tilespmem:s22], [sflag:$0x4], $0x80, $0x38;
	[tilespmem:$0x16C00] =	vst v63  }
.Ltmp6:
0x17b: {  	s22 =	sadd.s32 $0x12AA8, s23;
	s24 =	sadd.s32 $0x50, s21;
	(pc) =	sbr.rel @p0 .LBB2_13-.Ltmp6, $4  }
0x17c: {  	[hbm4b:s24+s3] =	stream.linear.scatter [tilespmem:s22], [sflag:$0x4], $0x80, $0x38;
	[tilespmem:$0x16C00] =	vst v63  }
0x17d: {  	s22 =	sadd.s32 $0x12B30, s23;
	s24 =	sadd.s32 $0x60, s21;
	s23 =	sadd.s32 $0x12BB8, s23  }
0x17e: {  	[hbm4b:s24+s3] =	stream.linear.scatter [tilespmem:s22], [sflag:$0x4], $0x80, $0x38;
	[tilespmem:$0x16C00] =	vst v63  }
0x17f: {  	s24 =	sadd.s32 $0x70, s21;
	s21 =	sadd.s32 $0x1000, s21;
	s22 =	smov.u32 s25  }
0x180: {  	[hbm4b:s24+s3] =	stream.linear.scatter [tilespmem:s23], [sflag:$0x4], $0x80, $0x38;
	[tilespmem:$0x16C00] =	vst v63  }
0x181: {  	s22 =	sadd.s32 $0x12800, s20  }
0x182: {  	[hbm4b:s21+s3] =	stream.linear.scatter [tilespmem:s22], [sflag:$0x4], $0x80, $0x38;
	[tilespmem:$0x16C00] =	vst v63  }
0x183: {  	s25 =	sadd.s32 $0x12888, s20;
	s26 =	sadd.s32 $0x10, s21  }
0x184: {  	[hbm4b:s26+s3] =	stream.linear.scatter [tilespmem:s25], [sflag:$0x4], $0x80, $0x38;
	[tilespmem:$0x16C00] =	vst v63  }
0x185: {  	s28 =	sadd.s32 $0x12910, s20;
	s29 =	sadd.s32 $0x20, s21  }
0x186: {  	[hbm4b:s29+s3] =	stream.linear.scatter [tilespmem:s28], [sflag:$0x4], $0x80, $0x38;
	[tilespmem:$0x16C00] =	vst v63  }
0x187: {  	s30 =	sadd.s32 $0x12998, s20;
	s31 =	sadd.s32 $0x30, s21  }
0x188: {  	[hbm4b:s31+s3] =	stream.linear.scatter [tilespmem:s30], [sflag:$0x4], $0x80, $0x38;
	[tilespmem:$0x16C00] =	vst v63  }
0x189: {  	s23 =	sadd.s32 $0x12A20, s20;
	s24 =	sadd.s32 $0x40, s21;
	s19 =	sadd.s32 $0x1, s19  }
0x18a: {  	[hbm4b:s24+s3] =	stream.linear.scatter [tilespmem:s23], [sflag:$0x4], $0x80, $0x38;
	[tilespmem:$0x16C00] =	vst v63  }
0x18b: {  	p0 =	sne.s32 s19, $0x32;
	s25 =	sadd.s32 $0x12AA8, s20;
	s26 =	sadd.s32 $0x50, s21  }
0x18c: {  	[hbm4b:s26+s3] =	stream.linear.scatter [tilespmem:s25], [sflag:$0x4], $0x80, $0x38;
	[tilespmem:$0x16C00] =	vst v63  }
.Ltmp7:
0x18d: {  	_ = 	snop;
	(pc) =	sbr.rel @p0 .LBB2_2-.Ltmp7, $4  }
0x18e: {  	s28 =	sadd.s32 $0x12B30, s20;
	s29 =	sadd.s32 $0x60, s21  }
0x18f: {  	[hbm4b:s29+s3] =	stream.linear.scatter [tilespmem:s28], [sflag:$0x4], $0x80, $0x38;
	[tilespmem:$0x16C00] =	vst v63  }
0x190: {  	v0 =	vld [tilespmem:$0x1FFD0];
	s30 =	sadd.s32 $0x12BB8, s20;
	s31 =	sadd.s32 $0x70, s21  }
0x191: {  	v3 =	vmov v22;
	v2 =	vld [tilespmem:$0x1FFE0];
	[hbm4b:s31+s3] =	stream.linear.scatter [tilespmem:s30], [sflag:$0x4], $0x80, $0x38  }
0x192: {  	s18 =	sadd.s32 $0x1, s18  }
0x193: {  	_ =	swait.ge [sflag:s17], $0x4000;
	p0 =	sne.s32 s18, s7  }
.Ltmp8:
0x194: {  	[sflag:s17] =	ssyncset.done $0x0;
	(pc) =	sbr.rel @p0 .LBB2_1-.Ltmp8, $4  }
0x195: {  	[sflag:s17] =	ssyncadd.s32 $0xFFFFC000  }
0x196: {  	_ =	swait.ge [sflag:s15], $0x4000  }
0x197: {  	[sflag:s15] =	ssyncset.done $0x0  }
0x198: {  	[sflag:s15] =	ssyncadd.s32 $0xFFFFC000  }
0x199: {  	_ =	sfence.sel $0x180000  }
0x19a: {  	[bflag:$0x0] =	sbarrier.arrive $0xFFFF  }
0x19b: {  	p0 =	sne.s32 s0, $0x0;
	_ =	strace $0x9000004A  }
0x19c: {  	s0 =	sadd.s32 @!p0 $0x100000, s1;
	[bflag:$0x2] =	sbarrier.arrive $0xFFFF  }
0x19d: {  	[sflag:s0] =	ssyncadd.tile.s32 @!p0 $0x1;
	_ =	shalt  }
.Lfunc_end2:
_tile_overlayer_lowered:
.L_overlay_start_2:
0x19e: {  	(tag) =	ssettag $0x2  }
0x19f: {  	s0 =	rddreg [dreg:$0x0];
	s2 =	stileid.u32  }
0x1a0: {  	s1 =	rddreg [dreg:$0x1];
	p0 =	sne.s32 s2, $0x0  }
0x1a1: {  	s3 =	rddreg [dreg:$0x2];
	[bflag:$0x3] =	sbarrier.arrive $0xFFFF;
	s2 =	simm.s32 @!p0 $0x1C05  }
0x1a2: {  	[timem:s3], [sflag:s2] =	dma.local @!p0 [hbm:s0], s1  }
0x1a3: {  	s0 =	simm.s32 @!p0 $0x5  }
0x1a4: {  	_ =	swait.ge @!p0 [sflag:s0], s1  }
0x1a5: {  	s1 =	ssub.s32 @!p0 $0x0, s1;
	[sflag:s0] =	ssyncset.done @!p0 $0x0  }
0x1a6: {  	[sflag:s0] =	ssyncadd.s32 @!p0 s1  }
0x1a7: {  	[bflag:$0x3] =	sbarrier.arrive $0xFFFF  }
0x1a8: {  	_ =	shalt  }

</sc_bundles>
